<compile_context>
chip_gen: v7x
topology: tpu7x:2x2x1
jax: 0.10.2.dev20260603
libtpu: 0.0.44.dev20260713+nightly
codegen_flags: <defaults>
</compile_context>

<pallas_src>
import functools
import math

import jax
import jax.numpy as jnp
import numpy as np
from jax import lax
from jax.experimental import pallas as pl
from jax.experimental.pallas import tpu as pltpu
from jax.experimental.pallas import tpu_sc as plsc

N = 10000
E = 320000
IN_DIM = 128
OUT_DIM = 128
TIME_DIM = 32

NC = 2
NS = 16
NW = NC * NS
EPW = E // NW
C = 40
HS = (16, 24)
HOFF = (0, 16)
NCHUNK = EPW // C
PW = 176
ROWS_PER_TILE = N // NS
ZROWS = 125

BN = 1000

_PERM128 = np.concatenate(
    [np.concatenate([np.arange(0, 32, 2), np.arange(1, 32, 2)]) + 32 * b
     for b in range(4)])
_PERM32 = np.concatenate([np.arange(0, 32, 2), np.arange(1, 32, 2)])


def _tables_body(h_ref, wvh_ref, wvt_ref, wq_ref, wk_ref, ts_ref, td_ref):
    h = h_ref[...]
    hv = jnp.dot(h, wvh_ref[...], preferred_element_type=jnp.float32)
    ts_ref[...] = hv.astype(jnp.bfloat16)
    wqk = lax.dot_general(wq_ref[...], wk_ref[...], (((1,), (1,)), ((), ())),
                          preferred_element_type=jnp.float32)
    qk = jnp.dot(h, wqk, preferred_element_type=jnp.float32)
    qt = lax.dot_general(qk, wvt_ref[...], (((1,), (1,)), ((), ())),
                         preferred_element_type=jnp.float32)
    td_ref[...] = jnp.concatenate([qk, qt], axis=1).astype(jnp.bfloat16)


def _lane_shuffle(v, idx):
    return lax.gather(
        v, idx[:, None],
        lax.GatherDimensionNumbers(offset_dims=(), collapsed_slice_dims=(0,),
                                   start_index_map=(0,)),
        (1,), mode=lax.GatherScatterMode.PROMISE_IN_BOUNDS)


def _lane_allsum(v, lane):
    for m in (8, 4, 2, 1):
        v = v + _lane_shuffle(v, lane ^ m)
    return v


def _unpack2(ref, j, off):
    return plsc.unpack(ref[j, pl.ds(off, 32)],
                       format=plsc.PackFormat.INTERLEAVED,
                       preferred_element_type=jnp.float32)


def _edge_body(ts, td, te, ei, acc_out,
               idx0, idx1, sr0, sr1, dr0, dr1, tr0, tr1, pay0, pay1, accsp,
               g00, g01, g02, g03, g04, g10, g11, g12, g13, g14,
               sp0, sp1, si0, si1):
    cid = lax.axis_index("c")
    sid = lax.axis_index("s")
    wid = sid * NC + cid
    inv_scale = 1.0 / math.sqrt(float(OUT_DIM))
    lane = lax.broadcasted_iota(jnp.int32, (16,), 0)
    idxb = (idx0, idx1)
    srb = (sr0, sr1)
    drb = (dr0, dr1)
    trb = (tr0, tr1)
    payb = (pay0, pay1)
    spb = (sp0, sp1)
    sib = (si0, si1)
    sems = ((g00, g01, g02, g03, g04), (g10, g11, g12, g13, g14))

    zh = HS[0]
    def zrow(r, carry):
        for c in range(PW // 16):
            pay0[r, pl.ds(c * 16, 16)] = jnp.zeros((16,), jnp.float32)
        return carry
    lax.fori_loop(0, zh, zrow, 0)
    base_rows = sid * ROWS_PER_TILE
    for r in range(ROWS_PER_TILE // zh):
        pltpu.sync_copy(pay0, accsp.at[pl.ds(base_rows + r * zh, zh)])
    pltpu.sync_copy(pay0.at[pl.ds(0, ROWS_PER_TILE % zh)],
                    accsp.at[pl.ds(base_rows + zh * (ROWS_PER_TILE // zh),
                                   ROWS_PER_TILE % zh)])
    plsc.subcore_barrier()

    def idx_prefetch(b, chunk):
        base = wid * EPW + chunk * C
        pltpu.async_copy(ei.at[:, pl.ds(base, C)], idxb[b], sib[b])

    def idx_wait(b):
        pltpu.make_async_copy(ei.at[:, pl.ds(0, C)], idxb[b], sib[b]).wait()

    def fetch(b, chunk):
        base = wid * EPW + chunk * C
        idx_wait(b)
        for h in range(2):
            o, n = HOFF[h], HS[h]
            pltpu.async_copy(ts.at[idxb[b].at[0, pl.ds(o, n)]],
                             srb[b].at[pl.ds(o, n)], sems[b][2 * h])
            pltpu.async_copy(td.at[idxb[b].at[1, pl.ds(o, n)]],
                             drb[b].at[pl.ds(o, n)], sems[b][2 * h + 1])
        pltpu.async_copy(te.at[pl.ds(base, C)], trb[b], sems[b][4])

    def compute_half(b, h):
        srows, drows, trows = srb[b], drb[b], trb[b]
        pay = payb[h]

        def edge(jo):
            j = HOFF[h] + jo
            se, so = [], []
            for kk in range(4):
                a, bb = _unpack2(srows, j, kk * 32)
                se.append(a)
                so.append(bb)
            acc = None
            for kk in range(4):
                qe, qo = _unpack2(drows, j, kk * 32)
                p = se[kk] * qe + so[kk] * qo
                acc = p if acc is None else acc + p
            t_e, t_o = _unpack2(trows, j, 0)
            qte, qto = _unpack2(drows, j, 128)
            acc = acc + t_e * qte + t_o * qto
            exv = jnp.exp(_lane_allsum(acc, lane) * inv_scale)
            for kk in range(4):
                pay[jo, pl.ds(kk * 32, 16)] = exv * se[kk]
                pay[jo, pl.ds(kk * 32 + 16, 16)] = exv * so[kk]
            pay[jo, pl.ds(128, 16)] = exv * t_e
            pay[jo, pl.ds(144, 16)] = exv * t_o
            pay[jo, pl.ds(160, 16)] = exv

        def edge4(j4, ecarry):
            for i in range(4):
                edge(j4 * 4 + i)
            return ecarry
        lax.fori_loop(0, HS[h] // 4, edge4, 0)

    def scatter_wait(b, h):
        pltpu.make_async_copy(payb[h],
                              accsp.at[idxb[b].at[1, pl.ds(HOFF[h], HS[h])]],
                              spb[h]).wait()

    idx_prefetch(0, 0)
    fetch(0, 0)
    idx_prefetch(1, 1)

    def outer(k2, carry):
        for b in range(2):
            k = k2 * 2 + b
            for h in range(2):
                o, n = HOFF[h], HS[h]
                pltpu.make_async_copy(ts.at[idxb[b].at[0, pl.ds(o, n)]],
                                      srb[b].at[pl.ds(o, n)],
                                      sems[b][2 * h]).wait()
                pltpu.make_async_copy(td.at[idxb[b].at[1, pl.ds(o, n)]],
                                      drb[b].at[pl.ds(o, n)],
                                      sems[b][2 * h + 1]).wait()
            pltpu.make_async_copy(te.at[pl.ds(0, C)], trb[b],
                                  sems[b][4]).wait()
            if b == 0:
                fetch(1, k + 1)
            else:
                @pl.when(k2 < NCHUNK // 2 - 1)
                def _():
                    fetch(0, k + 1)
            for h in range(2):
                if b == 1:
                    scatter_wait(b ^ 1, h)
                else:
                    @pl.when(k2 > 0)
                    def _():
                        scatter_wait(b ^ 1, h)
                compute_half(b, h)
                pltpu.async_copy(payb[h],
                                 accsp.at[idxb[b].at[1,
                                                     pl.ds(HOFF[h], HS[h])]],
                                 spb[h], add=True)
            @pl.when(k2 < NCHUNK // 2 - 1)
            def _():
                idx_prefetch(b, k + 2)
        return carry
    lax.fori_loop(0, NCHUNK // 2, outer, 0)
    for h in range(2):
        scatter_wait(1, h)

    plsc.subcore_barrier()
    for r in range(ROWS_PER_TILE // ZROWS):
        off = base_rows + r * ZROWS
        pltpu.sync_copy(accsp.at[pl.ds(off, ZROWS)],
                        acc_out.at[cid, pl.ds(off, ZROWS)])


def _final_body(acc_ref, h_ref, wvtp_ref, wop_ref, wo_ref, wself_ref,
                bo_ref, bself_ref, o_ref):
    acc = acc_ref[0] + acc_ref[1]
    sh = acc[:, :128]
    st = acc[:, 128:160]
    d = acc[:, 160:161]
    inv = jnp.where(d > 0.0, 1.0 / d, 0.0)
    wvtwo = jnp.dot(wvtp_ref[...], wo_ref[...],
                    preferred_element_type=jnp.float32)
    pre = (jnp.dot(sh, wop_ref[...], preferred_element_type=jnp.float32)
           + jnp.dot(st, wvtwo, preferred_element_type=jnp.float32))
    o = (pre * inv
         + jnp.dot(h_ref[...], wself_ref[...],
                   preferred_element_type=jnp.float32)
         + bo_ref[...] + bself_ref[...])
    o_ref[...] = jnp.maximum(o, 0.0)


def kernel(h, edge_index, time_enc, W_v, W_k, W_q, W_o, b_o, W_self, b_self):
    wvh = W_v[:IN_DIM]
    wvt = W_v[IN_DIM:]
    te_bf = time_enc.astype(jnp.bfloat16)
    wvt_perm = wvt[_PERM32]
    wo_perm = W_o[_PERM128]

    tab_s, tab_d = pl.pallas_call(
        _tables_body,
        grid=(N // BN,),
        in_specs=[
            pl.BlockSpec((BN, IN_DIM), lambda i: (i, 0)),
            pl.BlockSpec((IN_DIM, OUT_DIM), lambda i: (0, 0)),
            pl.BlockSpec((TIME_DIM, OUT_DIM), lambda i: (0, 0)),
            pl.BlockSpec((IN_DIM, OUT_DIM), lambda i: (0, 0)),
            pl.BlockSpec((OUT_DIM, OUT_DIM), lambda i: (0, 0)),
        ],
        out_specs=[
            pl.BlockSpec((BN, 128), lambda i: (i, 0)),
            pl.BlockSpec((BN, 160), lambda i: (i, 0)),
        ],
        out_shape=[
            jax.ShapeDtypeStruct((N, 128), jnp.bfloat16),
            jax.ShapeDtypeStruct((N, 160), jnp.bfloat16),
        ],
    )(h, wvh, wvt, W_q, W_k)

    edge_kernel = functools.partial(
        pl.kernel,
        mesh=plsc.VectorSubcoreMesh(core_axis_name="c", subcore_axis_name="s"),
        out_type=jax.ShapeDtypeStruct((NC, N, PW), jnp.float32),
        scratch_types=[
            pltpu.VMEM((2, C), jnp.int32),
            pltpu.VMEM((2, C), jnp.int32),
            pltpu.VMEM((C, 128), jnp.bfloat16),
            pltpu.VMEM((C, 128), jnp.bfloat16),
            pltpu.VMEM((C, 160), jnp.bfloat16),
            pltpu.VMEM((C, 160), jnp.bfloat16),
            pltpu.VMEM((C, TIME_DIM), jnp.bfloat16),
            pltpu.VMEM((C, TIME_DIM), jnp.bfloat16),
            pltpu.VMEM((HS[0], PW), jnp.float32),
            pltpu.VMEM((HS[1], PW), jnp.float32),
            pltpu.VMEM_SHARED((N, PW), jnp.float32),
        ] + [pltpu.SemaphoreType.DMA] * 14,
        compiler_params=pltpu.CompilerParams(use_tc_tiling_on_sc=False,
                                             needs_layout_passes=False),
    )(_edge_body)
    acc = edge_kernel(tab_s, tab_d, te_bf, edge_index)

    return pl.pallas_call(
        _final_body,
        grid=(N // BN,),
        in_specs=[
            pl.BlockSpec((NC, BN, PW), lambda i: (0, i, 0)),
            pl.BlockSpec((BN, IN_DIM), lambda i: (i, 0)),
            pl.BlockSpec((TIME_DIM, OUT_DIM), lambda i: (0, 0)),
            pl.BlockSpec((OUT_DIM, OUT_DIM), lambda i: (0, 0)),
            pl.BlockSpec((OUT_DIM, OUT_DIM), lambda i: (0, 0)),
            pl.BlockSpec((IN_DIM, OUT_DIM), lambda i: (0, 0)),
            pl.BlockSpec((1, OUT_DIM), lambda i: (0, 0)),
            pl.BlockSpec((1, OUT_DIM), lambda i: (0, 0)),
        ],
        out_specs=pl.BlockSpec((BN, OUT_DIM), lambda i: (i, 0)),
        out_shape=jax.ShapeDtypeStruct((N, OUT_DIM), jnp.float32),
    )(acc, h, wvt_perm, wo_perm, W_o, W_self,
      b_o.reshape(1, -1), b_self.reshape(1, -1))

# --- scband reference (transcript-rebuilt; emitter-appended) ---
"""Pipeline reference for scband-tgatconv-70806830841992 (READ-ONLY COPY).

The authoritative reference and input builder live on the scoring server;
editing this copy changes nothing except your own understanding.
"""

import jax, jax.numpy as jnp
import numpy as np
import math

N = 10000
E = 320000
IN_DIM = 128
OUT_DIM = 128
TIME_DIM = 32


def setup_inputs(seed: int = 0) -> dict:
    key = jax.random.key(seed)
    ks = jax.random.split(key, 10)
    h = jax.random.normal(ks[0], (N, IN_DIM), dtype=jnp.float32)
    edge_index = jax.random.randint(ks[1], (2, E), 0, N, dtype=jnp.int32)
    time_enc = jax.random.normal(ks[2], (E, TIME_DIM), dtype=jnp.float32)
    s_v = 1.0 / math.sqrt(IN_DIM + TIME_DIM)
    s_k = 1.0 / math.sqrt(OUT_DIM)
    s_q = 1.0 / math.sqrt(IN_DIM)
    W_v = jax.random.uniform(ks[3], (IN_DIM + TIME_DIM, OUT_DIM), jnp.float32, -s_v, s_v)
    W_k = jax.random.uniform(ks[4], (OUT_DIM, OUT_DIM), jnp.float32, -s_k, s_k)
    W_q = jax.random.uniform(ks[5], (IN_DIM, OUT_DIM), jnp.float32, -s_q, s_q)
    W_o = jax.random.uniform(ks[6], (OUT_DIM, OUT_DIM), jnp.float32, -s_k, s_k)
    b_o = jax.random.uniform(ks[7], (OUT_DIM,), jnp.float32, -s_k, s_k)
    W_self = jax.random.uniform(ks[8], (IN_DIM, OUT_DIM), jnp.float32, -s_q, s_q)
    b_self = jax.random.uniform(ks[9], (OUT_DIM,), jnp.float32, -s_q, s_q)
    return {"h": h, "edge_index": edge_index, "time_enc": time_enc,
            "W_v": W_v, "W_k": W_k, "W_q": W_q, "W_o": W_o, "b_o": b_o,
            "W_self": W_self, "b_self": b_self}


def reference(h, edge_index, time_enc, W_v, W_k, W_q, W_o, b_o, W_self, b_self):
    src = edge_index[0]
    dst = edge_index[1]
    scale = jnp.sqrt(jnp.float32(OUT_DIM))
    # Message: m_e = W_v(concat(h_src, te))
    msg = jnp.concatenate([h[src], time_enc], axis=-1) @ W_v
    # Attention logits: (W_q h_dst . W_k m_e) / sqrt(d)
    key_e = msg @ W_k
    query = h[dst] @ W_q
    logit = jnp.sum(query * key_e, axis=-1) / scale
    # Per-destination softmax (segment softmax)
    seg_max = jax.ops.segment_max(logit, dst, num_segments=N)
    seg_max = jnp.where(jnp.isfinite(seg_max), seg_max, 0.0)
    ex = jnp.exp(logit - seg_max[dst])
    denom = jax.ops.segment_sum(ex, dst, num_segments=N)
    attn = ex / denom[dst]
    # Aggregate: sum_e attn_e * m_e  (zeros for nodes with no in-edges)
    agg = jax.ops.segment_sum(attn[:, None] * msg, dst, num_segments=N)
    h_new = jax.nn.relu(agg @ W_o + b_o + h @ W_self + b_self)
    return h_new

if __name__ == "__main__":
    import jax
    _d = setup_inputs()
    print(jax.jit(kernel)(*tuple(_d.values())))

</pallas_src>

<mosaic_0001>
#map = affine_map<(d0, d1) -> (0, 0)>
#map1 = affine_map<(d0, d1) -> (0, 0, 0)>
module attributes {stable_mosaic.version = 14 : i64} {
  func.func @_edge_body(%arg0: i32, %arg1: i32, %arg2: memref<10000x128xbf16, #tpu.memory_space<hbm>>, %arg3: memref<10000x160xbf16, #tpu.memory_space<hbm>>, %arg4: memref<320000x32xbf16, #tpu.memory_space<hbm>>, %arg5: memref<2x320000xi32, #tpu.memory_space<hbm>>, %arg6: memref<2x10000x176xf32, #tpu.memory_space<hbm>>, %arg7: memref<2x40xi32, #tpu.memory_space<vmem>>, %arg8: memref<2x40xi32, #tpu.memory_space<vmem>>, %arg9: memref<40x128xbf16, #tpu.memory_space<vmem>>, %arg10: memref<40x128xbf16, #tpu.memory_space<vmem>>, %arg11: memref<40x160xbf16, #tpu.memory_space<vmem>>, %arg12: memref<40x160xbf16, #tpu.memory_space<vmem>>, %arg13: memref<40x32xbf16, #tpu.memory_space<vmem>>, %arg14: memref<40x32xbf16, #tpu.memory_space<vmem>>, %arg15: memref<16x176xf32, #tpu.memory_space<vmem>>, %arg16: memref<24x176xf32, #tpu.memory_space<vmem>>, %arg17: memref<10000x176xf32, #tpu.memory_space<vmem_shared>>, %arg18: memref<!tpu.dma_semaphore, #tpu.memory_space<semaphore_mem>>, %arg19: memref<!tpu.dma_semaphore, #tpu.memory_space<semaphore_mem>>, %arg20: memref<!tpu.dma_semaphore, #tpu.memory_space<semaphore_mem>>, %arg21: memref<!tpu.dma_semaphore, #tpu.memory_space<semaphore_mem>>, %arg22: memref<!tpu.dma_semaphore, #tpu.memory_space<semaphore_mem>>, %arg23: memref<!tpu.dma_semaphore, #tpu.memory_space<semaphore_mem>>, %arg24: memref<!tpu.dma_semaphore, #tpu.memory_space<semaphore_mem>>, %arg25: memref<!tpu.dma_semaphore, #tpu.memory_space<semaphore_mem>>, %arg26: memref<!tpu.dma_semaphore, #tpu.memory_space<semaphore_mem>>, %arg27: memref<!tpu.dma_semaphore, #tpu.memory_space<semaphore_mem>>, %arg28: memref<!tpu.dma_semaphore, #tpu.memory_space<semaphore_mem>>, %arg29: memref<!tpu.dma_semaphore, #tpu.memory_space<semaphore_mem>>, %arg30: memref<!tpu.dma_semaphore, #tpu.memory_space<semaphore_mem>>, %arg31: memref<!tpu.dma_semaphore, #tpu.memory_space<semaphore_mem>>) attributes {dimension_semantics = [#tpu.dimension_semantics<core_parallel>, #tpu.dimension_semantics<subcore_parallel>], iteration_bounds = array<i64: 2, 16>, scalar_prefetch = 0 : i64, scratch_operands = 25 : i64, tpu.core_type = #tpu.core_type<sc_vector_subcore>, window_params = [{transform_indices = #map}, {transform_indices = #map}, {transform_indices = #map}, {transform_indices = #map}, {transform_indices = #map1}]} {
    %mul3A = arith.constant 2 : i32
    %mul3A_0 = arith.muli %arg1, %mul3A : i32
    %add3A = arith.addi %mul3A_0, %arg0 : i32
    %iota3A = tpu.iota {dimensions = array<i32: 0>} : vector<16xi32>
    %scan3A = arith.constant 0 : i32
    %scan3A_1 = arith.constant 0 : i32
    %scan3A_2 = arith.constant 16 : i32
    %scan3A_3 = arith.addi %scan3A_1, %scan3A_2 : i32
    %scan3A_4 = arith.constant 1 : i32
    scf.for %scan3A_187 = %scan3A_1 to %scan3A_3 step %scan3A_4  : i32 {
      %broadcast_in_dim3A = arith.constant 0.000000e+00 : f32
      %broadcast_in_dim3A_188 = vector.broadcast %broadcast_in_dim3A : f32 to vector<16xf32>
      %swap3A = arith.index_cast %scan3A_187 : i32 to index
      %swap3A_189 = arith.constant 0 : index
      %swap3A_190 = tpu.vector_load %arg15[%swap3A, %swap3A_189] {strides = array<i32>} : memref<16x176xf32, #tpu.memory_space<vmem>>, vector<16xf32>,
      tpu.vector_store %arg15[%swap3A, %swap3A_189], %broadcast_in_dim3A_188 {strides = array<i32>} : memref<16x176xf32, #tpu.memory_space<vmem>>, vector<16xf32>,
      %broadcast_in_dim3A_191 = arith.constant 0.000000e+00 : f32
      %broadcast_in_dim3A_192 = vector.broadcast %broadcast_in_dim3A_191 : f32 to vector<16xf32>
      %swap3A_193 = arith.index_cast %scan3A_187 : i32 to index
      %swap3A_194 = arith.constant 16 : index
      %swap3A_195 = tpu.vector_load %arg15[%swap3A_193, %swap3A_194] {strides = array<i32>} : memref<16x176xf32, #tpu.memory_space<vmem>>, vector<16xf32>,
      tpu.vector_store %arg15[%swap3A_193, %swap3A_194], %broadcast_in_dim3A_192 {strides = array<i32>} : memref<16x176xf32, #tpu.memory_space<vmem>>, vector<16xf32>,
      %broadcast_in_dim3A_196 = arith.constant 0.000000e+00 : f32
      %broadcast_in_dim3A_197 = vector.broadcast %broadcast_in_dim3A_196 : f32 to vector<16xf32>
      %swap3A_198 = arith.index_cast %scan3A_187 : i32 to index
      %swap3A_199 = arith.constant 32 : index
      %swap3A_200 = tpu.vector_load %arg15[%swap3A_198, %swap3A_199] {strides = array<i32>} : memref<16x176xf32, #tpu.memory_space<vmem>>, vector<16xf32>,
      tpu.vector_store %arg15[%swap3A_198, %swap3A_199], %broadcast_in_dim3A_197 {strides = array<i32>} : memref<16x176xf32, #tpu.memory_space<vmem>>, vector<16xf32>,
      %broadcast_in_dim3A_201 = arith.constant 0.000000e+00 : f32
      %broadcast_in_dim3A_202 = vector.broadcast %broadcast_in_dim3A_201 : f32 to vector<16xf32>
      %swap3A_203 = arith.index_cast %scan3A_187 : i32 to index
      %swap3A_204 = arith.constant 48 : index
      %swap3A_205 = tpu.vector_load %arg15[%swap3A_203, %swap3A_204] {strides = array<i32>} : memref<16x176xf32, #tpu.memory_space<vmem>>, vector<16xf32>,
      tpu.vector_store %arg15[%swap3A_203, %swap3A_204], %broadcast_in_dim3A_202 {strides = array<i32>} : memref<16x176xf32, #tpu.memory_space<vmem>>, vector<16xf32>,
      %broadcast_in_dim3A_206 = arith.constant 0.000000e+00 : f32
      %broadcast_in_dim3A_207 = vector.broadcast %broadcast_in_dim3A_206 : f32 to vector<16xf32>
      %swap3A_208 = arith.index_cast %scan3A_187 : i32 to index
      %swap3A_209 = arith.constant 64 : index
      %swap3A_210 = tpu.vector_load %arg15[%swap3A_208, %swap3A_209] {strides = array<i32>} : memref<16x176xf32, #tpu.memory_space<vmem>>, vector<16xf32>,
      tpu.vector_store %arg15[%swap3A_208, %swap3A_209], %broadcast_in_dim3A_207 {strides = array<i32>} : memref<16x176xf32, #tpu.memory_space<vmem>>, vector<16xf32>,
      %broadcast_in_dim3A_211 = arith.constant 0.000000e+00 : f32
      %broadcast_in_dim3A_212 = vector.broadcast %broadcast_in_dim3A_211 : f32 to vector<16xf32>
      %swap3A_213 = arith.index_cast %scan3A_187 : i32 to index
      %swap3A_214 = arith.constant 80 : index
      %swap3A_215 = tpu.vector_load %arg15[%swap3A_213, %swap3A_214] {strides = array<i32>} : memref<16x176xf32, #tpu.memory_space<vmem>>, vector<16xf32>,
      tpu.vector_store %arg15[%swap3A_213, %swap3A_214], %broadcast_in_dim3A_212 {strides = array<i32>} : memref<16x176xf32, #tpu.memory_space<vmem>>, vector<16xf32>,
      %broadcast_in_dim3A_216 = arith.constant 0.000000e+00 : f32
      %broadcast_in_dim3A_217 = vector.broadcast %broadcast_in_dim3A_216 : f32 to vector<16xf32>
      %swap3A_218 = arith.index_cast %scan3A_187 : i32 to index
      %swap3A_219 = arith.constant 96 : index
      %swap3A_220 = tpu.vector_load %arg15[%swap3A_218, %swap3A_219] {strides = array<i32>} : memref<16x176xf32, #tpu.memory_space<vmem>>, vector<16xf32>,
      tpu.vector_store %arg15[%swap3A_218, %swap3A_219], %broadcast_in_dim3A_217 {strides = array<i32>} : memref<16x176xf32, #tpu.memory_space<vmem>>, vector<16xf32>,
      %broadcast_in_dim3A_221 = arith.constant 0.000000e+00 : f32
      %broadcast_in_dim3A_222 = vector.broadcast %broadcast_in_dim3A_221 : f32 to vector<16xf32>
      %swap3A_223 = arith.index_cast %scan3A_187 : i32 to index
      %swap3A_224 = arith.constant 112 : index
      %swap3A_225 = tpu.vector_load %arg15[%swap3A_223, %swap3A_224] {strides = array<i32>} : memref<16x176xf32, #tpu.memory_space<vmem>>, vector<16xf32>,
      tpu.vector_store %arg15[%swap3A_223, %swap3A_224], %broadcast_in_dim3A_222 {strides = array<i32>} : memref<16x176xf32, #tpu.memory_space<vmem>>, vector<16xf32>,
      %broadcast_in_dim3A_226 = arith.constant 0.000000e+00 : f32
      %broadcast_in_dim3A_227 = vector.broadcast %broadcast_in_dim3A_226 : f32 to vector<16xf32>
      %swap3A_228 = arith.index_cast %scan3A_187 : i32 to index
      %swap3A_229 = arith.constant 128 : index
      %swap3A_230 = tpu.vector_load %arg15[%swap3A_228, %swap3A_229] {strides = array<i32>} : memref<16x176xf32, #tpu.memory_space<vmem>>, vector<16xf32>,
      tpu.vector_store %arg15[%swap3A_228, %swap3A_229], %broadcast_in_dim3A_227 {strides = array<i32>} : memref<16x176xf32, #tpu.memory_space<vmem>>, vector<16xf32>,
      %broadcast_in_dim3A_231 = arith.constant 0.000000e+00 : f32
      %broadcast_in_dim3A_232 = vector.broadcast %broadcast_in_dim3A_231 : f32 to vector<16xf32>
      %swap3A_233 = arith.index_cast %scan3A_187 : i32 to index
      %swap3A_234 = arith.constant 144 : index
      %swap3A_235 = tpu.vector_load %arg15[%swap3A_233, %swap3A_234] {strides = array<i32>} : memref<16x176xf32, #tpu.memory_space<vmem>>, vector<16xf32>,
      tpu.vector_store %arg15[%swap3A_233, %swap3A_234], %broadcast_in_dim3A_232 {strides = array<i32>} : memref<16x176xf32, #tpu.memory_space<vmem>>, vector<16xf32>,
      %broadcast_in_dim3A_236 = arith.constant 0.000000e+00 : f32
      %broadcast_in_dim3A_237 = vector.broadcast %broadcast_in_dim3A_236 : f32 to vector<16xf32>
      %swap3A_238 = arith.index_cast %scan3A_187 : i32 to index
      %swap3A_239 = arith.constant 160 : index
      %swap3A_240 = tpu.vector_load %arg15[%swap3A_238, %swap3A_239] {strides = array<i32>} : memref<16x176xf32, #tpu.memory_space<vmem>>, vector<16xf32>,
      tpu.vector_store %arg15[%swap3A_238, %swap3A_239], %broadcast_in_dim3A_237 {strides = array<i32>} : memref<16x176xf32, #tpu.memory_space<vmem>>, vector<16xf32>,
    }
    %scan3A_5 = arith.constant 16 : i32
    %mul3A_6 = arith.constant 625 : i32
    %mul3A_7 = arith.muli %arg1, %mul3A_6 : i32
    %add3A_8 = arith.constant 0 : i32
    %add3A_9 = arith.addi %mul3A_7, %add3A_8 : i32
    "tpu.region"() ({
      %run_scoped3A = tpu.sem_alloc : memref<!tpu.dma_semaphore, #tpu.memory_space<semaphore_mem>>
      %dma_start3A_187 = arith.constant 0 : i32
      %dma_start3A_188 = tpu.memref_slice %arg17[%add3A_9, %dma_start3A_187] : memref<10000x176xf32, #tpu.memory_space<vmem_shared>> -> memref<16x176xf32, #tpu.memory_space<vmem_shared>>
      %dma_start3A_189 = arith.constant 0 : i32
      %dma_start3A_190 = tpu.memref_slice %arg17[%add3A_9, %dma_start3A_189] : memref<10000x176xf32, #tpu.memory_space<vmem_shared>> -> memref<16x176xf32, #tpu.memory_space<vmem_shared>>
      tpu.enqueue_dma source(%arg15 : memref<16x176xf32, #tpu.memory_space<vmem>>) target(%dma_start3A_190 : memref<16x176xf32, #tpu.memory_space<vmem_shared>>) target_semaphore(%run_scoped3A : memref<!tpu.dma_semaphore, #tpu.memory_space<semaphore_mem>>)
      %dma_wait3A_191 = arith.constant 0 : i32
      %dma_wait3A_192 = tpu.memref_slice %arg17[%add3A_9, %dma_wait3A_191] : memref<10000x176xf32, #tpu.memory_space<vmem_shared>> -> memref<16x176xf32, #tpu.memory_space<vmem_shared>>
      %dma_wait3A_193 = arith.constant 0 : i32
      %dma_wait3A_194 = tpu.memref_slice %arg17[%add3A_9, %dma_wait3A_193] : memref<10000x176xf32, #tpu.memory_space<vmem_shared>> -> memref<16x176xf32, #tpu.memory_space<vmem_shared>>
      tpu.wait_dma2 semaphore(%run_scoped3A : memref<!tpu.dma_semaphore, #tpu.memory_space<semaphore_mem>>) src(%arg15 : memref<16x176xf32, #tpu.memory_space<vmem>>) dst(%dma_wait3A_194 : memref<16x176xf32, #tpu.memory_space<vmem_shared>>)
      tpu.yield
    }) : () -> ()
    %add3A_10 = arith.constant 16 : i32
    %add3A_11 = arith.addi %mul3A_7, %add3A_10 : i32
    "tpu.region"() ({
      %run_scoped3A = tpu.sem_alloc : memref<!tpu.dma_semaphore, #tpu.memory_space<semaphore_mem>>
      %dma_start3A_187 = arith.constant 0 : i32
      %dma_start3A_188 = tpu.memref_slice %arg17[%add3A_11, %dma_start3A_187] : memref<10000x176xf32, #tpu.memory_space<vmem_shared>> -> memref<16x176xf32, #tpu.memory_space<vmem_shared>>
      %dma_start3A_189 = arith.constant 0 : i32
      %dma_start3A_190 = tpu.memref_slice %arg17[%add3A_11, %dma_start3A_189] : memref<10000x176xf32, #tpu.memory_space<vmem_shared>> -> memref<16x176xf32, #tpu.memory_space<vmem_shared>>
      tpu.enqueue_dma source(%arg15 : memref<16x176xf32, #tpu.memory_space<vmem>>) target(%dma_start3A_190 : memref<16x176xf32, #tpu.memory_space<vmem_shared>>) target_semaphore(%run_scoped3A : memref<!tpu.dma_semaphore, #tpu.memory_space<semaphore_mem>>)
      %dma_wait3A_191 = arith.constant 0 : i32
      %dma_wait3A_192 = tpu.memref_slice %arg17[%add3A_11, %dma_wait3A_191] : memref<10000x176xf32, #tpu.memory_space<vmem_shared>> -> memref<16x176xf32, #tpu.memory_space<vmem_shared>>
      %dma_wait3A_193 = arith.constant 0 : i32
      %dma_wait3A_194 = tpu.memref_slice %arg17[%add3A_11, %dma_wait3A_193] : memref<10000x176xf32, #tpu.memory_space<vmem_shared>> -> memref<16x176xf32, #tpu.memory_space<vmem_shared>>
      tpu.wait_dma2 semaphore(%run_scoped3A : memref<!tpu.dma_semaphore, #tpu.memory_space<semaphore_mem>>) src(%arg15 : memref<16x176xf32, #tpu.memory_space<vmem>>) dst(%dma_wait3A_194 : memref<16x176xf32, #tpu.memory_space<vmem_shared>>)
      tpu.yield
    }) : () -> ()
    %add3A_12 = arith.constant 32 : i32
    %add3A_13 = arith.addi %mul3A_7, %add3A_12 : i32
    "tpu.region"() ({
      %run_scoped3A = tpu.sem_alloc : memref<!tpu.dma_semaphore, #tpu.memory_space<semaphore_mem>>
      %dma_start3A_187 = arith.constant 0 : i32
      %dma_start3A_188 = tpu.memref_slice %arg17[%add3A_13, %dma_start3A_187] : memref<10000x176xf32, #tpu.memory_space<vmem_shared>> -> memref<16x176xf32, #tpu.memory_space<vmem_shared>>
      %dma_start3A_189 = arith.constant 0 : i32
      %dma_start3A_190 = tpu.memref_slice %arg17[%add3A_13, %dma_start3A_189] : memref<10000x176xf32, #tpu.memory_space<vmem_shared>> -> memref<16x176xf32, #tpu.memory_space<vmem_shared>>
      tpu.enqueue_dma source(%arg15 : memref<16x176xf32, #tpu.memory_space<vmem>>) target(%dma_start3A_190 : memref<16x176xf32, #tpu.memory_space<vmem_shared>>) target_semaphore(%run_scoped3A : memref<!tpu.dma_semaphore, #tpu.memory_space<semaphore_mem>>)
      %dma_wait3A_191 = arith.constant 0 : i32
      %dma_wait3A_192 = tpu.memref_slice %arg17[%add3A_13, %dma_wait3A_191] : memref<10000x176xf32, #tpu.memory_space<vmem_shared>> -> memref<16x176xf32, #tpu.memory_space<vmem_shared>>
      %dma_wait3A_193 = arith.constant 0 : i32
      %dma_wait3A_194 = tpu.memref_slice %arg17[%add3A_13, %dma_wait3A_193] : memref<10000x176xf32, #tpu.memory_space<vmem_shared>> -> memref<16x176xf32, #tpu.memory_space<vmem_shared>>
      tpu.wait_dma2 semaphore(%run_scoped3A : memref<!tpu.dma_semaphore, #tpu.memory_space<semaphore_mem>>) src(%arg15 : memref<16x176xf32, #tpu.memory_space<vmem>>) dst(%dma_wait3A_194 : memref<16x176xf32, #tpu.memory_space<vmem_shared>>)
      tpu.yield
    }) : () -> ()
    %add3A_14 = arith.constant 48 : i32
    %add3A_15 = arith.addi %mul3A_7, %add3A_14 : i32
    "tpu.region"() ({
      %run_scoped3A = tpu.sem_alloc : memref<!tpu.dma_semaphore, #tpu.memory_space<semaphore_mem>>
      %dma_start3A_187 = arith.constant 0 : i32
      %dma_start3A_188 = tpu.memref_slice %arg17[%add3A_15, %dma_start3A_187] : memref<10000x176xf32, #tpu.memory_space<vmem_shared>> -> memref<16x176xf32, #tpu.memory_space<vmem_shared>>
      %dma_start3A_189 = arith.constant 0 : i32
      %dma_start3A_190 = tpu.memref_slice %arg17[%add3A_15, %dma_start3A_189] : memref<10000x176xf32, #tpu.memory_space<vmem_shared>> -> memref<16x176xf32, #tpu.memory_space<vmem_shared>>
      tpu.enqueue_dma source(%arg15 : memref<16x176xf32, #tpu.memory_space<vmem>>) target(%dma_start3A_190 : memref<16x176xf32, #tpu.memory_space<vmem_shared>>) target_semaphore(%run_scoped3A : memref<!tpu.dma_semaphore, #tpu.memory_space<semaphore_mem>>)
      %dma_wait3A_191 = arith.constant 0 : i32
      %dma_wait3A_192 = tpu.memref_slice %arg17[%add3A_15, %dma_wait3A_191] : memref<10000x176xf32, #tpu.memory_space<vmem_shared>> -> memref<16x176xf32, #tpu.memory_space<vmem_shared>>
      %dma_wait3A_193 = arith.constant 0 : i32
      %dma_wait3A_194 = tpu.memref_slice %arg17[%add3A_15, %dma_wait3A_193] : memref<10000x176xf32, #tpu.memory_space<vmem_shared>> -> memref<16x176xf32, #tpu.memory_space<vmem_shared>>
      tpu.wait_dma2 semaphore(%run_scoped3A : memref<!tpu.dma_semaphore, #tpu.memory_space<semaphore_mem>>) src(%arg15 : memref<16x176xf32, #tpu.memory_space<vmem>>) dst(%dma_wait3A_194 : memref<16x176xf32, #tpu.memory_space<vmem_shared>>)
      tpu.yield
    }) : () -> ()
    %add3A_16 = arith.constant 64 : i32
    %add3A_17 = arith.addi %mul3A_7, %add3A_16 : i32
    "tpu.region"() ({
      %run_scoped3A = tpu.sem_alloc : memref<!tpu.dma_semaphore, #tpu.memory_space<semaphore_mem>>
      %dma_start3A_187 = arith.constant 0 : i32
      %dma_start3A_188 = tpu.memref_slice %arg17[%add3A_17, %dma_start3A_187] : memref<10000x176xf32, #tpu.memory_space<vmem_shared>> -> memref<16x176xf32, #tpu.memory_space<vmem_shared>>
      %dma_start3A_189 = arith.constant 0 : i32
      %dma_start3A_190 = tpu.memref_slice %arg17[%add3A_17, %dma_start3A_189] : memref<10000x176xf32, #tpu.memory_space<vmem_shared>> -> memref<16x176xf32, #tpu.memory_space<vmem_shared>>
      tpu.enqueue_dma source(%arg15 : memref<16x176xf32, #tpu.memory_space<vmem>>) target(%dma_start3A_190 : memref<16x176xf32, #tpu.memory_space<vmem_shared>>) target_semaphore(%run_scoped3A : memref<!tpu.dma_semaphore, #tpu.memory_space<semaphore_mem>>)
      %dma_wait3A_191 = arith.constant 0 : i32
      %dma_wait3A_192 = tpu.memref_slice %arg17[%add3A_17, %dma_wait3A_191] : memref<10000x176xf32, #tpu.memory_space<vmem_shared>> -> memref<16x176xf32, #tpu.memory_space<vmem_shared>>
      %dma_wait3A_193 = arith.constant 0 : i32
      %dma_wait3A_194 = tpu.memref_slice %arg17[%add3A_17, %dma_wait3A_193] : memref<10000x176xf32, #tpu.memory_space<vmem_shared>> -> memref<16x176xf32, #tpu.memory_space<vmem_shared>>
      tpu.wait_dma2 semaphore(%run_scoped3A : memref<!tpu.dma_semaphore, #tpu.memory_space<semaphore_mem>>) src(%arg15 : memref<16x176xf32, #tpu.memory_space<vmem>>) dst(%dma_wait3A_194 : memref<16x176xf32, #tpu.memory_space<vmem_shared>>)
      tpu.yield
    }) : () -> ()
    %add3A_18 = arith.constant 80 : i32
    %add3A_19 = arith.addi %mul3A_7, %add3A_18 : i32
    "tpu.region"() ({
      %run_scoped3A = tpu.sem_alloc : memref<!tpu.dma_semaphore, #tpu.memory_space<semaphore_mem>>
      %dma_start3A_187 = arith.constant 0 : i32
      %dma_start3A_188 = tpu.memref_slice %arg17[%add3A_19, %dma_start3A_187] : memref<10000x176xf32, #tpu.memory_space<vmem_shared>> -> memref<16x176xf32, #tpu.memory_space<vmem_shared>>
      %dma_start3A_189 = arith.constant 0 : i32
      %dma_start3A_190 = tpu.memref_slice %arg17[%add3A_19, %dma_start3A_189] : memref<10000x176xf32, #tpu.memory_space<vmem_shared>> -> memref<16x176xf32, #tpu.memory_space<vmem_shared>>
      tpu.enqueue_dma source(%arg15 : memref<16x176xf32, #tpu.memory_space<vmem>>) target(%dma_start3A_190 : memref<16x176xf32, #tpu.memory_space<vmem_shared>>) target_semaphore(%run_scoped3A : memref<!tpu.dma_semaphore, #tpu.memory_space<semaphore_mem>>)
      %dma_wait3A_191 = arith.constant 0 : i32
      %dma_wait3A_192 = tpu.memref_slice %arg17[%add3A_19, %dma_wait3A_191] : memref<10000x176xf32, #tpu.memory_space<vmem_shared>> -> memref<16x176xf32, #tpu.memory_space<vmem_shared>>
      %dma_wait3A_193 = arith.constant 0 : i32
      %dma_wait3A_194 = tpu.memref_slice %arg17[%add3A_19, %dma_wait3A_193] : memref<10000x176xf32, #tpu.memory_space<vmem_shared>> -> memref<16x176xf32, #tpu.memory_space<vmem_shared>>
      tpu.wait_dma2 semaphore(%run_scoped3A : memref<!tpu.dma_semaphore, #tpu.memory_space<semaphore_mem>>) src(%arg15 : memref<16x176xf32, #tpu.memory_space<vmem>>) dst(%dma_wait3A_194 : memref<16x176xf32, #tpu.memory_space<vmem_shared>>)
      tpu.yield
    }) : () -> ()
    %add3A_20 = arith.constant 96 : i32
    %add3A_21 = arith.addi %mul3A_7, %add3A_20 : i32
    "tpu.region"() ({
      %run_scoped3A = tpu.sem_alloc : memref<!tpu.dma_semaphore, #tpu.memory_space<semaphore_mem>>
      %dma_start3A_187 = arith.constant 0 : i32
      %dma_start3A_188 = tpu.memref_slice %arg17[%add3A_21, %dma_start3A_187] : memref<10000x176xf32, #tpu.memory_space<vmem_shared>> -> memref<16x176xf32, #tpu.memory_space<vmem_shared>>
      %dma_start3A_189 = arith.constant 0 : i32
      %dma_start3A_190 = tpu.memref_slice %arg17[%add3A_21, %dma_start3A_189] : memref<10000x176xf32, #tpu.memory_space<vmem_shared>> -> memref<16x176xf32, #tpu.memory_space<vmem_shared>>
      tpu.enqueue_dma source(%arg15 : memref<16x176xf32, #tpu.memory_space<vmem>>) target(%dma_start3A_190 : memref<16x176xf32, #tpu.memory_space<vmem_shared>>) target_semaphore(%run_scoped3A : memref<!tpu.dma_semaphore, #tpu.memory_space<semaphore_mem>>)
      %dma_wait3A_191 = arith.constant 0 : i32
      %dma_wait3A_192 = tpu.memref_slice %arg17[%add3A_21, %dma_wait3A_191] : memref<10000x176xf32, #tpu.memory_space<vmem_shared>> -> memref<16x176xf32, #tpu.memory_space<vmem_shared>>
      %dma_wait3A_193 = arith.constant 0 : i32
      %dma_wait3A_194 = tpu.memref_slice %arg17[%add3A_21, %dma_wait3A_193] : memref<10000x176xf32, #tpu.memory_space<vmem_shared>> -> memref<16x176xf32, #tpu.memory_space<vmem_shared>>
      tpu.wait_dma2 semaphore(%run_scoped3A : memref<!tpu.dma_semaphore, #tpu.memory_space<semaphore_mem>>) src(%arg15 : memref<16x176xf32, #tpu.memory_space<vmem>>) dst(%dma_wait3A_194 : memref<16x176xf32, #tpu.memory_space<vmem_shared>>)
      tpu.yield
    }) : () -> ()
    %add3A_22 = arith.constant 112 : i32
    %add3A_23 = arith.addi %mul3A_7, %add3A_22 : i32
    "tpu.region"() ({
      %run_scoped3A = tpu.sem_alloc : memref<!tpu.dma_semaphore, #tpu.memory_space<semaphore_mem>>
      %dma_start3A_187 = arith.constant 0 : i32
      %dma_start3A_188 = tpu.memref_slice %arg17[%add3A_23, %dma_start3A_187] : memref<10000x176xf32, #tpu.memory_space<vmem_shared>> -> memref<16x176xf32, #tpu.memory_space<vmem_shared>>
      %dma_start3A_189 = arith.constant 0 : i32
      %dma_start3A_190 = tpu.memref_slice %arg17[%add3A_23, %dma_start3A_189] : memref<10000x176xf32, #tpu.memory_space<vmem_shared>> -> memref<16x176xf32, #tpu.memory_space<vmem_shared>>
      tpu.enqueue_dma source(%arg15 : memref<16x176xf32, #tpu.memory_space<vmem>>) target(%dma_start3A_190 : memref<16x176xf32, #tpu.memory_space<vmem_shared>>) target_semaphore(%run_scoped3A : memref<!tpu.dma_semaphore, #tpu.memory_space<semaphore_mem>>)
      %dma_wait3A_191 = arith.constant 0 : i32
      %dma_wait3A_192 = tpu.memref_slice %arg17[%add3A_23, %dma_wait3A_191] : memref<10000x176xf32, #tpu.memory_space<vmem_shared>> -> memref<16x176xf32, #tpu.memory_space<vmem_shared>>
      %dma_wait3A_193 = arith.constant 0 : i32
      %dma_wait3A_194 = tpu.memref_slice %arg17[%add3A_23, %dma_wait3A_193] : memref<10000x176xf32, #tpu.memory_space<vmem_shared>> -> memref<16x176xf32, #tpu.memory_space<vmem_shared>>
      tpu.wait_dma2 semaphore(%run_scoped3A : memref<!tpu.dma_semaphore, #tpu.memory_space<semaphore_mem>>) src(%arg15 : memref<16x176xf32, #tpu.memory_space<vmem>>) dst(%dma_wait3A_194 : memref<16x176xf32, #tpu.memory_space<vmem_shared>>)
      tpu.yield
    }) : () -> ()
    %add3A_24 = arith.constant 128 : i32
    %add3A_25 = arith.addi %mul3A_7, %add3A_24 : i32
    "tpu.region"() ({
      %run_scoped3A = tpu.sem_alloc : memref<!tpu.dma_semaphore, #tpu.memory_space<semaphore_mem>>
      %dma_start3A_187 = arith.constant 0 : i32
      %dma_start3A_188 = tpu.memref_slice %arg17[%add3A_25, %dma_start3A_187] : memref<10000x176xf32, #tpu.memory_space<vmem_shared>> -> memref<16x176xf32, #tpu.memory_space<vmem_shared>>
      %dma_start3A_189 = arith.constant 0 : i32
      %dma_start3A_190 = tpu.memref_slice %arg17[%add3A_25, %dma_start3A_189] : memref<10000x176xf32, #tpu.memory_space<vmem_shared>> -> memref<16x176xf32, #tpu.memory_space<vmem_shared>>
      tpu.enqueue_dma source(%arg15 : memref<16x176xf32, #tpu.memory_space<vmem>>) target(%dma_start3A_190 : memref<16x176xf32, #tpu.memory_space<vmem_shared>>) target_semaphore(%run_scoped3A : memref<!tpu.dma_semaphore, #tpu.memory_space<semaphore_mem>>)
      %dma_wait3A_191 = arith.constant 0 : i32
      %dma_wait3A_192 = tpu.memref_slice %arg17[%add3A_25, %dma_wait3A_191] : memref<10000x176xf32, #tpu.memory_space<vmem_shared>> -> memref<16x176xf32, #tpu.memory_space<vmem_shared>>
      %dma_wait3A_193 = arith.constant 0 : i32
      %dma_wait3A_194 = tpu.memref_slice %arg17[%add3A_25, %dma_wait3A_193] : memref<10000x176xf32, #tpu.memory_space<vmem_shared>> -> memref<16x176xf32, #tpu.memory_space<vmem_shared>>
      tpu.wait_dma2 semaphore(%run_scoped3A : memref<!tpu.dma_semaphore, #tpu.memory_space<semaphore_mem>>) src(%arg15 : memref<16x176xf32, #tpu.memory_space<vmem>>) dst(%dma_wait3A_194 : memref<16x176xf32, #tpu.memory_space<vmem_shared>>)
      tpu.yield
    }) : () -> ()
    %add3A_26 = arith.constant 144 : i32
    %add3A_27 = arith.addi %mul3A_7, %add3A_26 : i32
    "tpu.region"() ({
      %run_scoped3A = tpu.sem_alloc : memref<!tpu.dma_semaphore, #tpu.memory_space<semaphore_mem>>
      %dma_start3A_187 = arith.constant 0 : i32
      %dma_start3A_188 = tpu.memref_slice %arg17[%add3A_27, %dma_start3A_187] : memref<10000x176xf32, #tpu.memory_space<vmem_shared>> -> memref<16x176xf32, #tpu.memory_space<vmem_shared>>
      %dma_start3A_189 = arith.constant 0 : i32
      %dma_start3A_190 = tpu.memref_slice %arg17[%add3A_27, %dma_start3A_189] : memref<10000x176xf32, #tpu.memory_space<vmem_shared>> -> memref<16x176xf32, #tpu.memory_space<vmem_shared>>
      tpu.enqueue_dma source(%arg15 : memref<16x176xf32, #tpu.memory_space<vmem>>) target(%dma_start3A_190 : memref<16x176xf32, #tpu.memory_space<vmem_shared>>) target_semaphore(%run_scoped3A : memref<!tpu.dma_semaphore, #tpu.memory_space<semaphore_mem>>)
      %dma_wait3A_191 = arith.constant 0 : i32
      %dma_wait3A_192 = tpu.memref_slice %arg17[%add3A_27, %dma_wait3A_191] : memref<10000x176xf32, #tpu.memory_space<vmem_shared>> -> memref<16x176xf32, #tpu.memory_space<vmem_shared>>
      %dma_wait3A_193 = arith.constant 0 : i32
      %dma_wait3A_194 = tpu.memref_slice %arg17[%add3A_27, %dma_wait3A_193] : memref<10000x176xf32, #tpu.memory_space<vmem_shared>> -> memref<16x176xf32, #tpu.memory_space<vmem_shared>>
      tpu.wait_dma2 semaphore(%run_scoped3A : memref<!tpu.dma_semaphore, #tpu.memory_space<semaphore_mem>>) src(%arg15 : memref<16x176xf32, #tpu.memory_space<vmem>>) dst(%dma_wait3A_194 : memref<16x176xf32, #tpu.memory_space<vmem_shared>>)
      tpu.yield
    }) : () -> ()
    %add3A_28 = arith.constant 160 : i32
    %add3A_29 = arith.addi %mul3A_7, %add3A_28 : i32
    "tpu.region"() ({
      %run_scoped3A = tpu.sem_alloc : memref<!tpu.dma_semaphore, #tpu.memory_space<semaphore_mem>>
      %dma_start3A_187 = arith.constant 0 : i32
      %dma_start3A_188 = tpu.memref_slice %arg17[%add3A_29, %dma_start3A_187] : memref<10000x176xf32, #tpu.memory_space<vmem_shared>> -> memref<16x176xf32, #tpu.memory_space<vmem_shared>>
      %dma_start3A_189 = arith.constant 0 : i32
      %dma_start3A_190 = tpu.memref_slice %arg17[%add3A_29, %dma_start3A_189] : memref<10000x176xf32, #tpu.memory_space<vmem_shared>> -> memref<16x176xf32, #tpu.memory_space<vmem_shared>>
      tpu.enqueue_dma source(%arg15 : memref<16x176xf32, #tpu.memory_space<vmem>>) target(%dma_start3A_190 : memref<16x176xf32, #tpu.memory_space<vmem_shared>>) target_semaphore(%run_scoped3A : memref<!tpu.dma_semaphore, #tpu.memory_space<semaphore_mem>>)
      %dma_wait3A_191 = arith.constant 0 : i32
      %dma_wait3A_192 = tpu.memref_slice %arg17[%add3A_29, %dma_wait3A_191] : memref<10000x176xf32, #tpu.memory_space<vmem_shared>> -> memref<16x176xf32, #tpu.memory_space<vmem_shared>>
      %dma_wait3A_193 = arith.constant 0 : i32
      %dma_wait3A_194 = tpu.memref_slice %arg17[%add3A_29, %dma_wait3A_193] : memref<10000x176xf32, #tpu.memory_space<vmem_shared>> -> memref<16x176xf32, #tpu.memory_space<vmem_shared>>
      tpu.wait_dma2 semaphore(%run_scoped3A : memref<!tpu.dma_semaphore, #tpu.memory_space<semaphore_mem>>) src(%arg15 : memref<16x176xf32, #tpu.memory_space<vmem>>) dst(%dma_wait3A_194 : memref<16x176xf32, #tpu.memory_space<vmem_shared>>)
      tpu.yield
    }) : () -> ()
    %add3A_30 = arith.constant 176 : i32
    %add3A_31 = arith.addi %mul3A_7, %add3A_30 : i32
    "tpu.region"() ({
      %run_scoped3A = tpu.sem_alloc : memref<!tpu.dma_semaphore, #tpu.memory_space<semaphore_mem>>
      %dma_start3A_187 = arith.constant 0 : i32
      %dma_start3A_188 = tpu.memref_slice %arg17[%add3A_31, %dma_start3A_187] : memref<10000x176xf32, #tpu.memory_space<vmem_shared>> -> memref<16x176xf32, #tpu.memory_space<vmem_shared>>
      %dma_start3A_189 = arith.constant 0 : i32
      %dma_start3A_190 = tpu.memref_slice %arg17[%add3A_31, %dma_start3A_189] : memref<10000x176xf32, #tpu.memory_space<vmem_shared>> -> memref<16x176xf32, #tpu.memory_space<vmem_shared>>
      tpu.enqueue_dma source(%arg15 : memref<16x176xf32, #tpu.memory_space<vmem>>) target(%dma_start3A_190 : memref<16x176xf32, #tpu.memory_space<vmem_shared>>) target_semaphore(%run_scoped3A : memref<!tpu.dma_semaphore, #tpu.memory_space<semaphore_mem>>)
      %dma_wait3A_191 = arith.constant 0 : i32
      %dma_wait3A_192 = tpu.memref_slice %arg17[%add3A_31, %dma_wait3A_191] : memref<10000x176xf32, #tpu.memory_space<vmem_shared>> -> memref<16x176xf32, #tpu.memory_space<vmem_shared>>
      %dma_wait3A_193 = arith.constant 0 : i32
      %dma_wait3A_194 = tpu.memref_slice %arg17[%add3A_31, %dma_wait3A_193] : memref<10000x176xf32, #tpu.memory_space<vmem_shared>> -> memref<16x176xf32, #tpu.memory_space<vmem_shared>>
      tpu.wait_dma2 semaphore(%run_scoped3A : memref<!tpu.dma_semaphore, #tpu.memory_space<semaphore_mem>>) src(%arg15 : memref<16x176xf32, #tpu.memory_space<vmem>>) dst(%dma_wait3A_194 : memref<16x176xf32, #tpu.memory_space<vmem_shared>>)
      tpu.yield
    }) : () -> ()
    %add3A_32 = arith.constant 192 : i32
    %add3A_33 = arith.addi %mul3A_7, %add3A_32 : i32
    "tpu.region"() ({
      %run_scoped3A = tpu.sem_alloc : memref<!tpu.dma_semaphore, #tpu.memory_space<semaphore_mem>>
      %dma_start3A_187 = arith.constant 0 : i32
      %dma_start3A_188 = tpu.memref_slice %arg17[%add3A_33, %dma_start3A_187] : memref<10000x176xf32, #tpu.memory_space<vmem_shared>> -> memref<16x176xf32, #tpu.memory_space<vmem_shared>>
      %dma_start3A_189 = arith.constant 0 : i32
      %dma_start3A_190 = tpu.memref_slice %arg17[%add3A_33, %dma_start3A_189] : memref<10000x176xf32, #tpu.memory_space<vmem_shared>> -> memref<16x176xf32, #tpu.memory_space<vmem_shared>>
      tpu.enqueue_dma source(%arg15 : memref<16x176xf32, #tpu.memory_space<vmem>>) target(%dma_start3A_190 : memref<16x176xf32, #tpu.memory_space<vmem_shared>>) target_semaphore(%run_scoped3A : memref<!tpu.dma_semaphore, #tpu.memory_space<semaphore_mem>>)
      %dma_wait3A_191 = arith.constant 0 : i32
      %dma_wait3A_192 = tpu.memref_slice %arg17[%add3A_33, %dma_wait3A_191] : memref<10000x176xf32, #tpu.memory_space<vmem_shared>> -> memref<16x176xf32, #tpu.memory_space<vmem_shared>>
      %dma_wait3A_193 = arith.constant 0 : i32
      %dma_wait3A_194 = tpu.memref_slice %arg17[%add3A_33, %dma_wait3A_193] : memref<10000x176xf32, #tpu.memory_space<vmem_shared>> -> memref<16x176xf32, #tpu.memory_space<vmem_shared>>
      tpu.wait_dma2 semaphore(%run_scoped3A : memref<!tpu.dma_semaphore, #tpu.memory_space<semaphore_mem>>) src(%arg15 : memref<16x176xf32, #tpu.memory_space<vmem>>) dst(%dma_wait3A_194 : memref<16x176xf32, #tpu.memory_space<vmem_shared>>)
      tpu.yield
    }) : () -> ()
    %add3A_34 = arith.constant 208 : i32
    %add3A_35 = arith.addi %mul3A_7, %add3A_34 : i32
    "tpu.region"() ({
      %run_scoped3A = tpu.sem_alloc : memref<!tpu.dma_semaphore, #tpu.memory_space<semaphore_mem>>
      %dma_start3A_187 = arith.constant 0 : i32
      %dma_start3A_188 = tpu.memref_slice %arg17[%add3A_35, %dma_start3A_187] : memref<10000x176xf32, #tpu.memory_space<vmem_shared>> -> memref<16x176xf32, #tpu.memory_space<vmem_shared>>
      %dma_start3A_189 = arith.constant 0 : i32
      %dma_start3A_190 = tpu.memref_slice %arg17[%add3A_35, %dma_start3A_189] : memref<10000x176xf32, #tpu.memory_space<vmem_shared>> -> memref<16x176xf32, #tpu.memory_space<vmem_shared>>
      tpu.enqueue_dma source(%arg15 : memref<16x176xf32, #tpu.memory_space<vmem>>) target(%dma_start3A_190 : memref<16x176xf32, #tpu.memory_space<vmem_shared>>) target_semaphore(%run_scoped3A : memref<!tpu.dma_semaphore, #tpu.memory_space<semaphore_mem>>)
      %dma_wait3A_191 = arith.constant 0 : i32
      %dma_wait3A_192 = tpu.memref_slice %arg17[%add3A_35, %dma_wait3A_191] : memref<10000x176xf32, #tpu.memory_space<vmem_shared>> -> memref<16x176xf32, #tpu.memory_space<vmem_shared>>
      %dma_wait3A_193 = arith.constant 0 : i32
      %dma_wait3A_194 = tpu.memref_slice %arg17[%add3A_35, %dma_wait3A_193] : memref<10000x176xf32, #tpu.memory_space<vmem_shared>> -> memref<16x176xf32, #tpu.memory_space<vmem_shared>>
      tpu.wait_dma2 semaphore(%run_scoped3A : memref<!tpu.dma_semaphore, #tpu.memory_space<semaphore_mem>>) src(%arg15 : memref<16x176xf32, #tpu.memory_space<vmem>>) dst(%dma_wait3A_194 : memref<16x176xf32, #tpu.memory_space<vmem_shared>>)
      tpu.yield
    }) : () -> ()
    %add3A_36 = arith.constant 224 : i32
    %add3A_37 = arith.addi %mul3A_7, %add3A_36 : i32
    "tpu.region"() ({
      %run_scoped3A = tpu.sem_alloc : memref<!tpu.dma_semaphore, #tpu.memory_space<semaphore_mem>>
      %dma_start3A_187 = arith.constant 0 : i32
      %dma_start3A_188 = tpu.memref_slice %arg17[%add3A_37, %dma_start3A_187] : memref<10000x176xf32, #tpu.memory_space<vmem_shared>> -> memref<16x176xf32, #tpu.memory_space<vmem_shared>>
      %dma_start3A_189 = arith.constant 0 : i32
      %dma_start3A_190 = tpu.memref_slice %arg17[%add3A_37, %dma_start3A_189] : memref<10000x176xf32, #tpu.memory_space<vmem_shared>> -> memref<16x176xf32, #tpu.memory_space<vmem_shared>>
      tpu.enqueue_dma source(%arg15 : memref<16x176xf32, #tpu.memory_space<vmem>>) target(%dma_start3A_190 : memref<16x176xf32, #tpu.memory_space<vmem_shared>>) target_semaphore(%run_scoped3A : memref<!tpu.dma_semaphore, #tpu.memory_space<semaphore_mem>>)
      %dma_wait3A_191 = arith.constant 0 : i32
      %dma_wait3A_192 = tpu.memref_slice %arg17[%add3A_37, %dma_wait3A_191] : memref<10000x176xf32, #tpu.memory_space<vmem_shared>> -> memref<16x176xf32, #tpu.memory_space<vmem_shared>>
      %dma_wait3A_193 = arith.constant 0 : i32
      %dma_wait3A_194 = tpu.memref_slice %arg17[%add3A_37, %dma_wait3A_193] : memref<10000x176xf32, #tpu.memory_space<vmem_shared>> -> memref<16x176xf32, #tpu.memory_space<vmem_shared>>
      tpu.wait_dma2 semaphore(%run_scoped3A : memref<!tpu.dma_semaphore, #tpu.memory_space<semaphore_mem>>) src(%arg15 : memref<16x176xf32, #tpu.memory_space<vmem>>) dst(%dma_wait3A_194 : memref<16x176xf32, #tpu.memory_space<vmem_shared>>)
      tpu.yield
    }) : () -> ()
    %add3A_38 = arith.constant 240 : i32
    %add3A_39 = arith.addi %mul3A_7, %add3A_38 : i32
    "tpu.region"() ({
      %run_scoped3A = tpu.sem_alloc : memref<!tpu.dma_semaphore, #tpu.memory_space<semaphore_mem>>
      %dma_start3A_187 = arith.constant 0 : i32
      %dma_start3A_188 = tpu.memref_slice %arg17[%add3A_39, %dma_start3A_187] : memref<10000x176xf32, #tpu.memory_space<vmem_shared>> -> memref<16x176xf32, #tpu.memory_space<vmem_shared>>
      %dma_start3A_189 = arith.constant 0 : i32
      %dma_start3A_190 = tpu.memref_slice %arg17[%add3A_39, %dma_start3A_189] : memref<10000x176xf32, #tpu.memory_space<vmem_shared>> -> memref<16x176xf32, #tpu.memory_space<vmem_shared>>
      tpu.enqueue_dma source(%arg15 : memref<16x176xf32, #tpu.memory_space<vmem>>) target(%dma_start3A_190 : memref<16x176xf32, #tpu.memory_space<vmem_shared>>) target_semaphore(%run_scoped3A : memref<!tpu.dma_semaphore, #tpu.memory_space<semaphore_mem>>)
      %dma_wait3A_191 = arith.constant 0 : i32
      %dma_wait3A_192 = tpu.memref_slice %arg17[%add3A_39, %dma_wait3A_191] : memref<10000x176xf32, #tpu.memory_space<vmem_shared>> -> memref<16x176xf32, #tpu.memory_space<vmem_shared>>
      %dma_wait3A_193 = arith.constant 0 : i32
      %dma_wait3A_194 = tpu.memref_slice %arg17[%add3A_39, %dma_wait3A_193] : memref<10000x176xf32, #tpu.memory_space<vmem_shared>> -> memref<16x176xf32, #tpu.memory_space<vmem_shared>>
      tpu.wait_dma2 semaphore(%run_scoped3A : memref<!tpu.dma_semaphore, #tpu.memory_space<semaphore_mem>>) src(%arg15 : memref<16x176xf32, #tpu.memory_space<vmem>>) dst(%dma_wait3A_194 : memref<16x176xf32, #tpu.memory_space<vmem_shared>>)
      tpu.yield
    }) : () -> ()
    %add3A_40 = arith.constant 256 : i32
    %add3A_41 = arith.addi %mul3A_7, %add3A_40 : i32
    "tpu.region"() ({
      %run_scoped3A = tpu.sem_alloc : memref<!tpu.dma_semaphore, #tpu.memory_space<semaphore_mem>>
      %dma_start3A_187 = arith.constant 0 : i32
      %dma_start3A_188 = tpu.memref_slice %arg17[%add3A_41, %dma_start3A_187] : memref<10000x176xf32, #tpu.memory_space<vmem_shared>> -> memref<16x176xf32, #tpu.memory_space<vmem_shared>>
      %dma_start3A_189 = arith.constant 0 : i32
      %dma_start3A_190 = tpu.memref_slice %arg17[%add3A_41, %dma_start3A_189] : memref<10000x176xf32, #tpu.memory_space<vmem_shared>> -> memref<16x176xf32, #tpu.memory_space<vmem_shared>>
      tpu.enqueue_dma source(%arg15 : memref<16x176xf32, #tpu.memory_space<vmem>>) target(%dma_start3A_190 : memref<16x176xf32, #tpu.memory_space<vmem_shared>>) target_semaphore(%run_scoped3A : memref<!tpu.dma_semaphore, #tpu.memory_space<semaphore_mem>>)
      %dma_wait3A_191 = arith.constant 0 : i32
      %dma_wait3A_192 = tpu.memref_slice %arg17[%add3A_41, %dma_wait3A_191] : memref<10000x176xf32, #tpu.memory_space<vmem_shared>> -> memref<16x176xf32, #tpu.memory_space<vmem_shared>>
      %dma_wait3A_193 = arith.constant 0 : i32
      %dma_wait3A_194 = tpu.memref_slice %arg17[%add3A_41, %dma_wait3A_193] : memref<10000x176xf32, #tpu.memory_space<vmem_shared>> -> memref<16x176xf32, #tpu.memory_space<vmem_shared>>
      tpu.wait_dma2 semaphore(%run_scoped3A : memref<!tpu.dma_semaphore, #tpu.memory_space<semaphore_mem>>) src(%arg15 : memref<16x176xf32, #tpu.memory_space<vmem>>) dst(%dma_wait3A_194 : memref<16x176xf32, #tpu.memory_space<vmem_shared>>)
      tpu.yield
    }) : () -> ()
    %add3A_42 = arith.constant 272 : i32
    %add3A_43 = arith.addi %mul3A_7, %add3A_42 : i32
    "tpu.region"() ({
      %run_scoped3A = tpu.sem_alloc : memref<!tpu.dma_semaphore, #tpu.memory_space<semaphore_mem>>
      %dma_start3A_187 = arith.constant 0 : i32
      %dma_start3A_188 = tpu.memref_slice %arg17[%add3A_43, %dma_start3A_187] : memref<10000x176xf32, #tpu.memory_space<vmem_shared>> -> memref<16x176xf32, #tpu.memory_space<vmem_shared>>
      %dma_start3A_189 = arith.constant 0 : i32
      %dma_start3A_190 = tpu.memref_slice %arg17[%add3A_43, %dma_start3A_189] : memref<10000x176xf32, #tpu.memory_space<vmem_shared>> -> memref<16x176xf32, #tpu.memory_space<vmem_shared>>
      tpu.enqueue_dma source(%arg15 : memref<16x176xf32, #tpu.memory_space<vmem>>) target(%dma_start3A_190 : memref<16x176xf32, #tpu.memory_space<vmem_shared>>) target_semaphore(%run_scoped3A : memref<!tpu.dma_semaphore, #tpu.memory_space<semaphore_mem>>)
      %dma_wait3A_191 = arith.constant 0 : i32
      %dma_wait3A_192 = tpu.memref_slice %arg17[%add3A_43, %dma_wait3A_191] : memref<10000x176xf32, #tpu.memory_space<vmem_shared>> -> memref<16x176xf32, #tpu.memory_space<vmem_shared>>
      %dma_wait3A_193 = arith.constant 0 : i32
      %dma_wait3A_194 = tpu.memref_slice %arg17[%add3A_43, %dma_wait3A_193] : memref<10000x176xf32, #tpu.memory_space<vmem_shared>> -> memref<16x176xf32, #tpu.memory_space<vmem_shared>>
      tpu.wait_dma2 semaphore(%run_scoped3A : memref<!tpu.dma_semaphore, #tpu.memory_space<semaphore_mem>>) src(%arg15 : memref<16x176xf32, #tpu.memory_space<vmem>>) dst(%dma_wait3A_194 : memref<16x176xf32, #tpu.memory_space<vmem_shared>>)
      tpu.yield
    }) : () -> ()
    %add3A_44 = arith.constant 288 : i32
    %add3A_45 = arith.addi %mul3A_7, %add3A_44 : i32
    "tpu.region"() ({
      %run_scoped3A = tpu.sem_alloc : memref<!tpu.dma_semaphore, #tpu.memory_space<semaphore_mem>>
      %dma_start3A_187 = arith.constant 0 : i32
      %dma_start3A_188 = tpu.memref_slice %arg17[%add3A_45, %dma_start3A_187] : memref<10000x176xf32, #tpu.memory_space<vmem_shared>> -> memref<16x176xf32, #tpu.memory_space<vmem_shared>>
      %dma_start3A_189 = arith.constant 0 : i32
      %dma_start3A_190 = tpu.memref_slice %arg17[%add3A_45, %dma_start3A_189] : memref<10000x176xf32, #tpu.memory_space<vmem_shared>> -> memref<16x176xf32, #tpu.memory_space<vmem_shared>>
      tpu.enqueue_dma source(%arg15 : memref<16x176xf32, #tpu.memory_space<vmem>>) target(%dma_start3A_190 : memref<16x176xf32, #tpu.memory_space<vmem_shared>>) target_semaphore(%run_scoped3A : memref<!tpu.dma_semaphore, #tpu.memory_space<semaphore_mem>>)
      %dma_wait3A_191 = arith.constant 0 : i32
      %dma_wait3A_192 = tpu.memref_slice %arg17[%add3A_45, %dma_wait3A_191] : memref<10000x176xf32, #tpu.memory_space<vmem_shared>> -> memref<16x176xf32, #tpu.memory_space<vmem_shared>>
      %dma_wait3A_193 = arith.constant 0 : i32
      %dma_wait3A_194 = tpu.memref_slice %arg17[%add3A_45, %dma_wait3A_193] : memref<10000x176xf32, #tpu.memory_space<vmem_shared>> -> memref<16x176xf32, #tpu.memory_space<vmem_shared>>
      tpu.wait_dma2 semaphore(%run_scoped3A : memref<!tpu.dma_semaphore, #tpu.memory_space<semaphore_mem>>) src(%arg15 : memref<16x176xf32, #tpu.memory_space<vmem>>) dst(%dma_wait3A_194 : memref<16x176xf32, #tpu.memory_space<vmem_shared>>)
      tpu.yield
    }) : () -> ()
    %add3A_46 = arith.constant 304 : i32
    %add3A_47 = arith.addi %mul3A_7, %add3A_46 : i32
    "tpu.region"() ({
      %run_scoped3A = tpu.sem_alloc : memref<!tpu.dma_semaphore, #tpu.memory_space<semaphore_mem>>
      %dma_start3A_187 = arith.constant 0 : i32
      %dma_start3A_188 = tpu.memref_slice %arg17[%add3A_47, %dma_start3A_187] : memref<10000x176xf32, #tpu.memory_space<vmem_shared>> -> memref<16x176xf32, #tpu.memory_space<vmem_shared>>
      %dma_start3A_189 = arith.constant 0 : i32
      %dma_start3A_190 = tpu.memref_slice %arg17[%add3A_47, %dma_start3A_189] : memref<10000x176xf32, #tpu.memory_space<vmem_shared>> -> memref<16x176xf32, #tpu.memory_space<vmem_shared>>
      tpu.enqueue_dma source(%arg15 : memref<16x176xf32, #tpu.memory_space<vmem>>) target(%dma_start3A_190 : memref<16x176xf32, #tpu.memory_space<vmem_shared>>) target_semaphore(%run_scoped3A : memref<!tpu.dma_semaphore, #tpu.memory_space<semaphore_mem>>)
      %dma_wait3A_191 = arith.constant 0 : i32
      %dma_wait3A_192 = tpu.memref_slice %arg17[%add3A_47, %dma_wait3A_191] : memref<10000x176xf32, #tpu.memory_space<vmem_shared>> -> memref<16x176xf32, #tpu.memory_space<vmem_shared>>
      %dma_wait3A_193 = arith.constant 0 : i32
      %dma_wait3A_194 = tpu.memref_slice %arg17[%add3A_47, %dma_wait3A_193] : memref<10000x176xf32, #tpu.memory_space<vmem_shared>> -> memref<16x176xf32, #tpu.memory_space<vmem_shared>>
      tpu.wait_dma2 semaphore(%run_scoped3A : memref<!tpu.dma_semaphore, #tpu.memory_space<semaphore_mem>>) src(%arg15 : memref<16x176xf32, #tpu.memory_space<vmem>>) dst(%dma_wait3A_194 : memref<16x176xf32, #tpu.memory_space<vmem_shared>>)
      tpu.yield
    }) : () -> ()
    %add3A_48 = arith.constant 320 : i32
    %add3A_49 = arith.addi %mul3A_7, %add3A_48 : i32
    "tpu.region"() ({
      %run_scoped3A = tpu.sem_alloc : memref<!tpu.dma_semaphore, #tpu.memory_space<semaphore_mem>>
      %dma_start3A_187 = arith.constant 0 : i32
      %dma_start3A_188 = tpu.memref_slice %arg17[%add3A_49, %dma_start3A_187] : memref<10000x176xf32, #tpu.memory_space<vmem_shared>> -> memref<16x176xf32, #tpu.memory_space<vmem_shared>>
      %dma_start3A_189 = arith.constant 0 : i32
      %dma_start3A_190 = tpu.memref_slice %arg17[%add3A_49, %dma_start3A_189] : memref<10000x176xf32, #tpu.memory_space<vmem_shared>> -> memref<16x176xf32, #tpu.memory_space<vmem_shared>>
      tpu.enqueue_dma source(%arg15 : memref<16x176xf32, #tpu.memory_space<vmem>>) target(%dma_start3A_190 : memref<16x176xf32, #tpu.memory_space<vmem_shared>>) target_semaphore(%run_scoped3A : memref<!tpu.dma_semaphore, #tpu.memory_space<semaphore_mem>>)
      %dma_wait3A_191 = arith.constant 0 : i32
      %dma_wait3A_192 = tpu.memref_slice %arg17[%add3A_49, %dma_wait3A_191] : memref<10000x176xf32, #tpu.memory_space<vmem_shared>> -> memref<16x176xf32, #tpu.memory_space<vmem_shared>>
      %dma_wait3A_193 = arith.constant 0 : i32
      %dma_wait3A_194 = tpu.memref_slice %arg17[%add3A_49, %dma_wait3A_193] : memref<10000x176xf32, #tpu.memory_space<vmem_shared>> -> memref<16x176xf32, #tpu.memory_space<vmem_shared>>
      tpu.wait_dma2 semaphore(%run_scoped3A : memref<!tpu.dma_semaphore, #tpu.memory_space<semaphore_mem>>) src(%arg15 : memref<16x176xf32, #tpu.memory_space<vmem>>) dst(%dma_wait3A_194 : memref<16x176xf32, #tpu.memory_space<vmem_shared>>)
      tpu.yield
    }) : () -> ()
    %add3A_50 = arith.constant 336 : i32
    %add3A_51 = arith.addi %mul3A_7, %add3A_50 : i32
    "tpu.region"() ({
      %run_scoped3A = tpu.sem_alloc : memref<!tpu.dma_semaphore, #tpu.memory_space<semaphore_mem>>
      %dma_start3A_187 = arith.constant 0 : i32
      %dma_start3A_188 = tpu.memref_slice %arg17[%add3A_51, %dma_start3A_187] : memref<10000x176xf32, #tpu.memory_space<vmem_shared>> -> memref<16x176xf32, #tpu.memory_space<vmem_shared>>
      %dma_start3A_189 = arith.constant 0 : i32
      %dma_start3A_190 = tpu.memref_slice %arg17[%add3A_51, %dma_start3A_189] : memref<10000x176xf32, #tpu.memory_space<vmem_shared>> -> memref<16x176xf32, #tpu.memory_space<vmem_shared>>
      tpu.enqueue_dma source(%arg15 : memref<16x176xf32, #tpu.memory_space<vmem>>) target(%dma_start3A_190 : memref<16x176xf32, #tpu.memory_space<vmem_shared>>) target_semaphore(%run_scoped3A : memref<!tpu.dma_semaphore, #tpu.memory_space<semaphore_mem>>)
      %dma_wait3A_191 = arith.constant 0 : i32
      %dma_wait3A_192 = tpu.memref_slice %arg17[%add3A_51, %dma_wait3A_191] : memref<10000x176xf32, #tpu.memory_space<vmem_shared>> -> memref<16x176xf32, #tpu.memory_space<vmem_shared>>
      %dma_wait3A_193 = arith.constant 0 : i32
      %dma_wait3A_194 = tpu.memref_slice %arg17[%add3A_51, %dma_wait3A_193] : memref<10000x176xf32, #tpu.memory_space<vmem_shared>> -> memref<16x176xf32, #tpu.memory_space<vmem_shared>>
      tpu.wait_dma2 semaphore(%run_scoped3A : memref<!tpu.dma_semaphore, #tpu.memory_space<semaphore_mem>>) src(%arg15 : memref<16x176xf32, #tpu.memory_space<vmem>>) dst(%dma_wait3A_194 : memref<16x176xf32, #tpu.memory_space<vmem_shared>>)
      tpu.yield
    }) : () -> ()
    %add3A_52 = arith.constant 352 : i32
    %add3A_53 = arith.addi %mul3A_7, %add3A_52 : i32
    "tpu.region"() ({
      %run_scoped3A = tpu.sem_alloc : memref<!tpu.dma_semaphore, #tpu.memory_space<semaphore_mem>>
      %dma_start3A_187 = arith.constant 0 : i32
      %dma_start3A_188 = tpu.memref_slice %arg17[%add3A_53, %dma_start3A_187] : memref<10000x176xf32, #tpu.memory_space<vmem_shared>> -> memref<16x176xf32, #tpu.memory_space<vmem_shared>>
      %dma_start3A_189 = arith.constant 0 : i32
      %dma_start3A_190 = tpu.memref_slice %arg17[%add3A_53, %dma_start3A_189] : memref<10000x176xf32, #tpu.memory_space<vmem_shared>> -> memref<16x176xf32, #tpu.memory_space<vmem_shared>>
      tpu.enqueue_dma source(%arg15 : memref<16x176xf32, #tpu.memory_space<vmem>>) target(%dma_start3A_190 : memref<16x176xf32, #tpu.memory_space<vmem_shared>>) target_semaphore(%run_scoped3A : memref<!tpu.dma_semaphore, #tpu.memory_space<semaphore_mem>>)
      %dma_wait3A_191 = arith.constant 0 : i32
      %dma_wait3A_192 = tpu.memref_slice %arg17[%add3A_53, %dma_wait3A_191] : memref<10000x176xf32, #tpu.memory_space<vmem_shared>> -> memref<16x176xf32, #tpu.memory_space<vmem_shared>>
      %dma_wait3A_193 = arith.constant 0 : i32
      %dma_wait3A_194 = tpu.memref_slice %arg17[%add3A_53, %dma_wait3A_193] : memref<10000x176xf32, #tpu.memory_space<vmem_shared>> -> memref<16x176xf32, #tpu.memory_space<vmem_shared>>
      tpu.wait_dma2 semaphore(%run_scoped3A : memref<!tpu.dma_semaphore, #tpu.memory_space<semaphore_mem>>) src(%arg15 : memref<16x176xf32, #tpu.memory_space<vmem>>) dst(%dma_wait3A_194 : memref<16x176xf32, #tpu.memory_space<vmem_shared>>)
      tpu.yield
    }) : () -> ()
    %add3A_54 = arith.constant 368 : i32
    %add3A_55 = arith.addi %mul3A_7, %add3A_54 : i32
    "tpu.region"() ({
      %run_scoped3A = tpu.sem_alloc : memref<!tpu.dma_semaphore, #tpu.memory_space<semaphore_mem>>
      %dma_start3A_187 = arith.constant 0 : i32
      %dma_start3A_188 = tpu.memref_slice %arg17[%add3A_55, %dma_start3A_187] : memref<10000x176xf32, #tpu.memory_space<vmem_shared>> -> memref<16x176xf32, #tpu.memory_space<vmem_shared>>
      %dma_start3A_189 = arith.constant 0 : i32
      %dma_start3A_190 = tpu.memref_slice %arg17[%add3A_55, %dma_start3A_189] : memref<10000x176xf32, #tpu.memory_space<vmem_shared>> -> memref<16x176xf32, #tpu.memory_space<vmem_shared>>
      tpu.enqueue_dma source(%arg15 : memref<16x176xf32, #tpu.memory_space<vmem>>) target(%dma_start3A_190 : memref<16x176xf32, #tpu.memory_space<vmem_shared>>) target_semaphore(%run_scoped3A : memref<!tpu.dma_semaphore, #tpu.memory_space<semaphore_mem>>)
      %dma_wait3A_191 = arith.constant 0 : i32
      %dma_wait3A_192 = tpu.memref_slice %arg17[%add3A_55, %dma_wait3A_191] : memref<10000x176xf32, #tpu.memory_space<vmem_shared>> -> memref<16x176xf32, #tpu.memory_space<vmem_shared>>
      %dma_wait3A_193 = arith.constant 0 : i32
      %dma_wait3A_194 = tpu.memref_slice %arg17[%add3A_55, %dma_wait3A_193] : memref<10000x176xf32, #tpu.memory_space<vmem_shared>> -> memref<16x176xf32, #tpu.memory_space<vmem_shared>>
      tpu.wait_dma2 semaphore(%run_scoped3A : memref<!tpu.dma_semaphore, #tpu.memory_space<semaphore_mem>>) src(%arg15 : memref<16x176xf32, #tpu.memory_space<vmem>>) dst(%dma_wait3A_194 : memref<16x176xf32, #tpu.memory_space<vmem_shared>>)
      tpu.yield
    }) : () -> ()
    %add3A_56 = arith.constant 384 : i32
    %add3A_57 = arith.addi %mul3A_7, %add3A_56 : i32
    "tpu.region"() ({
      %run_scoped3A = tpu.sem_alloc : memref<!tpu.dma_semaphore, #tpu.memory_space<semaphore_mem>>
      %dma_start3A_187 = arith.constant 0 : i32
      %dma_start3A_188 = tpu.memref_slice %arg17[%add3A_57, %dma_start3A_187] : memref<10000x176xf32, #tpu.memory_space<vmem_shared>> -> memref<16x176xf32, #tpu.memory_space<vmem_shared>>
      %dma_start3A_189 = arith.constant 0 : i32
      %dma_start3A_190 = tpu.memref_slice %arg17[%add3A_57, %dma_start3A_189] : memref<10000x176xf32, #tpu.memory_space<vmem_shared>> -> memref<16x176xf32, #tpu.memory_space<vmem_shared>>
      tpu.enqueue_dma source(%arg15 : memref<16x176xf32, #tpu.memory_space<vmem>>) target(%dma_start3A_190 : memref<16x176xf32, #tpu.memory_space<vmem_shared>>) target_semaphore(%run_scoped3A : memref<!tpu.dma_semaphore, #tpu.memory_space<semaphore_mem>>)
      %dma_wait3A_191 = arith.constant 0 : i32
      %dma_wait3A_192 = tpu.memref_slice %arg17[%add3A_57, %dma_wait3A_191] : memref<10000x176xf32, #tpu.memory_space<vmem_shared>> -> memref<16x176xf32, #tpu.memory_space<vmem_shared>>
      %dma_wait3A_193 = arith.constant 0 : i32
      %dma_wait3A_194 = tpu.memref_slice %arg17[%add3A_57, %dma_wait3A_193] : memref<10000x176xf32, #tpu.memory_space<vmem_shared>> -> memref<16x176xf32, #tpu.memory_space<vmem_shared>>
      tpu.wait_dma2 semaphore(%run_scoped3A : memref<!tpu.dma_semaphore, #tpu.memory_space<semaphore_mem>>) src(%arg15 : memref<16x176xf32, #tpu.memory_space<vmem>>) dst(%dma_wait3A_194 : memref<16x176xf32, #tpu.memory_space<vmem_shared>>)
      tpu.yield
    }) : () -> ()
    %add3A_58 = arith.constant 400 : i32
    %add3A_59 = arith.addi %mul3A_7, %add3A_58 : i32
    "tpu.region"() ({
      %run_scoped3A = tpu.sem_alloc : memref<!tpu.dma_semaphore, #tpu.memory_space<semaphore_mem>>
      %dma_start3A_187 = arith.constant 0 : i32
      %dma_start3A_188 = tpu.memref_slice %arg17[%add3A_59, %dma_start3A_187] : memref<10000x176xf32, #tpu.memory_space<vmem_shared>> -> memref<16x176xf32, #tpu.memory_space<vmem_shared>>
      %dma_start3A_189 = arith.constant 0 : i32
      %dma_start3A_190 = tpu.memref_slice %arg17[%add3A_59, %dma_start3A_189] : memref<10000x176xf32, #tpu.memory_space<vmem_shared>> -> memref<16x176xf32, #tpu.memory_space<vmem_shared>>
      tpu.enqueue_dma source(%arg15 : memref<16x176xf32, #tpu.memory_space<vmem>>) target(%dma_start3A_190 : memref<16x176xf32, #tpu.memory_space<vmem_shared>>) target_semaphore(%run_scoped3A : memref<!tpu.dma_semaphore, #tpu.memory_space<semaphore_mem>>)
      %dma_wait3A_191 = arith.constant 0 : i32
      %dma_wait3A_192 = tpu.memref_slice %arg17[%add3A_59, %dma_wait3A_191] : memref<10000x176xf32, #tpu.memory_space<vmem_shared>> -> memref<16x176xf32, #tpu.memory_space<vmem_shared>>
      %dma_wait3A_193 = arith.constant 0 : i32
      %dma_wait3A_194 = tpu.memref_slice %arg17[%add3A_59, %dma_wait3A_193] : memref<10000x176xf32, #tpu.memory_space<vmem_shared>> -> memref<16x176xf32, #tpu.memory_space<vmem_shared>>
      tpu.wait_dma2 semaphore(%run_scoped3A : memref<!tpu.dma_semaphore, #tpu.memory_space<semaphore_mem>>) src(%arg15 : memref<16x176xf32, #tpu.memory_space<vmem>>) dst(%dma_wait3A_194 : memref<16x176xf32, #tpu.memory_space<vmem_shared>>)
      tpu.yield
    }) : () -> ()
    %add3A_60 = arith.constant 416 : i32
    %add3A_61 = arith.addi %mul3A_7, %add3A_60 : i32
    "tpu.region"() ({
      %run_scoped3A = tpu.sem_alloc : memref<!tpu.dma_semaphore, #tpu.memory_space<semaphore_mem>>
      %dma_start3A_187 = arith.constant 0 : i32
      %dma_start3A_188 = tpu.memref_slice %arg17[%add3A_61, %dma_start3A_187] : memref<10000x176xf32, #tpu.memory_space<vmem_shared>> -> memref<16x176xf32, #tpu.memory_space<vmem_shared>>
      %dma_start3A_189 = arith.constant 0 : i32
      %dma_start3A_190 = tpu.memref_slice %arg17[%add3A_61, %dma_start3A_189] : memref<10000x176xf32, #tpu.memory_space<vmem_shared>> -> memref<16x176xf32, #tpu.memory_space<vmem_shared>>
      tpu.enqueue_dma source(%arg15 : memref<16x176xf32, #tpu.memory_space<vmem>>) target(%dma_start3A_190 : memref<16x176xf32, #tpu.memory_space<vmem_shared>>) target_semaphore(%run_scoped3A : memref<!tpu.dma_semaphore, #tpu.memory_space<semaphore_mem>>)
      %dma_wait3A_191 = arith.constant 0 : i32
      %dma_wait3A_192 = tpu.memref_slice %arg17[%add3A_61, %dma_wait3A_191] : memref<10000x176xf32, #tpu.memory_space<vmem_shared>> -> memref<16x176xf32, #tpu.memory_space<vmem_shared>>
      %dma_wait3A_193 = arith.constant 0 : i32
      %dma_wait3A_194 = tpu.memref_slice %arg17[%add3A_61, %dma_wait3A_193] : memref<10000x176xf32, #tpu.memory_space<vmem_shared>> -> memref<16x176xf32, #tpu.memory_space<vmem_shared>>
      tpu.wait_dma2 semaphore(%run_scoped3A : memref<!tpu.dma_semaphore, #tpu.memory_space<semaphore_mem>>) src(%arg15 : memref<16x176xf32, #tpu.memory_space<vmem>>) dst(%dma_wait3A_194 : memref<16x176xf32, #tpu.memory_space<vmem_shared>>)
      tpu.yield
    }) : () -> ()
    %add3A_62 = arith.constant 432 : i32
    %add3A_63 = arith.addi %mul3A_7, %add3A_62 : i32
    "tpu.region"() ({
      %run_scoped3A = tpu.sem_alloc : memref<!tpu.dma_semaphore, #tpu.memory_space<semaphore_mem>>
      %dma_start3A_187 = arith.constant 0 : i32
      %dma_start3A_188 = tpu.memref_slice %arg17[%add3A_63, %dma_start3A_187] : memref<10000x176xf32, #tpu.memory_space<vmem_shared>> -> memref<16x176xf32, #tpu.memory_space<vmem_shared>>
      %dma_start3A_189 = arith.constant 0 : i32
      %dma_start3A_190 = tpu.memref_slice %arg17[%add3A_63, %dma_start3A_189] : memref<10000x176xf32, #tpu.memory_space<vmem_shared>> -> memref<16x176xf32, #tpu.memory_space<vmem_shared>>
      tpu.enqueue_dma source(%arg15 : memref<16x176xf32, #tpu.memory_space<vmem>>) target(%dma_start3A_190 : memref<16x176xf32, #tpu.memory_space<vmem_shared>>) target_semaphore(%run_scoped3A : memref<!tpu.dma_semaphore, #tpu.memory_space<semaphore_mem>>)
      %dma_wait3A_191 = arith.constant 0 : i32
      %dma_wait3A_192 = tpu.memref_slice %arg17[%add3A_63, %dma_wait3A_191] : memref<10000x176xf32, #tpu.memory_space<vmem_shared>> -> memref<16x176xf32, #tpu.memory_space<vmem_shared>>
      %dma_wait3A_193 = arith.constant 0 : i32
      %dma_wait3A_194 = tpu.memref_slice %arg17[%add3A_63, %dma_wait3A_193] : memref<10000x176xf32, #tpu.memory_space<vmem_shared>> -> memref<16x176xf32, #tpu.memory_space<vmem_shared>>
      tpu.wait_dma2 semaphore(%run_scoped3A : memref<!tpu.dma_semaphore, #tpu.memory_space<semaphore_mem>>) src(%arg15 : memref<16x176xf32, #tpu.memory_space<vmem>>) dst(%dma_wait3A_194 : memref<16x176xf32, #tpu.memory_space<vmem_shared>>)
      tpu.yield
    }) : () -> ()
    %add3A_64 = arith.constant 448 : i32
    %add3A_65 = arith.addi %mul3A_7, %add3A_64 : i32
    "tpu.region"() ({
      %run_scoped3A = tpu.sem_alloc : memref<!tpu.dma_semaphore, #tpu.memory_space<semaphore_mem>>
      %dma_start3A_187 = arith.constant 0 : i32
      %dma_start3A_188 = tpu.memref_slice %arg17[%add3A_65, %dma_start3A_187] : memref<10000x176xf32, #tpu.memory_space<vmem_shared>> -> memref<16x176xf32, #tpu.memory_space<vmem_shared>>
      %dma_start3A_189 = arith.constant 0 : i32
      %dma_start3A_190 = tpu.memref_slice %arg17[%add3A_65, %dma_start3A_189] : memref<10000x176xf32, #tpu.memory_space<vmem_shared>> -> memref<16x176xf32, #tpu.memory_space<vmem_shared>>
      tpu.enqueue_dma source(%arg15 : memref<16x176xf32, #tpu.memory_space<vmem>>) target(%dma_start3A_190 : memref<16x176xf32, #tpu.memory_space<vmem_shared>>) target_semaphore(%run_scoped3A : memref<!tpu.dma_semaphore, #tpu.memory_space<semaphore_mem>>)
      %dma_wait3A_191 = arith.constant 0 : i32
      %dma_wait3A_192 = tpu.memref_slice %arg17[%add3A_65, %dma_wait3A_191] : memref<10000x176xf32, #tpu.memory_space<vmem_shared>> -> memref<16x176xf32, #tpu.memory_space<vmem_shared>>
      %dma_wait3A_193 = arith.constant 0 : i32
      %dma_wait3A_194 = tpu.memref_slice %arg17[%add3A_65, %dma_wait3A_193] : memref<10000x176xf32, #tpu.memory_space<vmem_shared>> -> memref<16x176xf32, #tpu.memory_space<vmem_shared>>
      tpu.wait_dma2 semaphore(%run_scoped3A : memref<!tpu.dma_semaphore, #tpu.memory_space<semaphore_mem>>) src(%arg15 : memref<16x176xf32, #tpu.memory_space<vmem>>) dst(%dma_wait3A_194 : memref<16x176xf32, #tpu.memory_space<vmem_shared>>)
      tpu.yield
    }) : () -> ()
    %add3A_66 = arith.constant 464 : i32
    %add3A_67 = arith.addi %mul3A_7, %add3A_66 : i32
    "tpu.region"() ({
      %run_scoped3A = tpu.sem_alloc : memref<!tpu.dma_semaphore, #tpu.memory_space<semaphore_mem>>
      %dma_start3A_187 = arith.constant 0 : i32
      %dma_start3A_188 = tpu.memref_slice %arg17[%add3A_67, %dma_start3A_187] : memref<10000x176xf32, #tpu.memory_space<vmem_shared>> -> memref<16x176xf32, #tpu.memory_space<vmem_shared>>
      %dma_start3A_189 = arith.constant 0 : i32
      %dma_start3A_190 = tpu.memref_slice %arg17[%add3A_67, %dma_start3A_189] : memref<10000x176xf32, #tpu.memory_space<vmem_shared>> -> memref<16x176xf32, #tpu.memory_space<vmem_shared>>
      tpu.enqueue_dma source(%arg15 : memref<16x176xf32, #tpu.memory_space<vmem>>) target(%dma_start3A_190 : memref<16x176xf32, #tpu.memory_space<vmem_shared>>) target_semaphore(%run_scoped3A : memref<!tpu.dma_semaphore, #tpu.memory_space<semaphore_mem>>)
      %dma_wait3A_191 = arith.constant 0 : i32
      %dma_wait3A_192 = tpu.memref_slice %arg17[%add3A_67, %dma_wait3A_191] : memref<10000x176xf32, #tpu.memory_space<vmem_shared>> -> memref<16x176xf32, #tpu.memory_space<vmem_shared>>
      %dma_wait3A_193 = arith.constant 0 : i32
      %dma_wait3A_194 = tpu.memref_slice %arg17[%add3A_67, %dma_wait3A_193] : memref<10000x176xf32, #tpu.memory_space<vmem_shared>> -> memref<16x176xf32, #tpu.memory_space<vmem_shared>>
      tpu.wait_dma2 semaphore(%run_scoped3A : memref<!tpu.dma_semaphore, #tpu.memory_space<semaphore_mem>>) src(%arg15 : memref<16x176xf32, #tpu.memory_space<vmem>>) dst(%dma_wait3A_194 : memref<16x176xf32, #tpu.memory_space<vmem_shared>>)
      tpu.yield
    }) : () -> ()
    %add3A_68 = arith.constant 480 : i32
    %add3A_69 = arith.addi %mul3A_7, %add3A_68 : i32
    "tpu.region"() ({
      %run_scoped3A = tpu.sem_alloc : memref<!tpu.dma_semaphore, #tpu.memory_space<semaphore_mem>>
      %dma_start3A_187 = arith.constant 0 : i32
      %dma_start3A_188 = tpu.memref_slice %arg17[%add3A_69, %dma_start3A_187] : memref<10000x176xf32, #tpu.memory_space<vmem_shared>> -> memref<16x176xf32, #tpu.memory_space<vmem_shared>>
      %dma_start3A_189 = arith.constant 0 : i32
      %dma_start3A_190 = tpu.memref_slice %arg17[%add3A_69, %dma_start3A_189] : memref<10000x176xf32, #tpu.memory_space<vmem_shared>> -> memref<16x176xf32, #tpu.memory_space<vmem_shared>>
      tpu.enqueue_dma source(%arg15 : memref<16x176xf32, #tpu.memory_space<vmem>>) target(%dma_start3A_190 : memref<16x176xf32, #tpu.memory_space<vmem_shared>>) target_semaphore(%run_scoped3A : memref<!tpu.dma_semaphore, #tpu.memory_space<semaphore_mem>>)
      %dma_wait3A_191 = arith.constant 0 : i32
      %dma_wait3A_192 = tpu.memref_slice %arg17[%add3A_69, %dma_wait3A_191] : memref<10000x176xf32, #tpu.memory_space<vmem_shared>> -> memref<16x176xf32, #tpu.memory_space<vmem_shared>>
      %dma_wait3A_193 = arith.constant 0 : i32
      %dma_wait3A_194 = tpu.memref_slice %arg17[%add3A_69, %dma_wait3A_193] : memref<10000x176xf32, #tpu.memory_space<vmem_shared>> -> memref<16x176xf32, #tpu.memory_space<vmem_shared>>
      tpu.wait_dma2 semaphore(%run_scoped3A : memref<!tpu.dma_semaphore, #tpu.memory_space<semaphore_mem>>) src(%arg15 : memref<16x176xf32, #tpu.memory_space<vmem>>) dst(%dma_wait3A_194 : memref<16x176xf32, #tpu.memory_space<vmem_shared>>)
      tpu.yield
    }) : () -> ()
    %add3A_70 = arith.constant 496 : i32
    %add3A_71 = arith.addi %mul3A_7, %add3A_70 : i32
    "tpu.region"() ({
      %run_scoped3A = tpu.sem_alloc : memref<!tpu.dma_semaphore, #tpu.memory_space<semaphore_mem>>
      %dma_start3A_187 = arith.constant 0 : i32
      %dma_start3A_188 = tpu.memref_slice %arg17[%add3A_71, %dma_start3A_187] : memref<10000x176xf32, #tpu.memory_space<vmem_shared>> -> memref<16x176xf32, #tpu.memory_space<vmem_shared>>
      %dma_start3A_189 = arith.constant 0 : i32
      %dma_start3A_190 = tpu.memref_slice %arg17[%add3A_71, %dma_start3A_189] : memref<10000x176xf32, #tpu.memory_space<vmem_shared>> -> memref<16x176xf32, #tpu.memory_space<vmem_shared>>
      tpu.enqueue_dma source(%arg15 : memref<16x176xf32, #tpu.memory_space<vmem>>) target(%dma_start3A_190 : memref<16x176xf32, #tpu.memory_space<vmem_shared>>) target_semaphore(%run_scoped3A : memref<!tpu.dma_semaphore, #tpu.memory_space<semaphore_mem>>)
      %dma_wait3A_191 = arith.constant 0 : i32
      %dma_wait3A_192 = tpu.memref_slice %arg17[%add3A_71, %dma_wait3A_191] : memref<10000x176xf32, #tpu.memory_space<vmem_shared>> -> memref<16x176xf32, #tpu.memory_space<vmem_shared>>
      %dma_wait3A_193 = arith.constant 0 : i32
      %dma_wait3A_194 = tpu.memref_slice %arg17[%add3A_71, %dma_wait3A_193] : memref<10000x176xf32, #tpu.memory_space<vmem_shared>> -> memref<16x176xf32, #tpu.memory_space<vmem_shared>>
      tpu.wait_dma2 semaphore(%run_scoped3A : memref<!tpu.dma_semaphore, #tpu.memory_space<semaphore_mem>>) src(%arg15 : memref<16x176xf32, #tpu.memory_space<vmem>>) dst(%dma_wait3A_194 : memref<16x176xf32, #tpu.memory_space<vmem_shared>>)
      tpu.yield
    }) : () -> ()
    %add3A_72 = arith.constant 512 : i32
    %add3A_73 = arith.addi %mul3A_7, %add3A_72 : i32
    "tpu.region"() ({
      %run_scoped3A = tpu.sem_alloc : memref<!tpu.dma_semaphore, #tpu.memory_space<semaphore_mem>>
      %dma_start3A_187 = arith.constant 0 : i32
      %dma_start3A_188 = tpu.memref_slice %arg17[%add3A_73, %dma_start3A_187] : memref<10000x176xf32, #tpu.memory_space<vmem_shared>> -> memref<16x176xf32, #tpu.memory_space<vmem_shared>>
      %dma_start3A_189 = arith.constant 0 : i32
      %dma_start3A_190 = tpu.memref_slice %arg17[%add3A_73, %dma_start3A_189] : memref<10000x176xf32, #tpu.memory_space<vmem_shared>> -> memref<16x176xf32, #tpu.memory_space<vmem_shared>>
      tpu.enqueue_dma source(%arg15 : memref<16x176xf32, #tpu.memory_space<vmem>>) target(%dma_start3A_190 : memref<16x176xf32, #tpu.memory_space<vmem_shared>>) target_semaphore(%run_scoped3A : memref<!tpu.dma_semaphore, #tpu.memory_space<semaphore_mem>>)
      %dma_wait3A_191 = arith.constant 0 : i32
      %dma_wait3A_192 = tpu.memref_slice %arg17[%add3A_73, %dma_wait3A_191] : memref<10000x176xf32, #tpu.memory_space<vmem_shared>> -> memref<16x176xf32, #tpu.memory_space<vmem_shared>>
      %dma_wait3A_193 = arith.constant 0 : i32
      %dma_wait3A_194 = tpu.memref_slice %arg17[%add3A_73, %dma_wait3A_193] : memref<10000x176xf32, #tpu.memory_space<vmem_shared>> -> memref<16x176xf32, #tpu.memory_space<vmem_shared>>
      tpu.wait_dma2 semaphore(%run_scoped3A : memref<!tpu.dma_semaphore, #tpu.memory_space<semaphore_mem>>) src(%arg15 : memref<16x176xf32, #tpu.memory_space<vmem>>) dst(%dma_wait3A_194 : memref<16x176xf32, #tpu.memory_space<vmem_shared>>)
      tpu.yield
    }) : () -> ()
    %add3A_74 = arith.constant 528 : i32
    %add3A_75 = arith.addi %mul3A_7, %add3A_74 : i32
    "tpu.region"() ({
      %run_scoped3A = tpu.sem_alloc : memref<!tpu.dma_semaphore, #tpu.memory_space<semaphore_mem>>
      %dma_start3A_187 = arith.constant 0 : i32
      %dma_start3A_188 = tpu.memref_slice %arg17[%add3A_75, %dma_start3A_187] : memref<10000x176xf32, #tpu.memory_space<vmem_shared>> -> memref<16x176xf32, #tpu.memory_space<vmem_shared>>
      %dma_start3A_189 = arith.constant 0 : i32
      %dma_start3A_190 = tpu.memref_slice %arg17[%add3A_75, %dma_start3A_189] : memref<10000x176xf32, #tpu.memory_space<vmem_shared>> -> memref<16x176xf32, #tpu.memory_space<vmem_shared>>
      tpu.enqueue_dma source(%arg15 : memref<16x176xf32, #tpu.memory_space<vmem>>) target(%dma_start3A_190 : memref<16x176xf32, #tpu.memory_space<vmem_shared>>) target_semaphore(%run_scoped3A : memref<!tpu.dma_semaphore, #tpu.memory_space<semaphore_mem>>)
      %dma_wait3A_191 = arith.constant 0 : i32
      %dma_wait3A_192 = tpu.memref_slice %arg17[%add3A_75, %dma_wait3A_191] : memref<10000x176xf32, #tpu.memory_space<vmem_shared>> -> memref<16x176xf32, #tpu.memory_space<vmem_shared>>
      %dma_wait3A_193 = arith.constant 0 : i32
      %dma_wait3A_194 = tpu.memref_slice %arg17[%add3A_75, %dma_wait3A_193] : memref<10000x176xf32, #tpu.memory_space<vmem_shared>> -> memref<16x176xf32, #tpu.memory_space<vmem_shared>>
      tpu.wait_dma2 semaphore(%run_scoped3A : memref<!tpu.dma_semaphore, #tpu.memory_space<semaphore_mem>>) src(%arg15 : memref<16x176xf32, #tpu.memory_space<vmem>>) dst(%dma_wait3A_194 : memref<16x176xf32, #tpu.memory_space<vmem_shared>>)
      tpu.yield
    }) : () -> ()
    %add3A_76 = arith.constant 544 : i32
    %add3A_77 = arith.addi %mul3A_7, %add3A_76 : i32
    "tpu.region"() ({
      %run_scoped3A = tpu.sem_alloc : memref<!tpu.dma_semaphore, #tpu.memory_space<semaphore_mem>>
      %dma_start3A_187 = arith.constant 0 : i32
      %dma_start3A_188 = tpu.memref_slice %arg17[%add3A_77, %dma_start3A_187] : memref<10000x176xf32, #tpu.memory_space<vmem_shared>> -> memref<16x176xf32, #tpu.memory_space<vmem_shared>>
      %dma_start3A_189 = arith.constant 0 : i32
      %dma_start3A_190 = tpu.memref_slice %arg17[%add3A_77, %dma_start3A_189] : memref<10000x176xf32, #tpu.memory_space<vmem_shared>> -> memref<16x176xf32, #tpu.memory_space<vmem_shared>>
      tpu.enqueue_dma source(%arg15 : memref<16x176xf32, #tpu.memory_space<vmem>>) target(%dma_start3A_190 : memref<16x176xf32, #tpu.memory_space<vmem_shared>>) target_semaphore(%run_scoped3A : memref<!tpu.dma_semaphore, #tpu.memory_space<semaphore_mem>>)
      %dma_wait3A_191 = arith.constant 0 : i32
      %dma_wait3A_192 = tpu.memref_slice %arg17[%add3A_77, %dma_wait3A_191] : memref<10000x176xf32, #tpu.memory_space<vmem_shared>> -> memref<16x176xf32, #tpu.memory_space<vmem_shared>>
      %dma_wait3A_193 = arith.constant 0 : i32
      %dma_wait3A_194 = tpu.memref_slice %arg17[%add3A_77, %dma_wait3A_193] : memref<10000x176xf32, #tpu.memory_space<vmem_shared>> -> memref<16x176xf32, #tpu.memory_space<vmem_shared>>
      tpu.wait_dma2 semaphore(%run_scoped3A : memref<!tpu.dma_semaphore, #tpu.memory_space<semaphore_mem>>) src(%arg15 : memref<16x176xf32, #tpu.memory_space<vmem>>) dst(%dma_wait3A_194 : memref<16x176xf32, #tpu.memory_space<vmem_shared>>)
      tpu.yield
    }) : () -> ()
    %add3A_78 = arith.constant 560 : i32
    %add3A_79 = arith.addi %mul3A_7, %add3A_78 : i32
    "tpu.region"() ({
      %run_scoped3A = tpu.sem_alloc : memref<!tpu.dma_semaphore, #tpu.memory_space<semaphore_mem>>
      %dma_start3A_187 = arith.constant 0 : i32
      %dma_start3A_188 = tpu.memref_slice %arg17[%add3A_79, %dma_start3A_187] : memref<10000x176xf32, #tpu.memory_space<vmem_shared>> -> memref<16x176xf32, #tpu.memory_space<vmem_shared>>
      %dma_start3A_189 = arith.constant 0 : i32
      %dma_start3A_190 = tpu.memref_slice %arg17[%add3A_79, %dma_start3A_189] : memref<10000x176xf32, #tpu.memory_space<vmem_shared>> -> memref<16x176xf32, #tpu.memory_space<vmem_shared>>
      tpu.enqueue_dma source(%arg15 : memref<16x176xf32, #tpu.memory_space<vmem>>) target(%dma_start3A_190 : memref<16x176xf32, #tpu.memory_space<vmem_shared>>) target_semaphore(%run_scoped3A : memref<!tpu.dma_semaphore, #tpu.memory_space<semaphore_mem>>)
      %dma_wait3A_191 = arith.constant 0 : i32
      %dma_wait3A_192 = tpu.memref_slice %arg17[%add3A_79, %dma_wait3A_191] : memref<10000x176xf32, #tpu.memory_space<vmem_shared>> -> memref<16x176xf32, #tpu.memory_space<vmem_shared>>
      %dma_wait3A_193 = arith.constant 0 : i32
      %dma_wait3A_194 = tpu.memref_slice %arg17[%add3A_79, %dma_wait3A_193] : memref<10000x176xf32, #tpu.memory_space<vmem_shared>> -> memref<16x176xf32, #tpu.memory_space<vmem_shared>>
      tpu.wait_dma2 semaphore(%run_scoped3A : memref<!tpu.dma_semaphore, #tpu.memory_space<semaphore_mem>>) src(%arg15 : memref<16x176xf32, #tpu.memory_space<vmem>>) dst(%dma_wait3A_194 : memref<16x176xf32, #tpu.memory_space<vmem_shared>>)
      tpu.yield
    }) : () -> ()
    %add3A_80 = arith.constant 576 : i32
    %add3A_81 = arith.addi %mul3A_7, %add3A_80 : i32
    "tpu.region"() ({
      %run_scoped3A = tpu.sem_alloc : memref<!tpu.dma_semaphore, #tpu.memory_space<semaphore_mem>>
      %dma_start3A_187 = arith.constant 0 : i32
      %dma_start3A_188 = tpu.memref_slice %arg17[%add3A_81, %dma_start3A_187] : memref<10000x176xf32, #tpu.memory_space<vmem_shared>> -> memref<16x176xf32, #tpu.memory_space<vmem_shared>>
      %dma_start3A_189 = arith.constant 0 : i32
      %dma_start3A_190 = tpu.memref_slice %arg17[%add3A_81, %dma_start3A_189] : memref<10000x176xf32, #tpu.memory_space<vmem_shared>> -> memref<16x176xf32, #tpu.memory_space<vmem_shared>>
      tpu.enqueue_dma source(%arg15 : memref<16x176xf32, #tpu.memory_space<vmem>>) target(%dma_start3A_190 : memref<16x176xf32, #tpu.memory_space<vmem_shared>>) target_semaphore(%run_scoped3A : memref<!tpu.dma_semaphore, #tpu.memory_space<semaphore_mem>>)
      %dma_wait3A_191 = arith.constant 0 : i32
      %dma_wait3A_192 = tpu.memref_slice %arg17[%add3A_81, %dma_wait3A_191] : memref<10000x176xf32, #tpu.memory_space<vmem_shared>> -> memref<16x176xf32, #tpu.memory_space<vmem_shared>>
      %dma_wait3A_193 = arith.constant 0 : i32
      %dma_wait3A_194 = tpu.memref_slice %arg17[%add3A_81, %dma_wait3A_193] : memref<10000x176xf32, #tpu.memory_space<vmem_shared>> -> memref<16x176xf32, #tpu.memory_space<vmem_shared>>
      tpu.wait_dma2 semaphore(%run_scoped3A : memref<!tpu.dma_semaphore, #tpu.memory_space<semaphore_mem>>) src(%arg15 : memref<16x176xf32, #tpu.memory_space<vmem>>) dst(%dma_wait3A_194 : memref<16x176xf32, #tpu.memory_space<vmem_shared>>)
      tpu.yield
    }) : () -> ()
    %add3A_82 = arith.constant 592 : i32
    %add3A_83 = arith.addi %mul3A_7, %add3A_82 : i32
    "tpu.region"() ({
      %run_scoped3A = tpu.sem_alloc : memref<!tpu.dma_semaphore, #tpu.memory_space<semaphore_mem>>
      %dma_start3A_187 = arith.constant 0 : i32
      %dma_start3A_188 = tpu.memref_slice %arg17[%add3A_83, %dma_start3A_187] : memref<10000x176xf32, #tpu.memory_space<vmem_shared>> -> memref<16x176xf32, #tpu.memory_space<vmem_shared>>
      %dma_start3A_189 = arith.constant 0 : i32
      %dma_start3A_190 = tpu.memref_slice %arg17[%add3A_83, %dma_start3A_189] : memref<10000x176xf32, #tpu.memory_space<vmem_shared>> -> memref<16x176xf32, #tpu.memory_space<vmem_shared>>
      tpu.enqueue_dma source(%arg15 : memref<16x176xf32, #tpu.memory_space<vmem>>) target(%dma_start3A_190 : memref<16x176xf32, #tpu.memory_space<vmem_shared>>) target_semaphore(%run_scoped3A : memref<!tpu.dma_semaphore, #tpu.memory_space<semaphore_mem>>)
      %dma_wait3A_191 = arith.constant 0 : i32
      %dma_wait3A_192 = tpu.memref_slice %arg17[%add3A_83, %dma_wait3A_191] : memref<10000x176xf32, #tpu.memory_space<vmem_shared>> -> memref<16x176xf32, #tpu.memory_space<vmem_shared>>
      %dma_wait3A_193 = arith.constant 0 : i32
      %dma_wait3A_194 = tpu.memref_slice %arg17[%add3A_83, %dma_wait3A_193] : memref<10000x176xf32, #tpu.memory_space<vmem_shared>> -> memref<16x176xf32, #tpu.memory_space<vmem_shared>>
      tpu.wait_dma2 semaphore(%run_scoped3A : memref<!tpu.dma_semaphore, #tpu.memory_space<semaphore_mem>>) src(%arg15 : memref<16x176xf32, #tpu.memory_space<vmem>>) dst(%dma_wait3A_194 : memref<16x176xf32, #tpu.memory_space<vmem_shared>>)
      tpu.yield
    }) : () -> ()
    %add3A_84 = arith.constant 608 : i32
    %add3A_85 = arith.addi %mul3A_7, %add3A_84 : i32
    "tpu.region"() ({
      %run_scoped3A = tpu.sem_alloc : memref<!tpu.dma_semaphore, #tpu.memory_space<semaphore_mem>>
      %dma_start3A_187 = arith.constant 0 : i32
      %dma_start3A_188 = tpu.memref_slice %arg17[%add3A_85, %dma_start3A_187] : memref<10000x176xf32, #tpu.memory_space<vmem_shared>> -> memref<16x176xf32, #tpu.memory_space<vmem_shared>>
      %dma_start3A_189 = arith.constant 0 : i32
      %dma_start3A_190 = tpu.memref_slice %arg17[%add3A_85, %dma_start3A_189] : memref<10000x176xf32, #tpu.memory_space<vmem_shared>> -> memref<16x176xf32, #tpu.memory_space<vmem_shared>>
      tpu.enqueue_dma source(%arg15 : memref<16x176xf32, #tpu.memory_space<vmem>>) target(%dma_start3A_190 : memref<16x176xf32, #tpu.memory_space<vmem_shared>>) target_semaphore(%run_scoped3A : memref<!tpu.dma_semaphore, #tpu.memory_space<semaphore_mem>>)
      %dma_wait3A_191 = arith.constant 0 : i32
      %dma_wait3A_192 = tpu.memref_slice %arg17[%add3A_85, %dma_wait3A_191] : memref<10000x176xf32, #tpu.memory_space<vmem_shared>> -> memref<16x176xf32, #tpu.memory_space<vmem_shared>>
      %dma_wait3A_193 = arith.constant 0 : i32
      %dma_wait3A_194 = tpu.memref_slice %arg17[%add3A_85, %dma_wait3A_193] : memref<10000x176xf32, #tpu.memory_space<vmem_shared>> -> memref<16x176xf32, #tpu.memory_space<vmem_shared>>
      tpu.wait_dma2 semaphore(%run_scoped3A : memref<!tpu.dma_semaphore, #tpu.memory_space<semaphore_mem>>) src(%arg15 : memref<16x176xf32, #tpu.memory_space<vmem>>) dst(%dma_wait3A_194 : memref<16x176xf32, #tpu.memory_space<vmem_shared>>)
      tpu.yield
    }) : () -> ()
    %add3A_86 = arith.constant 624 : i32
    %add3A_87 = arith.addi %mul3A_7, %add3A_86 : i32
    "tpu.region"() ({
      %run_scoped3A = tpu.sem_alloc : memref<!tpu.dma_semaphore, #tpu.memory_space<semaphore_mem>>
      %dma_start3A_187 = arith.constant 0 : i32
      %dma_start3A_188 = arith.constant 0 : i32
      %dma_start3A_189 = tpu.memref_slice %arg15[%dma_start3A_187, %dma_start3A_188] : memref<16x176xf32, #tpu.memory_space<vmem>> -> memref<1x176xf32, #tpu.memory_space<vmem>>
      %dma_start3A_190 = arith.constant 0 : i32
      %dma_start3A_191 = tpu.memref_slice %arg17[%add3A_87, %dma_start3A_190] : memref<10000x176xf32, #tpu.memory_space<vmem_shared>> -> memref<1x176xf32, #tpu.memory_space<vmem_shared>>
      %dma_start3A_192 = arith.constant 0 : i32
      %dma_start3A_193 = tpu.memref_slice %arg17[%add3A_87, %dma_start3A_192] : memref<10000x176xf32, #tpu.memory_space<vmem_shared>> -> memref<1x176xf32, #tpu.memory_space<vmem_shared>>
      %dma_start3A_194 = arith.constant 0 : i32
      %dma_start3A_195 = arith.constant 0 : i32
      %dma_start3A_196 = tpu.memref_slice %arg15[%dma_start3A_194, %dma_start3A_195] : memref<16x176xf32, #tpu.memory_space<vmem>> -> memref<1x176xf32, #tpu.memory_space<vmem>>
      tpu.enqueue_dma source(%dma_start3A_196 : memref<1x176xf32, #tpu.memory_space<vmem>>) target(%dma_start3A_193 : memref<1x176xf32, #tpu.memory_space<vmem_shared>>) target_semaphore(%run_scoped3A : memref<!tpu.dma_semaphore, #tpu.memory_space<semaphore_mem>>)
      %dma_wait3A_197 = arith.constant 0 : i32
      %dma_wait3A_198 = arith.constant 0 : i32
      %dma_wait3A_199 = tpu.memref_slice %arg15[%dma_wait3A_197, %dma_wait3A_198] : memref<16x176xf32, #tpu.memory_space<vmem>> -> memref<1x176xf32, #tpu.memory_space<vmem>>
      %dma_wait3A_200 = arith.constant 0 : i32
      %dma_wait3A_201 = tpu.memref_slice %arg17[%add3A_87, %dma_wait3A_200] : memref<10000x176xf32, #tpu.memory_space<vmem_shared>> -> memref<1x176xf32, #tpu.memory_space<vmem_shared>>
      %dma_wait3A_202 = arith.constant 0 : i32
      %dma_wait3A_203 = tpu.memref_slice %arg17[%add3A_87, %dma_wait3A_202] : memref<10000x176xf32, #tpu.memory_space<vmem_shared>> -> memref<1x176xf32, #tpu.memory_space<vmem_shared>>
      %dma_wait3A_204 = arith.constant 0 : i32
      %dma_wait3A_205 = arith.constant 0 : i32
      %dma_wait3A_206 = tpu.memref_slice %arg15[%dma_wait3A_204, %dma_wait3A_205] : memref<16x176xf32, #tpu.memory_space<vmem>> -> memref<1x176xf32, #tpu.memory_space<vmem>>
      tpu.wait_dma2 semaphore(%run_scoped3A : memref<!tpu.dma_semaphore, #tpu.memory_space<semaphore_mem>>) src(%dma_wait3A_206 : memref<1x176xf32, #tpu.memory_space<vmem>>) dst(%dma_wait3A_203 : memref<1x176xf32, #tpu.memory_space<vmem_shared>>)
      tpu.yield
    }) : () -> ()
    %barrier3A = arith.constant 0 : index
    tpu.barrier barrier_id(%barrier3A)
    %mul3A_88 = arith.constant 10000 : i32
    %mul3A_89 = arith.muli %add3A, %mul3A_88 : i32
    %add3A_90 = arith.constant 0 : i32
    %add3A_91 = arith.addi %mul3A_89, %add3A_90 : i32
    %dma_start3A = arith.constant 0 : i32
    %dma_start3A_92 = tpu.memref_slice %arg5[%dma_start3A, %add3A_91] : memref<2x320000xi32, #tpu.memory_space<hbm>> -> memref<2x40xi32, #tpu.memory_space<hbm>>
    %dma_start3A_93 = arith.constant 0 : i32
    %dma_start3A_94 = tpu.memref_slice %arg5[%dma_start3A_93, %add3A_91] : memref<2x320000xi32, #tpu.memory_space<hbm>> -> memref<2x40xi32, #tpu.memory_space<hbm>>
    tpu.enqueue_dma source(%dma_start3A_94 : memref<2x40xi32, #tpu.memory_space<hbm>>) target(%arg7 : memref<2x40xi32, #tpu.memory_space<vmem>>) target_semaphore(%arg30 : memref<!tpu.dma_semaphore, #tpu.memory_space<semaphore_mem>>)
    %mul3A_95 = arith.constant 10000 : i32
    %mul3A_96 = arith.muli %add3A, %mul3A_95 : i32
    %add3A_97 = arith.constant 0 : i32
    %add3A_98 = arith.addi %mul3A_96, %add3A_97 : i32
    %dma_wait3A = arith.constant 0 : i32
    %dma_wait3A_99 = arith.constant 0 : i32
    %dma_wait3A_100 = tpu.memref_slice %arg5[%dma_wait3A, %dma_wait3A_99] : memref<2x320000xi32, #tpu.memory_space<hbm>> -> memref<2x40xi32, #tpu.memory_space<hbm>>
    %dma_wait3A_101 = arith.constant 0 : i32
    %dma_wait3A_102 = arith.constant 0 : i32
    %dma_wait3A_103 = tpu.memref_slice %arg5[%dma_wait3A_101, %dma_wait3A_102] : memref<2x320000xi32, #tpu.memory_space<hbm>> -> memref<2x40xi32, #tpu.memory_space<hbm>>
    tpu.wait_dma2 semaphore(%arg30 : memref<!tpu.dma_semaphore, #tpu.memory_space<semaphore_mem>>) src(%dma_wait3A_103 : memref<2x40xi32, #tpu.memory_space<hbm>>) dst(%arg7 : memref<2x40xi32, #tpu.memory_space<vmem>>)
    %dma_start3A_104 = arith.constant 0 : i32
    %dma_start3A_105 = arith.constant 0 : i32
    %dma_start3A_106 = arith.constant 0 : i32
    %dma_start3A_107 = tpu.memref_slice %arg9[%dma_start3A_105, %dma_start3A_106] : memref<40x128xbf16, #tpu.memory_space<vmem>> -> memref<16x128xbf16, #tpu.memory_space<vmem>>
    %dma_start3A_108 = arith.constant 0 : i32
    %dma_start3A_109 = tpu.memref_slice %arg7[%dma_start3A_104, %dma_start3A_108] : memref<2x40xi32, #tpu.memory_space<vmem>> -> memref<1x16xi32, #tpu.memory_space<vmem>>
    %dma_start3A_110 = tpu.memref_squeeze %dma_start3A_109 : memref<1x16xi32, #tpu.memory_space<vmem>> -> memref<16xi32, #tpu.memory_space<vmem>>
    %dma_start3A_111 = arith.constant 0 : i32
    %dma_start3A_112 = arith.constant 0 : i32
    %dma_start3A_113 = tpu.memref_slice %arg2[%dma_start3A_111, %dma_start3A_112] : memref<10000x128xbf16, #tpu.memory_space<hbm>> -> memref<10000x128xbf16, #tpu.memory_space<hbm>>
    tpu.enqueue_indirect_dma source(%dma_start3A_113 : memref<10000x128xbf16, #tpu.memory_space<hbm>>) target(%dma_start3A_107 : memref<16x128xbf16, #tpu.memory_space<vmem>>) offsets(%dma_start3A_110 : memref<16xi32, #tpu.memory_space<vmem>>) semaphore(%arg18 : memref<!tpu.dma_semaphore, #tpu.memory_space<semaphore_mem>>)
    %dma_start3A_114 = arith.constant 1 : i32
    %dma_start3A_115 = arith.constant 0 : i32
    %dma_start3A_116 = arith.constant 0 : i32
    %dma_start3A_117 = tpu.memref_slice %arg11[%dma_start3A_115, %dma_start3A_116] : memref<40x160xbf16, #tpu.memory_space<vmem>> -> memref<16x160xbf16, #tpu.memory_space<vmem>>
    %dma_start3A_118 = arith.constant 0 : i32
    %dma_start3A_119 = tpu.memref_slice %arg7[%dma_start3A_114, %dma_start3A_118] : memref<2x40xi32, #tpu.memory_space<vmem>> -> memref<1x16xi32, #tpu.memory_space<vmem>>
    %dma_start3A_120 = tpu.memref_squeeze %dma_start3A_119 : memref<1x16xi32, #tpu.memory_space<vmem>> -> memref<16xi32, #tpu.memory_space<vmem>>
    %dma_start3A_121 = arith.constant 0 : i32
    %dma_start3A_122 = arith.constant 0 : i32
    %dma_start3A_123 = tpu.memref_slice %arg3[%dma_start3A_121, %dma_start3A_122] : memref<10000x160xbf16, #tpu.memory_space<hbm>> -> memref<10000x160xbf16, #tpu.memory_space<hbm>>
    tpu.enqueue_indirect_dma source(%dma_start3A_123 : memref<10000x160xbf16, #tpu.memory_space<hbm>>) target(%dma_start3A_117 : memref<16x160xbf16, #tpu.memory_space<vmem>>) offsets(%dma_start3A_120 : memref<16xi32, #tpu.memory_space<vmem>>) semaphore(%arg19 : memref<!tpu.dma_semaphore, #tpu.memory_space<semaphore_mem>>)
    %dma_start3A_124 = arith.constant 0 : i32
    %dma_start3A_125 = arith.constant 16 : i32
    %dma_start3A_126 = arith.constant 0 : i32
    %dma_start3A_127 = tpu.memref_slice %arg9[%dma_start3A_125, %dma_start3A_126] : memref<40x128xbf16, #tpu.memory_space<vmem>> -> memref<24x128xbf16, #tpu.memory_space<vmem>>
    %dma_start3A_128 = arith.constant 16 : i32
    %dma_start3A_129 = tpu.memref_slice %arg7[%dma_start3A_124, %dma_start3A_128] : memref<2x40xi32, #tpu.memory_space<vmem>> -> memref<1x24xi32, #tpu.memory_space<vmem>>
    %dma_start3A_130 = tpu.memref_squeeze %dma_start3A_129 : memref<1x24xi32, #tpu.memory_space<vmem>> -> memref<24xi32, #tpu.memory_space<vmem>>
    %dma_start3A_131 = arith.constant 0 : i32
    %dma_start3A_132 = arith.constant 0 : i32
    %dma_start3A_133 = tpu.memref_slice %arg2[%dma_start3A_131, %dma_start3A_132] : memref<10000x128xbf16, #tpu.memory_space<hbm>> -> memref<10000x128xbf16, #tpu.memory_space<hbm>>
    tpu.enqueue_indirect_dma source(%dma_start3A_133 : memref<10000x128xbf16, #tpu.memory_space<hbm>>) target(%dma_start3A_127 : memref<24x128xbf16, #tpu.memory_space<vmem>>) offsets(%dma_start3A_130 : memref<24xi32, #tpu.memory_space<vmem>>) semaphore(%arg20 : memref<!tpu.dma_semaphore, #tpu.memory_space<semaphore_mem>>)
    %dma_start3A_134 = arith.constant 1 : i32
    %dma_start3A_135 = arith.constant 16 : i32
    %dma_start3A_136 = arith.constant 0 : i32
    %dma_start3A_137 = tpu.memref_slice %arg11[%dma_start3A_135, %dma_start3A_136] : memref<40x160xbf16, #tpu.memory_space<vmem>> -> memref<24x160xbf16, #tpu.memory_space<vmem>>
    %dma_start3A_138 = arith.constant 16 : i32
    %dma_start3A_139 = tpu.memref_slice %arg7[%dma_start3A_134, %dma_start3A_138] : memref<2x40xi32, #tpu.memory_space<vmem>> -> memref<1x24xi32, #tpu.memory_space<vmem>>
    %dma_start3A_140 = tpu.memref_squeeze %dma_start3A_139 : memref<1x24xi32, #tpu.memory_space<vmem>> -> memref<24xi32, #tpu.memory_space<vmem>>
    %dma_start3A_141 = arith.constant 0 : i32
    %dma_start3A_142 = arith.constant 0 : i32
    %dma_start3A_143 = tpu.memref_slice %arg3[%dma_start3A_141, %dma_start3A_142] : memref<10000x160xbf16, #tpu.memory_space<hbm>> -> memref<10000x160xbf16, #tpu.memory_space<hbm>>
    tpu.enqueue_indirect_dma source(%dma_start3A_143 : memref<10000x160xbf16, #tpu.memory_space<hbm>>) target(%dma_start3A_137 : memref<24x160xbf16, #tpu.memory_space<vmem>>) offsets(%dma_start3A_140 : memref<24xi32, #tpu.memory_space<vmem>>) semaphore(%arg21 : memref<!tpu.dma_semaphore, #tpu.memory_space<semaphore_mem>>)
    %dma_start3A_144 = arith.constant 0 : i32
    %dma_start3A_145 = tpu.memref_slice %arg4[%add3A_98, %dma_start3A_144] : memref<320000x32xbf16, #tpu.memory_space<hbm>> -> memref<40x32xbf16, #tpu.memory_space<hbm>>
    %dma_start3A_146 = arith.constant 0 : i32
    %dma_start3A_147 = tpu.memref_slice %arg4[%add3A_98, %dma_start3A_146] : memref<320000x32xbf16, #tpu.memory_space<hbm>> -> memref<40x32xbf16, #tpu.memory_space<hbm>>
    tpu.enqueue_dma source(%dma_start3A_147 : memref<40x32xbf16, #tpu.memory_space<hbm>>) target(%arg13 : memref<40x32xbf16, #tpu.memory_space<vmem>>) target_semaphore(%arg22 : memref<!tpu.dma_semaphore, #tpu.memory_space<semaphore_mem>>)
    %mul3A_148 = arith.constant 10000 : i32
    %mul3A_149 = arith.muli %add3A, %mul3A_148 : i32
    %add3A_150 = arith.constant 40 : i32
    %add3A_151 = arith.addi %mul3A_149, %add3A_150 : i32
    %dma_start3A_152 = arith.constant 0 : i32
    %dma_start3A_153 = tpu.memref_slice %arg5[%dma_start3A_152, %add3A_151] : memref<2x320000xi32, #tpu.memory_space<hbm>> -> memref<2x40xi32, #tpu.memory_space<hbm>>
    %dma_start3A_154 = arith.constant 0 : i32
    %dma_start3A_155 = tpu.memref_slice %arg5[%dma_start3A_154, %add3A_151] : memref<2x320000xi32, #tpu.memory_space<hbm>> -> memref<2x40xi32, #tpu.memory_space<hbm>>
    tpu.enqueue_dma source(%dma_start3A_155 : memref<2x40xi32, #tpu.memory_space<hbm>>) target(%arg8 : memref<2x40xi32, #tpu.memory_space<vmem>>) target_semaphore(%arg31 : memref<!tpu.dma_semaphore, #tpu.memory_space<semaphore_mem>>)
    %scan3A_156 = arith.constant 0 : i32
    %scan3A_157 = arith.constant 0 : i32
    %scan3A_158 = arith.constant 125 : i32
    %scan3A_159 = arith.addi %scan3A_157, %scan3A_158 : i32
    %scan3A_160 = arith.constant 1 : i32
    scf.for %scan3A_187 = %scan3A_157 to %scan3A_159 step %scan3A_160  : i32 {
      %mul3A_188 = arith.constant 2 : i32
      %mul3A_189 = arith.muli %scan3A_187, %mul3A_188 : i32
      %add3A_190 = arith.constant 0 : i32
      %add3A_191 = arith.addi %mul3A_189, %add3A_190 : i32
      %dma_wait3A_192 = arith.constant 0 : i32
      %dma_wait3A_193 = arith.constant 0 : i32
      %dma_wait3A_194 = arith.constant 0 : i32
      %dma_wait3A_195 = tpu.memref_slice %arg9[%dma_wait3A_193, %dma_wait3A_194] : memref<40x128xbf16, #tpu.memory_space<vmem>> -> memref<16x128xbf16, #tpu.memory_space<vmem>>
      %dma_wait3A_196 = arith.constant 0 : i32
      %dma_wait3A_197 = tpu.memref_slice %arg7[%dma_wait3A_192, %dma_wait3A_196] : memref<2x40xi32, #tpu.memory_space<vmem>> -> memref<1x16xi32, #tpu.memory_space<vmem>>
      %dma_wait3A_198 = tpu.memref_squeeze %dma_wait3A_197 : memref<1x16xi32, #tpu.memory_space<vmem>> -> memref<16xi32, #tpu.memory_space<vmem>>
      %dma_wait3A_199 = arith.constant 0 : i32
      %dma_wait3A_200 = arith.constant 0 : i32
      %dma_wait3A_201 = tpu.memref_slice %arg2[%dma_wait3A_199, %dma_wait3A_200] : memref<10000x128xbf16, #tpu.memory_space<hbm>> -> memref<10000x128xbf16, #tpu.memory_space<hbm>>
      tpu.wait_indirect_dma semaphore(%arg18 : memref<!tpu.dma_semaphore, #tpu.memory_space<semaphore_mem>>) src(%dma_wait3A_201 : memref<10000x128xbf16, #tpu.memory_space<hbm>>) dst(%dma_wait3A_195 : memref<16x128xbf16, #tpu.memory_space<vmem>>)
      %dma_wait3A_202 = arith.constant 1 : i32
      %dma_wait3A_203 = arith.constant 0 : i32
      %dma_wait3A_204 = arith.constant 0 : i32
      %dma_wait3A_205 = tpu.memref_slice %arg11[%dma_wait3A_203, %dma_wait3A_204] : memref<40x160xbf16, #tpu.memory_space<vmem>> -> memref<16x160xbf16, #tpu.memory_space<vmem>>
      %dma_wait3A_206 = arith.constant 0 : i32
      %dma_wait3A_207 = tpu.memref_slice %arg7[%dma_wait3A_202, %dma_wait3A_206] : memref<2x40xi32, #tpu.memory_space<vmem>> -> memref<1x16xi32, #tpu.memory_space<vmem>>
      %dma_wait3A_208 = tpu.memref_squeeze %dma_wait3A_207 : memref<1x16xi32, #tpu.memory_space<vmem>> -> memref<16xi32, #tpu.memory_space<vmem>>
      %dma_wait3A_209 = arith.constant 0 : i32
      %dma_wait3A_210 = arith.constant 0 : i32
      %dma_wait3A_211 = tpu.memref_slice %arg3[%dma_wait3A_209, %dma_wait3A_210] : memref<10000x160xbf16, #tpu.memory_space<hbm>> -> memref<10000x160xbf16, #tpu.memory_space<hbm>>
      tpu.wait_indirect_dma semaphore(%arg19 : memref<!tpu.dma_semaphore, #tpu.memory_space<semaphore_mem>>) src(%dma_wait3A_211 : memref<10000x160xbf16, #tpu.memory_space<hbm>>) dst(%dma_wait3A_205 : memref<16x160xbf16, #tpu.memory_space<vmem>>)
      %dma_wait3A_212 = arith.constant 0 : i32
      %dma_wait3A_213 = arith.constant 16 : i32
      %dma_wait3A_214 = arith.constant 0 : i32
      %dma_wait3A_215 = tpu.memref_slice %arg9[%dma_wait3A_213, %dma_wait3A_214] : memref<40x128xbf16, #tpu.memory_space<vmem>> -> memref<24x128xbf16, #tpu.memory_space<vmem>>
      %dma_wait3A_216 = arith.constant 16 : i32
      %dma_wait3A_217 = tpu.memref_slice %arg7[%dma_wait3A_212, %dma_wait3A_216] : memref<2x40xi32, #tpu.memory_space<vmem>> -> memref<1x24xi32, #tpu.memory_space<vmem>>
      %dma_wait3A_218 = tpu.memref_squeeze %dma_wait3A_217 : memref<1x24xi32, #tpu.memory_space<vmem>> -> memref<24xi32, #tpu.memory_space<vmem>>
      %dma_wait3A_219 = arith.constant 0 : i32
      %dma_wait3A_220 = arith.constant 0 : i32
      %dma_wait3A_221 = tpu.memref_slice %arg2[%dma_wait3A_219, %dma_wait3A_220] : memref<10000x128xbf16, #tpu.memory_space<hbm>> -> memref<10000x128xbf16, #tpu.memory_space<hbm>>
      tpu.wait_indirect_dma semaphore(%arg20 : memref<!tpu.dma_semaphore, #tpu.memory_space<semaphore_mem>>) src(%dma_wait3A_221 : memref<10000x128xbf16, #tpu.memory_space<hbm>>) dst(%dma_wait3A_215 : memref<24x128xbf16, #tpu.memory_space<vmem>>)
      %dma_wait3A_222 = arith.constant 1 : i32
      %dma_wait3A_223 = arith.constant 16 : i32
      %dma_wait3A_224 = arith.constant 0 : i32
      %dma_wait3A_225 = tpu.memref_slice %arg11[%dma_wait3A_223, %dma_wait3A_224] : memref<40x160xbf16, #tpu.memory_space<vmem>> -> memref<24x160xbf16, #tpu.memory_space<vmem>>
      %dma_wait3A_226 = arith.constant 16 : i32
      %dma_wait3A_227 = tpu.memref_slice %arg7[%dma_wait3A_222, %dma_wait3A_226] : memref<2x40xi32, #tpu.memory_space<vmem>> -> memref<1x24xi32, #tpu.memory_space<vmem>>
      %dma_wait3A_228 = tpu.memref_squeeze %dma_wait3A_227 : memref<1x24xi32, #tpu.memory_space<vmem>> -> memref<24xi32, #tpu.memory_space<vmem>>
      %dma_wait3A_229 = arith.constant 0 : i32
      %dma_wait3A_230 = arith.constant 0 : i32
      %dma_wait3A_231 = tpu.memref_slice %arg3[%dma_wait3A_229, %dma_wait3A_230] : memref<10000x160xbf16, #tpu.memory_space<hbm>> -> memref<10000x160xbf16, #tpu.memory_space<hbm>>
      tpu.wait_indirect_dma semaphore(%arg21 : memref<!tpu.dma_semaphore, #tpu.memory_space<semaphore_mem>>) src(%dma_wait3A_231 : memref<10000x160xbf16, #tpu.memory_space<hbm>>) dst(%dma_wait3A_225 : memref<24x160xbf16, #tpu.memory_space<vmem>>)
      %dma_wait3A_232 = arith.constant 0 : i32
      %dma_wait3A_233 = arith.constant 0 : i32
      %dma_wait3A_234 = tpu.memref_slice %arg4[%dma_wait3A_232, %dma_wait3A_233] : memref<320000x32xbf16, #tpu.memory_space<hbm>> -> memref<40x32xbf16, #tpu.memory_space<hbm>>
      %dma_wait3A_235 = arith.constant 0 : i32
      %dma_wait3A_236 = arith.constant 0 : i32
      %dma_wait3A_237 = tpu.memref_slice %arg4[%dma_wait3A_235, %dma_wait3A_236] : memref<320000x32xbf16, #tpu.memory_space<hbm>> -> memref<40x32xbf16, #tpu.memory_space<hbm>>
      tpu.wait_dma2 semaphore(%arg22 : memref<!tpu.dma_semaphore, #tpu.memory_space<semaphore_mem>>) src(%dma_wait3A_237 : memref<40x32xbf16, #tpu.memory_space<hbm>>) dst(%arg13 : memref<40x32xbf16, #tpu.memory_space<vmem>>)
      %add3A_238 = arith.constant 1 : i32
      %add3A_239 = arith.addi %add3A_191, %add3A_238 : i32
      %mul3A_240 = arith.constant 10000 : i32
      %mul3A_241 = arith.muli %add3A, %mul3A_240 : i32
      %mul3A_242 = arith.constant 40 : i32
      %mul3A_243 = arith.muli %add3A_239, %mul3A_242 : i32
      %add3A_244 = arith.addi %mul3A_241, %mul3A_243 : i32
      %dma_wait3A_245 = arith.constant 0 : i32
      %dma_wait3A_246 = arith.constant 0 : i32
      %dma_wait3A_247 = tpu.memref_slice %arg5[%dma_wait3A_245, %dma_wait3A_246] : memref<2x320000xi32, #tpu.memory_space<hbm>> -> memref<2x40xi32, #tpu.memory_space<hbm>>
      %dma_wait3A_248 = arith.constant 0 : i32
      %dma_wait3A_249 = arith.constant 0 : i32
      %dma_wait3A_250 = tpu.memref_slice %arg5[%dma_wait3A_248, %dma_wait3A_249] : memref<2x320000xi32, #tpu.memory_space<hbm>> -> memref<2x40xi32, #tpu.memory_space<hbm>>
      tpu.wait_dma2 semaphore(%arg31 : memref<!tpu.dma_semaphore, #tpu.memory_space<semaphore_mem>>) src(%dma_wait3A_250 : memref<2x40xi32, #tpu.memory_space<hbm>>) dst(%arg8 : memref<2x40xi32, #tpu.memory_space<vmem>>)
      %dma_start3A_251 = arith.constant 0 : i32
      %dma_start3A_252 = arith.constant 0 : i32
      %dma_start3A_253 = arith.constant 0 : i32
      %dma_start3A_254 = tpu.memref_slice %arg10[%dma_start3A_252, %dma_start3A_253] : memref<40x128xbf16, #tpu.memory_space<vmem>> -> memref<16x128xbf16, #tpu.memory_space<vmem>>
      %dma_start3A_255 = arith.constant 0 : i32
      %dma_start3A_256 = tpu.memref_slice %arg8[%dma_start3A_251, %dma_start3A_255] : memref<2x40xi32, #tpu.memory_space<vmem>> -> memref<1x16xi32, #tpu.memory_space<vmem>>
      %dma_start3A_257 = tpu.memref_squeeze %dma_start3A_256 : memref<1x16xi32, #tpu.memory_space<vmem>> -> memref<16xi32, #tpu.memory_space<vmem>>
      %dma_start3A_258 = arith.constant 0 : i32
      %dma_start3A_259 = arith.constant 0 : i32
      %dma_start3A_260 = tpu.memref_slice %arg2[%dma_start3A_258, %dma_start3A_259] : memref<10000x128xbf16, #tpu.memory_space<hbm>> -> memref<10000x128xbf16, #tpu.memory_space<hbm>>
      tpu.enqueue_indirect_dma source(%dma_start3A_260 : memref<10000x128xbf16, #tpu.memory_space<hbm>>) target(%dma_start3A_254 : memref<16x128xbf16, #tpu.memory_space<vmem>>) offsets(%dma_start3A_257 : memref<16xi32, #tpu.memory_space<vmem>>) semaphore(%arg23 : memref<!tpu.dma_semaphore, #tpu.memory_space<semaphore_mem>>)
      %dma_start3A_261 = arith.constant 1 : i32
      %dma_start3A_262 = arith.constant 0 : i32
      %dma_start3A_263 = arith.constant 0 : i32
      %dma_start3A_264 = tpu.memref_slice %arg12[%dma_start3A_262, %dma_start3A_263] : memref<40x160xbf16, #tpu.memory_space<vmem>> -> memref<16x160xbf16, #tpu.memory_space<vmem>>
      %dma_start3A_265 = arith.constant 0 : i32
      %dma_start3A_266 = tpu.memref_slice %arg8[%dma_start3A_261, %dma_start3A_265] : memref<2x40xi32, #tpu.memory_space<vmem>> -> memref<1x16xi32, #tpu.memory_space<vmem>>
      %dma_start3A_267 = tpu.memref_squeeze %dma_start3A_266 : memref<1x16xi32, #tpu.memory_space<vmem>> -> memref<16xi32, #tpu.memory_space<vmem>>
      %dma_start3A_268 = arith.constant 0 : i32
      %dma_start3A_269 = arith.constant 0 : i32
      %dma_start3A_270 = tpu.memref_slice %arg3[%dma_start3A_268, %dma_start3A_269] : memref<10000x160xbf16, #tpu.memory_space<hbm>> -> memref<10000x160xbf16, #tpu.memory_space<hbm>>
      tpu.enqueue_indirect_dma source(%dma_start3A_270 : memref<10000x160xbf16, #tpu.memory_space<hbm>>) target(%dma_start3A_264 : memref<16x160xbf16, #tpu.memory_space<vmem>>) offsets(%dma_start3A_267 : memref<16xi32, #tpu.memory_space<vmem>>) semaphore(%arg24 : memref<!tpu.dma_semaphore, #tpu.memory_space<semaphore_mem>>)
      %dma_start3A_271 = arith.constant 0 : i32
      %dma_start3A_272 = arith.constant 16 : i32
      %dma_start3A_273 = arith.constant 0 : i32
      %dma_start3A_274 = tpu.memref_slice %arg10[%dma_start3A_272, %dma_start3A_273] : memref<40x128xbf16, #tpu.memory_space<vmem>> -> memref<24x128xbf16, #tpu.memory_space<vmem>>
      %dma_start3A_275 = arith.constant 16 : i32
      %dma_start3A_276 = tpu.memref_slice %arg8[%dma_start3A_271, %dma_start3A_275] : memref<2x40xi32, #tpu.memory_space<vmem>> -> memref<1x24xi32, #tpu.memory_space<vmem>>
      %dma_start3A_277 = tpu.memref_squeeze %dma_start3A_276 : memref<1x24xi32, #tpu.memory_space<vmem>> -> memref<24xi32, #tpu.memory_space<vmem>>
      %dma_start3A_278 = arith.constant 0 : i32
      %dma_start3A_279 = arith.constant 0 : i32
      %dma_start3A_280 = tpu.memref_slice %arg2[%dma_start3A_278, %dma_start3A_279] : memref<10000x128xbf16, #tpu.memory_space<hbm>> -> memref<10000x128xbf16, #tpu.memory_space<hbm>>
      tpu.enqueue_indirect_dma source(%dma_start3A_280 : memref<10000x128xbf16, #tpu.memory_space<hbm>>) target(%dma_start3A_274 : memref<24x128xbf16, #tpu.memory_space<vmem>>) offsets(%dma_start3A_277 : memref<24xi32, #tpu.memory_space<vmem>>) semaphore(%arg25 : memref<!tpu.dma_semaphore, #tpu.memory_space<semaphore_mem>>)
      %dma_start3A_281 = arith.constant 1 : i32
      %dma_start3A_282 = arith.constant 16 : i32
      %dma_start3A_283 = arith.constant 0 : i32
      %dma_start3A_284 = tpu.memref_slice %arg12[%dma_start3A_282, %dma_start3A_283] : memref<40x160xbf16, #tpu.memory_space<vmem>> -> memref<24x160xbf16, #tpu.memory_space<vmem>>
      %dma_start3A_285 = arith.constant 16 : i32
      %dma_start3A_286 = tpu.memref_slice %arg8[%dma_start3A_281, %dma_start3A_285] : memref<2x40xi32, #tpu.memory_space<vmem>> -> memref<1x24xi32, #tpu.memory_space<vmem>>
      %dma_start3A_287 = tpu.memref_squeeze %dma_start3A_286 : memref<1x24xi32, #tpu.memory_space<vmem>> -> memref<24xi32, #tpu.memory_space<vmem>>
      %dma_start3A_288 = arith.constant 0 : i32
      %dma_start3A_289 = arith.constant 0 : i32
      %dma_start3A_290 = tpu.memref_slice %arg3[%dma_start3A_288, %dma_start3A_289] : memref<10000x160xbf16, #tpu.memory_space<hbm>> -> memref<10000x160xbf16, #tpu.memory_space<hbm>>
      tpu.enqueue_indirect_dma source(%dma_start3A_290 : memref<10000x160xbf16, #tpu.memory_space<hbm>>) target(%dma_start3A_284 : memref<24x160xbf16, #tpu.memory_space<vmem>>) offsets(%dma_start3A_287 : memref<24xi32, #tpu.memory_space<vmem>>) semaphore(%arg26 : memref<!tpu.dma_semaphore, #tpu.memory_space<semaphore_mem>>)
      %dma_start3A_291 = arith.constant 0 : i32
      %dma_start3A_292 = tpu.memref_slice %arg4[%add3A_244, %dma_start3A_291] : memref<320000x32xbf16, #tpu.memory_space<hbm>> -> memref<40x32xbf16, #tpu.memory_space<hbm>>
      %dma_start3A_293 = arith.constant 0 : i32
      %dma_start3A_294 = tpu.memref_slice %arg4[%add3A_244, %dma_start3A_293] : memref<320000x32xbf16, #tpu.memory_space<hbm>> -> memref<40x32xbf16, #tpu.memory_space<hbm>>
      tpu.enqueue_dma source(%dma_start3A_294 : memref<40x32xbf16, #tpu.memory_space<hbm>>) target(%arg14 : memref<40x32xbf16, #tpu.memory_space<vmem>>) target_semaphore(%arg27 : memref<!tpu.dma_semaphore, #tpu.memory_space<semaphore_mem>>)
      %gt3A = arith.constant 0 : i32
      %gt3A_295 = arith.cmpi sgt, %scan3A_187, %gt3A : i32
      %convert_element_type3A = arith.extui %gt3A_295 : i1 to i32
      %cond3A = arith.constant 0 : i32
      %cond3A_296 = arith.cmpi ne, %convert_element_type3A, %cond3A : i32
      scf.if %cond3A_296 {
        %dma_wait3A_432 = arith.constant 1 : i32
        %dma_wait3A_433 = arith.constant 0 : i32
        %dma_wait3A_434 = tpu.memref_slice %arg8[%dma_wait3A_432, %dma_wait3A_433] : memref<2x40xi32, #tpu.memory_space<vmem>> -> memref<1x16xi32, #tpu.memory_space<vmem>>
        %dma_wait3A_435 = tpu.memref_squeeze %dma_wait3A_434 : memref<1x16xi32, #tpu.memory_space<vmem>> -> memref<16xi32, #tpu.memory_space<vmem>>
        %dma_wait3A_436 = arith.constant 0 : i32
        %dma_wait3A_437 = arith.constant 0 : i32
        %dma_wait3A_438 = tpu.memref_slice %arg17[%dma_wait3A_436, %dma_wait3A_437] : memref<10000x176xf32, #tpu.memory_space<vmem_shared>> -> memref<10000x176xf32, #tpu.memory_space<vmem_shared>>
        tpu.wait_indirect_dma semaphore(%arg28 : memref<!tpu.dma_semaphore, #tpu.memory_space<semaphore_mem>>) src(%arg15 : memref<16x176xf32, #tpu.memory_space<vmem>>) dst(%dma_wait3A_438 : memref<10000x176xf32, #tpu.memory_space<vmem_shared>>)
      } else {
      }
      %scan3A_297 = arith.constant 0 : i32
      %scan3A_298 = arith.constant 0 : i32
      %scan3A_299 = arith.constant 4 : i32
      %scan3A_300 = arith.addi %scan3A_298, %scan3A_299 : i32
      %scan3A_301 = arith.constant 1 : i32
      scf.for %scan3A_432 = %scan3A_298 to %scan3A_300 step %scan3A_301  : i32 {
        %mul3A_433 = arith.constant 4 : i32
        %mul3A_434 = arith.muli %scan3A_432, %mul3A_433 : i32
        %add3A_435 = arith.constant 0 : i32
        %add3A_436 = arith.addi %mul3A_434, %add3A_435 : i32
        %add3A_437 = arith.constant 0 : i32
        %add3A_438 = arith.addi %add3A_437, %add3A_436 : i32
        %get3A = arith.index_cast %add3A_438 : i32 to index
        %get3A_439 = arith.constant 0 : index
        %get3A_440 = tpu.vector_load %arg9[%get3A, %get3A_439] {strides = array<i32>} : memref<40x128xbf16, #tpu.memory_space<vmem>>, vector<32xbf16>,
        %unpack3A = tpu.unpack_subelements %get3A_440, 0 {pack_format = #tpu.pack_format<interleaved>} : vector<32xbf16> -> vector<16xf32>
        %unpack3A_441 = tpu.unpack_subelements %get3A_440, 1 {pack_format = #tpu.pack_format<interleaved>} : vector<32xbf16> -> vector<16xf32>
        %get3A_442 = arith.index_cast %add3A_438 : i32 to index
        %get3A_443 = arith.constant 32 : index
        %get3A_444 = tpu.vector_load %arg9[%get3A_442, %get3A_443] {strides = array<i32>} : memref<40x128xbf16, #tpu.memory_space<vmem>>, vector<32xbf16>,
        %unpack3A_445 = tpu.unpack_subelements %get3A_444, 0 {pack_format = #tpu.pack_format<interleaved>} : vector<32xbf16> -> vector<16xf32>
        %unpack3A_446 = tpu.unpack_subelements %get3A_444, 1 {pack_format = #tpu.pack_format<interleaved>} : vector<32xbf16> -> vector<16xf32>
        %get3A_447 = arith.index_cast %add3A_438 : i32 to index
        %get3A_448 = arith.constant 64 : index
        %get3A_449 = tpu.vector_load %arg9[%get3A_447, %get3A_448] {strides = array<i32>} : memref<40x128xbf16, #tpu.memory_space<vmem>>, vector<32xbf16>,
        %unpack3A_450 = tpu.unpack_subelements %get3A_449, 0 {pack_format = #tpu.pack_format<interleaved>} : vector<32xbf16> -> vector<16xf32>
        %unpack3A_451 = tpu.unpack_subelements %get3A_449, 1 {pack_format = #tpu.pack_format<interleaved>} : vector<32xbf16> -> vector<16xf32>
        %get3A_452 = arith.index_cast %add3A_438 : i32 to index
        %get3A_453 = arith.constant 96 : index
        %get3A_454 = tpu.vector_load %arg9[%get3A_452, %get3A_453] {strides = array<i32>} : memref<40x128xbf16, #tpu.memory_space<vmem>>, vector<32xbf16>,
        %unpack3A_455 = tpu.unpack_subelements %get3A_454, 0 {pack_format = #tpu.pack_format<interleaved>} : vector<32xbf16> -> vector<16xf32>
        %unpack3A_456 = tpu.unpack_subelements %get3A_454, 1 {pack_format = #tpu.pack_format<interleaved>} : vector<32xbf16> -> vector<16xf32>
        %get3A_457 = arith.index_cast %add3A_438 : i32 to index
        %get3A_458 = arith.constant 0 : index
        %get3A_459 = tpu.vector_load %arg11[%get3A_457, %get3A_458] {strides = array<i32>} : memref<40x160xbf16, #tpu.memory_space<vmem>>, vector<32xbf16>,
        %unpack3A_460 = tpu.unpack_subelements %get3A_459, 0 {pack_format = #tpu.pack_format<interleaved>} : vector<32xbf16> -> vector<16xf32>
        %unpack3A_461 = tpu.unpack_subelements %get3A_459, 1 {pack_format = #tpu.pack_format<interleaved>} : vector<32xbf16> -> vector<16xf32>
        %mul3A_462 = arith.mulf %unpack3A, %unpack3A_460 : vector<16xf32>
        %mul3A_463 = arith.mulf %unpack3A_441, %unpack3A_461 : vector<16xf32>
        %add3A_464 = arith.addf %mul3A_462, %mul3A_463 : vector<16xf32>
        %get3A_465 = arith.index_cast %add3A_438 : i32 to index
        %get3A_466 = arith.constant 32 : index
        %get3A_467 = tpu.vector_load %arg11[%get3A_465, %get3A_466] {strides = array<i32>} : memref<40x160xbf16, #tpu.memory_space<vmem>>, vector<32xbf16>,
        %unpack3A_468 = tpu.unpack_subelements %get3A_467, 0 {pack_format = #tpu.pack_format<interleaved>} : vector<32xbf16> -> vector<16xf32>
        %unpack3A_469 = tpu.unpack_subelements %get3A_467, 1 {pack_format = #tpu.pack_format<interleaved>} : vector<32xbf16> -> vector<16xf32>
        %mul3A_470 = arith.mulf %unpack3A_445, %unpack3A_468 : vector<16xf32>
        %mul3A_471 = arith.mulf %unpack3A_446, %unpack3A_469 : vector<16xf32>
        %add3A_472 = arith.addf %mul3A_470, %mul3A_471 : vector<16xf32>
        %add3A_473 = arith.addf %add3A_464, %add3A_472 : vector<16xf32>
        %get3A_474 = arith.index_cast %add3A_438 : i32 to index
        %get3A_475 = arith.constant 64 : index
        %get3A_476 = tpu.vector_load %arg11[%get3A_474, %get3A_475] {strides = array<i32>} : memref<40x160xbf16, #tpu.memory_space<vmem>>, vector<32xbf16>,
        %unpack3A_477 = tpu.unpack_subelements %get3A_476, 0 {pack_format = #tpu.pack_format<interleaved>} : vector<32xbf16> -> vector<16xf32>
        %unpack3A_478 = tpu.unpack_subelements %get3A_476, 1 {pack_format = #tpu.pack_format<interleaved>} : vector<32xbf16> -> vector<16xf32>
        %mul3A_479 = arith.mulf %unpack3A_450, %unpack3A_477 : vector<16xf32>
        %mul3A_480 = arith.mulf %unpack3A_451, %unpack3A_478 : vector<16xf32>
        %add3A_481 = arith.addf %mul3A_479, %mul3A_480 : vector<16xf32>
        %add3A_482 = arith.addf %add3A_473, %add3A_481 : vector<16xf32>
        %get3A_483 = arith.index_cast %add3A_438 : i32 to index
        %get3A_484 = arith.constant 96 : index
        %get3A_485 = tpu.vector_load %arg11[%get3A_483, %get3A_484] {strides = array<i32>} : memref<40x160xbf16, #tpu.memory_space<vmem>>, vector<32xbf16>,
        %unpack3A_486 = tpu.unpack_subelements %get3A_485, 0 {pack_format = #tpu.pack_format<interleaved>} : vector<32xbf16> -> vector<16xf32>
        %unpack3A_487 = tpu.unpack_subelements %get3A_485, 1 {pack_format = #tpu.pack_format<interleaved>} : vector<32xbf16> -> vector<16xf32>
        %mul3A_488 = arith.mulf %unpack3A_455, %unpack3A_486 : vector<16xf32>
        %mul3A_489 = arith.mulf %unpack3A_456, %unpack3A_487 : vector<16xf32>
        %add3A_490 = arith.addf %mul3A_488, %mul3A_489 : vector<16xf32>
        %add3A_491 = arith.addf %add3A_482, %add3A_490 : vector<16xf32>
        %get3A_492 = arith.index_cast %add3A_438 : i32 to index
        %get3A_493 = arith.constant 0 : index
        %get3A_494 = tpu.vector_load %arg13[%get3A_492, %get3A_493] {strides = array<i32>} : memref<40x32xbf16, #tpu.memory_space<vmem>>, vector<32xbf16>,
        %unpack3A_495 = tpu.unpack_subelements %get3A_494, 0 {pack_format = #tpu.pack_format<interleaved>} : vector<32xbf16> -> vector<16xf32>
        %unpack3A_496 = tpu.unpack_subelements %get3A_494, 1 {pack_format = #tpu.pack_format<interleaved>} : vector<32xbf16> -> vector<16xf32>
        %get3A_497 = arith.index_cast %add3A_438 : i32 to index
        %get3A_498 = arith.constant 128 : index
        %get3A_499 = tpu.vector_load %arg11[%get3A_497, %get3A_498] {strides = array<i32>} : memref<40x160xbf16, #tpu.memory_space<vmem>>, vector<32xbf16>,
        %unpack3A_500 = tpu.unpack_subelements %get3A_499, 0 {pack_format = #tpu.pack_format<interleaved>} : vector<32xbf16> -> vector<16xf32>
        %unpack3A_501 = tpu.unpack_subelements %get3A_499, 1 {pack_format = #tpu.pack_format<interleaved>} : vector<32xbf16> -> vector<16xf32>
        %mul3A_502 = arith.mulf %unpack3A_495, %unpack3A_500 : vector<16xf32>
        %add3A_503 = arith.addf %add3A_491, %mul3A_502 : vector<16xf32>
        %mul3A_504 = arith.mulf %unpack3A_496, %unpack3A_501 : vector<16xf32>
        %add3A_505 = arith.addf %add3A_503, %mul3A_504 : vector<16xf32>
        %xor3A = arith.constant 8 : i32
        %xor3A_506 = vector.broadcast %xor3A : i32 to vector<16xi32>
        %xor3A_507 = arith.xori %iota3A, %xor3A_506 : vector<16xi32>
        %broadcast_in_dim3A = vector.shape_cast %xor3A_507 : vector<16xi32> to vector<16x1xi32>
        %gather3A = vector.shape_cast %broadcast_in_dim3A : vector<16x1xi32> to vector<16xi32>
        %gather3A_508 = tpu.dynamic_gather %add3A_505[%gather3A] in [0] : vector<16xf32>, vector<16xi32> -> vector<16xf32>
        %add3A_509 = arith.addf %add3A_505, %gather3A_508 : vector<16xf32>
        %xor3A_510 = arith.constant 4 : i32
        %xor3A_511 = vector.broadcast %xor3A_510 : i32 to vector<16xi32>
        %xor3A_512 = arith.xori %iota3A, %xor3A_511 : vector<16xi32>
        %broadcast_in_dim3A_513 = vector.shape_cast %xor3A_512 : vector<16xi32> to vector<16x1xi32>
        %gather3A_514 = vector.shape_cast %broadcast_in_dim3A_513 : vector<16x1xi32> to vector<16xi32>
        %gather3A_515 = tpu.dynamic_gather %add3A_509[%gather3A_514] in [0] : vector<16xf32>, vector<16xi32> -> vector<16xf32>
        %add3A_516 = arith.addf %add3A_509, %gather3A_515 : vector<16xf32>
        %xor3A_517 = arith.constant 2 : i32
        %xor3A_518 = vector.broadcast %xor3A_517 : i32 to vector<16xi32>
        %xor3A_519 = arith.xori %iota3A, %xor3A_518 : vector<16xi32>
        %broadcast_in_dim3A_520 = vector.shape_cast %xor3A_519 : vector<16xi32> to vector<16x1xi32>
        %gather3A_521 = vector.shape_cast %broadcast_in_dim3A_520 : vector<16x1xi32> to vector<16xi32>
        %gather3A_522 = tpu.dynamic_gather %add3A_516[%gather3A_521] in [0] : vector<16xf32>, vector<16xi32> -> vector<16xf32>
        %add3A_523 = arith.addf %add3A_516, %gather3A_522 : vector<16xf32>
        %xor3A_524 = arith.constant 1 : i32
        %xor3A_525 = vector.broadcast %xor3A_524 : i32 to vector<16xi32>
        %xor3A_526 = arith.xori %iota3A, %xor3A_525 : vector<16xi32>
        %broadcast_in_dim3A_527 = vector.shape_cast %xor3A_526 : vector<16xi32> to vector<16x1xi32>
        %gather3A_528 = vector.shape_cast %broadcast_in_dim3A_527 : vector<16x1xi32> to vector<16xi32>
        %gather3A_529 = tpu.dynamic_gather %add3A_523[%gather3A_528] in [0] : vector<16xf32>, vector<16xi32> -> vector<16xf32>
        %add3A_530 = arith.addf %add3A_523, %gather3A_529 : vector<16xf32>
        %mul3A_531 = arith.constant 0.0883883461 : f32
        %mul3A_532 = vector.broadcast %mul3A_531 : f32 to vector<16xf32>
        %mul3A_533 = arith.mulf %add3A_530, %mul3A_532 : vector<16xf32>
        %exp3A = math.exp %mul3A_533 : vector<16xf32>
        %mul3A_534 = arith.mulf %exp3A, %unpack3A : vector<16xf32>
        %swap3A = arith.index_cast %add3A_436 : i32 to index
        %swap3A_535 = arith.constant 0 : index
        %swap3A_536 = tpu.vector_load %arg15[%swap3A, %swap3A_535] {strides = array<i32>} : memref<16x176xf32, #tpu.memory_space<vmem>>, vector<16xf32>,
        tpu.vector_store %arg15[%swap3A, %swap3A_535], %mul3A_534 {strides = array<i32>} : memref<16x176xf32, #tpu.memory_space<vmem>>, vector<16xf32>,
        %mul3A_537 = arith.mulf %exp3A, %unpack3A_441 : vector<16xf32>
        %swap3A_538 = arith.index_cast %add3A_436 : i32 to index
        %swap3A_539 = arith.constant 16 : index
        %swap3A_540 = tpu.vector_load %arg15[%swap3A_538, %swap3A_539] {strides = array<i32>} : memref<16x176xf32, #tpu.memory_space<vmem>>, vector<16xf32>,
        tpu.vector_store %arg15[%swap3A_538, %swap3A_539], %mul3A_537 {strides = array<i32>} : memref<16x176xf32, #tpu.memory_space<vmem>>, vector<16xf32>,
        %mul3A_541 = arith.mulf %exp3A, %unpack3A_445 : vector<16xf32>
        %swap3A_542 = arith.index_cast %add3A_436 : i32 to index
        %swap3A_543 = arith.constant 32 : index
        %swap3A_544 = tpu.vector_load %arg15[%swap3A_542, %swap3A_543] {strides = array<i32>} : memref<16x176xf32, #tpu.memory_space<vmem>>, vector<16xf32>,
        tpu.vector_store %arg15[%swap3A_542, %swap3A_543], %mul3A_541 {strides = array<i32>} : memref<16x176xf32, #tpu.memory_space<vmem>>, vector<16xf32>,
        %mul3A_545 = arith.mulf %exp3A, %unpack3A_446 : vector<16xf32>
        %swap3A_546 = arith.index_cast %add3A_436 : i32 to index
        %swap3A_547 = arith.constant 48 : index
        %swap3A_548 = tpu.vector_load %arg15[%swap3A_546, %swap3A_547] {strides = array<i32>} : memref<16x176xf32, #tpu.memory_space<vmem>>, vector<16xf32>,
        tpu.vector_store %arg15[%swap3A_546, %swap3A_547], %mul3A_545 {strides = array<i32>} : memref<16x176xf32, #tpu.memory_space<vmem>>, vector<16xf32>,
        %mul3A_549 = arith.mulf %exp3A, %unpack3A_450 : vector<16xf32>
        %swap3A_550 = arith.index_cast %add3A_436 : i32 to index
        %swap3A_551 = arith.constant 64 : index
        %swap3A_552 = tpu.vector_load %arg15[%swap3A_550, %swap3A_551] {strides = array<i32>} : memref<16x176xf32, #tpu.memory_space<vmem>>, vector<16xf32>,
        tpu.vector_store %arg15[%swap3A_550, %swap3A_551], %mul3A_549 {strides = array<i32>} : memref<16x176xf32, #tpu.memory_space<vmem>>, vector<16xf32>,
        %mul3A_553 = arith.mulf %exp3A, %unpack3A_451 : vector<16xf32>
        %swap3A_554 = arith.index_cast %add3A_436 : i32 to index
        %swap3A_555 = arith.constant 80 : index
        %swap3A_556 = tpu.vector_load %arg15[%swap3A_554, %swap3A_555] {strides = array<i32>} : memref<16x176xf32, #tpu.memory_space<vmem>>, vector<16xf32>,
        tpu.vector_store %arg15[%swap3A_554, %swap3A_555], %mul3A_553 {strides = array<i32>} : memref<16x176xf32, #tpu.memory_space<vmem>>, vector<16xf32>,
        %mul3A_557 = arith.mulf %exp3A, %unpack3A_455 : vector<16xf32>
        %swap3A_558 = arith.index_cast %add3A_436 : i32 to index
        %swap3A_559 = arith.constant 96 : index
        %swap3A_560 = tpu.vector_load %arg15[%swap3A_558, %swap3A_559] {strides = array<i32>} : memref<16x176xf32, #tpu.memory_space<vmem>>, vector<16xf32>,
        tpu.vector_store %arg15[%swap3A_558, %swap3A_559], %mul3A_557 {strides = array<i32>} : memref<16x176xf32, #tpu.memory_space<vmem>>, vector<16xf32>,
        %mul3A_561 = arith.mulf %exp3A, %unpack3A_456 : vector<16xf32>
        %swap3A_562 = arith.index_cast %add3A_436 : i32 to index
        %swap3A_563 = arith.constant 112 : index
        %swap3A_564 = tpu.vector_load %arg15[%swap3A_562, %swap3A_563] {strides = array<i32>} : memref<16x176xf32, #tpu.memory_space<vmem>>, vector<16xf32>,
        tpu.vector_store %arg15[%swap3A_562, %swap3A_563], %mul3A_561 {strides = array<i32>} : memref<16x176xf32, #tpu.memory_space<vmem>>, vector<16xf32>,
        %mul3A_565 = arith.mulf %exp3A, %unpack3A_495 : vector<16xf32>
        %swap3A_566 = arith.index_cast %add3A_436 : i32 to index
        %swap3A_567 = arith.constant 128 : index
        %swap3A_568 = tpu.vector_load %arg15[%swap3A_566, %swap3A_567] {strides = array<i32>} : memref<16x176xf32, #tpu.memory_space<vmem>>, vector<16xf32>,
        tpu.vector_store %arg15[%swap3A_566, %swap3A_567], %mul3A_565 {strides = array<i32>} : memref<16x176xf32, #tpu.memory_space<vmem>>, vector<16xf32>,
        %mul3A_569 = arith.mulf %exp3A, %unpack3A_496 : vector<16xf32>
        %swap3A_570 = arith.index_cast %add3A_436 : i32 to index
        %swap3A_571 = arith.constant 144 : index
        %swap3A_572 = tpu.vector_load %arg15[%swap3A_570, %swap3A_571] {strides = array<i32>} : memref<16x176xf32, #tpu.memory_space<vmem>>, vector<16xf32>,
        tpu.vector_store %arg15[%swap3A_570, %swap3A_571], %mul3A_569 {strides = array<i32>} : memref<16x176xf32, #tpu.memory_space<vmem>>, vector<16xf32>,
        %swap3A_573 = arith.index_cast %add3A_436 : i32 to index
        %swap3A_574 = arith.constant 160 : index
        %swap3A_575 = tpu.vector_load %arg15[%swap3A_573, %swap3A_574] {strides = array<i32>} : memref<16x176xf32, #tpu.memory_space<vmem>>, vector<16xf32>,
        tpu.vector_store %arg15[%swap3A_573, %swap3A_574], %exp3A {strides = array<i32>} : memref<16x176xf32, #tpu.memory_space<vmem>>, vector<16xf32>,
        %mul3A_576 = arith.constant 4 : i32
        %mul3A_577 = arith.muli %scan3A_432, %mul3A_576 : i32
        %add3A_578 = arith.constant 1 : i32
        %add3A_579 = arith.addi %mul3A_577, %add3A_578 : i32
        %add3A_580 = arith.constant 0 : i32
        %add3A_581 = arith.addi %add3A_580, %add3A_579 : i32
        %get3A_582 = arith.index_cast %add3A_581 : i32 to index
        %get3A_583 = arith.constant 0 : index
        %get3A_584 = tpu.vector_load %arg9[%get3A_582, %get3A_583] {strides = array<i32>} : memref<40x128xbf16, #tpu.memory_space<vmem>>, vector<32xbf16>,
        %unpack3A_585 = tpu.unpack_subelements %get3A_584, 0 {pack_format = #tpu.pack_format<interleaved>} : vector<32xbf16> -> vector<16xf32>
        %unpack3A_586 = tpu.unpack_subelements %get3A_584, 1 {pack_format = #tpu.pack_format<interleaved>} : vector<32xbf16> -> vector<16xf32>
        %get3A_587 = arith.index_cast %add3A_581 : i32 to index
        %get3A_588 = arith.constant 32 : index
        %get3A_589 = tpu.vector_load %arg9[%get3A_587, %get3A_588] {strides = array<i32>} : memref<40x128xbf16, #tpu.memory_space<vmem>>, vector<32xbf16>,
        %unpack3A_590 = tpu.unpack_subelements %get3A_589, 0 {pack_format = #tpu.pack_format<interleaved>} : vector<32xbf16> -> vector<16xf32>
        %unpack3A_591 = tpu.unpack_subelements %get3A_589, 1 {pack_format = #tpu.pack_format<interleaved>} : vector<32xbf16> -> vector<16xf32>
        %get3A_592 = arith.index_cast %add3A_581 : i32 to index
        %get3A_593 = arith.constant 64 : index
        %get3A_594 = tpu.vector_load %arg9[%get3A_592, %get3A_593] {strides = array<i32>} : memref<40x128xbf16, #tpu.memory_space<vmem>>, vector<32xbf16>,
        %unpack3A_595 = tpu.unpack_subelements %get3A_594, 0 {pack_format = #tpu.pack_format<interleaved>} : vector<32xbf16> -> vector<16xf32>
        %unpack3A_596 = tpu.unpack_subelements %get3A_594, 1 {pack_format = #tpu.pack_format<interleaved>} : vector<32xbf16> -> vector<16xf32>
        %get3A_597 = arith.index_cast %add3A_581 : i32 to index
        %get3A_598 = arith.constant 96 : index
        %get3A_599 = tpu.vector_load %arg9[%get3A_597, %get3A_598] {strides = array<i32>} : memref<40x128xbf16, #tpu.memory_space<vmem>>, vector<32xbf16>,
        %unpack3A_600 = tpu.unpack_subelements %get3A_599, 0 {pack_format = #tpu.pack_format<interleaved>} : vector<32xbf16> -> vector<16xf32>
        %unpack3A_601 = tpu.unpack_subelements %get3A_599, 1 {pack_format = #tpu.pack_format<interleaved>} : vector<32xbf16> -> vector<16xf32>
        %get3A_602 = arith.index_cast %add3A_581 : i32 to index
        %get3A_603 = arith.constant 0 : index
        %get3A_604 = tpu.vector_load %arg11[%get3A_602, %get3A_603] {strides = array<i32>} : memref<40x160xbf16, #tpu.memory_space<vmem>>, vector<32xbf16>,
        %unpack3A_605 = tpu.unpack_subelements %get3A_604, 0 {pack_format = #tpu.pack_format<interleaved>} : vector<32xbf16> -> vector<16xf32>
        %unpack3A_606 = tpu.unpack_subelements %get3A_604, 1 {pack_format = #tpu.pack_format<interleaved>} : vector<32xbf16> -> vector<16xf32>
        %mul3A_607 = arith.mulf %unpack3A_585, %unpack3A_605 : vector<16xf32>
        %mul3A_608 = arith.mulf %unpack3A_586, %unpack3A_606 : vector<16xf32>
        %add3A_609 = arith.addf %mul3A_607, %mul3A_608 : vector<16xf32>
        %get3A_610 = arith.index_cast %add3A_581 : i32 to index
        %get3A_611 = arith.constant 32 : index
        %get3A_612 = tpu.vector_load %arg11[%get3A_610, %get3A_611] {strides = array<i32>} : memref<40x160xbf16, #tpu.memory_space<vmem>>, vector<32xbf16>,
        %unpack3A_613 = tpu.unpack_subelements %get3A_612, 0 {pack_format = #tpu.pack_format<interleaved>} : vector<32xbf16> -> vector<16xf32>
        %unpack3A_614 = tpu.unpack_subelements %get3A_612, 1 {pack_format = #tpu.pack_format<interleaved>} : vector<32xbf16> -> vector<16xf32>
        %mul3A_615 = arith.mulf %unpack3A_590, %unpack3A_613 : vector<16xf32>
        %mul3A_616 = arith.mulf %unpack3A_591, %unpack3A_614 : vector<16xf32>
        %add3A_617 = arith.addf %mul3A_615, %mul3A_616 : vector<16xf32>
        %add3A_618 = arith.addf %add3A_609, %add3A_617 : vector<16xf32>
        %get3A_619 = arith.index_cast %add3A_581 : i32 to index
        %get3A_620 = arith.constant 64 : index
        %get3A_621 = tpu.vector_load %arg11[%get3A_619, %get3A_620] {strides = array<i32>} : memref<40x160xbf16, #tpu.memory_space<vmem>>, vector<32xbf16>,
        %unpack3A_622 = tpu.unpack_subelements %get3A_621, 0 {pack_format = #tpu.pack_format<interleaved>} : vector<32xbf16> -> vector<16xf32>
        %unpack3A_623 = tpu.unpack_subelements %get3A_621, 1 {pack_format = #tpu.pack_format<interleaved>} : vector<32xbf16> -> vector<16xf32>
        %mul3A_624 = arith.mulf %unpack3A_595, %unpack3A_622 : vector<16xf32>
        %mul3A_625 = arith.mulf %unpack3A_596, %unpack3A_623 : vector<16xf32>
        %add3A_626 = arith.addf %mul3A_624, %mul3A_625 : vector<16xf32>
        %add3A_627 = arith.addf %add3A_618, %add3A_626 : vector<16xf32>
        %get3A_628 = arith.index_cast %add3A_581 : i32 to index
        %get3A_629 = arith.constant 96 : index
        %get3A_630 = tpu.vector_load %arg11[%get3A_628, %get3A_629] {strides = array<i32>} : memref<40x160xbf16, #tpu.memory_space<vmem>>, vector<32xbf16>,
        %unpack3A_631 = tpu.unpack_subelements %get3A_630, 0 {pack_format = #tpu.pack_format<interleaved>} : vector<32xbf16> -> vector<16xf32>
        %unpack3A_632 = tpu.unpack_subelements %get3A_630, 1 {pack_format = #tpu.pack_format<interleaved>} : vector<32xbf16> -> vector<16xf32>
        %mul3A_633 = arith.mulf %unpack3A_600, %unpack3A_631 : vector<16xf32>
        %mul3A_634 = arith.mulf %unpack3A_601, %unpack3A_632 : vector<16xf32>
        %add3A_635 = arith.addf %mul3A_633, %mul3A_634 : vector<16xf32>
        %add3A_636 = arith.addf %add3A_627, %add3A_635 : vector<16xf32>
        %get3A_637 = arith.index_cast %add3A_581 : i32 to index
        %get3A_638 = arith.constant 0 : index
        %get3A_639 = tpu.vector_load %arg13[%get3A_637, %get3A_638] {strides = array<i32>} : memref<40x32xbf16, #tpu.memory_space<vmem>>, vector<32xbf16>,
        %unpack3A_640 = tpu.unpack_subelements %get3A_639, 0 {pack_format = #tpu.pack_format<interleaved>} : vector<32xbf16> -> vector<16xf32>
        %unpack3A_641 = tpu.unpack_subelements %get3A_639, 1 {pack_format = #tpu.pack_format<interleaved>} : vector<32xbf16> -> vector<16xf32>
        %get3A_642 = arith.index_cast %add3A_581 : i32 to index
        %get3A_643 = arith.constant 128 : index
        %get3A_644 = tpu.vector_load %arg11[%get3A_642, %get3A_643] {strides = array<i32>} : memref<40x160xbf16, #tpu.memory_space<vmem>>, vector<32xbf16>,
        %unpack3A_645 = tpu.unpack_subelements %get3A_644, 0 {pack_format = #tpu.pack_format<interleaved>} : vector<32xbf16> -> vector<16xf32>
        %unpack3A_646 = tpu.unpack_subelements %get3A_644, 1 {pack_format = #tpu.pack_format<interleaved>} : vector<32xbf16> -> vector<16xf32>
        %mul3A_647 = arith.mulf %unpack3A_640, %unpack3A_645 : vector<16xf32>
        %add3A_648 = arith.addf %add3A_636, %mul3A_647 : vector<16xf32>
        %mul3A_649 = arith.mulf %unpack3A_641, %unpack3A_646 : vector<16xf32>
        %add3A_650 = arith.addf %add3A_648, %mul3A_649 : vector<16xf32>
        %xor3A_651 = arith.constant 8 : i32
        %xor3A_652 = vector.broadcast %xor3A_651 : i32 to vector<16xi32>
        %xor3A_653 = arith.xori %iota3A, %xor3A_652 : vector<16xi32>
        %broadcast_in_dim3A_654 = vector.shape_cast %xor3A_653 : vector<16xi32> to vector<16x1xi32>
        %gather3A_655 = vector.shape_cast %broadcast_in_dim3A_654 : vector<16x1xi32> to vector<16xi32>
        %gather3A_656 = tpu.dynamic_gather %add3A_650[%gather3A_655] in [0] : vector<16xf32>, vector<16xi32> -> vector<16xf32>
        %add3A_657 = arith.addf %add3A_650, %gather3A_656 : vector<16xf32>
        %xor3A_658 = arith.constant 4 : i32
        %xor3A_659 = vector.broadcast %xor3A_658 : i32 to vector<16xi32>
        %xor3A_660 = arith.xori %iota3A, %xor3A_659 : vector<16xi32>
        %broadcast_in_dim3A_661 = vector.shape_cast %xor3A_660 : vector<16xi32> to vector<16x1xi32>
        %gather3A_662 = vector.shape_cast %broadcast_in_dim3A_661 : vector<16x1xi32> to vector<16xi32>
        %gather3A_663 = tpu.dynamic_gather %add3A_657[%gather3A_662] in [0] : vector<16xf32>, vector<16xi32> -> vector<16xf32>
        %add3A_664 = arith.addf %add3A_657, %gather3A_663 : vector<16xf32>
        %xor3A_665 = arith.constant 2 : i32
        %xor3A_666 = vector.broadcast %xor3A_665 : i32 to vector<16xi32>
        %xor3A_667 = arith.xori %iota3A, %xor3A_666 : vector<16xi32>
        %broadcast_in_dim3A_668 = vector.shape_cast %xor3A_667 : vector<16xi32> to vector<16x1xi32>
        %gather3A_669 = vector.shape_cast %broadcast_in_dim3A_668 : vector<16x1xi32> to vector<16xi32>
        %gather3A_670 = tpu.dynamic_gather %add3A_664[%gather3A_669] in [0] : vector<16xf32>, vector<16xi32> -> vector<16xf32>
        %add3A_671 = arith.addf %add3A_664, %gather3A_670 : vector<16xf32>
        %xor3A_672 = arith.constant 1 : i32
        %xor3A_673 = vector.broadcast %xor3A_672 : i32 to vector<16xi32>
        %xor3A_674 = arith.xori %iota3A, %xor3A_673 : vector<16xi32>
        %broadcast_in_dim3A_675 = vector.shape_cast %xor3A_674 : vector<16xi32> to vector<16x1xi32>
        %gather3A_676 = vector.shape_cast %broadcast_in_dim3A_675 : vector<16x1xi32> to vector<16xi32>
        %gather3A_677 = tpu.dynamic_gather %add3A_671[%gather3A_676] in [0] : vector<16xf32>, vector<16xi32> -> vector<16xf32>
        %add3A_678 = arith.addf %add3A_671, %gather3A_677 : vector<16xf32>
        %mul3A_679 = arith.constant 0.0883883461 : f32
        %mul3A_680 = vector.broadcast %mul3A_679 : f32 to vector<16xf32>
        %mul3A_681 = arith.mulf %add3A_678, %mul3A_680 : vector<16xf32>
        %exp3A_682 = math.exp %mul3A_681 : vector<16xf32>
        %mul3A_683 = arith.mulf %exp3A_682, %unpack3A_585 : vector<16xf32>
        %swap3A_684 = arith.index_cast %add3A_579 : i32 to index
        %swap3A_685 = arith.constant 0 : index
        %swap3A_686 = tpu.vector_load %arg15[%swap3A_684, %swap3A_685] {strides = array<i32>} : memref<16x176xf32, #tpu.memory_space<vmem>>, vector<16xf32>,
        tpu.vector_store %arg15[%swap3A_684, %swap3A_685], %mul3A_683 {strides = array<i32>} : memref<16x176xf32, #tpu.memory_space<vmem>>, vector<16xf32>,
        %mul3A_687 = arith.mulf %exp3A_682, %unpack3A_586 : vector<16xf32>
        %swap3A_688 = arith.index_cast %add3A_579 : i32 to index
        %swap3A_689 = arith.constant 16 : index
        %swap3A_690 = tpu.vector_load %arg15[%swap3A_688, %swap3A_689] {strides = array<i32>} : memref<16x176xf32, #tpu.memory_space<vmem>>, vector<16xf32>,
        tpu.vector_store %arg15[%swap3A_688, %swap3A_689], %mul3A_687 {strides = array<i32>} : memref<16x176xf32, #tpu.memory_space<vmem>>, vector<16xf32>,
        %mul3A_691 = arith.mulf %exp3A_682, %unpack3A_590 : vector<16xf32>
        %swap3A_692 = arith.index_cast %add3A_579 : i32 to index
        %swap3A_693 = arith.constant 32 : index
        %swap3A_694 = tpu.vector_load %arg15[%swap3A_692, %swap3A_693] {strides = array<i32>} : memref<16x176xf32, #tpu.memory_space<vmem>>, vector<16xf32>,
        tpu.vector_store %arg15[%swap3A_692, %swap3A_693], %mul3A_691 {strides = array<i32>} : memref<16x176xf32, #tpu.memory_space<vmem>>, vector<16xf32>,
        %mul3A_695 = arith.mulf %exp3A_682, %unpack3A_591 : vector<16xf32>
        %swap3A_696 = arith.index_cast %add3A_579 : i32 to index
        %swap3A_697 = arith.constant 48 : index
        %swap3A_698 = tpu.vector_load %arg15[%swap3A_696, %swap3A_697] {strides = array<i32>} : memref<16x176xf32, #tpu.memory_space<vmem>>, vector<16xf32>,
        tpu.vector_store %arg15[%swap3A_696, %swap3A_697], %mul3A_695 {strides = array<i32>} : memref<16x176xf32, #tpu.memory_space<vmem>>, vector<16xf32>,
        %mul3A_699 = arith.mulf %exp3A_682, %unpack3A_595 : vector<16xf32>
        %swap3A_700 = arith.index_cast %add3A_579 : i32 to index
        %swap3A_701 = arith.constant 64 : index
        %swap3A_702 = tpu.vector_load %arg15[%swap3A_700, %swap3A_701] {strides = array<i32>} : memref<16x176xf32, #tpu.memory_space<vmem>>, vector<16xf32>,
        tpu.vector_store %arg15[%swap3A_700, %swap3A_701], %mul3A_699 {strides = array<i32>} : memref<16x176xf32, #tpu.memory_space<vmem>>, vector<16xf32>,
        %mul3A_703 = arith.mulf %exp3A_682, %unpack3A_596 : vector<16xf32>
        %swap3A_704 = arith.index_cast %add3A_579 : i32 to index
        %swap3A_705 = arith.constant 80 : index
        %swap3A_706 = tpu.vector_load %arg15[%swap3A_704, %swap3A_705] {strides = array<i32>} : memref<16x176xf32, #tpu.memory_space<vmem>>, vector<16xf32>,
        tpu.vector_store %arg15[%swap3A_704, %swap3A_705], %mul3A_703 {strides = array<i32>} : memref<16x176xf32, #tpu.memory_space<vmem>>, vector<16xf32>,
        %mul3A_707 = arith.mulf %exp3A_682, %unpack3A_600 : vector<16xf32>
        %swap3A_708 = arith.index_cast %add3A_579 : i32 to index
        %swap3A_709 = arith.constant 96 : index
        %swap3A_710 = tpu.vector_load %arg15[%swap3A_708, %swap3A_709] {strides = array<i32>} : memref<16x176xf32, #tpu.memory_space<vmem>>, vector<16xf32>,
        tpu.vector_store %arg15[%swap3A_708, %swap3A_709], %mul3A_707 {strides = array<i32>} : memref<16x176xf32, #tpu.memory_space<vmem>>, vector<16xf32>,
        %mul3A_711 = arith.mulf %exp3A_682, %unpack3A_601 : vector<16xf32>
        %swap3A_712 = arith.index_cast %add3A_579 : i32 to index
        %swap3A_713 = arith.constant 112 : index
        %swap3A_714 = tpu.vector_load %arg15[%swap3A_712, %swap3A_713] {strides = array<i32>} : memref<16x176xf32, #tpu.memory_space<vmem>>, vector<16xf32>,
        tpu.vector_store %arg15[%swap3A_712, %swap3A_713], %mul3A_711 {strides = array<i32>} : memref<16x176xf32, #tpu.memory_space<vmem>>, vector<16xf32>,
        %mul3A_715 = arith.mulf %exp3A_682, %unpack3A_640 : vector<16xf32>
        %swap3A_716 = arith.index_cast %add3A_579 : i32 to index
        %swap3A_717 = arith.constant 128 : index
        %swap3A_718 = tpu.vector_load %arg15[%swap3A_716, %swap3A_717] {strides = array<i32>} : memref<16x176xf32, #tpu.memory_space<vmem>>, vector<16xf32>,
        tpu.vector_store %arg15[%swap3A_716, %swap3A_717], %mul3A_715 {strides = array<i32>} : memref<16x176xf32, #tpu.memory_space<vmem>>, vector<16xf32>,
        %mul3A_719 = arith.mulf %exp3A_682, %unpack3A_641 : vector<16xf32>
        %swap3A_720 = arith.index_cast %add3A_579 : i32 to index
        %swap3A_721 = arith.constant 144 : index
        %swap3A_722 = tpu.vector_load %arg15[%swap3A_720, %swap3A_721] {strides = array<i32>} : memref<16x176xf32, #tpu.memory_space<vmem>>, vector<16xf32>,
        tpu.vector_store %arg15[%swap3A_720, %swap3A_721], %mul3A_719 {strides = array<i32>} : memref<16x176xf32, #tpu.memory_space<vmem>>, vector<16xf32>,
        %swap3A_723 = arith.index_cast %add3A_579 : i32 to index
        %swap3A_724 = arith.constant 160 : index
        %swap3A_725 = tpu.vector_load %arg15[%swap3A_723, %swap3A_724] {strides = array<i32>} : memref<16x176xf32, #tpu.memory_space<vmem>>, vector<16xf32>,
        tpu.vector_store %arg15[%swap3A_723, %swap3A_724], %exp3A_682 {strides = array<i32>} : memref<16x176xf32, #tpu.memory_space<vmem>>, vector<16xf32>,
        %mul3A_726 = arith.constant 4 : i32
        %mul3A_727 = arith.muli %scan3A_432, %mul3A_726 : i32
        %add3A_728 = arith.constant 2 : i32
        %add3A_729 = arith.addi %mul3A_727, %add3A_728 : i32
        %add3A_730 = arith.constant 0 : i32
        %add3A_731 = arith.addi %add3A_730, %add3A_729 : i32
        %get3A_732 = arith.index_cast %add3A_731 : i32 to index
        %get3A_733 = arith.constant 0 : index
        %get3A_734 = tpu.vector_load %arg9[%get3A_732, %get3A_733] {strides = array<i32>} : memref<40x128xbf16, #tpu.memory_space<vmem>>, vector<32xbf16>,
        %unpack3A_735 = tpu.unpack_subelements %get3A_734, 0 {pack_format = #tpu.pack_format<interleaved>} : vector<32xbf16> -> vector<16xf32>
        %unpack3A_736 = tpu.unpack_subelements %get3A_734, 1 {pack_format = #tpu.pack_format<interleaved>} : vector<32xbf16> -> vector<16xf32>
        %get3A_737 = arith.index_cast %add3A_731 : i32 to index
        %get3A_738 = arith.constant 32 : index
        %get3A_739 = tpu.vector_load %arg9[%get3A_737, %get3A_738] {strides = array<i32>} : memref<40x128xbf16, #tpu.memory_space<vmem>>, vector<32xbf16>,
        %unpack3A_740 = tpu.unpack_subelements %get3A_739, 0 {pack_format = #tpu.pack_format<interleaved>} : vector<32xbf16> -> vector<16xf32>
        %unpack3A_741 = tpu.unpack_subelements %get3A_739, 1 {pack_format = #tpu.pack_format<interleaved>} : vector<32xbf16> -> vector<16xf32>
        %get3A_742 = arith.index_cast %add3A_731 : i32 to index
        %get3A_743 = arith.constant 64 : index
        %get3A_744 = tpu.vector_load %arg9[%get3A_742, %get3A_743] {strides = array<i32>} : memref<40x128xbf16, #tpu.memory_space<vmem>>, vector<32xbf16>,
        %unpack3A_745 = tpu.unpack_subelements %get3A_744, 0 {pack_format = #tpu.pack_format<interleaved>} : vector<32xbf16> -> vector<16xf32>
        %unpack3A_746 = tpu.unpack_subelements %get3A_744, 1 {pack_format = #tpu.pack_format<interleaved>} : vector<32xbf16> -> vector<16xf32>
        %get3A_747 = arith.index_cast %add3A_731 : i32 to index
        %get3A_748 = arith.constant 96 : index
        %get3A_749 = tpu.vector_load %arg9[%get3A_747, %get3A_748] {strides = array<i32>} : memref<40x128xbf16, #tpu.memory_space<vmem>>, vector<32xbf16>,
        %unpack3A_750 = tpu.unpack_subelements %get3A_749, 0 {pack_format = #tpu.pack_format<interleaved>} : vector<32xbf16> -> vector<16xf32>
        %unpack3A_751 = tpu.unpack_subelements %get3A_749, 1 {pack_format = #tpu.pack_format<interleaved>} : vector<32xbf16> -> vector<16xf32>
        %get3A_752 = arith.index_cast %add3A_731 : i32 to index
        %get3A_753 = arith.constant 0 : index
        %get3A_754 = tpu.vector_load %arg11[%get3A_752, %get3A_753] {strides = array<i32>} : memref<40x160xbf16, #tpu.memory_space<vmem>>, vector<32xbf16>,
        %unpack3A_755 = tpu.unpack_subelements %get3A_754, 0 {pack_format = #tpu.pack_format<interleaved>} : vector<32xbf16> -> vector<16xf32>
        %unpack3A_756 = tpu.unpack_subelements %get3A_754, 1 {pack_format = #tpu.pack_format<interleaved>} : vector<32xbf16> -> vector<16xf32>
        %mul3A_757 = arith.mulf %unpack3A_735, %unpack3A_755 : vector<16xf32>
        %mul3A_758 = arith.mulf %unpack3A_736, %unpack3A_756 : vector<16xf32>
        %add3A_759 = arith.addf %mul3A_757, %mul3A_758 : vector<16xf32>
        %get3A_760 = arith.index_cast %add3A_731 : i32 to index
        %get3A_761 = arith.constant 32 : index
        %get3A_762 = tpu.vector_load %arg11[%get3A_760, %get3A_761] {strides = array<i32>} : memref<40x160xbf16, #tpu.memory_space<vmem>>, vector<32xbf16>,
        %unpack3A_763 = tpu.unpack_subelements %get3A_762, 0 {pack_format = #tpu.pack_format<interleaved>} : vector<32xbf16> -> vector<16xf32>
        %unpack3A_764 = tpu.unpack_subelements %get3A_762, 1 {pack_format = #tpu.pack_format<interleaved>} : vector<32xbf16> -> vector<16xf32>
        %mul3A_765 = arith.mulf %unpack3A_740, %unpack3A_763 : vector<16xf32>
        %mul3A_766 = arith.mulf %unpack3A_741, %unpack3A_764 : vector<16xf32>
        %add3A_767 = arith.addf %mul3A_765, %mul3A_766 : vector<16xf32>
        %add3A_768 = arith.addf %add3A_759, %add3A_767 : vector<16xf32>
        %get3A_769 = arith.index_cast %add3A_731 : i32 to index
        %get3A_770 = arith.constant 64 : index
        %get3A_771 = tpu.vector_load %arg11[%get3A_769, %get3A_770] {strides = array<i32>} : memref<40x160xbf16, #tpu.memory_space<vmem>>, vector<32xbf16>,
        %unpack3A_772 = tpu.unpack_subelements %get3A_771, 0 {pack_format = #tpu.pack_format<interleaved>} : vector<32xbf16> -> vector<16xf32>
        %unpack3A_773 = tpu.unpack_subelements %get3A_771, 1 {pack_format = #tpu.pack_format<interleaved>} : vector<32xbf16> -> vector<16xf32>
        %mul3A_774 = arith.mulf %unpack3A_745, %unpack3A_772 : vector<16xf32>
        %mul3A_775 = arith.mulf %unpack3A_746, %unpack3A_773 : vector<16xf32>
        %add3A_776 = arith.addf %mul3A_774, %mul3A_775 : vector<16xf32>
        %add3A_777 = arith.addf %add3A_768, %add3A_776 : vector<16xf32>
        %get3A_778 = arith.index_cast %add3A_731 : i32 to index
        %get3A_779 = arith.constant 96 : index
        %get3A_780 = tpu.vector_load %arg11[%get3A_778, %get3A_779] {strides = array<i32>} : memref<40x160xbf16, #tpu.memory_space<vmem>>, vector<32xbf16>,
        %unpack3A_781 = tpu.unpack_subelements %get3A_780, 0 {pack_format = #tpu.pack_format<interleaved>} : vector<32xbf16> -> vector<16xf32>
        %unpack3A_782 = tpu.unpack_subelements %get3A_780, 1 {pack_format = #tpu.pack_format<interleaved>} : vector<32xbf16> -> vector<16xf32>
        %mul3A_783 = arith.mulf %unpack3A_750, %unpack3A_781 : vector<16xf32>
        %mul3A_784 = arith.mulf %unpack3A_751, %unpack3A_782 : vector<16xf32>
        %add3A_785 = arith.addf %mul3A_783, %mul3A_784 : vector<16xf32>
        %add3A_786 = arith.addf %add3A_777, %add3A_785 : vector<16xf32>
        %get3A_787 = arith.index_cast %add3A_731 : i32 to index
        %get3A_788 = arith.constant 0 : index
        %get3A_789 = tpu.vector_load %arg13[%get3A_787, %get3A_788] {strides = array<i32>} : memref<40x32xbf16, #tpu.memory_space<vmem>>, vector<32xbf16>,
        %unpack3A_790 = tpu.unpack_subelements %get3A_789, 0 {pack_format = #tpu.pack_format<interleaved>} : vector<32xbf16> -> vector<16xf32>
        %unpack3A_791 = tpu.unpack_subelements %get3A_789, 1 {pack_format = #tpu.pack_format<interleaved>} : vector<32xbf16> -> vector<16xf32>
        %get3A_792 = arith.index_cast %add3A_731 : i32 to index
        %get3A_793 = arith.constant 128 : index
        %get3A_794 = tpu.vector_load %arg11[%get3A_792, %get3A_793] {strides = array<i32>} : memref<40x160xbf16, #tpu.memory_space<vmem>>, vector<32xbf16>,
        %unpack3A_795 = tpu.unpack_subelements %get3A_794, 0 {pack_format = #tpu.pack_format<interleaved>} : vector<32xbf16> -> vector<16xf32>
        %unpack3A_796 = tpu.unpack_subelements %get3A_794, 1 {pack_format = #tpu.pack_format<interleaved>} : vector<32xbf16> -> vector<16xf32>
        %mul3A_797 = arith.mulf %unpack3A_790, %unpack3A_795 : vector<16xf32>
        %add3A_798 = arith.addf %add3A_786, %mul3A_797 : vector<16xf32>
        %mul3A_799 = arith.mulf %unpack3A_791, %unpack3A_796 : vector<16xf32>
        %add3A_800 = arith.addf %add3A_798, %mul3A_799 : vector<16xf32>
        %xor3A_801 = arith.constant 8 : i32
        %xor3A_802 = vector.broadcast %xor3A_801 : i32 to vector<16xi32>
        %xor3A_803 = arith.xori %iota3A, %xor3A_802 : vector<16xi32>
        %broadcast_in_dim3A_804 = vector.shape_cast %xor3A_803 : vector<16xi32> to vector<16x1xi32>
        %gather3A_805 = vector.shape_cast %broadcast_in_dim3A_804 : vector<16x1xi32> to vector<16xi32>
        %gather3A_806 = tpu.dynamic_gather %add3A_800[%gather3A_805] in [0] : vector<16xf32>, vector<16xi32> -> vector<16xf32>
        %add3A_807 = arith.addf %add3A_800, %gather3A_806 : vector<16xf32>
        %xor3A_808 = arith.constant 4 : i32
        %xor3A_809 = vector.broadcast %xor3A_808 : i32 to vector<16xi32>
        %xor3A_810 = arith.xori %iota3A, %xor3A_809 : vector<16xi32>
        %broadcast_in_dim3A_811 = vector.shape_cast %xor3A_810 : vector<16xi32> to vector<16x1xi32>
        %gather3A_812 = vector.shape_cast %broadcast_in_dim3A_811 : vector<16x1xi32> to vector<16xi32>
        %gather3A_813 = tpu.dynamic_gather %add3A_807[%gather3A_812] in [0] : vector<16xf32>, vector<16xi32> -> vector<16xf32>
        %add3A_814 = arith.addf %add3A_807, %gather3A_813 : vector<16xf32>
        %xor3A_815 = arith.constant 2 : i32
        %xor3A_816 = vector.broadcast %xor3A_815 : i32 to vector<16xi32>
        %xor3A_817 = arith.xori %iota3A, %xor3A_816 : vector<16xi32>
        %broadcast_in_dim3A_818 = vector.shape_cast %xor3A_817 : vector<16xi32> to vector<16x1xi32>
        %gather3A_819 = vector.shape_cast %broadcast_in_dim3A_818 : vector<16x1xi32> to vector<16xi32>
        %gather3A_820 = tpu.dynamic_gather %add3A_814[%gather3A_819] in [0] : vector<16xf32>, vector<16xi32> -> vector<16xf32>
        %add3A_821 = arith.addf %add3A_814, %gather3A_820 : vector<16xf32>
        %xor3A_822 = arith.constant 1 : i32
        %xor3A_823 = vector.broadcast %xor3A_822 : i32 to vector<16xi32>
        %xor3A_824 = arith.xori %iota3A, %xor3A_823 : vector<16xi32>
        %broadcast_in_dim3A_825 = vector.shape_cast %xor3A_824 : vector<16xi32> to vector<16x1xi32>
        %gather3A_826 = vector.shape_cast %broadcast_in_dim3A_825 : vector<16x1xi32> to vector<16xi32>
        %gather3A_827 = tpu.dynamic_gather %add3A_821[%gather3A_826] in [0] : vector<16xf32>, vector<16xi32> -> vector<16xf32>
        %add3A_828 = arith.addf %add3A_821, %gather3A_827 : vector<16xf32>
        %mul3A_829 = arith.constant 0.0883883461 : f32
        %mul3A_830 = vector.broadcast %mul3A_829 : f32 to vector<16xf32>
        %mul3A_831 = arith.mulf %add3A_828, %mul3A_830 : vector<16xf32>
        %exp3A_832 = math.exp %mul3A_831 : vector<16xf32>
        %mul3A_833 = arith.mulf %exp3A_832, %unpack3A_735 : vector<16xf32>
        %swap3A_834 = arith.index_cast %add3A_729 : i32 to index
        %swap3A_835 = arith.constant 0 : index
        %swap3A_836 = tpu.vector_load %arg15[%swap3A_834, %swap3A_835] {strides = array<i32>} : memref<16x176xf32, #tpu.memory_space<vmem>>, vector<16xf32>,
        tpu.vector_store %arg15[%swap3A_834, %swap3A_835], %mul3A_833 {strides = array<i32>} : memref<16x176xf32, #tpu.memory_space<vmem>>, vector<16xf32>,
        %mul3A_837 = arith.mulf %exp3A_832, %unpack3A_736 : vector<16xf32>
        %swap3A_838 = arith.index_cast %add3A_729 : i32 to index
        %swap3A_839 = arith.constant 16 : index
        %swap3A_840 = tpu.vector_load %arg15[%swap3A_838, %swap3A_839] {strides = array<i32>} : memref<16x176xf32, #tpu.memory_space<vmem>>, vector<16xf32>,
        tpu.vector_store %arg15[%swap3A_838, %swap3A_839], %mul3A_837 {strides = array<i32>} : memref<16x176xf32, #tpu.memory_space<vmem>>, vector<16xf32>,
        %mul3A_841 = arith.mulf %exp3A_832, %unpack3A_740 : vector<16xf32>
        %swap3A_842 = arith.index_cast %add3A_729 : i32 to index
        %swap3A_843 = arith.constant 32 : index
        %swap3A_844 = tpu.vector_load %arg15[%swap3A_842, %swap3A_843] {strides = array<i32>} : memref<16x176xf32, #tpu.memory_space<vmem>>, vector<16xf32>,
        tpu.vector_store %arg15[%swap3A_842, %swap3A_843], %mul3A_841 {strides = array<i32>} : memref<16x176xf32, #tpu.memory_space<vmem>>, vector<16xf32>,
        %mul3A_845 = arith.mulf %exp3A_832, %unpack3A_741 : vector<16xf32>
        %swap3A_846 = arith.index_cast %add3A_729 : i32 to index
        %swap3A_847 = arith.constant 48 : index
        %swap3A_848 = tpu.vector_load %arg15[%swap3A_846, %swap3A_847] {strides = array<i32>} : memref<16x176xf32, #tpu.memory_space<vmem>>, vector<16xf32>,
        tpu.vector_store %arg15[%swap3A_846, %swap3A_847], %mul3A_845 {strides = array<i32>} : memref<16x176xf32, #tpu.memory_space<vmem>>, vector<16xf32>,
        %mul3A_849 = arith.mulf %exp3A_832, %unpack3A_745 : vector<16xf32>
        %swap3A_850 = arith.index_cast %add3A_729 : i32 to index
        %swap3A_851 = arith.constant 64 : index
        %swap3A_852 = tpu.vector_load %arg15[%swap3A_850, %swap3A_851] {strides = array<i32>} : memref<16x176xf32, #tpu.memory_space<vmem>>, vector<16xf32>,
        tpu.vector_store %arg15[%swap3A_850, %swap3A_851], %mul3A_849 {strides = array<i32>} : memref<16x176xf32, #tpu.memory_space<vmem>>, vector<16xf32>,
        %mul3A_853 = arith.mulf %exp3A_832, %unpack3A_746 : vector<16xf32>
        %swap3A_854 = arith.index_cast %add3A_729 : i32 to index
        %swap3A_855 = arith.constant 80 : index
        %swap3A_856 = tpu.vector_load %arg15[%swap3A_854, %swap3A_855] {strides = array<i32>} : memref<16x176xf32, #tpu.memory_space<vmem>>, vector<16xf32>,
        tpu.vector_store %arg15[%swap3A_854, %swap3A_855], %mul3A_853 {strides = array<i32>} : memref<16x176xf32, #tpu.memory_space<vmem>>, vector<16xf32>,
        %mul3A_857 = arith.mulf %exp3A_832, %unpack3A_750 : vector<16xf32>
        %swap3A_858 = arith.index_cast %add3A_729 : i32 to index
        %swap3A_859 = arith.constant 96 : index
        %swap3A_860 = tpu.vector_load %arg15[%swap3A_858, %swap3A_859] {strides = array<i32>} : memref<16x176xf32, #tpu.memory_space<vmem>>, vector<16xf32>,
        tpu.vector_store %arg15[%swap3A_858, %swap3A_859], %mul3A_857 {strides = array<i32>} : memref<16x176xf32, #tpu.memory_space<vmem>>, vector<16xf32>,
        %mul3A_861 = arith.mulf %exp3A_832, %unpack3A_751 : vector<16xf32>
        %swap3A_862 = arith.index_cast %add3A_729 : i32 to index
        %swap3A_863 = arith.constant 112 : index
        %swap3A_864 = tpu.vector_load %arg15[%swap3A_862, %swap3A_863] {strides = array<i32>} : memref<16x176xf32, #tpu.memory_space<vmem>>, vector<16xf32>,
        tpu.vector_store %arg15[%swap3A_862, %swap3A_863], %mul3A_861 {strides = array<i32>} : memref<16x176xf32, #tpu.memory_space<vmem>>, vector<16xf32>,
        %mul3A_865 = arith.mulf %exp3A_832, %unpack3A_790 : vector<16xf32>
        %swap3A_866 = arith.index_cast %add3A_729 : i32 to index
        %swap3A_867 = arith.constant 128 : index
        %swap3A_868 = tpu.vector_load %arg15[%swap3A_866, %swap3A_867] {strides = array<i32>} : memref<16x176xf32, #tpu.memory_space<vmem>>, vector<16xf32>,
        tpu.vector_store %arg15[%swap3A_866, %swap3A_867], %mul3A_865 {strides = array<i32>} : memref<16x176xf32, #tpu.memory_space<vmem>>, vector<16xf32>,
        %mul3A_869 = arith.mulf %exp3A_832, %unpack3A_791 : vector<16xf32>
        %swap3A_870 = arith.index_cast %add3A_729 : i32 to index
        %swap3A_871 = arith.constant 144 : index
        %swap3A_872 = tpu.vector_load %arg15[%swap3A_870, %swap3A_871] {strides = array<i32>} : memref<16x176xf32, #tpu.memory_space<vmem>>, vector<16xf32>,
        tpu.vector_store %arg15[%swap3A_870, %swap3A_871], %mul3A_869 {strides = array<i32>} : memref<16x176xf32, #tpu.memory_space<vmem>>, vector<16xf32>,
        %swap3A_873 = arith.index_cast %add3A_729 : i32 to index
        %swap3A_874 = arith.constant 160 : index
        %swap3A_875 = tpu.vector_load %arg15[%swap3A_873, %swap3A_874] {strides = array<i32>} : memref<16x176xf32, #tpu.memory_space<vmem>>, vector<16xf32>,
        tpu.vector_store %arg15[%swap3A_873, %swap3A_874], %exp3A_832 {strides = array<i32>} : memref<16x176xf32, #tpu.memory_space<vmem>>, vector<16xf32>,
        %mul3A_876 = arith.constant 4 : i32
        %mul3A_877 = arith.muli %scan3A_432, %mul3A_876 : i32
        %add3A_878 = arith.constant 3 : i32
        %add3A_879 = arith.addi %mul3A_877, %add3A_878 : i32
        %add3A_880 = arith.constant 0 : i32
        %add3A_881 = arith.addi %add3A_880, %add3A_879 : i32
        %get3A_882 = arith.index_cast %add3A_881 : i32 to index
        %get3A_883 = arith.constant 0 : index
        %get3A_884 = tpu.vector_load %arg9[%get3A_882, %get3A_883] {strides = array<i32>} : memref<40x128xbf16, #tpu.memory_space<vmem>>, vector<32xbf16>,
        %unpack3A_885 = tpu.unpack_subelements %get3A_884, 0 {pack_format = #tpu.pack_format<interleaved>} : vector<32xbf16> -> vector<16xf32>
        %unpack3A_886 = tpu.unpack_subelements %get3A_884, 1 {pack_format = #tpu.pack_format<interleaved>} : vector<32xbf16> -> vector<16xf32>
        %get3A_887 = arith.index_cast %add3A_881 : i32 to index
        %get3A_888 = arith.constant 32 : index
        %get3A_889 = tpu.vector_load %arg9[%get3A_887, %get3A_888] {strides = array<i32>} : memref<40x128xbf16, #tpu.memory_space<vmem>>, vector<32xbf16>,
        %unpack3A_890 = tpu.unpack_subelements %get3A_889, 0 {pack_format = #tpu.pack_format<interleaved>} : vector<32xbf16> -> vector<16xf32>
        %unpack3A_891 = tpu.unpack_subelements %get3A_889, 1 {pack_format = #tpu.pack_format<interleaved>} : vector<32xbf16> -> vector<16xf32>
        %get3A_892 = arith.index_cast %add3A_881 : i32 to index
        %get3A_893 = arith.constant 64 : index
        %get3A_894 = tpu.vector_load %arg9[%get3A_892, %get3A_893] {strides = array<i32>} : memref<40x128xbf16, #tpu.memory_space<vmem>>, vector<32xbf16>,
        %unpack3A_895 = tpu.unpack_subelements %get3A_894, 0 {pack_format = #tpu.pack_format<interleaved>} : vector<32xbf16> -> vector<16xf32>
        %unpack3A_896 = tpu.unpack_subelements %get3A_894, 1 {pack_format = #tpu.pack_format<interleaved>} : vector<32xbf16> -> vector<16xf32>
        %get3A_897 = arith.index_cast %add3A_881 : i32 to index
        %get3A_898 = arith.constant 96 : index
        %get3A_899 = tpu.vector_load %arg9[%get3A_897, %get3A_898] {strides = array<i32>} : memref<40x128xbf16, #tpu.memory_space<vmem>>, vector<32xbf16>,
        %unpack3A_900 = tpu.unpack_subelements %get3A_899, 0 {pack_format = #tpu.pack_format<interleaved>} : vector<32xbf16> -> vector<16xf32>
        %unpack3A_901 = tpu.unpack_subelements %get3A_899, 1 {pack_format = #tpu.pack_format<interleaved>} : vector<32xbf16> -> vector<16xf32>
        %get3A_902 = arith.index_cast %add3A_881 : i32 to index
        %get3A_903 = arith.constant 0 : index
        %get3A_904 = tpu.vector_load %arg11[%get3A_902, %get3A_903] {strides = array<i32>} : memref<40x160xbf16, #tpu.memory_space<vmem>>, vector<32xbf16>,
        %unpack3A_905 = tpu.unpack_subelements %get3A_904, 0 {pack_format = #tpu.pack_format<interleaved>} : vector<32xbf16> -> vector<16xf32>
        %unpack3A_906 = tpu.unpack_subelements %get3A_904, 1 {pack_format = #tpu.pack_format<interleaved>} : vector<32xbf16> -> vector<16xf32>
        %mul3A_907 = arith.mulf %unpack3A_885, %unpack3A_905 : vector<16xf32>
        %mul3A_908 = arith.mulf %unpack3A_886, %unpack3A_906 : vector<16xf32>
        %add3A_909 = arith.addf %mul3A_907, %mul3A_908 : vector<16xf32>
        %get3A_910 = arith.index_cast %add3A_881 : i32 to index
        %get3A_911 = arith.constant 32 : index
        %get3A_912 = tpu.vector_load %arg11[%get3A_910, %get3A_911] {strides = array<i32>} : memref<40x160xbf16, #tpu.memory_space<vmem>>, vector<32xbf16>,
        %unpack3A_913 = tpu.unpack_subelements %get3A_912, 0 {pack_format = #tpu.pack_format<interleaved>} : vector<32xbf16> -> vector<16xf32>
        %unpack3A_914 = tpu.unpack_subelements %get3A_912, 1 {pack_format = #tpu.pack_format<interleaved>} : vector<32xbf16> -> vector<16xf32>
        %mul3A_915 = arith.mulf %unpack3A_890, %unpack3A_913 : vector<16xf32>
        %mul3A_916 = arith.mulf %unpack3A_891, %unpack3A_914 : vector<16xf32>
        %add3A_917 = arith.addf %mul3A_915, %mul3A_916 : vector<16xf32>
        %add3A_918 = arith.addf %add3A_909, %add3A_917 : vector<16xf32>
        %get3A_919 = arith.index_cast %add3A_881 : i32 to index
        %get3A_920 = arith.constant 64 : index
        %get3A_921 = tpu.vector_load %arg11[%get3A_919, %get3A_920] {strides = array<i32>} : memref<40x160xbf16, #tpu.memory_space<vmem>>, vector<32xbf16>,
        %unpack3A_922 = tpu.unpack_subelements %get3A_921, 0 {pack_format = #tpu.pack_format<interleaved>} : vector<32xbf16> -> vector<16xf32>
        %unpack3A_923 = tpu.unpack_subelements %get3A_921, 1 {pack_format = #tpu.pack_format<interleaved>} : vector<32xbf16> -> vector<16xf32>
        %mul3A_924 = arith.mulf %unpack3A_895, %unpack3A_922 : vector<16xf32>
        %mul3A_925 = arith.mulf %unpack3A_896, %unpack3A_923 : vector<16xf32>
        %add3A_926 = arith.addf %mul3A_924, %mul3A_925 : vector<16xf32>
        %add3A_927 = arith.addf %add3A_918, %add3A_926 : vector<16xf32>
        %get3A_928 = arith.index_cast %add3A_881 : i32 to index
        %get3A_929 = arith.constant 96 : index
        %get3A_930 = tpu.vector_load %arg11[%get3A_928, %get3A_929] {strides = array<i32>} : memref<40x160xbf16, #tpu.memory_space<vmem>>, vector<32xbf16>,
        %unpack3A_931 = tpu.unpack_subelements %get3A_930, 0 {pack_format = #tpu.pack_format<interleaved>} : vector<32xbf16> -> vector<16xf32>
        %unpack3A_932 = tpu.unpack_subelements %get3A_930, 1 {pack_format = #tpu.pack_format<interleaved>} : vector<32xbf16> -> vector<16xf32>
        %mul3A_933 = arith.mulf %unpack3A_900, %unpack3A_931 : vector<16xf32>
        %mul3A_934 = arith.mulf %unpack3A_901, %unpack3A_932 : vector<16xf32>
        %add3A_935 = arith.addf %mul3A_933, %mul3A_934 : vector<16xf32>
        %add3A_936 = arith.addf %add3A_927, %add3A_935 : vector<16xf32>
        %get3A_937 = arith.index_cast %add3A_881 : i32 to index
        %get3A_938 = arith.constant 0 : index
        %get3A_939 = tpu.vector_load %arg13[%get3A_937, %get3A_938] {strides = array<i32>} : memref<40x32xbf16, #tpu.memory_space<vmem>>, vector<32xbf16>,
        %unpack3A_940 = tpu.unpack_subelements %get3A_939, 0 {pack_format = #tpu.pack_format<interleaved>} : vector<32xbf16> -> vector<16xf32>
        %unpack3A_941 = tpu.unpack_subelements %get3A_939, 1 {pack_format = #tpu.pack_format<interleaved>} : vector<32xbf16> -> vector<16xf32>
        %get3A_942 = arith.index_cast %add3A_881 : i32 to index
        %get3A_943 = arith.constant 128 : index
        %get3A_944 = tpu.vector_load %arg11[%get3A_942, %get3A_943] {strides = array<i32>} : memref<40x160xbf16, #tpu.memory_space<vmem>>, vector<32xbf16>,
        %unpack3A_945 = tpu.unpack_subelements %get3A_944, 0 {pack_format = #tpu.pack_format<interleaved>} : vector<32xbf16> -> vector<16xf32>
        %unpack3A_946 = tpu.unpack_subelements %get3A_944, 1 {pack_format = #tpu.pack_format<interleaved>} : vector<32xbf16> -> vector<16xf32>
        %mul3A_947 = arith.mulf %unpack3A_940, %unpack3A_945 : vector<16xf32>
        %add3A_948 = arith.addf %add3A_936, %mul3A_947 : vector<16xf32>
        %mul3A_949 = arith.mulf %unpack3A_941, %unpack3A_946 : vector<16xf32>
        %add3A_950 = arith.addf %add3A_948, %mul3A_949 : vector<16xf32>
        %xor3A_951 = arith.constant 8 : i32
        %xor3A_952 = vector.broadcast %xor3A_951 : i32 to vector<16xi32>
        %xor3A_953 = arith.xori %iota3A, %xor3A_952 : vector<16xi32>
        %broadcast_in_dim3A_954 = vector.shape_cast %xor3A_953 : vector<16xi32> to vector<16x1xi32>
        %gather3A_955 = vector.shape_cast %broadcast_in_dim3A_954 : vector<16x1xi32> to vector<16xi32>
        %gather3A_956 = tpu.dynamic_gather %add3A_950[%gather3A_955] in [0] : vector<16xf32>, vector<16xi32> -> vector<16xf32>
        %add3A_957 = arith.addf %add3A_950, %gather3A_956 : vector<16xf32>
        %xor3A_958 = arith.constant 4 : i32
        %xor3A_959 = vector.broadcast %xor3A_958 : i32 to vector<16xi32>
        %xor3A_960 = arith.xori %iota3A, %xor3A_959 : vector<16xi32>
        %broadcast_in_dim3A_961 = vector.shape_cast %xor3A_960 : vector<16xi32> to vector<16x1xi32>
        %gather3A_962 = vector.shape_cast %broadcast_in_dim3A_961 : vector<16x1xi32> to vector<16xi32>
        %gather3A_963 = tpu.dynamic_gather %add3A_957[%gather3A_962] in [0] : vector<16xf32>, vector<16xi32> -> vector<16xf32>
        %add3A_964 = arith.addf %add3A_957, %gather3A_963 : vector<16xf32>
        %xor3A_965 = arith.constant 2 : i32
        %xor3A_966 = vector.broadcast %xor3A_965 : i32 to vector<16xi32>
        %xor3A_967 = arith.xori %iota3A, %xor3A_966 : vector<16xi32>
        %broadcast_in_dim3A_968 = vector.shape_cast %xor3A_967 : vector<16xi32> to vector<16x1xi32>
        %gather3A_969 = vector.shape_cast %broadcast_in_dim3A_968 : vector<16x1xi32> to vector<16xi32>
        %gather3A_970 = tpu.dynamic_gather %add3A_964[%gather3A_969] in [0] : vector<16xf32>, vector<16xi32> -> vector<16xf32>
        %add3A_971 = arith.addf %add3A_964, %gather3A_970 : vector<16xf32>
        %xor3A_972 = arith.constant 1 : i32
        %xor3A_973 = vector.broadcast %xor3A_972 : i32 to vector<16xi32>
        %xor3A_974 = arith.xori %iota3A, %xor3A_973 : vector<16xi32>
        %broadcast_in_dim3A_975 = vector.shape_cast %xor3A_974 : vector<16xi32> to vector<16x1xi32>
        %gather3A_976 = vector.shape_cast %broadcast_in_dim3A_975 : vector<16x1xi32> to vector<16xi32>
        %gather3A_977 = tpu.dynamic_gather %add3A_971[%gather3A_976] in [0] : vector<16xf32>, vector<16xi32> -> vector<16xf32>
        %add3A_978 = arith.addf %add3A_971, %gather3A_977 : vector<16xf32>
        %mul3A_979 = arith.constant 0.0883883461 : f32
        %mul3A_980 = vector.broadcast %mul3A_979 : f32 to vector<16xf32>
        %mul3A_981 = arith.mulf %add3A_978, %mul3A_980 : vector<16xf32>
        %exp3A_982 = math.exp %mul3A_981 : vector<16xf32>
        %mul3A_983 = arith.mulf %exp3A_982, %unpack3A_885 : vector<16xf32>
        %swap3A_984 = arith.index_cast %add3A_879 : i32 to index
        %swap3A_985 = arith.constant 0 : index
        %swap3A_986 = tpu.vector_load %arg15[%swap3A_984, %swap3A_985] {strides = array<i32>} : memref<16x176xf32, #tpu.memory_space<vmem>>, vector<16xf32>,
        tpu.vector_store %arg15[%swap3A_984, %swap3A_985], %mul3A_983 {strides = array<i32>} : memref<16x176xf32, #tpu.memory_space<vmem>>, vector<16xf32>,
        %mul3A_987 = arith.mulf %exp3A_982, %unpack3A_886 : vector<16xf32>
        %swap3A_988 = arith.index_cast %add3A_879 : i32 to index
        %swap3A_989 = arith.constant 16 : index
        %swap3A_990 = tpu.vector_load %arg15[%swap3A_988, %swap3A_989] {strides = array<i32>} : memref<16x176xf32, #tpu.memory_space<vmem>>, vector<16xf32>,
        tpu.vector_store %arg15[%swap3A_988, %swap3A_989], %mul3A_987 {strides = array<i32>} : memref<16x176xf32, #tpu.memory_space<vmem>>, vector<16xf32>,
        %mul3A_991 = arith.mulf %exp3A_982, %unpack3A_890 : vector<16xf32>
        %swap3A_992 = arith.index_cast %add3A_879 : i32 to index
        %swap3A_993 = arith.constant 32 : index
        %swap3A_994 = tpu.vector_load %arg15[%swap3A_992, %swap3A_993] {strides = array<i32>} : memref<16x176xf32, #tpu.memory_space<vmem>>, vector<16xf32>,
        tpu.vector_store %arg15[%swap3A_992, %swap3A_993], %mul3A_991 {strides = array<i32>} : memref<16x176xf32, #tpu.memory_space<vmem>>, vector<16xf32>,
        %mul3A_995 = arith.mulf %exp3A_982, %unpack3A_891 : vector<16xf32>
        %swap3A_996 = arith.index_cast %add3A_879 : i32 to index
        %swap3A_997 = arith.constant 48 : index
        %swap3A_998 = tpu.vector_load %arg15[%swap3A_996, %swap3A_997] {strides = array<i32>} : memref<16x176xf32, #tpu.memory_space<vmem>>, vector<16xf32>,
        tpu.vector_store %arg15[%swap3A_996, %swap3A_997], %mul3A_995 {strides = array<i32>} : memref<16x176xf32, #tpu.memory_space<vmem>>, vector<16xf32>,
        %mul3A_999 = arith.mulf %exp3A_982, %unpack3A_895 : vector<16xf32>
        %swap3A_1000 = arith.index_cast %add3A_879 : i32 to index
        %swap3A_1001 = arith.constant 64 : index
        %swap3A_1002 = tpu.vector_load %arg15[%swap3A_1000, %swap3A_1001] {strides = array<i32>} : memref<16x176xf32, #tpu.memory_space<vmem>>, vector<16xf32>,
        tpu.vector_store %arg15[%swap3A_1000, %swap3A_1001], %mul3A_999 {strides = array<i32>} : memref<16x176xf32, #tpu.memory_space<vmem>>, vector<16xf32>,
        %mul3A_1003 = arith.mulf %exp3A_982, %unpack3A_896 : vector<16xf32>
        %swap3A_1004 = arith.index_cast %add3A_879 : i32 to index
        %swap3A_1005 = arith.constant 80 : index
        %swap3A_1006 = tpu.vector_load %arg15[%swap3A_1004, %swap3A_1005] {strides = array<i32>} : memref<16x176xf32, #tpu.memory_space<vmem>>, vector<16xf32>,
        tpu.vector_store %arg15[%swap3A_1004, %swap3A_1005], %mul3A_1003 {strides = array<i32>} : memref<16x176xf32, #tpu.memory_space<vmem>>, vector<16xf32>,
        %mul3A_1007 = arith.mulf %exp3A_982, %unpack3A_900 : vector<16xf32>
        %swap3A_1008 = arith.index_cast %add3A_879 : i32 to index
        %swap3A_1009 = arith.constant 96 : index
        %swap3A_1010 = tpu.vector_load %arg15[%swap3A_1008, %swap3A_1009] {strides = array<i32>} : memref<16x176xf32, #tpu.memory_space<vmem>>, vector<16xf32>,
        tpu.vector_store %arg15[%swap3A_1008, %swap3A_1009], %mul3A_1007 {strides = array<i32>} : memref<16x176xf32, #tpu.memory_space<vmem>>, vector<16xf32>,
        %mul3A_1011 = arith.mulf %exp3A_982, %unpack3A_901 : vector<16xf32>
        %swap3A_1012 = arith.index_cast %add3A_879 : i32 to index
        %swap3A_1013 = arith.constant 112 : index
        %swap3A_1014 = tpu.vector_load %arg15[%swap3A_1012, %swap3A_1013] {strides = array<i32>} : memref<16x176xf32, #tpu.memory_space<vmem>>, vector<16xf32>,
        tpu.vector_store %arg15[%swap3A_1012, %swap3A_1013], %mul3A_1011 {strides = array<i32>} : memref<16x176xf32, #tpu.memory_space<vmem>>, vector<16xf32>,
        %mul3A_1015 = arith.mulf %exp3A_982, %unpack3A_940 : vector<16xf32>
        %swap3A_1016 = arith.index_cast %add3A_879 : i32 to index
        %swap3A_1017 = arith.constant 128 : index
        %swap3A_1018 = tpu.vector_load %arg15[%swap3A_1016, %swap3A_1017] {strides = array<i32>} : memref<16x176xf32, #tpu.memory_space<vmem>>, vector<16xf32>,
        tpu.vector_store %arg15[%swap3A_1016, %swap3A_1017], %mul3A_1015 {strides = array<i32>} : memref<16x176xf32, #tpu.memory_space<vmem>>, vector<16xf32>,
        %mul3A_1019 = arith.mulf %exp3A_982, %unpack3A_941 : vector<16xf32>
        %swap3A_1020 = arith.index_cast %add3A_879 : i32 to index
        %swap3A_1021 = arith.constant 144 : index
        %swap3A_1022 = tpu.vector_load %arg15[%swap3A_1020, %swap3A_1021] {strides = array<i32>} : memref<16x176xf32, #tpu.memory_space<vmem>>, vector<16xf32>,
        tpu.vector_store %arg15[%swap3A_1020, %swap3A_1021], %mul3A_1019 {strides = array<i32>} : memref<16x176xf32, #tpu.memory_space<vmem>>, vector<16xf32>,
        %swap3A_1023 = arith.index_cast %add3A_879 : i32 to index
        %swap3A_1024 = arith.constant 160 : index
        %swap3A_1025 = tpu.vector_load %arg15[%swap3A_1023, %swap3A_1024] {strides = array<i32>} : memref<16x176xf32, #tpu.memory_space<vmem>>, vector<16xf32>,
        tpu.vector_store %arg15[%swap3A_1023, %swap3A_1024], %exp3A_982 {strides = array<i32>} : memref<16x176xf32, #tpu.memory_space<vmem>>, vector<16xf32>,
      }
      %scan3A_302 = arith.constant 4 : i32
      %dma_start3A_303 = arith.constant 1 : i32
      %dma_start3A_304 = arith.constant 0 : i32
      %dma_start3A_305 = tpu.memref_slice %arg7[%dma_start3A_303, %dma_start3A_304] : memref<2x40xi32, #tpu.memory_space<vmem>> -> memref<1x16xi32, #tpu.memory_space<vmem>>
      %dma_start3A_306 = tpu.memref_squeeze %dma_start3A_305 : memref<1x16xi32, #tpu.memory_space<vmem>> -> memref<16xi32, #tpu.memory_space<vmem>>
      %dma_start3A_307 = arith.constant 0 : i32
      %dma_start3A_308 = arith.constant 0 : i32
      %dma_start3A_309 = tpu.memref_slice %arg17[%dma_start3A_307, %dma_start3A_308] : memref<10000x176xf32, #tpu.memory_space<vmem_shared>> -> memref<10000x176xf32, #tpu.memory_space<vmem_shared>>
      tpu.enqueue_indirect_dma source(%arg15 : memref<16x176xf32, #tpu.memory_space<vmem>>) target(%dma_start3A_309 : memref<10000x176xf32, #tpu.memory_space<vmem_shared>>) offsets(%dma_start3A_306 : memref<16xi32, #tpu.memory_space<vmem>>) semaphore(%arg28 : memref<!tpu.dma_semaphore, #tpu.memory_space<semaphore_mem>>) {add = true}
      %gt3A_310 = arith.constant 0 : i32
      %gt3A_311 = arith.cmpi sgt, %scan3A_187, %gt3A_310 : i32
      %convert_element_type3A_312 = arith.extui %gt3A_311 : i1 to i32
      %cond3A_313 = arith.constant 0 : i32
      %cond3A_314 = arith.cmpi ne, %convert_element_type3A_312, %cond3A_313 : i32
      scf.if %cond3A_314 {
        %dma_wait3A_432 = arith.constant 1 : i32
        %dma_wait3A_433 = arith.constant 16 : i32
        %dma_wait3A_434 = tpu.memref_slice %arg8[%dma_wait3A_432, %dma_wait3A_433] : memref<2x40xi32, #tpu.memory_space<vmem>> -> memref<1x24xi32, #tpu.memory_space<vmem>>
        %dma_wait3A_435 = tpu.memref_squeeze %dma_wait3A_434 : memref<1x24xi32, #tpu.memory_space<vmem>> -> memref<24xi32, #tpu.memory_space<vmem>>
        %dma_wait3A_436 = arith.constant 0 : i32
        %dma_wait3A_437 = arith.constant 0 : i32
        %dma_wait3A_438 = tpu.memref_slice %arg17[%dma_wait3A_436, %dma_wait3A_437] : memref<10000x176xf32, #tpu.memory_space<vmem_shared>> -> memref<10000x176xf32, #tpu.memory_space<vmem_shared>>
        tpu.wait_indirect_dma semaphore(%arg29 : memref<!tpu.dma_semaphore, #tpu.memory_space<semaphore_mem>>) src(%arg16 : memref<24x176xf32, #tpu.memory_space<vmem>>) dst(%dma_wait3A_438 : memref<10000x176xf32, #tpu.memory_space<vmem_shared>>)
      } else {
      }
      %scan3A_315 = arith.constant 0 : i32
      %scan3A_316 = arith.constant 0 : i32
      %scan3A_317 = arith.constant 6 : i32
      %scan3A_318 = arith.addi %scan3A_316, %scan3A_317 : i32
      %scan3A_319 = arith.constant 1 : i32
      scf.for %scan3A_432 = %scan3A_316 to %scan3A_318 step %scan3A_319  : i32 {
        %mul3A_433 = arith.constant 4 : i32
        %mul3A_434 = arith.muli %scan3A_432, %mul3A_433 : i32
        %add3A_435 = arith.constant 0 : i32
        %add3A_436 = arith.addi %mul3A_434, %add3A_435 : i32
        %add3A_437 = arith.constant 16 : i32
        %add3A_438 = arith.addi %add3A_437, %add3A_436 : i32
        %get3A = arith.index_cast %add3A_438 : i32 to index
        %get3A_439 = arith.constant 0 : index
        %get3A_440 = tpu.vector_load %arg9[%get3A, %get3A_439] {strides = array<i32>} : memref<40x128xbf16, #tpu.memory_space<vmem>>, vector<32xbf16>,
        %unpack3A = tpu.unpack_subelements %get3A_440, 0 {pack_format = #tpu.pack_format<interleaved>} : vector<32xbf16> -> vector<16xf32>
        %unpack3A_441 = tpu.unpack_subelements %get3A_440, 1 {pack_format = #tpu.pack_format<interleaved>} : vector<32xbf16> -> vector<16xf32>
        %get3A_442 = arith.index_cast %add3A_438 : i32 to index
        %get3A_443 = arith.constant 32 : index
        %get3A_444 = tpu.vector_load %arg9[%get3A_442, %get3A_443] {strides = array<i32>} : memref<40x128xbf16, #tpu.memory_space<vmem>>, vector<32xbf16>,
        %unpack3A_445 = tpu.unpack_subelements %get3A_444, 0 {pack_format = #tpu.pack_format<interleaved>} : vector<32xbf16> -> vector<16xf32>
        %unpack3A_446 = tpu.unpack_subelements %get3A_444, 1 {pack_format = #tpu.pack_format<interleaved>} : vector<32xbf16> -> vector<16xf32>
        %get3A_447 = arith.index_cast %add3A_438 : i32 to index
        %get3A_448 = arith.constant 64 : index
        %get3A_449 = tpu.vector_load %arg9[%get3A_447, %get3A_448] {strides = array<i32>} : memref<40x128xbf16, #tpu.memory_space<vmem>>, vector<32xbf16>,
        %unpack3A_450 = tpu.unpack_subelements %get3A_449, 0 {pack_format = #tpu.pack_format<interleaved>} : vector<32xbf16> -> vector<16xf32>
        %unpack3A_451 = tpu.unpack_subelements %get3A_449, 1 {pack_format = #tpu.pack_format<interleaved>} : vector<32xbf16> -> vector<16xf32>
        %get3A_452 = arith.index_cast %add3A_438 : i32 to index
        %get3A_453 = arith.constant 96 : index
        %get3A_454 = tpu.vector_load %arg9[%get3A_452, %get3A_453] {strides = array<i32>} : memref<40x128xbf16, #tpu.memory_space<vmem>>, vector<32xbf16>,
        %unpack3A_455 = tpu.unpack_subelements %get3A_454, 0 {pack_format = #tpu.pack_format<interleaved>} : vector<32xbf16> -> vector<16xf32>
        %unpack3A_456 = tpu.unpack_subelements %get3A_454, 1 {pack_format = #tpu.pack_format<interleaved>} : vector<32xbf16> -> vector<16xf32>
        %get3A_457 = arith.index_cast %add3A_438 : i32 to index
        %get3A_458 = arith.constant 0 : index
        %get3A_459 = tpu.vector_load %arg11[%get3A_457, %get3A_458] {strides = array<i32>} : memref<40x160xbf16, #tpu.memory_space<vmem>>, vector<32xbf16>,
        %unpack3A_460 = tpu.unpack_subelements %get3A_459, 0 {pack_format = #tpu.pack_format<interleaved>} : vector<32xbf16> -> vector<16xf32>
        %unpack3A_461 = tpu.unpack_subelements %get3A_459, 1 {pack_format = #tpu.pack_format<interleaved>} : vector<32xbf16> -> vector<16xf32>
        %mul3A_462 = arith.mulf %unpack3A, %unpack3A_460 : vector<16xf32>
        %mul3A_463 = arith.mulf %unpack3A_441, %unpack3A_461 : vector<16xf32>
        %add3A_464 = arith.addf %mul3A_462, %mul3A_463 : vector<16xf32>
        %get3A_465 = arith.index_cast %add3A_438 : i32 to index
        %get3A_466 = arith.constant 32 : index
        %get3A_467 = tpu.vector_load %arg11[%get3A_465, %get3A_466] {strides = array<i32>} : memref<40x160xbf16, #tpu.memory_space<vmem>>, vector<32xbf16>,
        %unpack3A_468 = tpu.unpack_subelements %get3A_467, 0 {pack_format = #tpu.pack_format<interleaved>} : vector<32xbf16> -> vector<16xf32>
        %unpack3A_469 = tpu.unpack_subelements %get3A_467, 1 {pack_format = #tpu.pack_format<interleaved>} : vector<32xbf16> -> vector<16xf32>
        %mul3A_470 = arith.mulf %unpack3A_445, %unpack3A_468 : vector<16xf32>
        %mul3A_471 = arith.mulf %unpack3A_446, %unpack3A_469 : vector<16xf32>
        %add3A_472 = arith.addf %mul3A_470, %mul3A_471 : vector<16xf32>
        %add3A_473 = arith.addf %add3A_464, %add3A_472 : vector<16xf32>
        %get3A_474 = arith.index_cast %add3A_438 : i32 to index
        %get3A_475 = arith.constant 64 : index
        %get3A_476 = tpu.vector_load %arg11[%get3A_474, %get3A_475] {strides = array<i32>} : memref<40x160xbf16, #tpu.memory_space<vmem>>, vector<32xbf16>,
        %unpack3A_477 = tpu.unpack_subelements %get3A_476, 0 {pack_format = #tpu.pack_format<interleaved>} : vector<32xbf16> -> vector<16xf32>
        %unpack3A_478 = tpu.unpack_subelements %get3A_476, 1 {pack_format = #tpu.pack_format<interleaved>} : vector<32xbf16> -> vector<16xf32>
        %mul3A_479 = arith.mulf %unpack3A_450, %unpack3A_477 : vector<16xf32>
        %mul3A_480 = arith.mulf %unpack3A_451, %unpack3A_478 : vector<16xf32>
        %add3A_481 = arith.addf %mul3A_479, %mul3A_480 : vector<16xf32>
        %add3A_482 = arith.addf %add3A_473, %add3A_481 : vector<16xf32>
        %get3A_483 = arith.index_cast %add3A_438 : i32 to index
        %get3A_484 = arith.constant 96 : index
        %get3A_485 = tpu.vector_load %arg11[%get3A_483, %get3A_484] {strides = array<i32>} : memref<40x160xbf16, #tpu.memory_space<vmem>>, vector<32xbf16>,
        %unpack3A_486 = tpu.unpack_subelements %get3A_485, 0 {pack_format = #tpu.pack_format<interleaved>} : vector<32xbf16> -> vector<16xf32>
        %unpack3A_487 = tpu.unpack_subelements %get3A_485, 1 {pack_format = #tpu.pack_format<interleaved>} : vector<32xbf16> -> vector<16xf32>
        %mul3A_488 = arith.mulf %unpack3A_455, %unpack3A_486 : vector<16xf32>
        %mul3A_489 = arith.mulf %unpack3A_456, %unpack3A_487 : vector<16xf32>
        %add3A_490 = arith.addf %mul3A_488, %mul3A_489 : vector<16xf32>
        %add3A_491 = arith.addf %add3A_482, %add3A_490 : vector<16xf32>
        %get3A_492 = arith.index_cast %add3A_438 : i32 to index
        %get3A_493 = arith.constant 0 : index
        %get3A_494 = tpu.vector_load %arg13[%get3A_492, %get3A_493] {strides = array<i32>} : memref<40x32xbf16, #tpu.memory_space<vmem>>, vector<32xbf16>,
        %unpack3A_495 = tpu.unpack_subelements %get3A_494, 0 {pack_format = #tpu.pack_format<interleaved>} : vector<32xbf16> -> vector<16xf32>
        %unpack3A_496 = tpu.unpack_subelements %get3A_494, 1 {pack_format = #tpu.pack_format<interleaved>} : vector<32xbf16> -> vector<16xf32>
        %get3A_497 = arith.index_cast %add3A_438 : i32 to index
        %get3A_498 = arith.constant 128 : index
        %get3A_499 = tpu.vector_load %arg11[%get3A_497, %get3A_498] {strides = array<i32>} : memref<40x160xbf16, #tpu.memory_space<vmem>>, vector<32xbf16>,
        %unpack3A_500 = tpu.unpack_subelements %get3A_499, 0 {pack_format = #tpu.pack_format<interleaved>} : vector<32xbf16> -> vector<16xf32>
        %unpack3A_501 = tpu.unpack_subelements %get3A_499, 1 {pack_format = #tpu.pack_format<interleaved>} : vector<32xbf16> -> vector<16xf32>
        %mul3A_502 = arith.mulf %unpack3A_495, %unpack3A_500 : vector<16xf32>
        %add3A_503 = arith.addf %add3A_491, %mul3A_502 : vector<16xf32>
        %mul3A_504 = arith.mulf %unpack3A_496, %unpack3A_501 : vector<16xf32>
        %add3A_505 = arith.addf %add3A_503, %mul3A_504 : vector<16xf32>
        %xor3A = arith.constant 8 : i32
        %xor3A_506 = vector.broadcast %xor3A : i32 to vector<16xi32>
        %xor3A_507 = arith.xori %iota3A, %xor3A_506 : vector<16xi32>
        %broadcast_in_dim3A = vector.shape_cast %xor3A_507 : vector<16xi32> to vector<16x1xi32>
        %gather3A = vector.shape_cast %broadcast_in_dim3A : vector<16x1xi32> to vector<16xi32>
        %gather3A_508 = tpu.dynamic_gather %add3A_505[%gather3A] in [0] : vector<16xf32>, vector<16xi32> -> vector<16xf32>
        %add3A_509 = arith.addf %add3A_505, %gather3A_508 : vector<16xf32>
        %xor3A_510 = arith.constant 4 : i32
        %xor3A_511 = vector.broadcast %xor3A_510 : i32 to vector<16xi32>
        %xor3A_512 = arith.xori %iota3A, %xor3A_511 : vector<16xi32>
        %broadcast_in_dim3A_513 = vector.shape_cast %xor3A_512 : vector<16xi32> to vector<16x1xi32>
        %gather3A_514 = vector.shape_cast %broadcast_in_dim3A_513 : vector<16x1xi32> to vector<16xi32>
        %gather3A_515 = tpu.dynamic_gather %add3A_509[%gather3A_514] in [0] : vector<16xf32>, vector<16xi32> -> vector<16xf32>
        %add3A_516 = arith.addf %add3A_509, %gather3A_515 : vector<16xf32>
        %xor3A_517 = arith.constant 2 : i32
        %xor3A_518 = vector.broadcast %xor3A_517 : i32 to vector<16xi32>
        %xor3A_519 = arith.xori %iota3A, %xor3A_518 : vector<16xi32>
        %broadcast_in_dim3A_520 = vector.shape_cast %xor3A_519 : vector<16xi32> to vector<16x1xi32>
        %gather3A_521 = vector.shape_cast %broadcast_in_dim3A_520 : vector<16x1xi32> to vector<16xi32>
        %gather3A_522 = tpu.dynamic_gather %add3A_516[%gather3A_521] in [0] : vector<16xf32>, vector<16xi32> -> vector<16xf32>
        %add3A_523 = arith.addf %add3A_516, %gather3A_522 : vector<16xf32>
        %xor3A_524 = arith.constant 1 : i32
        %xor3A_525 = vector.broadcast %xor3A_524 : i32 to vector<16xi32>
        %xor3A_526 = arith.xori %iota3A, %xor3A_525 : vector<16xi32>
        %broadcast_in_dim3A_527 = vector.shape_cast %xor3A_526 : vector<16xi32> to vector<16x1xi32>
        %gather3A_528 = vector.shape_cast %broadcast_in_dim3A_527 : vector<16x1xi32> to vector<16xi32>
        %gather3A_529 = tpu.dynamic_gather %add3A_523[%gather3A_528] in [0] : vector<16xf32>, vector<16xi32> -> vector<16xf32>
        %add3A_530 = arith.addf %add3A_523, %gather3A_529 : vector<16xf32>
        %mul3A_531 = arith.constant 0.0883883461 : f32
        %mul3A_532 = vector.broadcast %mul3A_531 : f32 to vector<16xf32>
        %mul3A_533 = arith.mulf %add3A_530, %mul3A_532 : vector<16xf32>
        %exp3A = math.exp %mul3A_533 : vector<16xf32>
        %mul3A_534 = arith.mulf %exp3A, %unpack3A : vector<16xf32>
        %swap3A = arith.index_cast %add3A_436 : i32 to index
        %swap3A_535 = arith.constant 0 : index
        %swap3A_536 = tpu.vector_load %arg16[%swap3A, %swap3A_535] {strides = array<i32>} : memref<24x176xf32, #tpu.memory_space<vmem>>, vector<16xf32>,
        tpu.vector_store %arg16[%swap3A, %swap3A_535], %mul3A_534 {strides = array<i32>} : memref<24x176xf32, #tpu.memory_space<vmem>>, vector<16xf32>,
        %mul3A_537 = arith.mulf %exp3A, %unpack3A_441 : vector<16xf32>
        %swap3A_538 = arith.index_cast %add3A_436 : i32 to index
        %swap3A_539 = arith.constant 16 : index
        %swap3A_540 = tpu.vector_load %arg16[%swap3A_538, %swap3A_539] {strides = array<i32>} : memref<24x176xf32, #tpu.memory_space<vmem>>, vector<16xf32>,
        tpu.vector_store %arg16[%swap3A_538, %swap3A_539], %mul3A_537 {strides = array<i32>} : memref<24x176xf32, #tpu.memory_space<vmem>>, vector<16xf32>,
        %mul3A_541 = arith.mulf %exp3A, %unpack3A_445 : vector<16xf32>
        %swap3A_542 = arith.index_cast %add3A_436 : i32 to index
        %swap3A_543 = arith.constant 32 : index
        %swap3A_544 = tpu.vector_load %arg16[%swap3A_542, %swap3A_543] {strides = array<i32>} : memref<24x176xf32, #tpu.memory_space<vmem>>, vector<16xf32>,
        tpu.vector_store %arg16[%swap3A_542, %swap3A_543], %mul3A_541 {strides = array<i32>} : memref<24x176xf32, #tpu.memory_space<vmem>>, vector<16xf32>,
        %mul3A_545 = arith.mulf %exp3A, %unpack3A_446 : vector<16xf32>
        %swap3A_546 = arith.index_cast %add3A_436 : i32 to index
        %swap3A_547 = arith.constant 48 : index
        %swap3A_548 = tpu.vector_load %arg16[%swap3A_546, %swap3A_547] {strides = array<i32>} : memref<24x176xf32, #tpu.memory_space<vmem>>, vector<16xf32>,
        tpu.vector_store %arg16[%swap3A_546, %swap3A_547], %mul3A_545 {strides = array<i32>} : memref<24x176xf32, #tpu.memory_space<vmem>>, vector<16xf32>,
        %mul3A_549 = arith.mulf %exp3A, %unpack3A_450 : vector<16xf32>
        %swap3A_550 = arith.index_cast %add3A_436 : i32 to index
        %swap3A_551 = arith.constant 64 : index
        %swap3A_552 = tpu.vector_load %arg16[%swap3A_550, %swap3A_551] {strides = array<i32>} : memref<24x176xf32, #tpu.memory_space<vmem>>, vector<16xf32>,
        tpu.vector_store %arg16[%swap3A_550, %swap3A_551], %mul3A_549 {strides = array<i32>} : memref<24x176xf32, #tpu.memory_space<vmem>>, vector<16xf32>,
        %mul3A_553 = arith.mulf %exp3A, %unpack3A_451 : vector<16xf32>
        %swap3A_554 = arith.index_cast %add3A_436 : i32 to index
        %swap3A_555 = arith.constant 80 : index
        %swap3A_556 = tpu.vector_load %arg16[%swap3A_554, %swap3A_555] {strides = array<i32>} : memref<24x176xf32, #tpu.memory_space<vmem>>, vector<16xf32>,
        tpu.vector_store %arg16[%swap3A_554, %swap3A_555], %mul3A_553 {strides = array<i32>} : memref<24x176xf32, #tpu.memory_space<vmem>>, vector<16xf32>,
        %mul3A_557 = arith.mulf %exp3A, %unpack3A_455 : vector<16xf32>
        %swap3A_558 = arith.index_cast %add3A_436 : i32 to index
        %swap3A_559 = arith.constant 96 : index
        %swap3A_560 = tpu.vector_load %arg16[%swap3A_558, %swap3A_559] {strides = array<i32>} : memref<24x176xf32, #tpu.memory_space<vmem>>, vector<16xf32>,
        tpu.vector_store %arg16[%swap3A_558, %swap3A_559], %mul3A_557 {strides = array<i32>} : memref<24x176xf32, #tpu.memory_space<vmem>>, vector<16xf32>,
        %mul3A_561 = arith.mulf %exp3A, %unpack3A_456 : vector<16xf32>
        %swap3A_562 = arith.index_cast %add3A_436 : i32 to index
        %swap3A_563 = arith.constant 112 : index
        %swap3A_564 = tpu.vector_load %arg16[%swap3A_562, %swap3A_563] {strides = array<i32>} : memref<24x176xf32, #tpu.memory_space<vmem>>, vector<16xf32>,
        tpu.vector_store %arg16[%swap3A_562, %swap3A_563], %mul3A_561 {strides = array<i32>} : memref<24x176xf32, #tpu.memory_space<vmem>>, vector<16xf32>,
        %mul3A_565 = arith.mulf %exp3A, %unpack3A_495 : vector<16xf32>
        %swap3A_566 = arith.index_cast %add3A_436 : i32 to index
        %swap3A_567 = arith.constant 128 : index
        %swap3A_568 = tpu.vector_load %arg16[%swap3A_566, %swap3A_567] {strides = array<i32>} : memref<24x176xf32, #tpu.memory_space<vmem>>, vector<16xf32>,
        tpu.vector_store %arg16[%swap3A_566, %swap3A_567], %mul3A_565 {strides = array<i32>} : memref<24x176xf32, #tpu.memory_space<vmem>>, vector<16xf32>,
        %mul3A_569 = arith.mulf %exp3A, %unpack3A_496 : vector<16xf32>
        %swap3A_570 = arith.index_cast %add3A_436 : i32 to index
        %swap3A_571 = arith.constant 144 : index
        %swap3A_572 = tpu.vector_load %arg16[%swap3A_570, %swap3A_571] {strides = array<i32>} : memref<24x176xf32, #tpu.memory_space<vmem>>, vector<16xf32>,
        tpu.vector_store %arg16[%swap3A_570, %swap3A_571], %mul3A_569 {strides = array<i32>} : memref<24x176xf32, #tpu.memory_space<vmem>>, vector<16xf32>,
        %swap3A_573 = arith.index_cast %add3A_436 : i32 to index
        %swap3A_574 = arith.constant 160 : index
        %swap3A_575 = tpu.vector_load %arg16[%swap3A_573, %swap3A_574] {strides = array<i32>} : memref<24x176xf32, #tpu.memory_space<vmem>>, vector<16xf32>,
        tpu.vector_store %arg16[%swap3A_573, %swap3A_574], %exp3A {strides = array<i32>} : memref<24x176xf32, #tpu.memory_space<vmem>>, vector<16xf32>,
        %mul3A_576 = arith.constant 4 : i32
        %mul3A_577 = arith.muli %scan3A_432, %mul3A_576 : i32
        %add3A_578 = arith.constant 1 : i32
        %add3A_579 = arith.addi %mul3A_577, %add3A_578 : i32
        %add3A_580 = arith.constant 16 : i32
        %add3A_581 = arith.addi %add3A_580, %add3A_579 : i32
        %get3A_582 = arith.index_cast %add3A_581 : i32 to index
        %get3A_583 = arith.constant 0 : index
        %get3A_584 = tpu.vector_load %arg9[%get3A_582, %get3A_583] {strides = array<i32>} : memref<40x128xbf16, #tpu.memory_space<vmem>>, vector<32xbf16>,
        %unpack3A_585 = tpu.unpack_subelements %get3A_584, 0 {pack_format = #tpu.pack_format<interleaved>} : vector<32xbf16> -> vector<16xf32>
        %unpack3A_586 = tpu.unpack_subelements %get3A_584, 1 {pack_format = #tpu.pack_format<interleaved>} : vector<32xbf16> -> vector<16xf32>
        %get3A_587 = arith.index_cast %add3A_581 : i32 to index
        %get3A_588 = arith.constant 32 : index
        %get3A_589 = tpu.vector_load %arg9[%get3A_587, %get3A_588] {strides = array<i32>} : memref<40x128xbf16, #tpu.memory_space<vmem>>, vector<32xbf16>,
        %unpack3A_590 = tpu.unpack_subelements %get3A_589, 0 {pack_format = #tpu.pack_format<interleaved>} : vector<32xbf16> -> vector<16xf32>
        %unpack3A_591 = tpu.unpack_subelements %get3A_589, 1 {pack_format = #tpu.pack_format<interleaved>} : vector<32xbf16> -> vector<16xf32>
        %get3A_592 = arith.index_cast %add3A_581 : i32 to index
        %get3A_593 = arith.constant 64 : index
        %get3A_594 = tpu.vector_load %arg9[%get3A_592, %get3A_593] {strides = array<i32>} : memref<40x128xbf16, #tpu.memory_space<vmem>>, vector<32xbf16>,
        %unpack3A_595 = tpu.unpack_subelements %get3A_594, 0 {pack_format = #tpu.pack_format<interleaved>} : vector<32xbf16> -> vector<16xf32>
        %unpack3A_596 = tpu.unpack_subelements %get3A_594, 1 {pack_format = #tpu.pack_format<interleaved>} : vector<32xbf16> -> vector<16xf32>
        %get3A_597 = arith.index_cast %add3A_581 : i32 to index
        %get3A_598 = arith.constant 96 : index
        %get3A_599 = tpu.vector_load %arg9[%get3A_597, %get3A_598] {strides = array<i32>} : memref<40x128xbf16, #tpu.memory_space<vmem>>, vector<32xbf16>,
        %unpack3A_600 = tpu.unpack_subelements %get3A_599, 0 {pack_format = #tpu.pack_format<interleaved>} : vector<32xbf16> -> vector<16xf32>
        %unpack3A_601 = tpu.unpack_subelements %get3A_599, 1 {pack_format = #tpu.pack_format<interleaved>} : vector<32xbf16> -> vector<16xf32>
        %get3A_602 = arith.index_cast %add3A_581 : i32 to index
        %get3A_603 = arith.constant 0 : index
        %get3A_604 = tpu.vector_load %arg11[%get3A_602, %get3A_603] {strides = array<i32>} : memref<40x160xbf16, #tpu.memory_space<vmem>>, vector<32xbf16>,
        %unpack3A_605 = tpu.unpack_subelements %get3A_604, 0 {pack_format = #tpu.pack_format<interleaved>} : vector<32xbf16> -> vector<16xf32>
        %unpack3A_606 = tpu.unpack_subelements %get3A_604, 1 {pack_format = #tpu.pack_format<interleaved>} : vector<32xbf16> -> vector<16xf32>
        %mul3A_607 = arith.mulf %unpack3A_585, %unpack3A_605 : vector<16xf32>
        %mul3A_608 = arith.mulf %unpack3A_586, %unpack3A_606 : vector<16xf32>
        %add3A_609 = arith.addf %mul3A_607, %mul3A_608 : vector<16xf32>
        %get3A_610 = arith.index_cast %add3A_581 : i32 to index
        %get3A_611 = arith.constant 32 : index
        %get3A_612 = tpu.vector_load %arg11[%get3A_610, %get3A_611] {strides = array<i32>} : memref<40x160xbf16, #tpu.memory_space<vmem>>, vector<32xbf16>,
        %unpack3A_613 = tpu.unpack_subelements %get3A_612, 0 {pack_format = #tpu.pack_format<interleaved>} : vector<32xbf16> -> vector<16xf32>
        %unpack3A_614 = tpu.unpack_subelements %get3A_612, 1 {pack_format = #tpu.pack_format<interleaved>} : vector<32xbf16> -> vector<16xf32>
        %mul3A_615 = arith.mulf %unpack3A_590, %unpack3A_613 : vector<16xf32>
        %mul3A_616 = arith.mulf %unpack3A_591, %unpack3A_614 : vector<16xf32>
        %add3A_617 = arith.addf %mul3A_615, %mul3A_616 : vector<16xf32>
        %add3A_618 = arith.addf %add3A_609, %add3A_617 : vector<16xf32>
        %get3A_619 = arith.index_cast %add3A_581 : i32 to index
        %get3A_620 = arith.constant 64 : index
        %get3A_621 = tpu.vector_load %arg11[%get3A_619, %get3A_620] {strides = array<i32>} : memref<40x160xbf16, #tpu.memory_space<vmem>>, vector<32xbf16>,
        %unpack3A_622 = tpu.unpack_subelements %get3A_621, 0 {pack_format = #tpu.pack_format<interleaved>} : vector<32xbf16> -> vector<16xf32>
        %unpack3A_623 = tpu.unpack_subelements %get3A_621, 1 {pack_format = #tpu.pack_format<interleaved>} : vector<32xbf16> -> vector<16xf32>
        %mul3A_624 = arith.mulf %unpack3A_595, %unpack3A_622 : vector<16xf32>
        %mul3A_625 = arith.mulf %unpack3A_596, %unpack3A_623 : vector<16xf32>
        %add3A_626 = arith.addf %mul3A_624, %mul3A_625 : vector<16xf32>
        %add3A_627 = arith.addf %add3A_618, %add3A_626 : vector<16xf32>
        %get3A_628 = arith.index_cast %add3A_581 : i32 to index
        %get3A_629 = arith.constant 96 : index
        %get3A_630 = tpu.vector_load %arg11[%get3A_628, %get3A_629] {strides = array<i32>} : memref<40x160xbf16, #tpu.memory_space<vmem>>, vector<32xbf16>,
        %unpack3A_631 = tpu.unpack_subelements %get3A_630, 0 {pack_format = #tpu.pack_format<interleaved>} : vector<32xbf16> -> vector<16xf32>
        %unpack3A_632 = tpu.unpack_subelements %get3A_630, 1 {pack_format = #tpu.pack_format<interleaved>} : vector<32xbf16> -> vector<16xf32>
        %mul3A_633 = arith.mulf %unpack3A_600, %unpack3A_631 : vector<16xf32>
        %mul3A_634 = arith.mulf %unpack3A_601, %unpack3A_632 : vector<16xf32>
        %add3A_635 = arith.addf %mul3A_633, %mul3A_634 : vector<16xf32>
        %add3A_636 = arith.addf %add3A_627, %add3A_635 : vector<16xf32>
        %get3A_637 = arith.index_cast %add3A_581 : i32 to index
        %get3A_638 = arith.constant 0 : index
        %get3A_639 = tpu.vector_load %arg13[%get3A_637, %get3A_638] {strides = array<i32>} : memref<40x32xbf16, #tpu.memory_space<vmem>>, vector<32xbf16>,
        %unpack3A_640 = tpu.unpack_subelements %get3A_639, 0 {pack_format = #tpu.pack_format<interleaved>} : vector<32xbf16> -> vector<16xf32>
        %unpack3A_641 = tpu.unpack_subelements %get3A_639, 1 {pack_format = #tpu.pack_format<interleaved>} : vector<32xbf16> -> vector<16xf32>
        %get3A_642 = arith.index_cast %add3A_581 : i32 to index
        %get3A_643 = arith.constant 128 : index
        %get3A_644 = tpu.vector_load %arg11[%get3A_642, %get3A_643] {strides = array<i32>} : memref<40x160xbf16, #tpu.memory_space<vmem>>, vector<32xbf16>,
        %unpack3A_645 = tpu.unpack_subelements %get3A_644, 0 {pack_format = #tpu.pack_format<interleaved>} : vector<32xbf16> -> vector<16xf32>
        %unpack3A_646 = tpu.unpack_subelements %get3A_644, 1 {pack_format = #tpu.pack_format<interleaved>} : vector<32xbf16> -> vector<16xf32>
        %mul3A_647 = arith.mulf %unpack3A_640, %unpack3A_645 : vector<16xf32>
        %add3A_648 = arith.addf %add3A_636, %mul3A_647 : vector<16xf32>
        %mul3A_649 = arith.mulf %unpack3A_641, %unpack3A_646 : vector<16xf32>
        %add3A_650 = arith.addf %add3A_648, %mul3A_649 : vector<16xf32>
        %xor3A_651 = arith.constant 8 : i32
        %xor3A_652 = vector.broadcast %xor3A_651 : i32 to vector<16xi32>
        %xor3A_653 = arith.xori %iota3A, %xor3A_652 : vector<16xi32>
        %broadcast_in_dim3A_654 = vector.shape_cast %xor3A_653 : vector<16xi32> to vector<16x1xi32>
        %gather3A_655 = vector.shape_cast %broadcast_in_dim3A_654 : vector<16x1xi32> to vector<16xi32>
        %gather3A_656 = tpu.dynamic_gather %add3A_650[%gather3A_655] in [0] : vector<16xf32>, vector<16xi32> -> vector<16xf32>
        %add3A_657 = arith.addf %add3A_650, %gather3A_656 : vector<16xf32>
        %xor3A_658 = arith.constant 4 : i32
        %xor3A_659 = vector.broadcast %xor3A_658 : i32 to vector<16xi32>
        %xor3A_660 = arith.xori %iota3A, %xor3A_659 : vector<16xi32>
        %broadcast_in_dim3A_661 = vector.shape_cast %xor3A_660 : vector<16xi32> to vector<16x1xi32>
        %gather3A_662 = vector.shape_cast %broadcast_in_dim3A_661 : vector<16x1xi32> to vector<16xi32>
        %gather3A_663 = tpu.dynamic_gather %add3A_657[%gather3A_662] in [0] : vector<16xf32>, vector<16xi32> -> vector<16xf32>
        %add3A_664 = arith.addf %add3A_657, %gather3A_663 : vector<16xf32>
        %xor3A_665 = arith.constant 2 : i32
        %xor3A_666 = vector.broadcast %xor3A_665 : i32 to vector<16xi32>
        %xor3A_667 = arith.xori %iota3A, %xor3A_666 : vector<16xi32>
        %broadcast_in_dim3A_668 = vector.shape_cast %xor3A_667 : vector<16xi32> to vector<16x1xi32>
        %gather3A_669 = vector.shape_cast %broadcast_in_dim3A_668 : vector<16x1xi32> to vector<16xi32>
        %gather3A_670 = tpu.dynamic_gather %add3A_664[%gather3A_669] in [0] : vector<16xf32>, vector<16xi32> -> vector<16xf32>
        %add3A_671 = arith.addf %add3A_664, %gather3A_670 : vector<16xf32>
        %xor3A_672 = arith.constant 1 : i32
        %xor3A_673 = vector.broadcast %xor3A_672 : i32 to vector<16xi32>
        %xor3A_674 = arith.xori %iota3A, %xor3A_673 : vector<16xi32>
        %broadcast_in_dim3A_675 = vector.shape_cast %xor3A_674 : vector<16xi32> to vector<16x1xi32>
        %gather3A_676 = vector.shape_cast %broadcast_in_dim3A_675 : vector<16x1xi32> to vector<16xi32>
        %gather3A_677 = tpu.dynamic_gather %add3A_671[%gather3A_676] in [0] : vector<16xf32>, vector<16xi32> -> vector<16xf32>
        %add3A_678 = arith.addf %add3A_671, %gather3A_677 : vector<16xf32>
        %mul3A_679 = arith.constant 0.0883883461 : f32
        %mul3A_680 = vector.broadcast %mul3A_679 : f32 to vector<16xf32>
        %mul3A_681 = arith.mulf %add3A_678, %mul3A_680 : vector<16xf32>
        %exp3A_682 = math.exp %mul3A_681 : vector<16xf32>
        %mul3A_683 = arith.mulf %exp3A_682, %unpack3A_585 : vector<16xf32>
        %swap3A_684 = arith.index_cast %add3A_579 : i32 to index
        %swap3A_685 = arith.constant 0 : index
        %swap3A_686 = tpu.vector_load %arg16[%swap3A_684, %swap3A_685] {strides = array<i32>} : memref<24x176xf32, #tpu.memory_space<vmem>>, vector<16xf32>,
        tpu.vector_store %arg16[%swap3A_684, %swap3A_685], %mul3A_683 {strides = array<i32>} : memref<24x176xf32, #tpu.memory_space<vmem>>, vector<16xf32>,
        %mul3A_687 = arith.mulf %exp3A_682, %unpack3A_586 : vector<16xf32>
        %swap3A_688 = arith.index_cast %add3A_579 : i32 to index
        %swap3A_689 = arith.constant 16 : index
        %swap3A_690 = tpu.vector_load %arg16[%swap3A_688, %swap3A_689] {strides = array<i32>} : memref<24x176xf32, #tpu.memory_space<vmem>>, vector<16xf32>,
        tpu.vector_store %arg16[%swap3A_688, %swap3A_689], %mul3A_687 {strides = array<i32>} : memref<24x176xf32, #tpu.memory_space<vmem>>, vector<16xf32>,
        %mul3A_691 = arith.mulf %exp3A_682, %unpack3A_590 : vector<16xf32>
        %swap3A_692 = arith.index_cast %add3A_579 : i32 to index
        %swap3A_693 = arith.constant 32 : index
        %swap3A_694 = tpu.vector_load %arg16[%swap3A_692, %swap3A_693] {strides = array<i32>} : memref<24x176xf32, #tpu.memory_space<vmem>>, vector<16xf32>,
        tpu.vector_store %arg16[%swap3A_692, %swap3A_693], %mul3A_691 {strides = array<i32>} : memref<24x176xf32, #tpu.memory_space<vmem>>, vector<16xf32>,
        %mul3A_695 = arith.mulf %exp3A_682, %unpack3A_591 : vector<16xf32>
        %swap3A_696 = arith.index_cast %add3A_579 : i32 to index
        %swap3A_697 = arith.constant 48 : index
        %swap3A_698 = tpu.vector_load %arg16[%swap3A_696, %swap3A_697] {strides = array<i32>} : memref<24x176xf32, #tpu.memory_space<vmem>>, vector<16xf32>,
        tpu.vector_store %arg16[%swap3A_696, %swap3A_697], %mul3A_695 {strides = array<i32>} : memref<24x176xf32, #tpu.memory_space<vmem>>, vector<16xf32>,
        %mul3A_699 = arith.mulf %exp3A_682, %unpack3A_595 : vector<16xf32>
        %swap3A_700 = arith.index_cast %add3A_579 : i32 to index
        %swap3A_701 = arith.constant 64 : index
        %swap3A_702 = tpu.vector_load %arg16[%swap3A_700, %swap3A_701] {strides = array<i32>} : memref<24x176xf32, #tpu.memory_space<vmem>>, vector<16xf32>,
        tpu.vector_store %arg16[%swap3A_700, %swap3A_701], %mul3A_699 {strides = array<i32>} : memref<24x176xf32, #tpu.memory_space<vmem>>, vector<16xf32>,
        %mul3A_703 = arith.mulf %exp3A_682, %unpack3A_596 : vector<16xf32>
        %swap3A_704 = arith.index_cast %add3A_579 : i32 to index
        %swap3A_705 = arith.constant 80 : index
        %swap3A_706 = tpu.vector_load %arg16[%swap3A_704, %swap3A_705] {strides = array<i32>} : memref<24x176xf32, #tpu.memory_space<vmem>>, vector<16xf32>,
        tpu.vector_store %arg16[%swap3A_704, %swap3A_705], %mul3A_703 {strides = array<i32>} : memref<24x176xf32, #tpu.memory_space<vmem>>, vector<16xf32>,
        %mul3A_707 = arith.mulf %exp3A_682, %unpack3A_600 : vector<16xf32>
        %swap3A_708 = arith.index_cast %add3A_579 : i32 to index
        %swap3A_709 = arith.constant 96 : index
        %swap3A_710 = tpu.vector_load %arg16[%swap3A_708, %swap3A_709] {strides = array<i32>} : memref<24x176xf32, #tpu.memory_space<vmem>>, vector<16xf32>,
        tpu.vector_store %arg16[%swap3A_708, %swap3A_709], %mul3A_707 {strides = array<i32>} : memref<24x176xf32, #tpu.memory_space<vmem>>, vector<16xf32>,
        %mul3A_711 = arith.mulf %exp3A_682, %unpack3A_601 : vector<16xf32>
        %swap3A_712 = arith.index_cast %add3A_579 : i32 to index
        %swap3A_713 = arith.constant 112 : index
        %swap3A_714 = tpu.vector_load %arg16[%swap3A_712, %swap3A_713] {strides = array<i32>} : memref<24x176xf32, #tpu.memory_space<vmem>>, vector<16xf32>,
        tpu.vector_store %arg16[%swap3A_712, %swap3A_713], %mul3A_711 {strides = array<i32>} : memref<24x176xf32, #tpu.memory_space<vmem>>, vector<16xf32>,
        %mul3A_715 = arith.mulf %exp3A_682, %unpack3A_640 : vector<16xf32>
        %swap3A_716 = arith.index_cast %add3A_579 : i32 to index
        %swap3A_717 = arith.constant 128 : index
        %swap3A_718 = tpu.vector_load %arg16[%swap3A_716, %swap3A_717] {strides = array<i32>} : memref<24x176xf32, #tpu.memory_space<vmem>>, vector<16xf32>,
        tpu.vector_store %arg16[%swap3A_716, %swap3A_717], %mul3A_715 {strides = array<i32>} : memref<24x176xf32, #tpu.memory_space<vmem>>, vector<16xf32>,
        %mul3A_719 = arith.mulf %exp3A_682, %unpack3A_641 : vector<16xf32>
        %swap3A_720 = arith.index_cast %add3A_579 : i32 to index
        %swap3A_721 = arith.constant 144 : index
        %swap3A_722 = tpu.vector_load %arg16[%swap3A_720, %swap3A_721] {strides = array<i32>} : memref<24x176xf32, #tpu.memory_space<vmem>>, vector<16xf32>,
        tpu.vector_store %arg16[%swap3A_720, %swap3A_721], %mul3A_719 {strides = array<i32>} : memref<24x176xf32, #tpu.memory_space<vmem>>, vector<16xf32>,
        %swap3A_723 = arith.index_cast %add3A_579 : i32 to index
        %swap3A_724 = arith.constant 160 : index
        %swap3A_725 = tpu.vector_load %arg16[%swap3A_723, %swap3A_724] {strides = array<i32>} : memref<24x176xf32, #tpu.memory_space<vmem>>, vector<16xf32>,
        tpu.vector_store %arg16[%swap3A_723, %swap3A_724], %exp3A_682 {strides = array<i32>} : memref<24x176xf32, #tpu.memory_space<vmem>>, vector<16xf32>,
        %mul3A_726 = arith.constant 4 : i32
        %mul3A_727 = arith.muli %scan3A_432, %mul3A_726 : i32
        %add3A_728 = arith.constant 2 : i32
        %add3A_729 = arith.addi %mul3A_727, %add3A_728 : i32
        %add3A_730 = arith.constant 16 : i32
        %add3A_731 = arith.addi %add3A_730, %add3A_729 : i32
        %get3A_732 = arith.index_cast %add3A_731 : i32 to index
        %get3A_733 = arith.constant 0 : index
        %get3A_734 = tpu.vector_load %arg9[%get3A_732, %get3A_733] {strides = array<i32>} : memref<40x128xbf16, #tpu.memory_space<vmem>>, vector<32xbf16>,
        %unpack3A_735 = tpu.unpack_subelements %get3A_734, 0 {pack_format = #tpu.pack_format<interleaved>} : vector<32xbf16> -> vector<16xf32>
        %unpack3A_736 = tpu.unpack_subelements %get3A_734, 1 {pack_format = #tpu.pack_format<interleaved>} : vector<32xbf16> -> vector<16xf32>
        %get3A_737 = arith.index_cast %add3A_731 : i32 to index
        %get3A_738 = arith.constant 32 : index
        %get3A_739 = tpu.vector_load %arg9[%get3A_737, %get3A_738] {strides = array<i32>} : memref<40x128xbf16, #tpu.memory_space<vmem>>, vector<32xbf16>,
        %unpack3A_740 = tpu.unpack_subelements %get3A_739, 0 {pack_format = #tpu.pack_format<interleaved>} : vector<32xbf16> -> vector<16xf32>
        %unpack3A_741 = tpu.unpack_subelements %get3A_739, 1 {pack_format = #tpu.pack_format<interleaved>} : vector<32xbf16> -> vector<16xf32>
        %get3A_742 = arith.index_cast %add3A_731 : i32 to index
        %get3A_743 = arith.constant 64 : index
        %get3A_744 = tpu.vector_load %arg9[%get3A_742, %get3A_743] {strides = array<i32>} : memref<40x128xbf16, #tpu.memory_space<vmem>>, vector<32xbf16>,
        %unpack3A_745 = tpu.unpack_subelements %get3A_744, 0 {pack_format = #tpu.pack_format<interleaved>} : vector<32xbf16> -> vector<16xf32>
        %unpack3A_746 = tpu.unpack_subelements %get3A_744, 1 {pack_format = #tpu.pack_format<interleaved>} : vector<32xbf16> -> vector<16xf32>
        %get3A_747 = arith.index_cast %add3A_731 : i32 to index
        %get3A_748 = arith.constant 96 : index
        %get3A_749 = tpu.vector_load %arg9[%get3A_747, %get3A_748] {strides = array<i32>} : memref<40x128xbf16, #tpu.memory_space<vmem>>, vector<32xbf16>,
        %unpack3A_750 = tpu.unpack_subelements %get3A_749, 0 {pack_format = #tpu.pack_format<interleaved>} : vector<32xbf16> -> vector<16xf32>
        %unpack3A_751 = tpu.unpack_subelements %get3A_749, 1 {pack_format = #tpu.pack_format<interleaved>} : vector<32xbf16> -> vector<16xf32>
        %get3A_752 = arith.index_cast %add3A_731 : i32 to index
        %get3A_753 = arith.constant 0 : index
        %get3A_754 = tpu.vector_load %arg11[%get3A_752, %get3A_753] {strides = array<i32>} : memref<40x160xbf16, #tpu.memory_space<vmem>>, vector<32xbf16>,
        %unpack3A_755 = tpu.unpack_subelements %get3A_754, 0 {pack_format = #tpu.pack_format<interleaved>} : vector<32xbf16> -> vector<16xf32>
        %unpack3A_756 = tpu.unpack_subelements %get3A_754, 1 {pack_format = #tpu.pack_format<interleaved>} : vector<32xbf16> -> vector<16xf32>
        %mul3A_757 = arith.mulf %unpack3A_735, %unpack3A_755 : vector<16xf32>
        %mul3A_758 = arith.mulf %unpack3A_736, %unpack3A_756 : vector<16xf32>
        %add3A_759 = arith.addf %mul3A_757, %mul3A_758 : vector<16xf32>
        %get3A_760 = arith.index_cast %add3A_731 : i32 to index
        %get3A_761 = arith.constant 32 : index
        %get3A_762 = tpu.vector_load %arg11[%get3A_760, %get3A_761] {strides = array<i32>} : memref<40x160xbf16, #tpu.memory_space<vmem>>, vector<32xbf16>,
        %unpack3A_763 = tpu.unpack_subelements %get3A_762, 0 {pack_format = #tpu.pack_format<interleaved>} : vector<32xbf16> -> vector<16xf32>
        %unpack3A_764 = tpu.unpack_subelements %get3A_762, 1 {pack_format = #tpu.pack_format<interleaved>} : vector<32xbf16> -> vector<16xf32>
        %mul3A_765 = arith.mulf %unpack3A_740, %unpack3A_763 : vector<16xf32>
        %mul3A_766 = arith.mulf %unpack3A_741, %unpack3A_764 : vector<16xf32>
        %add3A_767 = arith.addf %mul3A_765, %mul3A_766 : vector<16xf32>
        %add3A_768 = arith.addf %add3A_759, %add3A_767 : vector<16xf32>
        %get3A_769 = arith.index_cast %add3A_731 : i32 to index
        %get3A_770 = arith.constant 64 : index
        %get3A_771 = tpu.vector_load %arg11[%get3A_769, %get3A_770] {strides = array<i32>} : memref<40x160xbf16, #tpu.memory_space<vmem>>, vector<32xbf16>,
        %unpack3A_772 = tpu.unpack_subelements %get3A_771, 0 {pack_format = #tpu.pack_format<interleaved>} : vector<32xbf16> -> vector<16xf32>
        %unpack3A_773 = tpu.unpack_subelements %get3A_771, 1 {pack_format = #tpu.pack_format<interleaved>} : vector<32xbf16> -> vector<16xf32>
        %mul3A_774 = arith.mulf %unpack3A_745, %unpack3A_772 : vector<16xf32>
        %mul3A_775 = arith.mulf %unpack3A_746, %unpack3A_773 : vector<16xf32>
        %add3A_776 = arith.addf %mul3A_774, %mul3A_775 : vector<16xf32>
        %add3A_777 = arith.addf %add3A_768, %add3A_776 : vector<16xf32>
        %get3A_778 = arith.index_cast %add3A_731 : i32 to index
        %get3A_779 = arith.constant 96 : index
        %get3A_780 = tpu.vector_load %arg11[%get3A_778, %get3A_779] {strides = array<i32>} : memref<40x160xbf16, #tpu.memory_space<vmem>>, vector<32xbf16>,
        %unpack3A_781 = tpu.unpack_subelements %get3A_780, 0 {pack_format = #tpu.pack_format<interleaved>} : vector<32xbf16> -> vector<16xf32>
        %unpack3A_782 = tpu.unpack_subelements %get3A_780, 1 {pack_format = #tpu.pack_format<interleaved>} : vector<32xbf16> -> vector<16xf32>
        %mul3A_783 = arith.mulf %unpack3A_750, %unpack3A_781 : vector<16xf32>
        %mul3A_784 = arith.mulf %unpack3A_751, %unpack3A_782 : vector<16xf32>
        %add3A_785 = arith.addf %mul3A_783, %mul3A_784 : vector<16xf32>
        %add3A_786 = arith.addf %add3A_777, %add3A_785 : vector<16xf32>
        %get3A_787 = arith.index_cast %add3A_731 : i32 to index
        %get3A_788 = arith.constant 0 : index
        %get3A_789 = tpu.vector_load %arg13[%get3A_787, %get3A_788] {strides = array<i32>} : memref<40x32xbf16, #tpu.memory_space<vmem>>, vector<32xbf16>,
        %unpack3A_790 = tpu.unpack_subelements %get3A_789, 0 {pack_format = #tpu.pack_format<interleaved>} : vector<32xbf16> -> vector<16xf32>
        %unpack3A_791 = tpu.unpack_subelements %get3A_789, 1 {pack_format = #tpu.pack_format<interleaved>} : vector<32xbf16> -> vector<16xf32>
        %get3A_792 = arith.index_cast %add3A_731 : i32 to index
        %get3A_793 = arith.constant 128 : index
        %get3A_794 = tpu.vector_load %arg11[%get3A_792, %get3A_793] {strides = array<i32>} : memref<40x160xbf16, #tpu.memory_space<vmem>>, vector<32xbf16>,
        %unpack3A_795 = tpu.unpack_subelements %get3A_794, 0 {pack_format = #tpu.pack_format<interleaved>} : vector<32xbf16> -> vector<16xf32>
        %unpack3A_796 = tpu.unpack_subelements %get3A_794, 1 {pack_format = #tpu.pack_format<interleaved>} : vector<32xbf16> -> vector<16xf32>
        %mul3A_797 = arith.mulf %unpack3A_790, %unpack3A_795 : vector<16xf32>
        %add3A_798 = arith.addf %add3A_786, %mul3A_797 : vector<16xf32>
        %mul3A_799 = arith.mulf %unpack3A_791, %unpack3A_796 : vector<16xf32>
        %add3A_800 = arith.addf %add3A_798, %mul3A_799 : vector<16xf32>
        %xor3A_801 = arith.constant 8 : i32
        %xor3A_802 = vector.broadcast %xor3A_801 : i32 to vector<16xi32>
        %xor3A_803 = arith.xori %iota3A, %xor3A_802 : vector<16xi32>
        %broadcast_in_dim3A_804 = vector.shape_cast %xor3A_803 : vector<16xi32> to vector<16x1xi32>
        %gather3A_805 = vector.shape_cast %broadcast_in_dim3A_804 : vector<16x1xi32> to vector<16xi32>
        %gather3A_806 = tpu.dynamic_gather %add3A_800[%gather3A_805] in [0] : vector<16xf32>, vector<16xi32> -> vector<16xf32>
        %add3A_807 = arith.addf %add3A_800, %gather3A_806 : vector<16xf32>
        %xor3A_808 = arith.constant 4 : i32
        %xor3A_809 = vector.broadcast %xor3A_808 : i32 to vector<16xi32>
        %xor3A_810 = arith.xori %iota3A, %xor3A_809 : vector<16xi32>
        %broadcast_in_dim3A_811 = vector.shape_cast %xor3A_810 : vector<16xi32> to vector<16x1xi32>
        %gather3A_812 = vector.shape_cast %broadcast_in_dim3A_811 : vector<16x1xi32> to vector<16xi32>
        %gather3A_813 = tpu.dynamic_gather %add3A_807[%gather3A_812] in [0] : vector<16xf32>, vector<16xi32> -> vector<16xf32>
        %add3A_814 = arith.addf %add3A_807, %gather3A_813 : vector<16xf32>
        %xor3A_815 = arith.constant 2 : i32
        %xor3A_816 = vector.broadcast %xor3A_815 : i32 to vector<16xi32>
        %xor3A_817 = arith.xori %iota3A, %xor3A_816 : vector<16xi32>
        %broadcast_in_dim3A_818 = vector.shape_cast %xor3A_817 : vector<16xi32> to vector<16x1xi32>
        %gather3A_819 = vector.shape_cast %broadcast_in_dim3A_818 : vector<16x1xi32> to vector<16xi32>
        %gather3A_820 = tpu.dynamic_gather %add3A_814[%gather3A_819] in [0] : vector<16xf32>, vector<16xi32> -> vector<16xf32>
        %add3A_821 = arith.addf %add3A_814, %gather3A_820 : vector<16xf32>
        %xor3A_822 = arith.constant 1 : i32
        %xor3A_823 = vector.broadcast %xor3A_822 : i32 to vector<16xi32>
        %xor3A_824 = arith.xori %iota3A, %xor3A_823 : vector<16xi32>
        %broadcast_in_dim3A_825 = vector.shape_cast %xor3A_824 : vector<16xi32> to vector<16x1xi32>
        %gather3A_826 = vector.shape_cast %broadcast_in_dim3A_825 : vector<16x1xi32> to vector<16xi32>
        %gather3A_827 = tpu.dynamic_gather %add3A_821[%gather3A_826] in [0] : vector<16xf32>, vector<16xi32> -> vector<16xf32>
        %add3A_828 = arith.addf %add3A_821, %gather3A_827 : vector<16xf32>
        %mul3A_829 = arith.constant 0.0883883461 : f32
        %mul3A_830 = vector.broadcast %mul3A_829 : f32 to vector<16xf32>
        %mul3A_831 = arith.mulf %add3A_828, %mul3A_830 : vector<16xf32>
        %exp3A_832 = math.exp %mul3A_831 : vector<16xf32>
        %mul3A_833 = arith.mulf %exp3A_832, %unpack3A_735 : vector<16xf32>
        %swap3A_834 = arith.index_cast %add3A_729 : i32 to index
        %swap3A_835 = arith.constant 0 : index
        %swap3A_836 = tpu.vector_load %arg16[%swap3A_834, %swap3A_835] {strides = array<i32>} : memref<24x176xf32, #tpu.memory_space<vmem>>, vector<16xf32>,
        tpu.vector_store %arg16[%swap3A_834, %swap3A_835], %mul3A_833 {strides = array<i32>} : memref<24x176xf32, #tpu.memory_space<vmem>>, vector<16xf32>,
        %mul3A_837 = arith.mulf %exp3A_832, %unpack3A_736 : vector<16xf32>
        %swap3A_838 = arith.index_cast %add3A_729 : i32 to index
        %swap3A_839 = arith.constant 16 : index
        %swap3A_840 = tpu.vector_load %arg16[%swap3A_838, %swap3A_839] {strides = array<i32>} : memref<24x176xf32, #tpu.memory_space<vmem>>, vector<16xf32>,
        tpu.vector_store %arg16[%swap3A_838, %swap3A_839], %mul3A_837 {strides = array<i32>} : memref<24x176xf32, #tpu.memory_space<vmem>>, vector<16xf32>,
        %mul3A_841 = arith.mulf %exp3A_832, %unpack3A_740 : vector<16xf32>
        %swap3A_842 = arith.index_cast %add3A_729 : i32 to index
        %swap3A_843 = arith.constant 32 : index
        %swap3A_844 = tpu.vector_load %arg16[%swap3A_842, %swap3A_843] {strides = array<i32>} : memref<24x176xf32, #tpu.memory_space<vmem>>, vector<16xf32>,
        tpu.vector_store %arg16[%swap3A_842, %swap3A_843], %mul3A_841 {strides = array<i32>} : memref<24x176xf32, #tpu.memory_space<vmem>>, vector<16xf32>,
        %mul3A_845 = arith.mulf %exp3A_832, %unpack3A_741 : vector<16xf32>
        %swap3A_846 = arith.index_cast %add3A_729 : i32 to index
        %swap3A_847 = arith.constant 48 : index
        %swap3A_848 = tpu.vector_load %arg16[%swap3A_846, %swap3A_847] {strides = array<i32>} : memref<24x176xf32, #tpu.memory_space<vmem>>, vector<16xf32>,
        tpu.vector_store %arg16[%swap3A_846, %swap3A_847], %mul3A_845 {strides = array<i32>} : memref<24x176xf32, #tpu.memory_space<vmem>>, vector<16xf32>,
        %mul3A_849 = arith.mulf %exp3A_832, %unpack3A_745 : vector<16xf32>
        %swap3A_850 = arith.index_cast %add3A_729 : i32 to index
        %swap3A_851 = arith.constant 64 : index
        %swap3A_852 = tpu.vector_load %arg16[%swap3A_850, %swap3A_851] {strides = array<i32>} : memref<24x176xf32, #tpu.memory_space<vmem>>, vector<16xf32>,
        tpu.vector_store %arg16[%swap3A_850, %swap3A_851], %mul3A_849 {strides = array<i32>} : memref<24x176xf32, #tpu.memory_space<vmem>>, vector<16xf32>,
        %mul3A_853 = arith.mulf %exp3A_832, %unpack3A_746 : vector<16xf32>
        %swap3A_854 = arith.index_cast %add3A_729 : i32 to index
        %swap3A_855 = arith.constant 80 : index
        %swap3A_856 = tpu.vector_load %arg16[%swap3A_854, %swap3A_855] {strides = array<i32>} : memref<24x176xf32, #tpu.memory_space<vmem>>, vector<16xf32>,
        tpu.vector_store %arg16[%swap3A_854, %swap3A_855], %mul3A_853 {strides = array<i32>} : memref<24x176xf32, #tpu.memory_space<vmem>>, vector<16xf32>,
        %mul3A_857 = arith.mulf %exp3A_832, %unpack3A_750 : vector<16xf32>
        %swap3A_858 = arith.index_cast %add3A_729 : i32 to index
        %swap3A_859 = arith.constant 96 : index
        %swap3A_860 = tpu.vector_load %arg16[%swap3A_858, %swap3A_859] {strides = array<i32>} : memref<24x176xf32, #tpu.memory_space<vmem>>, vector<16xf32>,
        tpu.vector_store %arg16[%swap3A_858, %swap3A_859], %mul3A_857 {strides = array<i32>} : memref<24x176xf32, #tpu.memory_space<vmem>>, vector<16xf32>,
        %mul3A_861 = arith.mulf %exp3A_832, %unpack3A_751 : vector<16xf32>
        %swap3A_862 = arith.index_cast %add3A_729 : i32 to index
        %swap3A_863 = arith.constant 112 : index
        %swap3A_864 = tpu.vector_load %arg16[%swap3A_862, %swap3A_863] {strides = array<i32>} : memref<24x176xf32, #tpu.memory_space<vmem>>, vector<16xf32>,
        tpu.vector_store %arg16[%swap3A_862, %swap3A_863], %mul3A_861 {strides = array<i32>} : memref<24x176xf32, #tpu.memory_space<vmem>>, vector<16xf32>,
        %mul3A_865 = arith.mulf %exp3A_832, %unpack3A_790 : vector<16xf32>
        %swap3A_866 = arith.index_cast %add3A_729 : i32 to index
        %swap3A_867 = arith.constant 128 : index
        %swap3A_868 = tpu.vector_load %arg16[%swap3A_866, %swap3A_867] {strides = array<i32>} : memref<24x176xf32, #tpu.memory_space<vmem>>, vector<16xf32>,
        tpu.vector_store %arg16[%swap3A_866, %swap3A_867], %mul3A_865 {strides = array<i32>} : memref<24x176xf32, #tpu.memory_space<vmem>>, vector<16xf32>,
        %mul3A_869 = arith.mulf %exp3A_832, %unpack3A_791 : vector<16xf32>
        %swap3A_870 = arith.index_cast %add3A_729 : i32 to index
        %swap3A_871 = arith.constant 144 : index
        %swap3A_872 = tpu.vector_load %arg16[%swap3A_870, %swap3A_871] {strides = array<i32>} : memref<24x176xf32, #tpu.memory_space<vmem>>, vector<16xf32>,
        tpu.vector_store %arg16[%swap3A_870, %swap3A_871], %mul3A_869 {strides = array<i32>} : memref<24x176xf32, #tpu.memory_space<vmem>>, vector<16xf32>,
        %swap3A_873 = arith.index_cast %add3A_729 : i32 to index
        %swap3A_874 = arith.constant 160 : index
        %swap3A_875 = tpu.vector_load %arg16[%swap3A_873, %swap3A_874] {strides = array<i32>} : memref<24x176xf32, #tpu.memory_space<vmem>>, vector<16xf32>,
        tpu.vector_store %arg16[%swap3A_873, %swap3A_874], %exp3A_832 {strides = array<i32>} : memref<24x176xf32, #tpu.memory_space<vmem>>, vector<16xf32>,
        %mul3A_876 = arith.constant 4 : i32
        %mul3A_877 = arith.muli %scan3A_432, %mul3A_876 : i32
        %add3A_878 = arith.constant 3 : i32
        %add3A_879 = arith.addi %mul3A_877, %add3A_878 : i32
        %add3A_880 = arith.constant 16 : i32
        %add3A_881 = arith.addi %add3A_880, %add3A_879 : i32
        %get3A_882 = arith.index_cast %add3A_881 : i32 to index
        %get3A_883 = arith.constant 0 : index
        %get3A_884 = tpu.vector_load %arg9[%get3A_882, %get3A_883] {strides = array<i32>} : memref<40x128xbf16, #tpu.memory_space<vmem>>, vector<32xbf16>,
        %unpack3A_885 = tpu.unpack_subelements %get3A_884, 0 {pack_format = #tpu.pack_format<interleaved>} : vector<32xbf16> -> vector<16xf32>
        %unpack3A_886 = tpu.unpack_subelements %get3A_884, 1 {pack_format = #tpu.pack_format<interleaved>} : vector<32xbf16> -> vector<16xf32>
        %get3A_887 = arith.index_cast %add3A_881 : i32 to index
        %get3A_888 = arith.constant 32 : index
        %get3A_889 = tpu.vector_load %arg9[%get3A_887, %get3A_888] {strides = array<i32>} : memref<40x128xbf16, #tpu.memory_space<vmem>>, vector<32xbf16>,
        %unpack3A_890 = tpu.unpack_subelements %get3A_889, 0 {pack_format = #tpu.pack_format<interleaved>} : vector<32xbf16> -> vector<16xf32>
        %unpack3A_891 = tpu.unpack_subelements %get3A_889, 1 {pack_format = #tpu.pack_format<interleaved>} : vector<32xbf16> -> vector<16xf32>
        %get3A_892 = arith.index_cast %add3A_881 : i32 to index
        %get3A_893 = arith.constant 64 : index
        %get3A_894 = tpu.vector_load %arg9[%get3A_892, %get3A_893] {strides = array<i32>} : memref<40x128xbf16, #tpu.memory_space<vmem>>, vector<32xbf16>,
        %unpack3A_895 = tpu.unpack_subelements %get3A_894, 0 {pack_format = #tpu.pack_format<interleaved>} : vector<32xbf16> -> vector<16xf32>
        %unpack3A_896 = tpu.unpack_subelements %get3A_894, 1 {pack_format = #tpu.pack_format<interleaved>} : vector<32xbf16> -> vector<16xf32>
        %get3A_897 = arith.index_cast %add3A_881 : i32 to index
        %get3A_898 = arith.constant 96 : index
        %get3A_899 = tpu.vector_load %arg9[%get3A_897, %get3A_898] {strides = array<i32>} : memref<40x128xbf16, #tpu.memory_space<vmem>>, vector<32xbf16>,
        %unpack3A_900 = tpu.unpack_subelements %get3A_899, 0 {pack_format = #tpu.pack_format<interleaved>} : vector<32xbf16> -> vector<16xf32>
        %unpack3A_901 = tpu.unpack_subelements %get3A_899, 1 {pack_format = #tpu.pack_format<interleaved>} : vector<32xbf16> -> vector<16xf32>
        %get3A_902 = arith.index_cast %add3A_881 : i32 to index
        %get3A_903 = arith.constant 0 : index
        %get3A_904 = tpu.vector_load %arg11[%get3A_902, %get3A_903] {strides = array<i32>} : memref<40x160xbf16, #tpu.memory_space<vmem>>, vector<32xbf16>,
        %unpack3A_905 = tpu.unpack_subelements %get3A_904, 0 {pack_format = #tpu.pack_format<interleaved>} : vector<32xbf16> -> vector<16xf32>
        %unpack3A_906 = tpu.unpack_subelements %get3A_904, 1 {pack_format = #tpu.pack_format<interleaved>} : vector<32xbf16> -> vector<16xf32>
        %mul3A_907 = arith.mulf %unpack3A_885, %unpack3A_905 : vector<16xf32>
        %mul3A_908 = arith.mulf %unpack3A_886, %unpack3A_906 : vector<16xf32>
        %add3A_909 = arith.addf %mul3A_907, %mul3A_908 : vector<16xf32>
        %get3A_910 = arith.index_cast %add3A_881 : i32 to index
        %get3A_911 = arith.constant 32 : index
        %get3A_912 = tpu.vector_load %arg11[%get3A_910, %get3A_911] {strides = array<i32>} : memref<40x160xbf16, #tpu.memory_space<vmem>>, vector<32xbf16>,
        %unpack3A_913 = tpu.unpack_subelements %get3A_912, 0 {pack_format = #tpu.pack_format<interleaved>} : vector<32xbf16> -> vector<16xf32>
        %unpack3A_914 = tpu.unpack_subelements %get3A_912, 1 {pack_format = #tpu.pack_format<interleaved>} : vector<32xbf16> -> vector<16xf32>
        %mul3A_915 = arith.mulf %unpack3A_890, %unpack3A_913 : vector<16xf32>
        %mul3A_916 = arith.mulf %unpack3A_891, %unpack3A_914 : vector<16xf32>
        %add3A_917 = arith.addf %mul3A_915, %mul3A_916 : vector<16xf32>
        %add3A_918 = arith.addf %add3A_909, %add3A_917 : vector<16xf32>
        %get3A_919 = arith.index_cast %add3A_881 : i32 to index
        %get3A_920 = arith.constant 64 : index
        %get3A_921 = tpu.vector_load %arg11[%get3A_919, %get3A_920] {strides = array<i32>} : memref<40x160xbf16, #tpu.memory_space<vmem>>, vector<32xbf16>,
        %unpack3A_922 = tpu.unpack_subelements %get3A_921, 0 {pack_format = #tpu.pack_format<interleaved>} : vector<32xbf16> -> vector<16xf32>
        %unpack3A_923 = tpu.unpack_subelements %get3A_921, 1 {pack_format = #tpu.pack_format<interleaved>} : vector<32xbf16> -> vector<16xf32>
        %mul3A_924 = arith.mulf %unpack3A_895, %unpack3A_922 : vector<16xf32>
        %mul3A_925 = arith.mulf %unpack3A_896, %unpack3A_923 : vector<16xf32>
        %add3A_926 = arith.addf %mul3A_924, %mul3A_925 : vector<16xf32>
        %add3A_927 = arith.addf %add3A_918, %add3A_926 : vector<16xf32>
        %get3A_928 = arith.index_cast %add3A_881 : i32 to index
        %get3A_929 = arith.constant 96 : index
        %get3A_930 = tpu.vector_load %arg11[%get3A_928, %get3A_929] {strides = array<i32>} : memref<40x160xbf16, #tpu.memory_space<vmem>>, vector<32xbf16>,
        %unpack3A_931 = tpu.unpack_subelements %get3A_930, 0 {pack_format = #tpu.pack_format<interleaved>} : vector<32xbf16> -> vector<16xf32>
        %unpack3A_932 = tpu.unpack_subelements %get3A_930, 1 {pack_format = #tpu.pack_format<interleaved>} : vector<32xbf16> -> vector<16xf32>
        %mul3A_933 = arith.mulf %unpack3A_900, %unpack3A_931 : vector<16xf32>
        %mul3A_934 = arith.mulf %unpack3A_901, %unpack3A_932 : vector<16xf32>
        %add3A_935 = arith.addf %mul3A_933, %mul3A_934 : vector<16xf32>
        %add3A_936 = arith.addf %add3A_927, %add3A_935 : vector<16xf32>
        %get3A_937 = arith.index_cast %add3A_881 : i32 to index
        %get3A_938 = arith.constant 0 : index
        %get3A_939 = tpu.vector_load %arg13[%get3A_937, %get3A_938] {strides = array<i32>} : memref<40x32xbf16, #tpu.memory_space<vmem>>, vector<32xbf16>,
        %unpack3A_940 = tpu.unpack_subelements %get3A_939, 0 {pack_format = #tpu.pack_format<interleaved>} : vector<32xbf16> -> vector<16xf32>
        %unpack3A_941 = tpu.unpack_subelements %get3A_939, 1 {pack_format = #tpu.pack_format<interleaved>} : vector<32xbf16> -> vector<16xf32>
        %get3A_942 = arith.index_cast %add3A_881 : i32 to index
        %get3A_943 = arith.constant 128 : index
        %get3A_944 = tpu.vector_load %arg11[%get3A_942, %get3A_943] {strides = array<i32>} : memref<40x160xbf16, #tpu.memory_space<vmem>>, vector<32xbf16>,
        %unpack3A_945 = tpu.unpack_subelements %get3A_944, 0 {pack_format = #tpu.pack_format<interleaved>} : vector<32xbf16> -> vector<16xf32>
        %unpack3A_946 = tpu.unpack_subelements %get3A_944, 1 {pack_format = #tpu.pack_format<interleaved>} : vector<32xbf16> -> vector<16xf32>
        %mul3A_947 = arith.mulf %unpack3A_940, %unpack3A_945 : vector<16xf32>
        %add3A_948 = arith.addf %add3A_936, %mul3A_947 : vector<16xf32>
        %mul3A_949 = arith.mulf %unpack3A_941, %unpack3A_946 : vector<16xf32>
        %add3A_950 = arith.addf %add3A_948, %mul3A_949 : vector<16xf32>
        %xor3A_951 = arith.constant 8 : i32
        %xor3A_952 = vector.broadcast %xor3A_951 : i32 to vector<16xi32>
        %xor3A_953 = arith.xori %iota3A, %xor3A_952 : vector<16xi32>
        %broadcast_in_dim3A_954 = vector.shape_cast %xor3A_953 : vector<16xi32> to vector<16x1xi32>
        %gather3A_955 = vector.shape_cast %broadcast_in_dim3A_954 : vector<16x1xi32> to vector<16xi32>
        %gather3A_956 = tpu.dynamic_gather %add3A_950[%gather3A_955] in [0] : vector<16xf32>, vector<16xi32> -> vector<16xf32>
        %add3A_957 = arith.addf %add3A_950, %gather3A_956 : vector<16xf32>
        %xor3A_958 = arith.constant 4 : i32
        %xor3A_959 = vector.broadcast %xor3A_958 : i32 to vector<16xi32>
        %xor3A_960 = arith.xori %iota3A, %xor3A_959 : vector<16xi32>
        %broadcast_in_dim3A_961 = vector.shape_cast %xor3A_960 : vector<16xi32> to vector<16x1xi32>
        %gather3A_962 = vector.shape_cast %broadcast_in_dim3A_961 : vector<16x1xi32> to vector<16xi32>
        %gather3A_963 = tpu.dynamic_gather %add3A_957[%gather3A_962] in [0] : vector<16xf32>, vector<16xi32> -> vector<16xf32>
        %add3A_964 = arith.addf %add3A_957, %gather3A_963 : vector<16xf32>
        %xor3A_965 = arith.constant 2 : i32
        %xor3A_966 = vector.broadcast %xor3A_965 : i32 to vector<16xi32>
        %xor3A_967 = arith.xori %iota3A, %xor3A_966 : vector<16xi32>
        %broadcast_in_dim3A_968 = vector.shape_cast %xor3A_967 : vector<16xi32> to vector<16x1xi32>
        %gather3A_969 = vector.shape_cast %broadcast_in_dim3A_968 : vector<16x1xi32> to vector<16xi32>
        %gather3A_970 = tpu.dynamic_gather %add3A_964[%gather3A_969] in [0] : vector<16xf32>, vector<16xi32> -> vector<16xf32>
        %add3A_971 = arith.addf %add3A_964, %gather3A_970 : vector<16xf32>
        %xor3A_972 = arith.constant 1 : i32
        %xor3A_973 = vector.broadcast %xor3A_972 : i32 to vector<16xi32>
        %xor3A_974 = arith.xori %iota3A, %xor3A_973 : vector<16xi32>
        %broadcast_in_dim3A_975 = vector.shape_cast %xor3A_974 : vector<16xi32> to vector<16x1xi32>
        %gather3A_976 = vector.shape_cast %broadcast_in_dim3A_975 : vector<16x1xi32> to vector<16xi32>
        %gather3A_977 = tpu.dynamic_gather %add3A_971[%gather3A_976] in [0] : vector<16xf32>, vector<16xi32> -> vector<16xf32>
        %add3A_978 = arith.addf %add3A_971, %gather3A_977 : vector<16xf32>
        %mul3A_979 = arith.constant 0.0883883461 : f32
        %mul3A_980 = vector.broadcast %mul3A_979 : f32 to vector<16xf32>
        %mul3A_981 = arith.mulf %add3A_978, %mul3A_980 : vector<16xf32>
        %exp3A_982 = math.exp %mul3A_981 : vector<16xf32>
        %mul3A_983 = arith.mulf %exp3A_982, %unpack3A_885 : vector<16xf32>
        %swap3A_984 = arith.index_cast %add3A_879 : i32 to index
        %swap3A_985 = arith.constant 0 : index
        %swap3A_986 = tpu.vector_load %arg16[%swap3A_984, %swap3A_985] {strides = array<i32>} : memref<24x176xf32, #tpu.memory_space<vmem>>, vector<16xf32>,
        tpu.vector_store %arg16[%swap3A_984, %swap3A_985], %mul3A_983 {strides = array<i32>} : memref<24x176xf32, #tpu.memory_space<vmem>>, vector<16xf32>,
        %mul3A_987 = arith.mulf %exp3A_982, %unpack3A_886 : vector<16xf32>
        %swap3A_988 = arith.index_cast %add3A_879 : i32 to index
        %swap3A_989 = arith.constant 16 : index
        %swap3A_990 = tpu.vector_load %arg16[%swap3A_988, %swap3A_989] {strides = array<i32>} : memref<24x176xf32, #tpu.memory_space<vmem>>, vector<16xf32>,
        tpu.vector_store %arg16[%swap3A_988, %swap3A_989], %mul3A_987 {strides = array<i32>} : memref<24x176xf32, #tpu.memory_space<vmem>>, vector<16xf32>,
        %mul3A_991 = arith.mulf %exp3A_982, %unpack3A_890 : vector<16xf32>
        %swap3A_992 = arith.index_cast %add3A_879 : i32 to index
        %swap3A_993 = arith.constant 32 : index
        %swap3A_994 = tpu.vector_load %arg16[%swap3A_992, %swap3A_993] {strides = array<i32>} : memref<24x176xf32, #tpu.memory_space<vmem>>, vector<16xf32>,
        tpu.vector_store %arg16[%swap3A_992, %swap3A_993], %mul3A_991 {strides = array<i32>} : memref<24x176xf32, #tpu.memory_space<vmem>>, vector<16xf32>,
        %mul3A_995 = arith.mulf %exp3A_982, %unpack3A_891 : vector<16xf32>
        %swap3A_996 = arith.index_cast %add3A_879 : i32 to index
        %swap3A_997 = arith.constant 48 : index
        %swap3A_998 = tpu.vector_load %arg16[%swap3A_996, %swap3A_997] {strides = array<i32>} : memref<24x176xf32, #tpu.memory_space<vmem>>, vector<16xf32>,
        tpu.vector_store %arg16[%swap3A_996, %swap3A_997], %mul3A_995 {strides = array<i32>} : memref<24x176xf32, #tpu.memory_space<vmem>>, vector<16xf32>,
        %mul3A_999 = arith.mulf %exp3A_982, %unpack3A_895 : vector<16xf32>
        %swap3A_1000 = arith.index_cast %add3A_879 : i32 to index
        %swap3A_1001 = arith.constant 64 : index
        %swap3A_1002 = tpu.vector_load %arg16[%swap3A_1000, %swap3A_1001] {strides = array<i32>} : memref<24x176xf32, #tpu.memory_space<vmem>>, vector<16xf32>,
        tpu.vector_store %arg16[%swap3A_1000, %swap3A_1001], %mul3A_999 {strides = array<i32>} : memref<24x176xf32, #tpu.memory_space<vmem>>, vector<16xf32>,
        %mul3A_1003 = arith.mulf %exp3A_982, %unpack3A_896 : vector<16xf32>
        %swap3A_1004 = arith.index_cast %add3A_879 : i32 to index
        %swap3A_1005 = arith.constant 80 : index
        %swap3A_1006 = tpu.vector_load %arg16[%swap3A_1004, %swap3A_1005] {strides = array<i32>} : memref<24x176xf32, #tpu.memory_space<vmem>>, vector<16xf32>,
        tpu.vector_store %arg16[%swap3A_1004, %swap3A_1005], %mul3A_1003 {strides = array<i32>} : memref<24x176xf32, #tpu.memory_space<vmem>>, vector<16xf32>,
        %mul3A_1007 = arith.mulf %exp3A_982, %unpack3A_900 : vector<16xf32>
        %swap3A_1008 = arith.index_cast %add3A_879 : i32 to index
        %swap3A_1009 = arith.constant 96 : index
        %swap3A_1010 = tpu.vector_load %arg16[%swap3A_1008, %swap3A_1009] {strides = array<i32>} : memref<24x176xf32, #tpu.memory_space<vmem>>, vector<16xf32>,
        tpu.vector_store %arg16[%swap3A_1008, %swap3A_1009], %mul3A_1007 {strides = array<i32>} : memref<24x176xf32, #tpu.memory_space<vmem>>, vector<16xf32>,
        %mul3A_1011 = arith.mulf %exp3A_982, %unpack3A_901 : vector<16xf32>
        %swap3A_1012 = arith.index_cast %add3A_879 : i32 to index
        %swap3A_1013 = arith.constant 112 : index
        %swap3A_1014 = tpu.vector_load %arg16[%swap3A_1012, %swap3A_1013] {strides = array<i32>} : memref<24x176xf32, #tpu.memory_space<vmem>>, vector<16xf32>,
        tpu.vector_store %arg16[%swap3A_1012, %swap3A_1013], %mul3A_1011 {strides = array<i32>} : memref<24x176xf32, #tpu.memory_space<vmem>>, vector<16xf32>,
        %mul3A_1015 = arith.mulf %exp3A_982, %unpack3A_940 : vector<16xf32>
        %swap3A_1016 = arith.index_cast %add3A_879 : i32 to index
        %swap3A_1017 = arith.constant 128 : index
        %swap3A_1018 = tpu.vector_load %arg16[%swap3A_1016, %swap3A_1017] {strides = array<i32>} : memref<24x176xf32, #tpu.memory_space<vmem>>, vector<16xf32>,
        tpu.vector_store %arg16[%swap3A_1016, %swap3A_1017], %mul3A_1015 {strides = array<i32>} : memref<24x176xf32, #tpu.memory_space<vmem>>, vector<16xf32>,
        %mul3A_1019 = arith.mulf %exp3A_982, %unpack3A_941 : vector<16xf32>
        %swap3A_1020 = arith.index_cast %add3A_879 : i32 to index
        %swap3A_1021 = arith.constant 144 : index
        %swap3A_1022 = tpu.vector_load %arg16[%swap3A_1020, %swap3A_1021] {strides = array<i32>} : memref<24x176xf32, #tpu.memory_space<vmem>>, vector<16xf32>,
        tpu.vector_store %arg16[%swap3A_1020, %swap3A_1021], %mul3A_1019 {strides = array<i32>} : memref<24x176xf32, #tpu.memory_space<vmem>>, vector<16xf32>,
        %swap3A_1023 = arith.index_cast %add3A_879 : i32 to index
        %swap3A_1024 = arith.constant 160 : index
        %swap3A_1025 = tpu.vector_load %arg16[%swap3A_1023, %swap3A_1024] {strides = array<i32>} : memref<24x176xf32, #tpu.memory_space<vmem>>, vector<16xf32>,
        tpu.vector_store %arg16[%swap3A_1023, %swap3A_1024], %exp3A_982 {strides = array<i32>} : memref<24x176xf32, #tpu.memory_space<vmem>>, vector<16xf32>,
      }
      %scan3A_320 = arith.constant 6 : i32
      %dma_start3A_321 = arith.constant 1 : i32
      %dma_start3A_322 = arith.constant 16 : i32
      %dma_start3A_323 = tpu.memref_slice %arg7[%dma_start3A_321, %dma_start3A_322] : memref<2x40xi32, #tpu.memory_space<vmem>> -> memref<1x24xi32, #tpu.memory_space<vmem>>
      %dma_start3A_324 = tpu.memref_squeeze %dma_start3A_323 : memref<1x24xi32, #tpu.memory_space<vmem>> -> memref<24xi32, #tpu.memory_space<vmem>>
      %dma_start3A_325 = arith.constant 0 : i32
      %dma_start3A_326 = arith.constant 0 : i32
      %dma_start3A_327 = tpu.memref_slice %arg17[%dma_start3A_325, %dma_start3A_326] : memref<10000x176xf32, #tpu.memory_space<vmem_shared>> -> memref<10000x176xf32, #tpu.memory_space<vmem_shared>>
      tpu.enqueue_indirect_dma source(%arg16 : memref<24x176xf32, #tpu.memory_space<vmem>>) target(%dma_start3A_327 : memref<10000x176xf32, #tpu.memory_space<vmem_shared>>) offsets(%dma_start3A_324 : memref<24xi32, #tpu.memory_space<vmem>>) semaphore(%arg29 : memref<!tpu.dma_semaphore, #tpu.memory_space<semaphore_mem>>) {add = true}
      %lt3A = arith.constant 124 : i32
      %lt3A_328 = arith.cmpi slt, %scan3A_187, %lt3A : i32
      %convert_element_type3A_329 = arith.extui %lt3A_328 : i1 to i32
      %cond3A_330 = arith.constant 0 : i32
      %cond3A_331 = arith.cmpi ne, %convert_element_type3A_329, %cond3A_330 : i32
      scf.if %cond3A_331 {
        %add3A_432 = arith.constant 2 : i32
        %add3A_433 = arith.addi %add3A_191, %add3A_432 : i32
        %mul3A_434 = arith.constant 10000 : i32
        %mul3A_435 = arith.muli %add3A, %mul3A_434 : i32
        %mul3A_436 = arith.constant 40 : i32
        %mul3A_437 = arith.muli %add3A_433, %mul3A_436 : i32
        %add3A_438 = arith.addi %mul3A_435, %mul3A_437 : i32
        %dma_start3A_439 = arith.constant 0 : i32
        %dma_start3A_440 = tpu.memref_slice %arg5[%dma_start3A_439, %add3A_438] : memref<2x320000xi32, #tpu.memory_space<hbm>> -> memref<2x40xi32, #tpu.memory_space<hbm>>
        %dma_start3A_441 = arith.constant 0 : i32
        %dma_start3A_442 = tpu.memref_slice %arg5[%dma_start3A_441, %add3A_438] : memref<2x320000xi32, #tpu.memory_space<hbm>> -> memref<2x40xi32, #tpu.memory_space<hbm>>
        tpu.enqueue_dma source(%dma_start3A_442 : memref<2x40xi32, #tpu.memory_space<hbm>>) target(%arg7 : memref<2x40xi32, #tpu.memory_space<vmem>>) target_semaphore(%arg30 : memref<!tpu.dma_semaphore, #tpu.memory_space<semaphore_mem>>)
      } else {
      }
      %mul3A_332 = arith.constant 2 : i32
      %mul3A_333 = arith.muli %scan3A_187, %mul3A_332 : i32
      %add3A_334 = arith.constant 1 : i32
      %add3A_335 = arith.addi %mul3A_333, %add3A_334 : i32
      %dma_wait3A_336 = arith.constant 0 : i32
      %dma_wait3A_337 = arith.constant 0 : i32
      %dma_wait3A_338 = arith.constant 0 : i32
      %dma_wait3A_339 = tpu.memref_slice %arg10[%dma_wait3A_337, %dma_wait3A_338] : memref<40x128xbf16, #tpu.memory_space<vmem>> -> memref<16x128xbf16, #tpu.memory_space<vmem>>
      %dma_wait3A_340 = arith.constant 0 : i32
      %dma_wait3A_341 = tpu.memref_slice %arg8[%dma_wait3A_336, %dma_wait3A_340] : memref<2x40xi32, #tpu.memory_space<vmem>> -> memref<1x16xi32, #tpu.memory_space<vmem>>
      %dma_wait3A_342 = tpu.memref_squeeze %dma_wait3A_341 : memref<1x16xi32, #tpu.memory_space<vmem>> -> memref<16xi32, #tpu.memory_space<vmem>>
      %dma_wait3A_343 = arith.constant 0 : i32
      %dma_wait3A_344 = arith.constant 0 : i32
      %dma_wait3A_345 = tpu.memref_slice %arg2[%dma_wait3A_343, %dma_wait3A_344] : memref<10000x128xbf16, #tpu.memory_space<hbm>> -> memref<10000x128xbf16, #tpu.memory_space<hbm>>
      tpu.wait_indirect_dma semaphore(%arg23 : memref<!tpu.dma_semaphore, #tpu.memory_space<semaphore_mem>>) src(%dma_wait3A_345 : memref<10000x128xbf16, #tpu.memory_space<hbm>>) dst(%dma_wait3A_339 : memref<16x128xbf16, #tpu.memory_space<vmem>>)
      %dma_wait3A_346 = arith.constant 1 : i32
      %dma_wait3A_347 = arith.constant 0 : i32
      %dma_wait3A_348 = arith.constant 0 : i32
      %dma_wait3A_349 = tpu.memref_slice %arg12[%dma_wait3A_347, %dma_wait3A_348] : memref<40x160xbf16, #tpu.memory_space<vmem>> -> memref<16x160xbf16, #tpu.memory_space<vmem>>
      %dma_wait3A_350 = arith.constant 0 : i32
      %dma_wait3A_351 = tpu.memref_slice %arg8[%dma_wait3A_346, %dma_wait3A_350] : memref<2x40xi32, #tpu.memory_space<vmem>> -> memref<1x16xi32, #tpu.memory_space<vmem>>
      %dma_wait3A_352 = tpu.memref_squeeze %dma_wait3A_351 : memref<1x16xi32, #tpu.memory_space<vmem>> -> memref<16xi32, #tpu.memory_space<vmem>>
      %dma_wait3A_353 = arith.constant 0 : i32
      %dma_wait3A_354 = arith.constant 0 : i32
      %dma_wait3A_355 = tpu.memref_slice %arg3[%dma_wait3A_353, %dma_wait3A_354] : memref<10000x160xbf16, #tpu.memory_space<hbm>> -> memref<10000x160xbf16, #tpu.memory_space<hbm>>
      tpu.wait_indirect_dma semaphore(%arg24 : memref<!tpu.dma_semaphore, #tpu.memory_space<semaphore_mem>>) src(%dma_wait3A_355 : memref<10000x160xbf16, #tpu.memory_space<hbm>>) dst(%dma_wait3A_349 : memref<16x160xbf16, #tpu.memory_space<vmem>>)
      %dma_wait3A_356 = arith.constant 0 : i32
      %dma_wait3A_357 = arith.constant 16 : i32
      %dma_wait3A_358 = arith.constant 0 : i32
      %dma_wait3A_359 = tpu.memref_slice %arg10[%dma_wait3A_357, %dma_wait3A_358] : memref<40x128xbf16, #tpu.memory_space<vmem>> -> memref<24x128xbf16, #tpu.memory_space<vmem>>
      %dma_wait3A_360 = arith.constant 16 : i32
      %dma_wait3A_361 = tpu.memref_slice %arg8[%dma_wait3A_356, %dma_wait3A_360] : memref<2x40xi32, #tpu.memory_space<vmem>> -> memref<1x24xi32, #tpu.memory_space<vmem>>
      %dma_wait3A_362 = tpu.memref_squeeze %dma_wait3A_361 : memref<1x24xi32, #tpu.memory_space<vmem>> -> memref<24xi32, #tpu.memory_space<vmem>>
      %dma_wait3A_363 = arith.constant 0 : i32
      %dma_wait3A_364 = arith.constant 0 : i32
      %dma_wait3A_365 = tpu.memref_slice %arg2[%dma_wait3A_363, %dma_wait3A_364] : memref<10000x128xbf16, #tpu.memory_space<hbm>> -> memref<10000x128xbf16, #tpu.memory_space<hbm>>
      tpu.wait_indirect_dma semaphore(%arg25 : memref<!tpu.dma_semaphore, #tpu.memory_space<semaphore_mem>>) src(%dma_wait3A_365 : memref<10000x128xbf16, #tpu.memory_space<hbm>>) dst(%dma_wait3A_359 : memref<24x128xbf16, #tpu.memory_space<vmem>>)
      %dma_wait3A_366 = arith.constant 1 : i32
      %dma_wait3A_367 = arith.constant 16 : i32
      %dma_wait3A_368 = arith.constant 0 : i32
      %dma_wait3A_369 = tpu.memref_slice %arg12[%dma_wait3A_367, %dma_wait3A_368] : memref<40x160xbf16, #tpu.memory_space<vmem>> -> memref<24x160xbf16, #tpu.memory_space<vmem>>
      %dma_wait3A_370 = arith.constant 16 : i32
      %dma_wait3A_371 = tpu.memref_slice %arg8[%dma_wait3A_366, %dma_wait3A_370] : memref<2x40xi32, #tpu.memory_space<vmem>> -> memref<1x24xi32, #tpu.memory_space<vmem>>
      %dma_wait3A_372 = tpu.memref_squeeze %dma_wait3A_371 : memref<1x24xi32, #tpu.memory_space<vmem>> -> memref<24xi32, #tpu.memory_space<vmem>>
      %dma_wait3A_373 = arith.constant 0 : i32
      %dma_wait3A_374 = arith.constant 0 : i32
      %dma_wait3A_375 = tpu.memref_slice %arg3[%dma_wait3A_373, %dma_wait3A_374] : memref<10000x160xbf16, #tpu.memory_space<hbm>> -> memref<10000x160xbf16, #tpu.memory_space<hbm>>
      tpu.wait_indirect_dma semaphore(%arg26 : memref<!tpu.dma_semaphore, #tpu.memory_space<semaphore_mem>>) src(%dma_wait3A_375 : memref<10000x160xbf16, #tpu.memory_space<hbm>>) dst(%dma_wait3A_369 : memref<24x160xbf16, #tpu.memory_space<vmem>>)
      %dma_wait3A_376 = arith.constant 0 : i32
      %dma_wait3A_377 = arith.constant 0 : i32
      %dma_wait3A_378 = tpu.memref_slice %arg4[%dma_wait3A_376, %dma_wait3A_377] : memref<320000x32xbf16, #tpu.memory_space<hbm>> -> memref<40x32xbf16, #tpu.memory_space<hbm>>
      %dma_wait3A_379 = arith.constant 0 : i32
      %dma_wait3A_380 = arith.constant 0 : i32
      %dma_wait3A_381 = tpu.memref_slice %arg4[%dma_wait3A_379, %dma_wait3A_380] : memref<320000x32xbf16, #tpu.memory_space<hbm>> -> memref<40x32xbf16, #tpu.memory_space<hbm>>
      tpu.wait_dma2 semaphore(%arg27 : memref<!tpu.dma_semaphore, #tpu.memory_space<semaphore_mem>>) src(%dma_wait3A_381 : memref<40x32xbf16, #tpu.memory_space<hbm>>) dst(%arg14 : memref<40x32xbf16, #tpu.memory_space<vmem>>)
      %lt3A_382 = arith.constant 124 : i32
      %lt3A_383 = arith.cmpi slt, %scan3A_187, %lt3A_382 : i32
      %convert_element_type3A_384 = arith.extui %lt3A_383 : i1 to i32
      %cond3A_385 = arith.constant 0 : i32
      %cond3A_386 = arith.cmpi ne, %convert_element_type3A_384, %cond3A_385 : i32
      scf.if %cond3A_386 {
        %add3A_432 = arith.constant 1 : i32
        %add3A_433 = arith.addi %add3A_335, %add3A_432 : i32
        %mul3A_434 = arith.constant 10000 : i32
        %mul3A_435 = arith.muli %add3A, %mul3A_434 : i32
        %mul3A_436 = arith.constant 40 : i32
        %mul3A_437 = arith.muli %add3A_433, %mul3A_436 : i32
        %add3A_438 = arith.addi %mul3A_435, %mul3A_437 : i32
        %dma_wait3A_439 = arith.constant 0 : i32
        %dma_wait3A_440 = arith.constant 0 : i32
        %dma_wait3A_441 = tpu.memref_slice %arg5[%dma_wait3A_439, %dma_wait3A_440] : memref<2x320000xi32, #tpu.memory_space<hbm>> -> memref<2x40xi32, #tpu.memory_space<hbm>>
        %dma_wait3A_442 = arith.constant 0 : i32
        %dma_wait3A_443 = arith.constant 0 : i32
        %dma_wait3A_444 = tpu.memref_slice %arg5[%dma_wait3A_442, %dma_wait3A_443] : memref<2x320000xi32, #tpu.memory_space<hbm>> -> memref<2x40xi32, #tpu.memory_space<hbm>>
        tpu.wait_dma2 semaphore(%arg30 : memref<!tpu.dma_semaphore, #tpu.memory_space<semaphore_mem>>) src(%dma_wait3A_444 : memref<2x40xi32, #tpu.memory_space<hbm>>) dst(%arg7 : memref<2x40xi32, #tpu.memory_space<vmem>>)
        %dma_start3A_445 = arith.constant 0 : i32
        %dma_start3A_446 = arith.constant 0 : i32
        %dma_start3A_447 = arith.constant 0 : i32
        %dma_start3A_448 = tpu.memref_slice %arg9[%dma_start3A_446, %dma_start3A_447] : memref<40x128xbf16, #tpu.memory_space<vmem>> -> memref<16x128xbf16, #tpu.memory_space<vmem>>
        %dma_start3A_449 = arith.constant 0 : i32
        %dma_start3A_450 = tpu.memref_slice %arg7[%dma_start3A_445, %dma_start3A_449] : memref<2x40xi32, #tpu.memory_space<vmem>> -> memref<1x16xi32, #tpu.memory_space<vmem>>
        %dma_start3A_451 = tpu.memref_squeeze %dma_start3A_450 : memref<1x16xi32, #tpu.memory_space<vmem>> -> memref<16xi32, #tpu.memory_space<vmem>>
        %dma_start3A_452 = arith.constant 0 : i32
        %dma_start3A_453 = arith.constant 0 : i32
        %dma_start3A_454 = tpu.memref_slice %arg2[%dma_start3A_452, %dma_start3A_453] : memref<10000x128xbf16, #tpu.memory_space<hbm>> -> memref<10000x128xbf16, #tpu.memory_space<hbm>>
        tpu.enqueue_indirect_dma source(%dma_start3A_454 : memref<10000x128xbf16, #tpu.memory_space<hbm>>) target(%dma_start3A_448 : memref<16x128xbf16, #tpu.memory_space<vmem>>) offsets(%dma_start3A_451 : memref<16xi32, #tpu.memory_space<vmem>>) semaphore(%arg18 : memref<!tpu.dma_semaphore, #tpu.memory_space<semaphore_mem>>)
        %dma_start3A_455 = arith.constant 1 : i32
        %dma_start3A_456 = arith.constant 0 : i32
        %dma_start3A_457 = arith.constant 0 : i32
        %dma_start3A_458 = tpu.memref_slice %arg11[%dma_start3A_456, %dma_start3A_457] : memref<40x160xbf16, #tpu.memory_space<vmem>> -> memref<16x160xbf16, #tpu.memory_space<vmem>>
        %dma_start3A_459 = arith.constant 0 : i32
        %dma_start3A_460 = tpu.memref_slice %arg7[%dma_start3A_455, %dma_start3A_459] : memref<2x40xi32, #tpu.memory_space<vmem>> -> memref<1x16xi32, #tpu.memory_space<vmem>>
        %dma_start3A_461 = tpu.memref_squeeze %dma_start3A_460 : memref<1x16xi32, #tpu.memory_space<vmem>> -> memref<16xi32, #tpu.memory_space<vmem>>
        %dma_start3A_462 = arith.constant 0 : i32
        %dma_start3A_463 = arith.constant 0 : i32
        %dma_start3A_464 = tpu.memref_slice %arg3[%dma_start3A_462, %dma_start3A_463] : memref<10000x160xbf16, #tpu.memory_space<hbm>> -> memref<10000x160xbf16, #tpu.memory_space<hbm>>
        tpu.enqueue_indirect_dma source(%dma_start3A_464 : memref<10000x160xbf16, #tpu.memory_space<hbm>>) target(%dma_start3A_458 : memref<16x160xbf16, #tpu.memory_space<vmem>>) offsets(%dma_start3A_461 : memref<16xi32, #tpu.memory_space<vmem>>) semaphore(%arg19 : memref<!tpu.dma_semaphore, #tpu.memory_space<semaphore_mem>>)
        %dma_start3A_465 = arith.constant 0 : i32
        %dma_start3A_466 = arith.constant 16 : i32
        %dma_start3A_467 = arith.constant 0 : i32
        %dma_start3A_468 = tpu.memref_slice %arg9[%dma_start3A_466, %dma_start3A_467] : memref<40x128xbf16, #tpu.memory_space<vmem>> -> memref<24x128xbf16, #tpu.memory_space<vmem>>
        %dma_start3A_469 = arith.constant 16 : i32
        %dma_start3A_470 = tpu.memref_slice %arg7[%dma_start3A_465, %dma_start3A_469] : memref<2x40xi32, #tpu.memory_space<vmem>> -> memref<1x24xi32, #tpu.memory_space<vmem>>
        %dma_start3A_471 = tpu.memref_squeeze %dma_start3A_470 : memref<1x24xi32, #tpu.memory_space<vmem>> -> memref<24xi32, #tpu.memory_space<vmem>>
        %dma_start3A_472 = arith.constant 0 : i32
        %dma_start3A_473 = arith.constant 0 : i32
        %dma_start3A_474 = tpu.memref_slice %arg2[%dma_start3A_472, %dma_start3A_473] : memref<10000x128xbf16, #tpu.memory_space<hbm>> -> memref<10000x128xbf16, #tpu.memory_space<hbm>>
        tpu.enqueue_indirect_dma source(%dma_start3A_474 : memref<10000x128xbf16, #tpu.memory_space<hbm>>) target(%dma_start3A_468 : memref<24x128xbf16, #tpu.memory_space<vmem>>) offsets(%dma_start3A_471 : memref<24xi32, #tpu.memory_space<vmem>>) semaphore(%arg20 : memref<!tpu.dma_semaphore, #tpu.memory_space<semaphore_mem>>)
        %dma_start3A_475 = arith.constant 1 : i32
        %dma_start3A_476 = arith.constant 16 : i32
        %dma_start3A_477 = arith.constant 0 : i32
        %dma_start3A_478 = tpu.memref_slice %arg11[%dma_start3A_476, %dma_start3A_477] : memref<40x160xbf16, #tpu.memory_space<vmem>> -> memref<24x160xbf16, #tpu.memory_space<vmem>>
        %dma_start3A_479 = arith.constant 16 : i32
        %dma_start3A_480 = tpu.memref_slice %arg7[%dma_start3A_475, %dma_start3A_479] : memref<2x40xi32, #tpu.memory_space<vmem>> -> memref<1x24xi32, #tpu.memory_space<vmem>>
        %dma_start3A_481 = tpu.memref_squeeze %dma_start3A_480 : memref<1x24xi32, #tpu.memory_space<vmem>> -> memref<24xi32, #tpu.memory_space<vmem>>
        %dma_start3A_482 = arith.constant 0 : i32
        %dma_start3A_483 = arith.constant 0 : i32
        %dma_start3A_484 = tpu.memref_slice %arg3[%dma_start3A_482, %dma_start3A_483] : memref<10000x160xbf16, #tpu.memory_space<hbm>> -> memref<10000x160xbf16, #tpu.memory_space<hbm>>
        tpu.enqueue_indirect_dma source(%dma_start3A_484 : memref<10000x160xbf16, #tpu.memory_space<hbm>>) target(%dma_start3A_478 : memref<24x160xbf16, #tpu.memory_space<vmem>>) offsets(%dma_start3A_481 : memref<24xi32, #tpu.memory_space<vmem>>) semaphore(%arg21 : memref<!tpu.dma_semaphore, #tpu.memory_space<semaphore_mem>>)
        %dma_start3A_485 = arith.constant 0 : i32
        %dma_start3A_486 = tpu.memref_slice %arg4[%add3A_438, %dma_start3A_485] : memref<320000x32xbf16, #tpu.memory_space<hbm>> -> memref<40x32xbf16, #tpu.memory_space<hbm>>
        %dma_start3A_487 = arith.constant 0 : i32
        %dma_start3A_488 = tpu.memref_slice %arg4[%add3A_438, %dma_start3A_487] : memref<320000x32xbf16, #tpu.memory_space<hbm>> -> memref<40x32xbf16, #tpu.memory_space<hbm>>
        tpu.enqueue_dma source(%dma_start3A_488 : memref<40x32xbf16, #tpu.memory_space<hbm>>) target(%arg13 : memref<40x32xbf16, #tpu.memory_space<vmem>>) target_semaphore(%arg22 : memref<!tpu.dma_semaphore, #tpu.memory_space<semaphore_mem>>)
      } else {
      }
      %dma_wait3A_387 = arith.constant 1 : i32
      %dma_wait3A_388 = arith.constant 0 : i32
      %dma_wait3A_389 = tpu.memref_slice %arg7[%dma_wait3A_387, %dma_wait3A_388] : memref<2x40xi32, #tpu.memory_space<vmem>> -> memref<1x16xi32, #tpu.memory_space<vmem>>
      %dma_wait3A_390 = tpu.memref_squeeze %dma_wait3A_389 : memref<1x16xi32, #tpu.memory_space<vmem>> -> memref<16xi32, #tpu.memory_space<vmem>>
      %dma_wait3A_391 = arith.constant 0 : i32
      %dma_wait3A_392 = arith.constant 0 : i32
      %dma_wait3A_393 = tpu.memref_slice %arg17[%dma_wait3A_391, %dma_wait3A_392] : memref<10000x176xf32, #tpu.memory_space<vmem_shared>> -> memref<10000x176xf32, #tpu.memory_space<vmem_shared>>
      tpu.wait_indirect_dma semaphore(%arg28 : memref<!tpu.dma_semaphore, #tpu.memory_space<semaphore_mem>>) src(%arg15 : memref<16x176xf32, #tpu.memory_space<vmem>>) dst(%dma_wait3A_393 : memref<10000x176xf32, #tpu.memory_space<vmem_shared>>)
      %scan3A_394 = arith.constant 0 : i32
      %scan3A_395 = arith.constant 0 : i32
      %scan3A_396 = arith.constant 4 : i32
      %scan3A_397 = arith.addi %scan3A_395, %scan3A_396 : i32
      %scan3A_398 = arith.constant 1 : i32
      scf.for %scan3A_432 = %scan3A_395 to %scan3A_397 step %scan3A_398  : i32 {
        %mul3A_433 = arith.constant 4 : i32
        %mul3A_434 = arith.muli %scan3A_432, %mul3A_433 : i32
        %add3A_435 = arith.constant 0 : i32
        %add3A_436 = arith.addi %mul3A_434, %add3A_435 : i32
        %add3A_437 = arith.constant 0 : i32
        %add3A_438 = arith.addi %add3A_437, %add3A_436 : i32
        %get3A = arith.index_cast %add3A_438 : i32 to index
        %get3A_439 = arith.constant 0 : index
        %get3A_440 = tpu.vector_load %arg10[%get3A, %get3A_439] {strides = array<i32>} : memref<40x128xbf16, #tpu.memory_space<vmem>>, vector<32xbf16>,
        %unpack3A = tpu.unpack_subelements %get3A_440, 0 {pack_format = #tpu.pack_format<interleaved>} : vector<32xbf16> -> vector<16xf32>
        %unpack3A_441 = tpu.unpack_subelements %get3A_440, 1 {pack_format = #tpu.pack_format<interleaved>} : vector<32xbf16> -> vector<16xf32>
        %get3A_442 = arith.index_cast %add3A_438 : i32 to index
        %get3A_443 = arith.constant 32 : index
        %get3A_444 = tpu.vector_load %arg10[%get3A_442, %get3A_443] {strides = array<i32>} : memref<40x128xbf16, #tpu.memory_space<vmem>>, vector<32xbf16>,
        %unpack3A_445 = tpu.unpack_subelements %get3A_444, 0 {pack_format = #tpu.pack_format<interleaved>} : vector<32xbf16> -> vector<16xf32>
        %unpack3A_446 = tpu.unpack_subelements %get3A_444, 1 {pack_format = #tpu.pack_format<interleaved>} : vector<32xbf16> -> vector<16xf32>
        %get3A_447 = arith.index_cast %add3A_438 : i32 to index
        %get3A_448 = arith.constant 64 : index
        %get3A_449 = tpu.vector_load %arg10[%get3A_447, %get3A_448] {strides = array<i32>} : memref<40x128xbf16, #tpu.memory_space<vmem>>, vector<32xbf16>,
        %unpack3A_450 = tpu.unpack_subelements %get3A_449, 0 {pack_format = #tpu.pack_format<interleaved>} : vector<32xbf16> -> vector<16xf32>
        %unpack3A_451 = tpu.unpack_subelements %get3A_449, 1 {pack_format = #tpu.pack_format<interleaved>} : vector<32xbf16> -> vector<16xf32>
        %get3A_452 = arith.index_cast %add3A_438 : i32 to index
        %get3A_453 = arith.constant 96 : index
        %get3A_454 = tpu.vector_load %arg10[%get3A_452, %get3A_453] {strides = array<i32>} : memref<40x128xbf16, #tpu.memory_space<vmem>>, vector<32xbf16>,
        %unpack3A_455 = tpu.unpack_subelements %get3A_454, 0 {pack_format = #tpu.pack_format<interleaved>} : vector<32xbf16> -> vector<16xf32>
        %unpack3A_456 = tpu.unpack_subelements %get3A_454, 1 {pack_format = #tpu.pack_format<interleaved>} : vector<32xbf16> -> vector<16xf32>
        %get3A_457 = arith.index_cast %add3A_438 : i32 to index
        %get3A_458 = arith.constant 0 : index
        %get3A_459 = tpu.vector_load %arg12[%get3A_457, %get3A_458] {strides = array<i32>} : memref<40x160xbf16, #tpu.memory_space<vmem>>, vector<32xbf16>,
        %unpack3A_460 = tpu.unpack_subelements %get3A_459, 0 {pack_format = #tpu.pack_format<interleaved>} : vector<32xbf16> -> vector<16xf32>
        %unpack3A_461 = tpu.unpack_subelements %get3A_459, 1 {pack_format = #tpu.pack_format<interleaved>} : vector<32xbf16> -> vector<16xf32>
        %mul3A_462 = arith.mulf %unpack3A, %unpack3A_460 : vector<16xf32>
        %mul3A_463 = arith.mulf %unpack3A_441, %unpack3A_461 : vector<16xf32>
        %add3A_464 = arith.addf %mul3A_462, %mul3A_463 : vector<16xf32>
        %get3A_465 = arith.index_cast %add3A_438 : i32 to index
        %get3A_466 = arith.constant 32 : index
        %get3A_467 = tpu.vector_load %arg12[%get3A_465, %get3A_466] {strides = array<i32>} : memref<40x160xbf16, #tpu.memory_space<vmem>>, vector<32xbf16>,
        %unpack3A_468 = tpu.unpack_subelements %get3A_467, 0 {pack_format = #tpu.pack_format<interleaved>} : vector<32xbf16> -> vector<16xf32>
        %unpack3A_469 = tpu.unpack_subelements %get3A_467, 1 {pack_format = #tpu.pack_format<interleaved>} : vector<32xbf16> -> vector<16xf32>
        %mul3A_470 = arith.mulf %unpack3A_445, %unpack3A_468 : vector<16xf32>
        %mul3A_471 = arith.mulf %unpack3A_446, %unpack3A_469 : vector<16xf32>
        %add3A_472 = arith.addf %mul3A_470, %mul3A_471 : vector<16xf32>
        %add3A_473 = arith.addf %add3A_464, %add3A_472 : vector<16xf32>
        %get3A_474 = arith.index_cast %add3A_438 : i32 to index
        %get3A_475 = arith.constant 64 : index
        %get3A_476 = tpu.vector_load %arg12[%get3A_474, %get3A_475] {strides = array<i32>} : memref<40x160xbf16, #tpu.memory_space<vmem>>, vector<32xbf16>,
        %unpack3A_477 = tpu.unpack_subelements %get3A_476, 0 {pack_format = #tpu.pack_format<interleaved>} : vector<32xbf16> -> vector<16xf32>
        %unpack3A_478 = tpu.unpack_subelements %get3A_476, 1 {pack_format = #tpu.pack_format<interleaved>} : vector<32xbf16> -> vector<16xf32>
        %mul3A_479 = arith.mulf %unpack3A_450, %unpack3A_477 : vector<16xf32>
        %mul3A_480 = arith.mulf %unpack3A_451, %unpack3A_478 : vector<16xf32>
        %add3A_481 = arith.addf %mul3A_479, %mul3A_480 : vector<16xf32>
        %add3A_482 = arith.addf %add3A_473, %add3A_481 : vector<16xf32>
        %get3A_483 = arith.index_cast %add3A_438 : i32 to index
        %get3A_484 = arith.constant 96 : index
        %get3A_485 = tpu.vector_load %arg12[%get3A_483, %get3A_484] {strides = array<i32>} : memref<40x160xbf16, #tpu.memory_space<vmem>>, vector<32xbf16>,
        %unpack3A_486 = tpu.unpack_subelements %get3A_485, 0 {pack_format = #tpu.pack_format<interleaved>} : vector<32xbf16> -> vector<16xf32>
        %unpack3A_487 = tpu.unpack_subelements %get3A_485, 1 {pack_format = #tpu.pack_format<interleaved>} : vector<32xbf16> -> vector<16xf32>
        %mul3A_488 = arith.mulf %unpack3A_455, %unpack3A_486 : vector<16xf32>
        %mul3A_489 = arith.mulf %unpack3A_456, %unpack3A_487 : vector<16xf32>
        %add3A_490 = arith.addf %mul3A_488, %mul3A_489 : vector<16xf32>
        %add3A_491 = arith.addf %add3A_482, %add3A_490 : vector<16xf32>
        %get3A_492 = arith.index_cast %add3A_438 : i32 to index
        %get3A_493 = arith.constant 0 : index
        %get3A_494 = tpu.vector_load %arg14[%get3A_492, %get3A_493] {strides = array<i32>} : memref<40x32xbf16, #tpu.memory_space<vmem>>, vector<32xbf16>,
        %unpack3A_495 = tpu.unpack_subelements %get3A_494, 0 {pack_format = #tpu.pack_format<interleaved>} : vector<32xbf16> -> vector<16xf32>
        %unpack3A_496 = tpu.unpack_subelements %get3A_494, 1 {pack_format = #tpu.pack_format<interleaved>} : vector<32xbf16> -> vector<16xf32>
        %get3A_497 = arith.index_cast %add3A_438 : i32 to index
        %get3A_498 = arith.constant 128 : index
        %get3A_499 = tpu.vector_load %arg12[%get3A_497, %get3A_498] {strides = array<i32>} : memref<40x160xbf16, #tpu.memory_space<vmem>>, vector<32xbf16>,
        %unpack3A_500 = tpu.unpack_subelements %get3A_499, 0 {pack_format = #tpu.pack_format<interleaved>} : vector<32xbf16> -> vector<16xf32>
        %unpack3A_501 = tpu.unpack_subelements %get3A_499, 1 {pack_format = #tpu.pack_format<interleaved>} : vector<32xbf16> -> vector<16xf32>
        %mul3A_502 = arith.mulf %unpack3A_495, %unpack3A_500 : vector<16xf32>
        %add3A_503 = arith.addf %add3A_491, %mul3A_502 : vector<16xf32>
        %mul3A_504 = arith.mulf %unpack3A_496, %unpack3A_501 : vector<16xf32>
        %add3A_505 = arith.addf %add3A_503, %mul3A_504 : vector<16xf32>
        %xor3A = arith.constant 8 : i32
        %xor3A_506 = vector.broadcast %xor3A : i32 to vector<16xi32>
        %xor3A_507 = arith.xori %iota3A, %xor3A_506 : vector<16xi32>
        %broadcast_in_dim3A = vector.shape_cast %xor3A_507 : vector<16xi32> to vector<16x1xi32>
        %gather3A = vector.shape_cast %broadcast_in_dim3A : vector<16x1xi32> to vector<16xi32>
        %gather3A_508 = tpu.dynamic_gather %add3A_505[%gather3A] in [0] : vector<16xf32>, vector<16xi32> -> vector<16xf32>
        %add3A_509 = arith.addf %add3A_505, %gather3A_508 : vector<16xf32>
        %xor3A_510 = arith.constant 4 : i32
        %xor3A_511 = vector.broadcast %xor3A_510 : i32 to vector<16xi32>
        %xor3A_512 = arith.xori %iota3A, %xor3A_511 : vector<16xi32>
        %broadcast_in_dim3A_513 = vector.shape_cast %xor3A_512 : vector<16xi32> to vector<16x1xi32>
        %gather3A_514 = vector.shape_cast %broadcast_in_dim3A_513 : vector<16x1xi32> to vector<16xi32>
        %gather3A_515 = tpu.dynamic_gather %add3A_509[%gather3A_514] in [0] : vector<16xf32>, vector<16xi32> -> vector<16xf32>
        %add3A_516 = arith.addf %add3A_509, %gather3A_515 : vector<16xf32>
        %xor3A_517 = arith.constant 2 : i32
        %xor3A_518 = vector.broadcast %xor3A_517 : i32 to vector<16xi32>
        %xor3A_519 = arith.xori %iota3A, %xor3A_518 : vector<16xi32>
        %broadcast_in_dim3A_520 = vector.shape_cast %xor3A_519 : vector<16xi32> to vector<16x1xi32>
        %gather3A_521 = vector.shape_cast %broadcast_in_dim3A_520 : vector<16x1xi32> to vector<16xi32>
        %gather3A_522 = tpu.dynamic_gather %add3A_516[%gather3A_521] in [0] : vector<16xf32>, vector<16xi32> -> vector<16xf32>
        %add3A_523 = arith.addf %add3A_516, %gather3A_522 : vector<16xf32>
        %xor3A_524 = arith.constant 1 : i32
        %xor3A_525 = vector.broadcast %xor3A_524 : i32 to vector<16xi32>
        %xor3A_526 = arith.xori %iota3A, %xor3A_525 : vector<16xi32>
        %broadcast_in_dim3A_527 = vector.shape_cast %xor3A_526 : vector<16xi32> to vector<16x1xi32>
        %gather3A_528 = vector.shape_cast %broadcast_in_dim3A_527 : vector<16x1xi32> to vector<16xi32>
        %gather3A_529 = tpu.dynamic_gather %add3A_523[%gather3A_528] in [0] : vector<16xf32>, vector<16xi32> -> vector<16xf32>
        %add3A_530 = arith.addf %add3A_523, %gather3A_529 : vector<16xf32>
        %mul3A_531 = arith.constant 0.0883883461 : f32
        %mul3A_532 = vector.broadcast %mul3A_531 : f32 to vector<16xf32>
        %mul3A_533 = arith.mulf %add3A_530, %mul3A_532 : vector<16xf32>
        %exp3A = math.exp %mul3A_533 : vector<16xf32>
        %mul3A_534 = arith.mulf %exp3A, %unpack3A : vector<16xf32>
        %swap3A = arith.index_cast %add3A_436 : i32 to index
        %swap3A_535 = arith.constant 0 : index
        %swap3A_536 = tpu.vector_load %arg15[%swap3A, %swap3A_535] {strides = array<i32>} : memref<16x176xf32, #tpu.memory_space<vmem>>, vector<16xf32>,
        tpu.vector_store %arg15[%swap3A, %swap3A_535], %mul3A_534 {strides = array<i32>} : memref<16x176xf32, #tpu.memory_space<vmem>>, vector<16xf32>,
        %mul3A_537 = arith.mulf %exp3A, %unpack3A_441 : vector<16xf32>
        %swap3A_538 = arith.index_cast %add3A_436 : i32 to index
        %swap3A_539 = arith.constant 16 : index
        %swap3A_540 = tpu.vector_load %arg15[%swap3A_538, %swap3A_539] {strides = array<i32>} : memref<16x176xf32, #tpu.memory_space<vmem>>, vector<16xf32>,
        tpu.vector_store %arg15[%swap3A_538, %swap3A_539], %mul3A_537 {strides = array<i32>} : memref<16x176xf32, #tpu.memory_space<vmem>>, vector<16xf32>,
        %mul3A_541 = arith.mulf %exp3A, %unpack3A_445 : vector<16xf32>
        %swap3A_542 = arith.index_cast %add3A_436 : i32 to index
        %swap3A_543 = arith.constant 32 : index
        %swap3A_544 = tpu.vector_load %arg15[%swap3A_542, %swap3A_543] {strides = array<i32>} : memref<16x176xf32, #tpu.memory_space<vmem>>, vector<16xf32>,
        tpu.vector_store %arg15[%swap3A_542, %swap3A_543], %mul3A_541 {strides = array<i32>} : memref<16x176xf32, #tpu.memory_space<vmem>>, vector<16xf32>,
        %mul3A_545 = arith.mulf %exp3A, %unpack3A_446 : vector<16xf32>
        %swap3A_546 = arith.index_cast %add3A_436 : i32 to index
        %swap3A_547 = arith.constant 48 : index
        %swap3A_548 = tpu.vector_load %arg15[%swap3A_546, %swap3A_547] {strides = array<i32>} : memref<16x176xf32, #tpu.memory_space<vmem>>, vector<16xf32>,
        tpu.vector_store %arg15[%swap3A_546, %swap3A_547], %mul3A_545 {strides = array<i32>} : memref<16x176xf32, #tpu.memory_space<vmem>>, vector<16xf32>,
        %mul3A_549 = arith.mulf %exp3A, %unpack3A_450 : vector<16xf32>
        %swap3A_550 = arith.index_cast %add3A_436 : i32 to index
        %swap3A_551 = arith.constant 64 : index
        %swap3A_552 = tpu.vector_load %arg15[%swap3A_550, %swap3A_551] {strides = array<i32>} : memref<16x176xf32, #tpu.memory_space<vmem>>, vector<16xf32>,
        tpu.vector_store %arg15[%swap3A_550, %swap3A_551], %mul3A_549 {strides = array<i32>} : memref<16x176xf32, #tpu.memory_space<vmem>>, vector<16xf32>,
        %mul3A_553 = arith.mulf %exp3A, %unpack3A_451 : vector<16xf32>
        %swap3A_554 = arith.index_cast %add3A_436 : i32 to index
        %swap3A_555 = arith.constant 80 : index
        %swap3A_556 = tpu.vector_load %arg15[%swap3A_554, %swap3A_555] {strides = array<i32>} : memref<16x176xf32, #tpu.memory_space<vmem>>, vector<16xf32>,
        tpu.vector_store %arg15[%swap3A_554, %swap3A_555], %mul3A_553 {strides = array<i32>} : memref<16x176xf32, #tpu.memory_space<vmem>>, vector<16xf32>,
        %mul3A_557 = arith.mulf %exp3A, %unpack3A_455 : vector<16xf32>
        %swap3A_558 = arith.index_cast %add3A_436 : i32 to index
        %swap3A_559 = arith.constant 96 : index
        %swap3A_560 = tpu.vector_load %arg15[%swap3A_558, %swap3A_559] {strides = array<i32>} : memref<16x176xf32, #tpu.memory_space<vmem>>, vector<16xf32>,
        tpu.vector_store %arg15[%swap3A_558, %swap3A_559], %mul3A_557 {strides = array<i32>} : memref<16x176xf32, #tpu.memory_space<vmem>>, vector<16xf32>,
        %mul3A_561 = arith.mulf %exp3A, %unpack3A_456 : vector<16xf32>
        %swap3A_562 = arith.index_cast %add3A_436 : i32 to index
        %swap3A_563 = arith.constant 112 : index
        %swap3A_564 = tpu.vector_load %arg15[%swap3A_562, %swap3A_563] {strides = array<i32>} : memref<16x176xf32, #tpu.memory_space<vmem>>, vector<16xf32>,
        tpu.vector_store %arg15[%swap3A_562, %swap3A_563], %mul3A_561 {strides = array<i32>} : memref<16x176xf32, #tpu.memory_space<vmem>>, vector<16xf32>,
        %mul3A_565 = arith.mulf %exp3A, %unpack3A_495 : vector<16xf32>
        %swap3A_566 = arith.index_cast %add3A_436 : i32 to index
        %swap3A_567 = arith.constant 128 : index
        %swap3A_568 = tpu.vector_load %arg15[%swap3A_566, %swap3A_567] {strides = array<i32>} : memref<16x176xf32, #tpu.memory_space<vmem>>, vector<16xf32>,
        tpu.vector_store %arg15[%swap3A_566, %swap3A_567], %mul3A_565 {strides = array<i32>} : memref<16x176xf32, #tpu.memory_space<vmem>>, vector<16xf32>,
        %mul3A_569 = arith.mulf %exp3A, %unpack3A_496 : vector<16xf32>
        %swap3A_570 = arith.index_cast %add3A_436 : i32 to index
        %swap3A_571 = arith.constant 144 : index
        %swap3A_572 = tpu.vector_load %arg15[%swap3A_570, %swap3A_571] {strides = array<i32>} : memref<16x176xf32, #tpu.memory_space<vmem>>, vector<16xf32>,
        tpu.vector_store %arg15[%swap3A_570, %swap3A_571], %mul3A_569 {strides = array<i32>} : memref<16x176xf32, #tpu.memory_space<vmem>>, vector<16xf32>,
        %swap3A_573 = arith.index_cast %add3A_436 : i32 to index
        %swap3A_574 = arith.constant 160 : index
        %swap3A_575 = tpu.vector_load %arg15[%swap3A_573, %swap3A_574] {strides = array<i32>} : memref<16x176xf32, #tpu.memory_space<vmem>>, vector<16xf32>,
        tpu.vector_store %arg15[%swap3A_573, %swap3A_574], %exp3A {strides = array<i32>} : memref<16x176xf32, #tpu.memory_space<vmem>>, vector<16xf32>,
        %mul3A_576 = arith.constant 4 : i32
        %mul3A_577 = arith.muli %scan3A_432, %mul3A_576 : i32
        %add3A_578 = arith.constant 1 : i32
        %add3A_579 = arith.addi %mul3A_577, %add3A_578 : i32
        %add3A_580 = arith.constant 0 : i32
        %add3A_581 = arith.addi %add3A_580, %add3A_579 : i32
        %get3A_582 = arith.index_cast %add3A_581 : i32 to index
        %get3A_583 = arith.constant 0 : index
        %get3A_584 = tpu.vector_load %arg10[%get3A_582, %get3A_583] {strides = array<i32>} : memref<40x128xbf16, #tpu.memory_space<vmem>>, vector<32xbf16>,
        %unpack3A_585 = tpu.unpack_subelements %get3A_584, 0 {pack_format = #tpu.pack_format<interleaved>} : vector<32xbf16> -> vector<16xf32>
        %unpack3A_586 = tpu.unpack_subelements %get3A_584, 1 {pack_format = #tpu.pack_format<interleaved>} : vector<32xbf16> -> vector<16xf32>
        %get3A_587 = arith.index_cast %add3A_581 : i32 to index
        %get3A_588 = arith.constant 32 : index
        %get3A_589 = tpu.vector_load %arg10[%get3A_587, %get3A_588] {strides = array<i32>} : memref<40x128xbf16, #tpu.memory_space<vmem>>, vector<32xbf16>,
        %unpack3A_590 = tpu.unpack_subelements %get3A_589, 0 {pack_format = #tpu.pack_format<interleaved>} : vector<32xbf16> -> vector<16xf32>
        %unpack3A_591 = tpu.unpack_subelements %get3A_589, 1 {pack_format = #tpu.pack_format<interleaved>} : vector<32xbf16> -> vector<16xf32>
        %get3A_592 = arith.index_cast %add3A_581 : i32 to index
        %get3A_593 = arith.constant 64 : index
        %get3A_594 = tpu.vector_load %arg10[%get3A_592, %get3A_593] {strides = array<i32>} : memref<40x128xbf16, #tpu.memory_space<vmem>>, vector<32xbf16>,
        %unpack3A_595 = tpu.unpack_subelements %get3A_594, 0 {pack_format = #tpu.pack_format<interleaved>} : vector<32xbf16> -> vector<16xf32>
        %unpack3A_596 = tpu.unpack_subelements %get3A_594, 1 {pack_format = #tpu.pack_format<interleaved>} : vector<32xbf16> -> vector<16xf32>
        %get3A_597 = arith.index_cast %add3A_581 : i32 to index
        %get3A_598 = arith.constant 96 : index
        %get3A_599 = tpu.vector_load %arg10[%get3A_597, %get3A_598] {strides = array<i32>} : memref<40x128xbf16, #tpu.memory_space<vmem>>, vector<32xbf16>,
        %unpack3A_600 = tpu.unpack_subelements %get3A_599, 0 {pack_format = #tpu.pack_format<interleaved>} : vector<32xbf16> -> vector<16xf32>
        %unpack3A_601 = tpu.unpack_subelements %get3A_599, 1 {pack_format = #tpu.pack_format<interleaved>} : vector<32xbf16> -> vector<16xf32>
        %get3A_602 = arith.index_cast %add3A_581 : i32 to index
        %get3A_603 = arith.constant 0 : index
        %get3A_604 = tpu.vector_load %arg12[%get3A_602, %get3A_603] {strides = array<i32>} : memref<40x160xbf16, #tpu.memory_space<vmem>>, vector<32xbf16>,
        %unpack3A_605 = tpu.unpack_subelements %get3A_604, 0 {pack_format = #tpu.pack_format<interleaved>} : vector<32xbf16> -> vector<16xf32>
        %unpack3A_606 = tpu.unpack_subelements %get3A_604, 1 {pack_format = #tpu.pack_format<interleaved>} : vector<32xbf16> -> vector<16xf32>
        %mul3A_607 = arith.mulf %unpack3A_585, %unpack3A_605 : vector<16xf32>
        %mul3A_608 = arith.mulf %unpack3A_586, %unpack3A_606 : vector<16xf32>
        %add3A_609 = arith.addf %mul3A_607, %mul3A_608 : vector<16xf32>
        %get3A_610 = arith.index_cast %add3A_581 : i32 to index
        %get3A_611 = arith.constant 32 : index
        %get3A_612 = tpu.vector_load %arg12[%get3A_610, %get3A_611] {strides = array<i32>} : memref<40x160xbf16, #tpu.memory_space<vmem>>, vector<32xbf16>,
        %unpack3A_613 = tpu.unpack_subelements %get3A_612, 0 {pack_format = #tpu.pack_format<interleaved>} : vector<32xbf16> -> vector<16xf32>
        %unpack3A_614 = tpu.unpack_subelements %get3A_612, 1 {pack_format = #tpu.pack_format<interleaved>} : vector<32xbf16> -> vector<16xf32>
        %mul3A_615 = arith.mulf %unpack3A_590, %unpack3A_613 : vector<16xf32>
        %mul3A_616 = arith.mulf %unpack3A_591, %unpack3A_614 : vector<16xf32>
        %add3A_617 = arith.addf %mul3A_615, %mul3A_616 : vector<16xf32>
        %add3A_618 = arith.addf %add3A_609, %add3A_617 : vector<16xf32>
        %get3A_619 = arith.index_cast %add3A_581 : i32 to index
        %get3A_620 = arith.constant 64 : index
        %get3A_621 = tpu.vector_load %arg12[%get3A_619, %get3A_620] {strides = array<i32>} : memref<40x160xbf16, #tpu.memory_space<vmem>>, vector<32xbf16>,
        %unpack3A_622 = tpu.unpack_subelements %get3A_621, 0 {pack_format = #tpu.pack_format<interleaved>} : vector<32xbf16> -> vector<16xf32>
        %unpack3A_623 = tpu.unpack_subelements %get3A_621, 1 {pack_format = #tpu.pack_format<interleaved>} : vector<32xbf16> -> vector<16xf32>
        %mul3A_624 = arith.mulf %unpack3A_595, %unpack3A_622 : vector<16xf32>
        %mul3A_625 = arith.mulf %unpack3A_596, %unpack3A_623 : vector<16xf32>
        %add3A_626 = arith.addf %mul3A_624, %mul3A_625 : vector<16xf32>
        %add3A_627 = arith.addf %add3A_618, %add3A_626 : vector<16xf32>
        %get3A_628 = arith.index_cast %add3A_581 : i32 to index
        %get3A_629 = arith.constant 96 : index
        %get3A_630 = tpu.vector_load %arg12[%get3A_628, %get3A_629] {strides = array<i32>} : memref<40x160xbf16, #tpu.memory_space<vmem>>, vector<32xbf16>,
        %unpack3A_631 = tpu.unpack_subelements %get3A_630, 0 {pack_format = #tpu.pack_format<interleaved>} : vector<32xbf16> -> vector<16xf32>
        %unpack3A_632 = tpu.unpack_subelements %get3A_630, 1 {pack_format = #tpu.pack_format<interleaved>} : vector<32xbf16> -> vector<16xf32>
        %mul3A_633 = arith.mulf %unpack3A_600, %unpack3A_631 : vector<16xf32>
        %mul3A_634 = arith.mulf %unpack3A_601, %unpack3A_632 : vector<16xf32>
        %add3A_635 = arith.addf %mul3A_633, %mul3A_634 : vector<16xf32>
        %add3A_636 = arith.addf %add3A_627, %add3A_635 : vector<16xf32>
        %get3A_637 = arith.index_cast %add3A_581 : i32 to index
        %get3A_638 = arith.constant 0 : index
        %get3A_639 = tpu.vector_load %arg14[%get3A_637, %get3A_638] {strides = array<i32>} : memref<40x32xbf16, #tpu.memory_space<vmem>>, vector<32xbf16>,
        %unpack3A_640 = tpu.unpack_subelements %get3A_639, 0 {pack_format = #tpu.pack_format<interleaved>} : vector<32xbf16> -> vector<16xf32>
        %unpack3A_641 = tpu.unpack_subelements %get3A_639, 1 {pack_format = #tpu.pack_format<interleaved>} : vector<32xbf16> -> vector<16xf32>
        %get3A_642 = arith.index_cast %add3A_581 : i32 to index
        %get3A_643 = arith.constant 128 : index
        %get3A_644 = tpu.vector_load %arg12[%get3A_642, %get3A_643] {strides = array<i32>} : memref<40x160xbf16, #tpu.memory_space<vmem>>, vector<32xbf16>,
        %unpack3A_645 = tpu.unpack_subelements %get3A_644, 0 {pack_format = #tpu.pack_format<interleaved>} : vector<32xbf16> -> vector<16xf32>
        %unpack3A_646 = tpu.unpack_subelements %get3A_644, 1 {pack_format = #tpu.pack_format<interleaved>} : vector<32xbf16> -> vector<16xf32>
        %mul3A_647 = arith.mulf %unpack3A_640, %unpack3A_645 : vector<16xf32>
        %add3A_648 = arith.addf %add3A_636, %mul3A_647 : vector<16xf32>
        %mul3A_649 = arith.mulf %unpack3A_641, %unpack3A_646 : vector<16xf32>
        %add3A_650 = arith.addf %add3A_648, %mul3A_649 : vector<16xf32>
        %xor3A_651 = arith.constant 8 : i32
        %xor3A_652 = vector.broadcast %xor3A_651 : i32 to vector<16xi32>
        %xor3A_653 = arith.xori %iota3A, %xor3A_652 : vector<16xi32>
        %broadcast_in_dim3A_654 = vector.shape_cast %xor3A_653 : vector<16xi32> to vector<16x1xi32>
        %gather3A_655 = vector.shape_cast %broadcast_in_dim3A_654 : vector<16x1xi32> to vector<16xi32>
        %gather3A_656 = tpu.dynamic_gather %add3A_650[%gather3A_655] in [0] : vector<16xf32>, vector<16xi32> -> vector<16xf32>
        %add3A_657 = arith.addf %add3A_650, %gather3A_656 : vector<16xf32>
        %xor3A_658 = arith.constant 4 : i32
        %xor3A_659 = vector.broadcast %xor3A_658 : i32 to vector<16xi32>
        %xor3A_660 = arith.xori %iota3A, %xor3A_659 : vector<16xi32>
        %broadcast_in_dim3A_661 = vector.shape_cast %xor3A_660 : vector<16xi32> to vector<16x1xi32>
        %gather3A_662 = vector.shape_cast %broadcast_in_dim3A_661 : vector<16x1xi32> to vector<16xi32>
        %gather3A_663 = tpu.dynamic_gather %add3A_657[%gather3A_662] in [0] : vector<16xf32>, vector<16xi32> -> vector<16xf32>
        %add3A_664 = arith.addf %add3A_657, %gather3A_663 : vector<16xf32>
        %xor3A_665 = arith.constant 2 : i32
        %xor3A_666 = vector.broadcast %xor3A_665 : i32 to vector<16xi32>
        %xor3A_667 = arith.xori %iota3A, %xor3A_666 : vector<16xi32>
        %broadcast_in_dim3A_668 = vector.shape_cast %xor3A_667 : vector<16xi32> to vector<16x1xi32>
        %gather3A_669 = vector.shape_cast %broadcast_in_dim3A_668 : vector<16x1xi32> to vector<16xi32>
        %gather3A_670 = tpu.dynamic_gather %add3A_664[%gather3A_669] in [0] : vector<16xf32>, vector<16xi32> -> vector<16xf32>
        %add3A_671 = arith.addf %add3A_664, %gather3A_670 : vector<16xf32>
        %xor3A_672 = arith.constant 1 : i32
        %xor3A_673 = vector.broadcast %xor3A_672 : i32 to vector<16xi32>
        %xor3A_674 = arith.xori %iota3A, %xor3A_673 : vector<16xi32>
        %broadcast_in_dim3A_675 = vector.shape_cast %xor3A_674 : vector<16xi32> to vector<16x1xi32>
        %gather3A_676 = vector.shape_cast %broadcast_in_dim3A_675 : vector<16x1xi32> to vector<16xi32>
        %gather3A_677 = tpu.dynamic_gather %add3A_671[%gather3A_676] in [0] : vector<16xf32>, vector<16xi32> -> vector<16xf32>
        %add3A_678 = arith.addf %add3A_671, %gather3A_677 : vector<16xf32>
        %mul3A_679 = arith.constant 0.0883883461 : f32
        %mul3A_680 = vector.broadcast %mul3A_679 : f32 to vector<16xf32>
        %mul3A_681 = arith.mulf %add3A_678, %mul3A_680 : vector<16xf32>
        %exp3A_682 = math.exp %mul3A_681 : vector<16xf32>
        %mul3A_683 = arith.mulf %exp3A_682, %unpack3A_585 : vector<16xf32>
        %swap3A_684 = arith.index_cast %add3A_579 : i32 to index
        %swap3A_685 = arith.constant 0 : index
        %swap3A_686 = tpu.vector_load %arg15[%swap3A_684, %swap3A_685] {strides = array<i32>} : memref<16x176xf32, #tpu.memory_space<vmem>>, vector<16xf32>,
        tpu.vector_store %arg15[%swap3A_684, %swap3A_685], %mul3A_683 {strides = array<i32>} : memref<16x176xf32, #tpu.memory_space<vmem>>, vector<16xf32>,
        %mul3A_687 = arith.mulf %exp3A_682, %unpack3A_586 : vector<16xf32>
        %swap3A_688 = arith.index_cast %add3A_579 : i32 to index
        %swap3A_689 = arith.constant 16 : index
        %swap3A_690 = tpu.vector_load %arg15[%swap3A_688, %swap3A_689] {strides = array<i32>} : memref<16x176xf32, #tpu.memory_space<vmem>>, vector<16xf32>,
        tpu.vector_store %arg15[%swap3A_688, %swap3A_689], %mul3A_687 {strides = array<i32>} : memref<16x176xf32, #tpu.memory_space<vmem>>, vector<16xf32>,
        %mul3A_691 = arith.mulf %exp3A_682, %unpack3A_590 : vector<16xf32>
        %swap3A_692 = arith.index_cast %add3A_579 : i32 to index
        %swap3A_693 = arith.constant 32 : index
        %swap3A_694 = tpu.vector_load %arg15[%swap3A_692, %swap3A_693] {strides = array<i32>} : memref<16x176xf32, #tpu.memory_space<vmem>>, vector<16xf32>,
        tpu.vector_store %arg15[%swap3A_692, %swap3A_693], %mul3A_691 {strides = array<i32>} : memref<16x176xf32, #tpu.memory_space<vmem>>, vector<16xf32>,
        %mul3A_695 = arith.mulf %exp3A_682, %unpack3A_591 : vector<16xf32>
        %swap3A_696 = arith.index_cast %add3A_579 : i32 to index
        %swap3A_697 = arith.constant 48 : index
        %swap3A_698 = tpu.vector_load %arg15[%swap3A_696, %swap3A_697] {strides = array<i32>} : memref<16x176xf32, #tpu.memory_space<vmem>>, vector<16xf32>,
        tpu.vector_store %arg15[%swap3A_696, %swap3A_697], %mul3A_695 {strides = array<i32>} : memref<16x176xf32, #tpu.memory_space<vmem>>, vector<16xf32>,
        %mul3A_699 = arith.mulf %exp3A_682, %unpack3A_595 : vector<16xf32>
        %swap3A_700 = arith.index_cast %add3A_579 : i32 to index
        %swap3A_701 = arith.constant 64 : index
        %swap3A_702 = tpu.vector_load %arg15[%swap3A_700, %swap3A_701] {strides = array<i32>} : memref<16x176xf32, #tpu.memory_space<vmem>>, vector<16xf32>,
        tpu.vector_store %arg15[%swap3A_700, %swap3A_701], %mul3A_699 {strides = array<i32>} : memref<16x176xf32, #tpu.memory_space<vmem>>, vector<16xf32>,
        %mul3A_703 = arith.mulf %exp3A_682, %unpack3A_596 : vector<16xf32>
        %swap3A_704 = arith.index_cast %add3A_579 : i32 to index
        %swap3A_705 = arith.constant 80 : index
        %swap3A_706 = tpu.vector_load %arg15[%swap3A_704, %swap3A_705] {strides = array<i32>} : memref<16x176xf32, #tpu.memory_space<vmem>>, vector<16xf32>,
        tpu.vector_store %arg15[%swap3A_704, %swap3A_705], %mul3A_703 {strides = array<i32>} : memref<16x176xf32, #tpu.memory_space<vmem>>, vector<16xf32>,
        %mul3A_707 = arith.mulf %exp3A_682, %unpack3A_600 : vector<16xf32>
        %swap3A_708 = arith.index_cast %add3A_579 : i32 to index
        %swap3A_709 = arith.constant 96 : index
        %swap3A_710 = tpu.vector_load %arg15[%swap3A_708, %swap3A_709] {strides = array<i32>} : memref<16x176xf32, #tpu.memory_space<vmem>>, vector<16xf32>,
        tpu.vector_store %arg15[%swap3A_708, %swap3A_709], %mul3A_707 {strides = array<i32>} : memref<16x176xf32, #tpu.memory_space<vmem>>, vector<16xf32>,
        %mul3A_711 = arith.mulf %exp3A_682, %unpack3A_601 : vector<16xf32>
        %swap3A_712 = arith.index_cast %add3A_579 : i32 to index
        %swap3A_713 = arith.constant 112 : index
        %swap3A_714 = tpu.vector_load %arg15[%swap3A_712, %swap3A_713] {strides = array<i32>} : memref<16x176xf32, #tpu.memory_space<vmem>>, vector<16xf32>,
        tpu.vector_store %arg15[%swap3A_712, %swap3A_713], %mul3A_711 {strides = array<i32>} : memref<16x176xf32, #tpu.memory_space<vmem>>, vector<16xf32>,
        %mul3A_715 = arith.mulf %exp3A_682, %unpack3A_640 : vector<16xf32>
        %swap3A_716 = arith.index_cast %add3A_579 : i32 to index
        %swap3A_717 = arith.constant 128 : index
        %swap3A_718 = tpu.vector_load %arg15[%swap3A_716, %swap3A_717] {strides = array<i32>} : memref<16x176xf32, #tpu.memory_space<vmem>>, vector<16xf32>,
        tpu.vector_store %arg15[%swap3A_716, %swap3A_717], %mul3A_715 {strides = array<i32>} : memref<16x176xf32, #tpu.memory_space<vmem>>, vector<16xf32>,
        %mul3A_719 = arith.mulf %exp3A_682, %unpack3A_641 : vector<16xf32>
        %swap3A_720 = arith.index_cast %add3A_579 : i32 to index
        %swap3A_721 = arith.constant 144 : index
        %swap3A_722 = tpu.vector_load %arg15[%swap3A_720, %swap3A_721] {strides = array<i32>} : memref<16x176xf32, #tpu.memory_space<vmem>>, vector<16xf32>,
        tpu.vector_store %arg15[%swap3A_720, %swap3A_721], %mul3A_719 {strides = array<i32>} : memref<16x176xf32, #tpu.memory_space<vmem>>, vector<16xf32>,
        %swap3A_723 = arith.index_cast %add3A_579 : i32 to index
        %swap3A_724 = arith.constant 160 : index
        %swap3A_725 = tpu.vector_load %arg15[%swap3A_723, %swap3A_724] {strides = array<i32>} : memref<16x176xf32, #tpu.memory_space<vmem>>, vector<16xf32>,
        tpu.vector_store %arg15[%swap3A_723, %swap3A_724], %exp3A_682 {strides = array<i32>} : memref<16x176xf32, #tpu.memory_space<vmem>>, vector<16xf32>,
        %mul3A_726 = arith.constant 4 : i32
        %mul3A_727 = arith.muli %scan3A_432, %mul3A_726 : i32
        %add3A_728 = arith.constant 2 : i32
        %add3A_729 = arith.addi %mul3A_727, %add3A_728 : i32
        %add3A_730 = arith.constant 0 : i32
        %add3A_731 = arith.addi %add3A_730, %add3A_729 : i32
        %get3A_732 = arith.index_cast %add3A_731 : i32 to index
        %get3A_733 = arith.constant 0 : index
        %get3A_734 = tpu.vector_load %arg10[%get3A_732, %get3A_733] {strides = array<i32>} : memref<40x128xbf16, #tpu.memory_space<vmem>>, vector<32xbf16>,
        %unpack3A_735 = tpu.unpack_subelements %get3A_734, 0 {pack_format = #tpu.pack_format<interleaved>} : vector<32xbf16> -> vector<16xf32>
        %unpack3A_736 = tpu.unpack_subelements %get3A_734, 1 {pack_format = #tpu.pack_format<interleaved>} : vector<32xbf16> -> vector<16xf32>
        %get3A_737 = arith.index_cast %add3A_731 : i32 to index
        %get3A_738 = arith.constant 32 : index
        %get3A_739 = tpu.vector_load %arg10[%get3A_737, %get3A_738] {strides = array<i32>} : memref<40x128xbf16, #tpu.memory_space<vmem>>, vector<32xbf16>,
        %unpack3A_740 = tpu.unpack_subelements %get3A_739, 0 {pack_format = #tpu.pack_format<interleaved>} : vector<32xbf16> -> vector<16xf32>
        %unpack3A_741 = tpu.unpack_subelements %get3A_739, 1 {pack_format = #tpu.pack_format<interleaved>} : vector<32xbf16> -> vector<16xf32>
        %get3A_742 = arith.index_cast %add3A_731 : i32 to index
        %get3A_743 = arith.constant 64 : index
        %get3A_744 = tpu.vector_load %arg10[%get3A_742, %get3A_743] {strides = array<i32>} : memref<40x128xbf16, #tpu.memory_space<vmem>>, vector<32xbf16>,
        %unpack3A_745 = tpu.unpack_subelements %get3A_744, 0 {pack_format = #tpu.pack_format<interleaved>} : vector<32xbf16> -> vector<16xf32>
        %unpack3A_746 = tpu.unpack_subelements %get3A_744, 1 {pack_format = #tpu.pack_format<interleaved>} : vector<32xbf16> -> vector<16xf32>
        %get3A_747 = arith.index_cast %add3A_731 : i32 to index
        %get3A_748 = arith.constant 96 : index
        %get3A_749 = tpu.vector_load %arg10[%get3A_747, %get3A_748] {strides = array<i32>} : memref<40x128xbf16, #tpu.memory_space<vmem>>, vector<32xbf16>,
        %unpack3A_750 = tpu.unpack_subelements %get3A_749, 0 {pack_format = #tpu.pack_format<interleaved>} : vector<32xbf16> -> vector<16xf32>
        %unpack3A_751 = tpu.unpack_subelements %get3A_749, 1 {pack_format = #tpu.pack_format<interleaved>} : vector<32xbf16> -> vector<16xf32>
        %get3A_752 = arith.index_cast %add3A_731 : i32 to index
        %get3A_753 = arith.constant 0 : index
        %get3A_754 = tpu.vector_load %arg12[%get3A_752, %get3A_753] {strides = array<i32>} : memref<40x160xbf16, #tpu.memory_space<vmem>>, vector<32xbf16>,
        %unpack3A_755 = tpu.unpack_subelements %get3A_754, 0 {pack_format = #tpu.pack_format<interleaved>} : vector<32xbf16> -> vector<16xf32>
        %unpack3A_756 = tpu.unpack_subelements %get3A_754, 1 {pack_format = #tpu.pack_format<interleaved>} : vector<32xbf16> -> vector<16xf32>
        %mul3A_757 = arith.mulf %unpack3A_735, %unpack3A_755 : vector<16xf32>
        %mul3A_758 = arith.mulf %unpack3A_736, %unpack3A_756 : vector<16xf32>
        %add3A_759 = arith.addf %mul3A_757, %mul3A_758 : vector<16xf32>
        %get3A_760 = arith.index_cast %add3A_731 : i32 to index
        %get3A_761 = arith.constant 32 : index
        %get3A_762 = tpu.vector_load %arg12[%get3A_760, %get3A_761] {strides = array<i32>} : memref<40x160xbf16, #tpu.memory_space<vmem>>, vector<32xbf16>,
        %unpack3A_763 = tpu.unpack_subelements %get3A_762, 0 {pack_format = #tpu.pack_format<interleaved>} : vector<32xbf16> -> vector<16xf32>
        %unpack3A_764 = tpu.unpack_subelements %get3A_762, 1 {pack_format = #tpu.pack_format<interleaved>} : vector<32xbf16> -> vector<16xf32>
        %mul3A_765 = arith.mulf %unpack3A_740, %unpack3A_763 : vector<16xf32>
        %mul3A_766 = arith.mulf %unpack3A_741, %unpack3A_764 : vector<16xf32>
        %add3A_767 = arith.addf %mul3A_765, %mul3A_766 : vector<16xf32>
        %add3A_768 = arith.addf %add3A_759, %add3A_767 : vector<16xf32>
        %get3A_769 = arith.index_cast %add3A_731 : i32 to index
        %get3A_770 = arith.constant 64 : index
        %get3A_771 = tpu.vector_load %arg12[%get3A_769, %get3A_770] {strides = array<i32>} : memref<40x160xbf16, #tpu.memory_space<vmem>>, vector<32xbf16>,
        %unpack3A_772 = tpu.unpack_subelements %get3A_771, 0 {pack_format = #tpu.pack_format<interleaved>} : vector<32xbf16> -> vector<16xf32>
        %unpack3A_773 = tpu.unpack_subelements %get3A_771, 1 {pack_format = #tpu.pack_format<interleaved>} : vector<32xbf16> -> vector<16xf32>
        %mul3A_774 = arith.mulf %unpack3A_745, %unpack3A_772 : vector<16xf32>
        %mul3A_775 = arith.mulf %unpack3A_746, %unpack3A_773 : vector<16xf32>
        %add3A_776 = arith.addf %mul3A_774, %mul3A_775 : vector<16xf32>
        %add3A_777 = arith.addf %add3A_768, %add3A_776 : vector<16xf32>
        %get3A_778 = arith.index_cast %add3A_731 : i32 to index
        %get3A_779 = arith.constant 96 : index
        %get3A_780 = tpu.vector_load %arg12[%get3A_778, %get3A_779] {strides = array<i32>} : memref<40x160xbf16, #tpu.memory_space<vmem>>, vector<32xbf16>,
        %unpack3A_781 = tpu.unpack_subelements %get3A_780, 0 {pack_format = #tpu.pack_format<interleaved>} : vector<32xbf16> -> vector<16xf32>
        %unpack3A_782 = tpu.unpack_subelements %get3A_780, 1 {pack_format = #tpu.pack_format<interleaved>} : vector<32xbf16> -> vector<16xf32>
        %mul3A_783 = arith.mulf %unpack3A_750, %unpack3A_781 : vector<16xf32>
        %mul3A_784 = arith.mulf %unpack3A_751, %unpack3A_782 : vector<16xf32>
        %add3A_785 = arith.addf %mul3A_783, %mul3A_784 : vector<16xf32>
        %add3A_786 = arith.addf %add3A_777, %add3A_785 : vector<16xf32>
        %get3A_787 = arith.index_cast %add3A_731 : i32 to index
        %get3A_788 = arith.constant 0 : index
        %get3A_789 = tpu.vector_load %arg14[%get3A_787, %get3A_788] {strides = array<i32>} : memref<40x32xbf16, #tpu.memory_space<vmem>>, vector<32xbf16>,
        %unpack3A_790 = tpu.unpack_subelements %get3A_789, 0 {pack_format = #tpu.pack_format<interleaved>} : vector<32xbf16> -> vector<16xf32>
        %unpack3A_791 = tpu.unpack_subelements %get3A_789, 1 {pack_format = #tpu.pack_format<interleaved>} : vector<32xbf16> -> vector<16xf32>
        %get3A_792 = arith.index_cast %add3A_731 : i32 to index
        %get3A_793 = arith.constant 128 : index
        %get3A_794 = tpu.vector_load %arg12[%get3A_792, %get3A_793] {strides = array<i32>} : memref<40x160xbf16, #tpu.memory_space<vmem>>, vector<32xbf16>,
        %unpack3A_795 = tpu.unpack_subelements %get3A_794, 0 {pack_format = #tpu.pack_format<interleaved>} : vector<32xbf16> -> vector<16xf32>
        %unpack3A_796 = tpu.unpack_subelements %get3A_794, 1 {pack_format = #tpu.pack_format<interleaved>} : vector<32xbf16> -> vector<16xf32>
        %mul3A_797 = arith.mulf %unpack3A_790, %unpack3A_795 : vector<16xf32>
        %add3A_798 = arith.addf %add3A_786, %mul3A_797 : vector<16xf32>
        %mul3A_799 = arith.mulf %unpack3A_791, %unpack3A_796 : vector<16xf32>
        %add3A_800 = arith.addf %add3A_798, %mul3A_799 : vector<16xf32>
        %xor3A_801 = arith.constant 8 : i32
        %xor3A_802 = vector.broadcast %xor3A_801 : i32 to vector<16xi32>
        %xor3A_803 = arith.xori %iota3A, %xor3A_802 : vector<16xi32>
        %broadcast_in_dim3A_804 = vector.shape_cast %xor3A_803 : vector<16xi32> to vector<16x1xi32>
        %gather3A_805 = vector.shape_cast %broadcast_in_dim3A_804 : vector<16x1xi32> to vector<16xi32>
        %gather3A_806 = tpu.dynamic_gather %add3A_800[%gather3A_805] in [0] : vector<16xf32>, vector<16xi32> -> vector<16xf32>
        %add3A_807 = arith.addf %add3A_800, %gather3A_806 : vector<16xf32>
        %xor3A_808 = arith.constant 4 : i32
        %xor3A_809 = vector.broadcast %xor3A_808 : i32 to vector<16xi32>
        %xor3A_810 = arith.xori %iota3A, %xor3A_809 : vector<16xi32>
        %broadcast_in_dim3A_811 = vector.shape_cast %xor3A_810 : vector<16xi32> to vector<16x1xi32>
        %gather3A_812 = vector.shape_cast %broadcast_in_dim3A_811 : vector<16x1xi32> to vector<16xi32>
        %gather3A_813 = tpu.dynamic_gather %add3A_807[%gather3A_812] in [0] : vector<16xf32>, vector<16xi32> -> vector<16xf32>
        %add3A_814 = arith.addf %add3A_807, %gather3A_813 : vector<16xf32>
        %xor3A_815 = arith.constant 2 : i32
        %xor3A_816 = vector.broadcast %xor3A_815 : i32 to vector<16xi32>
        %xor3A_817 = arith.xori %iota3A, %xor3A_816 : vector<16xi32>
        %broadcast_in_dim3A_818 = vector.shape_cast %xor3A_817 : vector<16xi32> to vector<16x1xi32>
        %gather3A_819 = vector.shape_cast %broadcast_in_dim3A_818 : vector<16x1xi32> to vector<16xi32>
        %gather3A_820 = tpu.dynamic_gather %add3A_814[%gather3A_819] in [0] : vector<16xf32>, vector<16xi32> -> vector<16xf32>
        %add3A_821 = arith.addf %add3A_814, %gather3A_820 : vector<16xf32>
        %xor3A_822 = arith.constant 1 : i32
        %xor3A_823 = vector.broadcast %xor3A_822 : i32 to vector<16xi32>
        %xor3A_824 = arith.xori %iota3A, %xor3A_823 : vector<16xi32>
        %broadcast_in_dim3A_825 = vector.shape_cast %xor3A_824 : vector<16xi32> to vector<16x1xi32>
        %gather3A_826 = vector.shape_cast %broadcast_in_dim3A_825 : vector<16x1xi32> to vector<16xi32>
        %gather3A_827 = tpu.dynamic_gather %add3A_821[%gather3A_826] in [0] : vector<16xf32>, vector<16xi32> -> vector<16xf32>
        %add3A_828 = arith.addf %add3A_821, %gather3A_827 : vector<16xf32>
        %mul3A_829 = arith.constant 0.0883883461 : f32
        %mul3A_830 = vector.broadcast %mul3A_829 : f32 to vector<16xf32>
        %mul3A_831 = arith.mulf %add3A_828, %mul3A_830 : vector<16xf32>
        %exp3A_832 = math.exp %mul3A_831 : vector<16xf32>
        %mul3A_833 = arith.mulf %exp3A_832, %unpack3A_735 : vector<16xf32>
        %swap3A_834 = arith.index_cast %add3A_729 : i32 to index
        %swap3A_835 = arith.constant 0 : index
        %swap3A_836 = tpu.vector_load %arg15[%swap3A_834, %swap3A_835] {strides = array<i32>} : memref<16x176xf32, #tpu.memory_space<vmem>>, vector<16xf32>,
        tpu.vector_store %arg15[%swap3A_834, %swap3A_835], %mul3A_833 {strides = array<i32>} : memref<16x176xf32, #tpu.memory_space<vmem>>, vector<16xf32>,
        %mul3A_837 = arith.mulf %exp3A_832, %unpack3A_736 : vector<16xf32>
        %swap3A_838 = arith.index_cast %add3A_729 : i32 to index
        %swap3A_839 = arith.constant 16 : index
        %swap3A_840 = tpu.vector_load %arg15[%swap3A_838, %swap3A_839] {strides = array<i32>} : memref<16x176xf32, #tpu.memory_space<vmem>>, vector<16xf32>,
        tpu.vector_store %arg15[%swap3A_838, %swap3A_839], %mul3A_837 {strides = array<i32>} : memref<16x176xf32, #tpu.memory_space<vmem>>, vector<16xf32>,
        %mul3A_841 = arith.mulf %exp3A_832, %unpack3A_740 : vector<16xf32>
        %swap3A_842 = arith.index_cast %add3A_729 : i32 to index
        %swap3A_843 = arith.constant 32 : index
        %swap3A_844 = tpu.vector_load %arg15[%swap3A_842, %swap3A_843] {strides = array<i32>} : memref<16x176xf32, #tpu.memory_space<vmem>>, vector<16xf32>,
        tpu.vector_store %arg15[%swap3A_842, %swap3A_843], %mul3A_841 {strides = array<i32>} : memref<16x176xf32, #tpu.memory_space<vmem>>, vector<16xf32>,
        %mul3A_845 = arith.mulf %exp3A_832, %unpack3A_741 : vector<16xf32>
        %swap3A_846 = arith.index_cast %add3A_729 : i32 to index
        %swap3A_847 = arith.constant 48 : index
        %swap3A_848 = tpu.vector_load %arg15[%swap3A_846, %swap3A_847] {strides = array<i32>} : memref<16x176xf32, #tpu.memory_space<vmem>>, vector<16xf32>,
        tpu.vector_store %arg15[%swap3A_846, %swap3A_847], %mul3A_845 {strides = array<i32>} : memref<16x176xf32, #tpu.memory_space<vmem>>, vector<16xf32>,
        %mul3A_849 = arith.mulf %exp3A_832, %unpack3A_745 : vector<16xf32>
        %swap3A_850 = arith.index_cast %add3A_729 : i32 to index
        %swap3A_851 = arith.constant 64 : index
        %swap3A_852 = tpu.vector_load %arg15[%swap3A_850, %swap3A_851] {strides = array<i32>} : memref<16x176xf32, #tpu.memory_space<vmem>>, vector<16xf32>,
        tpu.vector_store %arg15[%swap3A_850, %swap3A_851], %mul3A_849 {strides = array<i32>} : memref<16x176xf32, #tpu.memory_space<vmem>>, vector<16xf32>,
        %mul3A_853 = arith.mulf %exp3A_832, %unpack3A_746 : vector<16xf32>
        %swap3A_854 = arith.index_cast %add3A_729 : i32 to index
        %swap3A_855 = arith.constant 80 : index
        %swap3A_856 = tpu.vector_load %arg15[%swap3A_854, %swap3A_855] {strides = array<i32>} : memref<16x176xf32, #tpu.memory_space<vmem>>, vector<16xf32>,
        tpu.vector_store %arg15[%swap3A_854, %swap3A_855], %mul3A_853 {strides = array<i32>} : memref<16x176xf32, #tpu.memory_space<vmem>>, vector<16xf32>,
        %mul3A_857 = arith.mulf %exp3A_832, %unpack3A_750 : vector<16xf32>
        %swap3A_858 = arith.index_cast %add3A_729 : i32 to index
        %swap3A_859 = arith.constant 96 : index
        %swap3A_860 = tpu.vector_load %arg15[%swap3A_858, %swap3A_859] {strides = array<i32>} : memref<16x176xf32, #tpu.memory_space<vmem>>, vector<16xf32>,
        tpu.vector_store %arg15[%swap3A_858, %swap3A_859], %mul3A_857 {strides = array<i32>} : memref<16x176xf32, #tpu.memory_space<vmem>>, vector<16xf32>,
        %mul3A_861 = arith.mulf %exp3A_832, %unpack3A_751 : vector<16xf32>
        %swap3A_862 = arith.index_cast %add3A_729 : i32 to index
        %swap3A_863 = arith.constant 112 : index
        %swap3A_864 = tpu.vector_load %arg15[%swap3A_862, %swap3A_863] {strides = array<i32>} : memref<16x176xf32, #tpu.memory_space<vmem>>, vector<16xf32>,
        tpu.vector_store %arg15[%swap3A_862, %swap3A_863], %mul3A_861 {strides = array<i32>} : memref<16x176xf32, #tpu.memory_space<vmem>>, vector<16xf32>,
        %mul3A_865 = arith.mulf %exp3A_832, %unpack3A_790 : vector<16xf32>
        %swap3A_866 = arith.index_cast %add3A_729 : i32 to index
        %swap3A_867 = arith.constant 128 : index
        %swap3A_868 = tpu.vector_load %arg15[%swap3A_866, %swap3A_867] {strides = array<i32>} : memref<16x176xf32, #tpu.memory_space<vmem>>, vector<16xf32>,
        tpu.vector_store %arg15[%swap3A_866, %swap3A_867], %mul3A_865 {strides = array<i32>} : memref<16x176xf32, #tpu.memory_space<vmem>>, vector<16xf32>,
        %mul3A_869 = arith.mulf %exp3A_832, %unpack3A_791 : vector<16xf32>
        %swap3A_870 = arith.index_cast %add3A_729 : i32 to index
        %swap3A_871 = arith.constant 144 : index
        %swap3A_872 = tpu.vector_load %arg15[%swap3A_870, %swap3A_871] {strides = array<i32>} : memref<16x176xf32, #tpu.memory_space<vmem>>, vector<16xf32>,
        tpu.vector_store %arg15[%swap3A_870, %swap3A_871], %mul3A_869 {strides = array<i32>} : memref<16x176xf32, #tpu.memory_space<vmem>>, vector<16xf32>,
        %swap3A_873 = arith.index_cast %add3A_729 : i32 to index
        %swap3A_874 = arith.constant 160 : index
        %swap3A_875 = tpu.vector_load %arg15[%swap3A_873, %swap3A_874] {strides = array<i32>} : memref<16x176xf32, #tpu.memory_space<vmem>>, vector<16xf32>,
        tpu.vector_store %arg15[%swap3A_873, %swap3A_874], %exp3A_832 {strides = array<i32>} : memref<16x176xf32, #tpu.memory_space<vmem>>, vector<16xf32>,
        %mul3A_876 = arith.constant 4 : i32
        %mul3A_877 = arith.muli %scan3A_432, %mul3A_876 : i32
        %add3A_878 = arith.constant 3 : i32
        %add3A_879 = arith.addi %mul3A_877, %add3A_878 : i32
        %add3A_880 = arith.constant 0 : i32
        %add3A_881 = arith.addi %add3A_880, %add3A_879 : i32
        %get3A_882 = arith.index_cast %add3A_881 : i32 to index
        %get3A_883 = arith.constant 0 : index
        %get3A_884 = tpu.vector_load %arg10[%get3A_882, %get3A_883] {strides = array<i32>} : memref<40x128xbf16, #tpu.memory_space<vmem>>, vector<32xbf16>,
        %unpack3A_885 = tpu.unpack_subelements %get3A_884, 0 {pack_format = #tpu.pack_format<interleaved>} : vector<32xbf16> -> vector<16xf32>
        %unpack3A_886 = tpu.unpack_subelements %get3A_884, 1 {pack_format = #tpu.pack_format<interleaved>} : vector<32xbf16> -> vector<16xf32>
        %get3A_887 = arith.index_cast %add3A_881 : i32 to index
        %get3A_888 = arith.constant 32 : index
        %get3A_889 = tpu.vector_load %arg10[%get3A_887, %get3A_888] {strides = array<i32>} : memref<40x128xbf16, #tpu.memory_space<vmem>>, vector<32xbf16>,
        %unpack3A_890 = tpu.unpack_subelements %get3A_889, 0 {pack_format = #tpu.pack_format<interleaved>} : vector<32xbf16> -> vector<16xf32>
        %unpack3A_891 = tpu.unpack_subelements %get3A_889, 1 {pack_format = #tpu.pack_format<interleaved>} : vector<32xbf16> -> vector<16xf32>
        %get3A_892 = arith.index_cast %add3A_881 : i32 to index
        %get3A_893 = arith.constant 64 : index
        %get3A_894 = tpu.vector_load %arg10[%get3A_892, %get3A_893] {strides = array<i32>} : memref<40x128xbf16, #tpu.memory_space<vmem>>, vector<32xbf16>,
        %unpack3A_895 = tpu.unpack_subelements %get3A_894, 0 {pack_format = #tpu.pack_format<interleaved>} : vector<32xbf16> -> vector<16xf32>
        %unpack3A_896 = tpu.unpack_subelements %get3A_894, 1 {pack_format = #tpu.pack_format<interleaved>} : vector<32xbf16> -> vector<16xf32>
        %get3A_897 = arith.index_cast %add3A_881 : i32 to index
        %get3A_898 = arith.constant 96 : index
        %get3A_899 = tpu.vector_load %arg10[%get3A_897, %get3A_898] {strides = array<i32>} : memref<40x128xbf16, #tpu.memory_space<vmem>>, vector<32xbf16>,
        %unpack3A_900 = tpu.unpack_subelements %get3A_899, 0 {pack_format = #tpu.pack_format<interleaved>} : vector<32xbf16> -> vector<16xf32>
        %unpack3A_901 = tpu.unpack_subelements %get3A_899, 1 {pack_format = #tpu.pack_format<interleaved>} : vector<32xbf16> -> vector<16xf32>
        %get3A_902 = arith.index_cast %add3A_881 : i32 to index
        %get3A_903 = arith.constant 0 : index
        %get3A_904 = tpu.vector_load %arg12[%get3A_902, %get3A_903] {strides = array<i32>} : memref<40x160xbf16, #tpu.memory_space<vmem>>, vector<32xbf16>,
        %unpack3A_905 = tpu.unpack_subelements %get3A_904, 0 {pack_format = #tpu.pack_format<interleaved>} : vector<32xbf16> -> vector<16xf32>
        %unpack3A_906 = tpu.unpack_subelements %get3A_904, 1 {pack_format = #tpu.pack_format<interleaved>} : vector<32xbf16> -> vector<16xf32>
        %mul3A_907 = arith.mulf %unpack3A_885, %unpack3A_905 : vector<16xf32>
        %mul3A_908 = arith.mulf %unpack3A_886, %unpack3A_906 : vector<16xf32>
        %add3A_909 = arith.addf %mul3A_907, %mul3A_908 : vector<16xf32>
        %get3A_910 = arith.index_cast %add3A_881 : i32 to index
        %get3A_911 = arith.constant 32 : index
        %get3A_912 = tpu.vector_load %arg12[%get3A_910, %get3A_911] {strides = array<i32>} : memref<40x160xbf16, #tpu.memory_space<vmem>>, vector<32xbf16>,
        %unpack3A_913 = tpu.unpack_subelements %get3A_912, 0 {pack_format = #tpu.pack_format<interleaved>} : vector<32xbf16> -> vector<16xf32>
        %unpack3A_914 = tpu.unpack_subelements %get3A_912, 1 {pack_format = #tpu.pack_format<interleaved>} : vector<32xbf16> -> vector<16xf32>
        %mul3A_915 = arith.mulf %unpack3A_890, %unpack3A_913 : vector<16xf32>
        %mul3A_916 = arith.mulf %unpack3A_891, %unpack3A_914 : vector<16xf32>
        %add3A_917 = arith.addf %mul3A_915, %mul3A_916 : vector<16xf32>
        %add3A_918 = arith.addf %add3A_909, %add3A_917 : vector<16xf32>
        %get3A_919 = arith.index_cast %add3A_881 : i32 to index
        %get3A_920 = arith.constant 64 : index
        %get3A_921 = tpu.vector_load %arg12[%get3A_919, %get3A_920] {strides = array<i32>} : memref<40x160xbf16, #tpu.memory_space<vmem>>, vector<32xbf16>,
        %unpack3A_922 = tpu.unpack_subelements %get3A_921, 0 {pack_format = #tpu.pack_format<interleaved>} : vector<32xbf16> -> vector<16xf32>
        %unpack3A_923 = tpu.unpack_subelements %get3A_921, 1 {pack_format = #tpu.pack_format<interleaved>} : vector<32xbf16> -> vector<16xf32>
        %mul3A_924 = arith.mulf %unpack3A_895, %unpack3A_922 : vector<16xf32>
        %mul3A_925 = arith.mulf %unpack3A_896, %unpack3A_923 : vector<16xf32>
        %add3A_926 = arith.addf %mul3A_924, %mul3A_925 : vector<16xf32>
        %add3A_927 = arith.addf %add3A_918, %add3A_926 : vector<16xf32>
        %get3A_928 = arith.index_cast %add3A_881 : i32 to index
        %get3A_929 = arith.constant 96 : index
        %get3A_930 = tpu.vector_load %arg12[%get3A_928, %get3A_929] {strides = array<i32>} : memref<40x160xbf16, #tpu.memory_space<vmem>>, vector<32xbf16>,
        %unpack3A_931 = tpu.unpack_subelements %get3A_930, 0 {pack_format = #tpu.pack_format<interleaved>} : vector<32xbf16> -> vector<16xf32>
        %unpack3A_932 = tpu.unpack_subelements %get3A_930, 1 {pack_format = #tpu.pack_format<interleaved>} : vector<32xbf16> -> vector<16xf32>
        %mul3A_933 = arith.mulf %unpack3A_900, %unpack3A_931 : vector<16xf32>
        %mul3A_934 = arith.mulf %unpack3A_901, %unpack3A_932 : vector<16xf32>
        %add3A_935 = arith.addf %mul3A_933, %mul3A_934 : vector<16xf32>
        %add3A_936 = arith.addf %add3A_927, %add3A_935 : vector<16xf32>
        %get3A_937 = arith.index_cast %add3A_881 : i32 to index
        %get3A_938 = arith.constant 0 : index
        %get3A_939 = tpu.vector_load %arg14[%get3A_937, %get3A_938] {strides = array<i32>} : memref<40x32xbf16, #tpu.memory_space<vmem>>, vector<32xbf16>,
        %unpack3A_940 = tpu.unpack_subelements %get3A_939, 0 {pack_format = #tpu.pack_format<interleaved>} : vector<32xbf16> -> vector<16xf32>
        %unpack3A_941 = tpu.unpack_subelements %get3A_939, 1 {pack_format = #tpu.pack_format<interleaved>} : vector<32xbf16> -> vector<16xf32>
        %get3A_942 = arith.index_cast %add3A_881 : i32 to index
        %get3A_943 = arith.constant 128 : index
        %get3A_944 = tpu.vector_load %arg12[%get3A_942, %get3A_943] {strides = array<i32>} : memref<40x160xbf16, #tpu.memory_space<vmem>>, vector<32xbf16>,
        %unpack3A_945 = tpu.unpack_subelements %get3A_944, 0 {pack_format = #tpu.pack_format<interleaved>} : vector<32xbf16> -> vector<16xf32>
        %unpack3A_946 = tpu.unpack_subelements %get3A_944, 1 {pack_format = #tpu.pack_format<interleaved>} : vector<32xbf16> -> vector<16xf32>
        %mul3A_947 = arith.mulf %unpack3A_940, %unpack3A_945 : vector<16xf32>
        %add3A_948 = arith.addf %add3A_936, %mul3A_947 : vector<16xf32>
        %mul3A_949 = arith.mulf %unpack3A_941, %unpack3A_946 : vector<16xf32>
        %add3A_950 = arith.addf %add3A_948, %mul3A_949 : vector<16xf32>
        %xor3A_951 = arith.constant 8 : i32
        %xor3A_952 = vector.broadcast %xor3A_951 : i32 to vector<16xi32>
        %xor3A_953 = arith.xori %iota3A, %xor3A_952 : vector<16xi32>
        %broadcast_in_dim3A_954 = vector.shape_cast %xor3A_953 : vector<16xi32> to vector<16x1xi32>
        %gather3A_955 = vector.shape_cast %broadcast_in_dim3A_954 : vector<16x1xi32> to vector<16xi32>
        %gather3A_956 = tpu.dynamic_gather %add3A_950[%gather3A_955] in [0] : vector<16xf32>, vector<16xi32> -> vector<16xf32>
        %add3A_957 = arith.addf %add3A_950, %gather3A_956 : vector<16xf32>
        %xor3A_958 = arith.constant 4 : i32
        %xor3A_959 = vector.broadcast %xor3A_958 : i32 to vector<16xi32>
        %xor3A_960 = arith.xori %iota3A, %xor3A_959 : vector<16xi32>
        %broadcast_in_dim3A_961 = vector.shape_cast %xor3A_960 : vector<16xi32> to vector<16x1xi32>
        %gather3A_962 = vector.shape_cast %broadcast_in_dim3A_961 : vector<16x1xi32> to vector<16xi32>
        %gather3A_963 = tpu.dynamic_gather %add3A_957[%gather3A_962] in [0] : vector<16xf32>, vector<16xi32> -> vector<16xf32>
        %add3A_964 = arith.addf %add3A_957, %gather3A_963 : vector<16xf32>
        %xor3A_965 = arith.constant 2 : i32
        %xor3A_966 = vector.broadcast %xor3A_965 : i32 to vector<16xi32>
        %xor3A_967 = arith.xori %iota3A, %xor3A_966 : vector<16xi32>
        %broadcast_in_dim3A_968 = vector.shape_cast %xor3A_967 : vector<16xi32> to vector<16x1xi32>
        %gather3A_969 = vector.shape_cast %broadcast_in_dim3A_968 : vector<16x1xi32> to vector<16xi32>
        %gather3A_970 = tpu.dynamic_gather %add3A_964[%gather3A_969] in [0] : vector<16xf32>, vector<16xi32> -> vector<16xf32>
        %add3A_971 = arith.addf %add3A_964, %gather3A_970 : vector<16xf32>
        %xor3A_972 = arith.constant 1 : i32
        %xor3A_973 = vector.broadcast %xor3A_972 : i32 to vector<16xi32>
        %xor3A_974 = arith.xori %iota3A, %xor3A_973 : vector<16xi32>
        %broadcast_in_dim3A_975 = vector.shape_cast %xor3A_974 : vector<16xi32> to vector<16x1xi32>
        %gather3A_976 = vector.shape_cast %broadcast_in_dim3A_975 : vector<16x1xi32> to vector<16xi32>
        %gather3A_977 = tpu.dynamic_gather %add3A_971[%gather3A_976] in [0] : vector<16xf32>, vector<16xi32> -> vector<16xf32>
        %add3A_978 = arith.addf %add3A_971, %gather3A_977 : vector<16xf32>
        %mul3A_979 = arith.constant 0.0883883461 : f32
        %mul3A_980 = vector.broadcast %mul3A_979 : f32 to vector<16xf32>
        %mul3A_981 = arith.mulf %add3A_978, %mul3A_980 : vector<16xf32>
        %exp3A_982 = math.exp %mul3A_981 : vector<16xf32>
        %mul3A_983 = arith.mulf %exp3A_982, %unpack3A_885 : vector<16xf32>
        %swap3A_984 = arith.index_cast %add3A_879 : i32 to index
        %swap3A_985 = arith.constant 0 : index
        %swap3A_986 = tpu.vector_load %arg15[%swap3A_984, %swap3A_985] {strides = array<i32>} : memref<16x176xf32, #tpu.memory_space<vmem>>, vector<16xf32>,
        tpu.vector_store %arg15[%swap3A_984, %swap3A_985], %mul3A_983 {strides = array<i32>} : memref<16x176xf32, #tpu.memory_space<vmem>>, vector<16xf32>,
        %mul3A_987 = arith.mulf %exp3A_982, %unpack3A_886 : vector<16xf32>
        %swap3A_988 = arith.index_cast %add3A_879 : i32 to index
        %swap3A_989 = arith.constant 16 : index
        %swap3A_990 = tpu.vector_load %arg15[%swap3A_988, %swap3A_989] {strides = array<i32>} : memref<16x176xf32, #tpu.memory_space<vmem>>, vector<16xf32>,
        tpu.vector_store %arg15[%swap3A_988, %swap3A_989], %mul3A_987 {strides = array<i32>} : memref<16x176xf32, #tpu.memory_space<vmem>>, vector<16xf32>,
        %mul3A_991 = arith.mulf %exp3A_982, %unpack3A_890 : vector<16xf32>
        %swap3A_992 = arith.index_cast %add3A_879 : i32 to index
        %swap3A_993 = arith.constant 32 : index
        %swap3A_994 = tpu.vector_load %arg15[%swap3A_992, %swap3A_993] {strides = array<i32>} : memref<16x176xf32, #tpu.memory_space<vmem>>, vector<16xf32>,
        tpu.vector_store %arg15[%swap3A_992, %swap3A_993], %mul3A_991 {strides = array<i32>} : memref<16x176xf32, #tpu.memory_space<vmem>>, vector<16xf32>,
        %mul3A_995 = arith.mulf %exp3A_982, %unpack3A_891 : vector<16xf32>
        %swap3A_996 = arith.index_cast %add3A_879 : i32 to index
        %swap3A_997 = arith.constant 48 : index
        %swap3A_998 = tpu.vector_load %arg15[%swap3A_996, %swap3A_997] {strides = array<i32>} : memref<16x176xf32, #tpu.memory_space<vmem>>, vector<16xf32>,
        tpu.vector_store %arg15[%swap3A_996, %swap3A_997], %mul3A_995 {strides = array<i32>} : memref<16x176xf32, #tpu.memory_space<vmem>>, vector<16xf32>,
        %mul3A_999 = arith.mulf %exp3A_982, %unpack3A_895 : vector<16xf32>
        %swap3A_1000 = arith.index_cast %add3A_879 : i32 to index
        %swap3A_1001 = arith.constant 64 : index
        %swap3A_1002 = tpu.vector_load %arg15[%swap3A_1000, %swap3A_1001] {strides = array<i32>} : memref<16x176xf32, #tpu.memory_space<vmem>>, vector<16xf32>,
        tpu.vector_store %arg15[%swap3A_1000, %swap3A_1001], %mul3A_999 {strides = array<i32>} : memref<16x176xf32, #tpu.memory_space<vmem>>, vector<16xf32>,
        %mul3A_1003 = arith.mulf %exp3A_982, %unpack3A_896 : vector<16xf32>
        %swap3A_1004 = arith.index_cast %add3A_879 : i32 to index
        %swap3A_1005 = arith.constant 80 : index
        %swap3A_1006 = tpu.vector_load %arg15[%swap3A_1004, %swap3A_1005] {strides = array<i32>} : memref<16x176xf32, #tpu.memory_space<vmem>>, vector<16xf32>,
        tpu.vector_store %arg15[%swap3A_1004, %swap3A_1005], %mul3A_1003 {strides = array<i32>} : memref<16x176xf32, #tpu.memory_space<vmem>>, vector<16xf32>,
        %mul3A_1007 = arith.mulf %exp3A_982, %unpack3A_900 : vector<16xf32>
        %swap3A_1008 = arith.index_cast %add3A_879 : i32 to index
        %swap3A_1009 = arith.constant 96 : index
        %swap3A_1010 = tpu.vector_load %arg15[%swap3A_1008, %swap3A_1009] {strides = array<i32>} : memref<16x176xf32, #tpu.memory_space<vmem>>, vector<16xf32>,
        tpu.vector_store %arg15[%swap3A_1008, %swap3A_1009], %mul3A_1007 {strides = array<i32>} : memref<16x176xf32, #tpu.memory_space<vmem>>, vector<16xf32>,
        %mul3A_1011 = arith.mulf %exp3A_982, %unpack3A_901 : vector<16xf32>
        %swap3A_1012 = arith.index_cast %add3A_879 : i32 to index
        %swap3A_1013 = arith.constant 112 : index
        %swap3A_1014 = tpu.vector_load %arg15[%swap3A_1012, %swap3A_1013] {strides = array<i32>} : memref<16x176xf32, #tpu.memory_space<vmem>>, vector<16xf32>,
        tpu.vector_store %arg15[%swap3A_1012, %swap3A_1013], %mul3A_1011 {strides = array<i32>} : memref<16x176xf32, #tpu.memory_space<vmem>>, vector<16xf32>,
        %mul3A_1015 = arith.mulf %exp3A_982, %unpack3A_940 : vector<16xf32>
        %swap3A_1016 = arith.index_cast %add3A_879 : i32 to index
        %swap3A_1017 = arith.constant 128 : index
        %swap3A_1018 = tpu.vector_load %arg15[%swap3A_1016, %swap3A_1017] {strides = array<i32>} : memref<16x176xf32, #tpu.memory_space<vmem>>, vector<16xf32>,
        tpu.vector_store %arg15[%swap3A_1016, %swap3A_1017], %mul3A_1015 {strides = array<i32>} : memref<16x176xf32, #tpu.memory_space<vmem>>, vector<16xf32>,
        %mul3A_1019 = arith.mulf %exp3A_982, %unpack3A_941 : vector<16xf32>
        %swap3A_1020 = arith.index_cast %add3A_879 : i32 to index
        %swap3A_1021 = arith.constant 144 : index
        %swap3A_1022 = tpu.vector_load %arg15[%swap3A_1020, %swap3A_1021] {strides = array<i32>} : memref<16x176xf32, #tpu.memory_space<vmem>>, vector<16xf32>,
        tpu.vector_store %arg15[%swap3A_1020, %swap3A_1021], %mul3A_1019 {strides = array<i32>} : memref<16x176xf32, #tpu.memory_space<vmem>>, vector<16xf32>,
        %swap3A_1023 = arith.index_cast %add3A_879 : i32 to index
        %swap3A_1024 = arith.constant 160 : index
        %swap3A_1025 = tpu.vector_load %arg15[%swap3A_1023, %swap3A_1024] {strides = array<i32>} : memref<16x176xf32, #tpu.memory_space<vmem>>, vector<16xf32>,
        tpu.vector_store %arg15[%swap3A_1023, %swap3A_1024], %exp3A_982 {strides = array<i32>} : memref<16x176xf32, #tpu.memory_space<vmem>>, vector<16xf32>,
      }
      %scan3A_399 = arith.constant 4 : i32
      %dma_start3A_400 = arith.constant 1 : i32
      %dma_start3A_401 = arith.constant 0 : i32
      %dma_start3A_402 = tpu.memref_slice %arg8[%dma_start3A_400, %dma_start3A_401] : memref<2x40xi32, #tpu.memory_space<vmem>> -> memref<1x16xi32, #tpu.memory_space<vmem>>
      %dma_start3A_403 = tpu.memref_squeeze %dma_start3A_402 : memref<1x16xi32, #tpu.memory_space<vmem>> -> memref<16xi32, #tpu.memory_space<vmem>>
      %dma_start3A_404 = arith.constant 0 : i32
      %dma_start3A_405 = arith.constant 0 : i32
      %dma_start3A_406 = tpu.memref_slice %arg17[%dma_start3A_404, %dma_start3A_405] : memref<10000x176xf32, #tpu.memory_space<vmem_shared>> -> memref<10000x176xf32, #tpu.memory_space<vmem_shared>>
      tpu.enqueue_indirect_dma source(%arg15 : memref<16x176xf32, #tpu.memory_space<vmem>>) target(%dma_start3A_406 : memref<10000x176xf32, #tpu.memory_space<vmem_shared>>) offsets(%dma_start3A_403 : memref<16xi32, #tpu.memory_space<vmem>>) semaphore(%arg28 : memref<!tpu.dma_semaphore, #tpu.memory_space<semaphore_mem>>) {add = true}
      %dma_wait3A_407 = arith.constant 1 : i32
      %dma_wait3A_408 = arith.constant 16 : i32
      %dma_wait3A_409 = tpu.memref_slice %arg7[%dma_wait3A_407, %dma_wait3A_408] : memref<2x40xi32, #tpu.memory_space<vmem>> -> memref<1x24xi32, #tpu.memory_space<vmem>>
      %dma_wait3A_410 = tpu.memref_squeeze %dma_wait3A_409 : memref<1x24xi32, #tpu.memory_space<vmem>> -> memref<24xi32, #tpu.memory_space<vmem>>
      %dma_wait3A_411 = arith.constant 0 : i32
      %dma_wait3A_412 = arith.constant 0 : i32
      %dma_wait3A_413 = tpu.memref_slice %arg17[%dma_wait3A_411, %dma_wait3A_412] : memref<10000x176xf32, #tpu.memory_space<vmem_shared>> -> memref<10000x176xf32, #tpu.memory_space<vmem_shared>>
      tpu.wait_indirect_dma semaphore(%arg29 : memref<!tpu.dma_semaphore, #tpu.memory_space<semaphore_mem>>) src(%arg16 : memref<24x176xf32, #tpu.memory_space<vmem>>) dst(%dma_wait3A_413 : memref<10000x176xf32, #tpu.memory_space<vmem_shared>>)
      %scan3A_414 = arith.constant 0 : i32
      %scan3A_415 = arith.constant 0 : i32
      %scan3A_416 = arith.constant 6 : i32
      %scan3A_417 = arith.addi %scan3A_415, %scan3A_416 : i32
      %scan3A_418 = arith.constant 1 : i32
      scf.for %scan3A_432 = %scan3A_415 to %scan3A_417 step %scan3A_418  : i32 {
        %mul3A_433 = arith.constant 4 : i32
        %mul3A_434 = arith.muli %scan3A_432, %mul3A_433 : i32
        %add3A_435 = arith.constant 0 : i32
        %add3A_436 = arith.addi %mul3A_434, %add3A_435 : i32
        %add3A_437 = arith.constant 16 : i32
        %add3A_438 = arith.addi %add3A_437, %add3A_436 : i32
        %get3A = arith.index_cast %add3A_438 : i32 to index
        %get3A_439 = arith.constant 0 : index
        %get3A_440 = tpu.vector_load %arg10[%get3A, %get3A_439] {strides = array<i32>} : memref<40x128xbf16, #tpu.memory_space<vmem>>, vector<32xbf16>,
        %unpack3A = tpu.unpack_subelements %get3A_440, 0 {pack_format = #tpu.pack_format<interleaved>} : vector<32xbf16> -> vector<16xf32>
        %unpack3A_441 = tpu.unpack_subelements %get3A_440, 1 {pack_format = #tpu.pack_format<interleaved>} : vector<32xbf16> -> vector<16xf32>
        %get3A_442 = arith.index_cast %add3A_438 : i32 to index
        %get3A_443 = arith.constant 32 : index
        %get3A_444 = tpu.vector_load %arg10[%get3A_442, %get3A_443] {strides = array<i32>} : memref<40x128xbf16, #tpu.memory_space<vmem>>, vector<32xbf16>,
        %unpack3A_445 = tpu.unpack_subelements %get3A_444, 0 {pack_format = #tpu.pack_format<interleaved>} : vector<32xbf16> -> vector<16xf32>
        %unpack3A_446 = tpu.unpack_subelements %get3A_444, 1 {pack_format = #tpu.pack_format<interleaved>} : vector<32xbf16> -> vector<16xf32>
        %get3A_447 = arith.index_cast %add3A_438 : i32 to index
        %get3A_448 = arith.constant 64 : index
        %get3A_449 = tpu.vector_load %arg10[%get3A_447, %get3A_448] {strides = array<i32>} : memref<40x128xbf16, #tpu.memory_space<vmem>>, vector<32xbf16>,
        %unpack3A_450 = tpu.unpack_subelements %get3A_449, 0 {pack_format = #tpu.pack_format<interleaved>} : vector<32xbf16> -> vector<16xf32>
        %unpack3A_451 = tpu.unpack_subelements %get3A_449, 1 {pack_format = #tpu.pack_format<interleaved>} : vector<32xbf16> -> vector<16xf32>
        %get3A_452 = arith.index_cast %add3A_438 : i32 to index
        %get3A_453 = arith.constant 96 : index
        %get3A_454 = tpu.vector_load %arg10[%get3A_452, %get3A_453] {strides = array<i32>} : memref<40x128xbf16, #tpu.memory_space<vmem>>, vector<32xbf16>,
        %unpack3A_455 = tpu.unpack_subelements %get3A_454, 0 {pack_format = #tpu.pack_format<interleaved>} : vector<32xbf16> -> vector<16xf32>
        %unpack3A_456 = tpu.unpack_subelements %get3A_454, 1 {pack_format = #tpu.pack_format<interleaved>} : vector<32xbf16> -> vector<16xf32>
        %get3A_457 = arith.index_cast %add3A_438 : i32 to index
        %get3A_458 = arith.constant 0 : index
        %get3A_459 = tpu.vector_load %arg12[%get3A_457, %get3A_458] {strides = array<i32>} : memref<40x160xbf16, #tpu.memory_space<vmem>>, vector<32xbf16>,
        %unpack3A_460 = tpu.unpack_subelements %get3A_459, 0 {pack_format = #tpu.pack_format<interleaved>} : vector<32xbf16> -> vector<16xf32>
        %unpack3A_461 = tpu.unpack_subelements %get3A_459, 1 {pack_format = #tpu.pack_format<interleaved>} : vector<32xbf16> -> vector<16xf32>
        %mul3A_462 = arith.mulf %unpack3A, %unpack3A_460 : vector<16xf32>
        %mul3A_463 = arith.mulf %unpack3A_441, %unpack3A_461 : vector<16xf32>
        %add3A_464 = arith.addf %mul3A_462, %mul3A_463 : vector<16xf32>
        %get3A_465 = arith.index_cast %add3A_438 : i32 to index
        %get3A_466 = arith.constant 32 : index
        %get3A_467 = tpu.vector_load %arg12[%get3A_465, %get3A_466] {strides = array<i32>} : memref<40x160xbf16, #tpu.memory_space<vmem>>, vector<32xbf16>,
        %unpack3A_468 = tpu.unpack_subelements %get3A_467, 0 {pack_format = #tpu.pack_format<interleaved>} : vector<32xbf16> -> vector<16xf32>
        %unpack3A_469 = tpu.unpack_subelements %get3A_467, 1 {pack_format = #tpu.pack_format<interleaved>} : vector<32xbf16> -> vector<16xf32>
        %mul3A_470 = arith.mulf %unpack3A_445, %unpack3A_468 : vector<16xf32>
        %mul3A_471 = arith.mulf %unpack3A_446, %unpack3A_469 : vector<16xf32>
        %add3A_472 = arith.addf %mul3A_470, %mul3A_471 : vector<16xf32>
        %add3A_473 = arith.addf %add3A_464, %add3A_472 : vector<16xf32>
        %get3A_474 = arith.index_cast %add3A_438 : i32 to index
        %get3A_475 = arith.constant 64 : index
        %get3A_476 = tpu.vector_load %arg12[%get3A_474, %get3A_475] {strides = array<i32>} : memref<40x160xbf16, #tpu.memory_space<vmem>>, vector<32xbf16>,
        %unpack3A_477 = tpu.unpack_subelements %get3A_476, 0 {pack_format = #tpu.pack_format<interleaved>} : vector<32xbf16> -> vector<16xf32>
        %unpack3A_478 = tpu.unpack_subelements %get3A_476, 1 {pack_format = #tpu.pack_format<interleaved>} : vector<32xbf16> -> vector<16xf32>
        %mul3A_479 = arith.mulf %unpack3A_450, %unpack3A_477 : vector<16xf32>
        %mul3A_480 = arith.mulf %unpack3A_451, %unpack3A_478 : vector<16xf32>
        %add3A_481 = arith.addf %mul3A_479, %mul3A_480 : vector<16xf32>
        %add3A_482 = arith.addf %add3A_473, %add3A_481 : vector<16xf32>
        %get3A_483 = arith.index_cast %add3A_438 : i32 to index
        %get3A_484 = arith.constant 96 : index
        %get3A_485 = tpu.vector_load %arg12[%get3A_483, %get3A_484] {strides = array<i32>} : memref<40x160xbf16, #tpu.memory_space<vmem>>, vector<32xbf16>,
        %unpack3A_486 = tpu.unpack_subelements %get3A_485, 0 {pack_format = #tpu.pack_format<interleaved>} : vector<32xbf16> -> vector<16xf32>
        %unpack3A_487 = tpu.unpack_subelements %get3A_485, 1 {pack_format = #tpu.pack_format<interleaved>} : vector<32xbf16> -> vector<16xf32>
        %mul3A_488 = arith.mulf %unpack3A_455, %unpack3A_486 : vector<16xf32>
        %mul3A_489 = arith.mulf %unpack3A_456, %unpack3A_487 : vector<16xf32>
        %add3A_490 = arith.addf %mul3A_488, %mul3A_489 : vector<16xf32>
        %add3A_491 = arith.addf %add3A_482, %add3A_490 : vector<16xf32>
        %get3A_492 = arith.index_cast %add3A_438 : i32 to index
        %get3A_493 = arith.constant 0 : index
        %get3A_494 = tpu.vector_load %arg14[%get3A_492, %get3A_493] {strides = array<i32>} : memref<40x32xbf16, #tpu.memory_space<vmem>>, vector<32xbf16>,
        %unpack3A_495 = tpu.unpack_subelements %get3A_494, 0 {pack_format = #tpu.pack_format<interleaved>} : vector<32xbf16> -> vector<16xf32>
        %unpack3A_496 = tpu.unpack_subelements %get3A_494, 1 {pack_format = #tpu.pack_format<interleaved>} : vector<32xbf16> -> vector<16xf32>
        %get3A_497 = arith.index_cast %add3A_438 : i32 to index
        %get3A_498 = arith.constant 128 : index
        %get3A_499 = tpu.vector_load %arg12[%get3A_497, %get3A_498] {strides = array<i32>} : memref<40x160xbf16, #tpu.memory_space<vmem>>, vector<32xbf16>,
        %unpack3A_500 = tpu.unpack_subelements %get3A_499, 0 {pack_format = #tpu.pack_format<interleaved>} : vector<32xbf16> -> vector<16xf32>
        %unpack3A_501 = tpu.unpack_subelements %get3A_499, 1 {pack_format = #tpu.pack_format<interleaved>} : vector<32xbf16> -> vector<16xf32>
        %mul3A_502 = arith.mulf %unpack3A_495, %unpack3A_500 : vector<16xf32>
        %add3A_503 = arith.addf %add3A_491, %mul3A_502 : vector<16xf32>
        %mul3A_504 = arith.mulf %unpack3A_496, %unpack3A_501 : vector<16xf32>
        %add3A_505 = arith.addf %add3A_503, %mul3A_504 : vector<16xf32>
        %xor3A = arith.constant 8 : i32
        %xor3A_506 = vector.broadcast %xor3A : i32 to vector<16xi32>
        %xor3A_507 = arith.xori %iota3A, %xor3A_506 : vector<16xi32>
        %broadcast_in_dim3A = vector.shape_cast %xor3A_507 : vector<16xi32> to vector<16x1xi32>
        %gather3A = vector.shape_cast %broadcast_in_dim3A : vector<16x1xi32> to vector<16xi32>
        %gather3A_508 = tpu.dynamic_gather %add3A_505[%gather3A] in [0] : vector<16xf32>, vector<16xi32> -> vector<16xf32>
        %add3A_509 = arith.addf %add3A_505, %gather3A_508 : vector<16xf32>
        %xor3A_510 = arith.constant 4 : i32
        %xor3A_511 = vector.broadcast %xor3A_510 : i32 to vector<16xi32>
        %xor3A_512 = arith.xori %iota3A, %xor3A_511 : vector<16xi32>
        %broadcast_in_dim3A_513 = vector.shape_cast %xor3A_512 : vector<16xi32> to vector<16x1xi32>
        %gather3A_514 = vector.shape_cast %broadcast_in_dim3A_513 : vector<16x1xi32> to vector<16xi32>
        %gather3A_515 = tpu.dynamic_gather %add3A_509[%gather3A_514] in [0] : vector<16xf32>, vector<16xi32> -> vector<16xf32>
        %add3A_516 = arith.addf %add3A_509, %gather3A_515 : vector<16xf32>
        %xor3A_517 = arith.constant 2 : i32
        %xor3A_518 = vector.broadcast %xor3A_517 : i32 to vector<16xi32>
        %xor3A_519 = arith.xori %iota3A, %xor3A_518 : vector<16xi32>
        %broadcast_in_dim3A_520 = vector.shape_cast %xor3A_519 : vector<16xi32> to vector<16x1xi32>
        %gather3A_521 = vector.shape_cast %broadcast_in_dim3A_520 : vector<16x1xi32> to vector<16xi32>
        %gather3A_522 = tpu.dynamic_gather %add3A_516[%gather3A_521] in [0] : vector<16xf32>, vector<16xi32> -> vector<16xf32>
        %add3A_523 = arith.addf %add3A_516, %gather3A_522 : vector<16xf32>
        %xor3A_524 = arith.constant 1 : i32
        %xor3A_525 = vector.broadcast %xor3A_524 : i32 to vector<16xi32>
        %xor3A_526 = arith.xori %iota3A, %xor3A_525 : vector<16xi32>
        %broadcast_in_dim3A_527 = vector.shape_cast %xor3A_526 : vector<16xi32> to vector<16x1xi32>
        %gather3A_528 = vector.shape_cast %broadcast_in_dim3A_527 : vector<16x1xi32> to vector<16xi32>
        %gather3A_529 = tpu.dynamic_gather %add3A_523[%gather3A_528] in [0] : vector<16xf32>, vector<16xi32> -> vector<16xf32>
        %add3A_530 = arith.addf %add3A_523, %gather3A_529 : vector<16xf32>
        %mul3A_531 = arith.constant 0.0883883461 : f32
        %mul3A_532 = vector.broadcast %mul3A_531 : f32 to vector<16xf32>
        %mul3A_533 = arith.mulf %add3A_530, %mul3A_532 : vector<16xf32>
        %exp3A = math.exp %mul3A_533 : vector<16xf32>
        %mul3A_534 = arith.mulf %exp3A, %unpack3A : vector<16xf32>
        %swap3A = arith.index_cast %add3A_436 : i32 to index
        %swap3A_535 = arith.constant 0 : index
        %swap3A_536 = tpu.vector_load %arg16[%swap3A, %swap3A_535] {strides = array<i32>} : memref<24x176xf32, #tpu.memory_space<vmem>>, vector<16xf32>,
        tpu.vector_store %arg16[%swap3A, %swap3A_535], %mul3A_534 {strides = array<i32>} : memref<24x176xf32, #tpu.memory_space<vmem>>, vector<16xf32>,
        %mul3A_537 = arith.mulf %exp3A, %unpack3A_441 : vector<16xf32>
        %swap3A_538 = arith.index_cast %add3A_436 : i32 to index
        %swap3A_539 = arith.constant 16 : index
        %swap3A_540 = tpu.vector_load %arg16[%swap3A_538, %swap3A_539] {strides = array<i32>} : memref<24x176xf32, #tpu.memory_space<vmem>>, vector<16xf32>,
        tpu.vector_store %arg16[%swap3A_538, %swap3A_539], %mul3A_537 {strides = array<i32>} : memref<24x176xf32, #tpu.memory_space<vmem>>, vector<16xf32>,
        %mul3A_541 = arith.mulf %exp3A, %unpack3A_445 : vector<16xf32>
        %swap3A_542 = arith.index_cast %add3A_436 : i32 to index
        %swap3A_543 = arith.constant 32 : index
        %swap3A_544 = tpu.vector_load %arg16[%swap3A_542, %swap3A_543] {strides = array<i32>} : memref<24x176xf32, #tpu.memory_space<vmem>>, vector<16xf32>,
        tpu.vector_store %arg16[%swap3A_542, %swap3A_543], %mul3A_541 {strides = array<i32>} : memref<24x176xf32, #tpu.memory_space<vmem>>, vector<16xf32>,
        %mul3A_545 = arith.mulf %exp3A, %unpack3A_446 : vector<16xf32>
        %swap3A_546 = arith.index_cast %add3A_436 : i32 to index
        %swap3A_547 = arith.constant 48 : index
        %swap3A_548 = tpu.vector_load %arg16[%swap3A_546, %swap3A_547] {strides = array<i32>} : memref<24x176xf32, #tpu.memory_space<vmem>>, vector<16xf32>,
        tpu.vector_store %arg16[%swap3A_546, %swap3A_547], %mul3A_545 {strides = array<i32>} : memref<24x176xf32, #tpu.memory_space<vmem>>, vector<16xf32>,
        %mul3A_549 = arith.mulf %exp3A, %unpack3A_450 : vector<16xf32>
        %swap3A_550 = arith.index_cast %add3A_436 : i32 to index
        %swap3A_551 = arith.constant 64 : index
        %swap3A_552 = tpu.vector_load %arg16[%swap3A_550, %swap3A_551] {strides = array<i32>} : memref<24x176xf32, #tpu.memory_space<vmem>>, vector<16xf32>,
        tpu.vector_store %arg16[%swap3A_550, %swap3A_551], %mul3A_549 {strides = array<i32>} : memref<24x176xf32, #tpu.memory_space<vmem>>, vector<16xf32>,
        %mul3A_553 = arith.mulf %exp3A, %unpack3A_451 : vector<16xf32>
        %swap3A_554 = arith.index_cast %add3A_436 : i32 to index
        %swap3A_555 = arith.constant 80 : index
        %swap3A_556 = tpu.vector_load %arg16[%swap3A_554, %swap3A_555] {strides = array<i32>} : memref<24x176xf32, #tpu.memory_space<vmem>>, vector<16xf32>,
        tpu.vector_store %arg16[%swap3A_554, %swap3A_555], %mul3A_553 {strides = array<i32>} : memref<24x176xf32, #tpu.memory_space<vmem>>, vector<16xf32>,
        %mul3A_557 = arith.mulf %exp3A, %unpack3A_455 : vector<16xf32>
        %swap3A_558 = arith.index_cast %add3A_436 : i32 to index
        %swap3A_559 = arith.constant 96 : index
        %swap3A_560 = tpu.vector_load %arg16[%swap3A_558, %swap3A_559] {strides = array<i32>} : memref<24x176xf32, #tpu.memory_space<vmem>>, vector<16xf32>,
        tpu.vector_store %arg16[%swap3A_558, %swap3A_559], %mul3A_557 {strides = array<i32>} : memref<24x176xf32, #tpu.memory_space<vmem>>, vector<16xf32>,
        %mul3A_561 = arith.mulf %exp3A, %unpack3A_456 : vector<16xf32>
        %swap3A_562 = arith.index_cast %add3A_436 : i32 to index
        %swap3A_563 = arith.constant 112 : index
        %swap3A_564 = tpu.vector_load %arg16[%swap3A_562, %swap3A_563] {strides = array<i32>} : memref<24x176xf32, #tpu.memory_space<vmem>>, vector<16xf32>,
        tpu.vector_store %arg16[%swap3A_562, %swap3A_563], %mul3A_561 {strides = array<i32>} : memref<24x176xf32, #tpu.memory_space<vmem>>, vector<16xf32>,
        %mul3A_565 = arith.mulf %exp3A, %unpack3A_495 : vector<16xf32>
        %swap3A_566 = arith.index_cast %add3A_436 : i32 to index
        %swap3A_567 = arith.constant 128 : index
        %swap3A_568 = tpu.vector_load %arg16[%swap3A_566, %swap3A_567] {strides = array<i32>} : memref<24x176xf32, #tpu.memory_space<vmem>>, vector<16xf32>,
        tpu.vector_store %arg16[%swap3A_566, %swap3A_567], %mul3A_565 {strides = array<i32>} : memref<24x176xf32, #tpu.memory_space<vmem>>, vector<16xf32>,
        %mul3A_569 = arith.mulf %exp3A, %unpack3A_496 : vector<16xf32>
        %swap3A_570 = arith.index_cast %add3A_436 : i32 to index
        %swap3A_571 = arith.constant 144 : index
        %swap3A_572 = tpu.vector_load %arg16[%swap3A_570, %swap3A_571] {strides = array<i32>} : memref<24x176xf32, #tpu.memory_space<vmem>>, vector<16xf32>,
        tpu.vector_store %arg16[%swap3A_570, %swap3A_571], %mul3A_569 {strides = array<i32>} : memref<24x176xf32, #tpu.memory_space<vmem>>, vector<16xf32>,
        %swap3A_573 = arith.index_cast %add3A_436 : i32 to index
        %swap3A_574 = arith.constant 160 : index
        %swap3A_575 = tpu.vector_load %arg16[%swap3A_573, %swap3A_574] {strides = array<i32>} : memref<24x176xf32, #tpu.memory_space<vmem>>, vector<16xf32>,
        tpu.vector_store %arg16[%swap3A_573, %swap3A_574], %exp3A {strides = array<i32>} : memref<24x176xf32, #tpu.memory_space<vmem>>, vector<16xf32>,
        %mul3A_576 = arith.constant 4 : i32
        %mul3A_577 = arith.muli %scan3A_432, %mul3A_576 : i32
        %add3A_578 = arith.constant 1 : i32
        %add3A_579 = arith.addi %mul3A_577, %add3A_578 : i32
        %add3A_580 = arith.constant 16 : i32
        %add3A_581 = arith.addi %add3A_580, %add3A_579 : i32
        %get3A_582 = arith.index_cast %add3A_581 : i32 to index
        %get3A_583 = arith.constant 0 : index
        %get3A_584 = tpu.vector_load %arg10[%get3A_582, %get3A_583] {strides = array<i32>} : memref<40x128xbf16, #tpu.memory_space<vmem>>, vector<32xbf16>,
        %unpack3A_585 = tpu.unpack_subelements %get3A_584, 0 {pack_format = #tpu.pack_format<interleaved>} : vector<32xbf16> -> vector<16xf32>
        %unpack3A_586 = tpu.unpack_subelements %get3A_584, 1 {pack_format = #tpu.pack_format<interleaved>} : vector<32xbf16> -> vector<16xf32>
        %get3A_587 = arith.index_cast %add3A_581 : i32 to index
        %get3A_588 = arith.constant 32 : index
        %get3A_589 = tpu.vector_load %arg10[%get3A_587, %get3A_588] {strides = array<i32>} : memref<40x128xbf16, #tpu.memory_space<vmem>>, vector<32xbf16>,
        %unpack3A_590 = tpu.unpack_subelements %get3A_589, 0 {pack_format = #tpu.pack_format<interleaved>} : vector<32xbf16> -> vector<16xf32>
        %unpack3A_591 = tpu.unpack_subelements %get3A_589, 1 {pack_format = #tpu.pack_format<interleaved>} : vector<32xbf16> -> vector<16xf32>
        %get3A_592 = arith.index_cast %add3A_581 : i32 to index
        %get3A_593 = arith.constant 64 : index
        %get3A_594 = tpu.vector_load %arg10[%get3A_592, %get3A_593] {strides = array<i32>} : memref<40x128xbf16, #tpu.memory_space<vmem>>, vector<32xbf16>,
        %unpack3A_595 = tpu.unpack_subelements %get3A_594, 0 {pack_format = #tpu.pack_format<interleaved>} : vector<32xbf16> -> vector<16xf32>
        %unpack3A_596 = tpu.unpack_subelements %get3A_594, 1 {pack_format = #tpu.pack_format<interleaved>} : vector<32xbf16> -> vector<16xf32>
        %get3A_597 = arith.index_cast %add3A_581 : i32 to index
        %get3A_598 = arith.constant 96 : index
        %get3A_599 = tpu.vector_load %arg10[%get3A_597, %get3A_598] {strides = array<i32>} : memref<40x128xbf16, #tpu.memory_space<vmem>>, vector<32xbf16>,
        %unpack3A_600 = tpu.unpack_subelements %get3A_599, 0 {pack_format = #tpu.pack_format<interleaved>} : vector<32xbf16> -> vector<16xf32>
        %unpack3A_601 = tpu.unpack_subelements %get3A_599, 1 {pack_format = #tpu.pack_format<interleaved>} : vector<32xbf16> -> vector<16xf32>
        %get3A_602 = arith.index_cast %add3A_581 : i32 to index
        %get3A_603 = arith.constant 0 : index
        %get3A_604 = tpu.vector_load %arg12[%get3A_602, %get3A_603] {strides = array<i32>} : memref<40x160xbf16, #tpu.memory_space<vmem>>, vector<32xbf16>,
        %unpack3A_605 = tpu.unpack_subelements %get3A_604, 0 {pack_format = #tpu.pack_format<interleaved>} : vector<32xbf16> -> vector<16xf32>
        %unpack3A_606 = tpu.unpack_subelements %get3A_604, 1 {pack_format = #tpu.pack_format<interleaved>} : vector<32xbf16> -> vector<16xf32>
        %mul3A_607 = arith.mulf %unpack3A_585, %unpack3A_605 : vector<16xf32>
        %mul3A_608 = arith.mulf %unpack3A_586, %unpack3A_606 : vector<16xf32>
        %add3A_609 = arith.addf %mul3A_607, %mul3A_608 : vector<16xf32>
        %get3A_610 = arith.index_cast %add3A_581 : i32 to index
        %get3A_611 = arith.constant 32 : index
        %get3A_612 = tpu.vector_load %arg12[%get3A_610, %get3A_611] {strides = array<i32>} : memref<40x160xbf16, #tpu.memory_space<vmem>>, vector<32xbf16>,
        %unpack3A_613 = tpu.unpack_subelements %get3A_612, 0 {pack_format = #tpu.pack_format<interleaved>} : vector<32xbf16> -> vector<16xf32>
        %unpack3A_614 = tpu.unpack_subelements %get3A_612, 1 {pack_format = #tpu.pack_format<interleaved>} : vector<32xbf16> -> vector<16xf32>
        %mul3A_615 = arith.mulf %unpack3A_590, %unpack3A_613 : vector<16xf32>
        %mul3A_616 = arith.mulf %unpack3A_591, %unpack3A_614 : vector<16xf32>
        %add3A_617 = arith.addf %mul3A_615, %mul3A_616 : vector<16xf32>
        %add3A_618 = arith.addf %add3A_609, %add3A_617 : vector<16xf32>
        %get3A_619 = arith.index_cast %add3A_581 : i32 to index
        %get3A_620 = arith.constant 64 : index
        %get3A_621 = tpu.vector_load %arg12[%get3A_619, %get3A_620] {strides = array<i32>} : memref<40x160xbf16, #tpu.memory_space<vmem>>, vector<32xbf16>,
        %unpack3A_622 = tpu.unpack_subelements %get3A_621, 0 {pack_format = #tpu.pack_format<interleaved>} : vector<32xbf16> -> vector<16xf32>
        %unpack3A_623 = tpu.unpack_subelements %get3A_621, 1 {pack_format = #tpu.pack_format<interleaved>} : vector<32xbf16> -> vector<16xf32>
        %mul3A_624 = arith.mulf %unpack3A_595, %unpack3A_622 : vector<16xf32>
        %mul3A_625 = arith.mulf %unpack3A_596, %unpack3A_623 : vector<16xf32>
        %add3A_626 = arith.addf %mul3A_624, %mul3A_625 : vector<16xf32>
        %add3A_627 = arith.addf %add3A_618, %add3A_626 : vector<16xf32>
        %get3A_628 = arith.index_cast %add3A_581 : i32 to index
        %get3A_629 = arith.constant 96 : index
        %get3A_630 = tpu.vector_load %arg12[%get3A_628, %get3A_629] {strides = array<i32>} : memref<40x160xbf16, #tpu.memory_space<vmem>>, vector<32xbf16>,
        %unpack3A_631 = tpu.unpack_subelements %get3A_630, 0 {pack_format = #tpu.pack_format<interleaved>} : vector<32xbf16> -> vector<16xf32>
        %unpack3A_632 = tpu.unpack_subelements %get3A_630, 1 {pack_format = #tpu.pack_format<interleaved>} : vector<32xbf16> -> vector<16xf32>
        %mul3A_633 = arith.mulf %unpack3A_600, %unpack3A_631 : vector<16xf32>
        %mul3A_634 = arith.mulf %unpack3A_601, %unpack3A_632 : vector<16xf32>
        %add3A_635 = arith.addf %mul3A_633, %mul3A_634 : vector<16xf32>
        %add3A_636 = arith.addf %add3A_627, %add3A_635 : vector<16xf32>
        %get3A_637 = arith.index_cast %add3A_581 : i32 to index
        %get3A_638 = arith.constant 0 : index
        %get3A_639 = tpu.vector_load %arg14[%get3A_637, %get3A_638] {strides = array<i32>} : memref<40x32xbf16, #tpu.memory_space<vmem>>, vector<32xbf16>,
        %unpack3A_640 = tpu.unpack_subelements %get3A_639, 0 {pack_format = #tpu.pack_format<interleaved>} : vector<32xbf16> -> vector<16xf32>
        %unpack3A_641 = tpu.unpack_subelements %get3A_639, 1 {pack_format = #tpu.pack_format<interleaved>} : vector<32xbf16> -> vector<16xf32>
        %get3A_642 = arith.index_cast %add3A_581 : i32 to index
        %get3A_643 = arith.constant 128 : index
        %get3A_644 = tpu.vector_load %arg12[%get3A_642, %get3A_643] {strides = array<i32>} : memref<40x160xbf16, #tpu.memory_space<vmem>>, vector<32xbf16>,
        %unpack3A_645 = tpu.unpack_subelements %get3A_644, 0 {pack_format = #tpu.pack_format<interleaved>} : vector<32xbf16> -> vector<16xf32>
        %unpack3A_646 = tpu.unpack_subelements %get3A_644, 1 {pack_format = #tpu.pack_format<interleaved>} : vector<32xbf16> -> vector<16xf32>
        %mul3A_647 = arith.mulf %unpack3A_640, %unpack3A_645 : vector<16xf32>
        %add3A_648 = arith.addf %add3A_636, %mul3A_647 : vector<16xf32>
        %mul3A_649 = arith.mulf %unpack3A_641, %unpack3A_646 : vector<16xf32>
        %add3A_650 = arith.addf %add3A_648, %mul3A_649 : vector<16xf32>
        %xor3A_651 = arith.constant 8 : i32
        %xor3A_652 = vector.broadcast %xor3A_651 : i32 to vector<16xi32>
        %xor3A_653 = arith.xori %iota3A, %xor3A_652 : vector<16xi32>
        %broadcast_in_dim3A_654 = vector.shape_cast %xor3A_653 : vector<16xi32> to vector<16x1xi32>
        %gather3A_655 = vector.shape_cast %broadcast_in_dim3A_654 : vector<16x1xi32> to vector<16xi32>
        %gather3A_656 = tpu.dynamic_gather %add3A_650[%gather3A_655] in [0] : vector<16xf32>, vector<16xi32> -> vector<16xf32>
        %add3A_657 = arith.addf %add3A_650, %gather3A_656 : vector<16xf32>
        %xor3A_658 = arith.constant 4 : i32
        %xor3A_659 = vector.broadcast %xor3A_658 : i32 to vector<16xi32>
        %xor3A_660 = arith.xori %iota3A, %xor3A_659 : vector<16xi32>
        %broadcast_in_dim3A_661 = vector.shape_cast %xor3A_660 : vector<16xi32> to vector<16x1xi32>
        %gather3A_662 = vector.shape_cast %broadcast_in_dim3A_661 : vector<16x1xi32> to vector<16xi32>
        %gather3A_663 = tpu.dynamic_gather %add3A_657[%gather3A_662] in [0] : vector<16xf32>, vector<16xi32> -> vector<16xf32>
        %add3A_664 = arith.addf %add3A_657, %gather3A_663 : vector<16xf32>
        %xor3A_665 = arith.constant 2 : i32
        %xor3A_666 = vector.broadcast %xor3A_665 : i32 to vector<16xi32>
        %xor3A_667 = arith.xori %iota3A, %xor3A_666 : vector<16xi32>
        %broadcast_in_dim3A_668 = vector.shape_cast %xor3A_667 : vector<16xi32> to vector<16x1xi32>
        %gather3A_669 = vector.shape_cast %broadcast_in_dim3A_668 : vector<16x1xi32> to vector<16xi32>
        %gather3A_670 = tpu.dynamic_gather %add3A_664[%gather3A_669] in [0] : vector<16xf32>, vector<16xi32> -> vector<16xf32>
        %add3A_671 = arith.addf %add3A_664, %gather3A_670 : vector<16xf32>
        %xor3A_672 = arith.constant 1 : i32
        %xor3A_673 = vector.broadcast %xor3A_672 : i32 to vector<16xi32>
        %xor3A_674 = arith.xori %iota3A, %xor3A_673 : vector<16xi32>
        %broadcast_in_dim3A_675 = vector.shape_cast %xor3A_674 : vector<16xi32> to vector<16x1xi32>
        %gather3A_676 = vector.shape_cast %broadcast_in_dim3A_675 : vector<16x1xi32> to vector<16xi32>
        %gather3A_677 = tpu.dynamic_gather %add3A_671[%gather3A_676] in [0] : vector<16xf32>, vector<16xi32> -> vector<16xf32>
        %add3A_678 = arith.addf %add3A_671, %gather3A_677 : vector<16xf32>
        %mul3A_679 = arith.constant 0.0883883461 : f32
        %mul3A_680 = vector.broadcast %mul3A_679 : f32 to vector<16xf32>
        %mul3A_681 = arith.mulf %add3A_678, %mul3A_680 : vector<16xf32>
        %exp3A_682 = math.exp %mul3A_681 : vector<16xf32>
        %mul3A_683 = arith.mulf %exp3A_682, %unpack3A_585 : vector<16xf32>
        %swap3A_684 = arith.index_cast %add3A_579 : i32 to index
        %swap3A_685 = arith.constant 0 : index
        %swap3A_686 = tpu.vector_load %arg16[%swap3A_684, %swap3A_685] {strides = array<i32>} : memref<24x176xf32, #tpu.memory_space<vmem>>, vector<16xf32>,
        tpu.vector_store %arg16[%swap3A_684, %swap3A_685], %mul3A_683 {strides = array<i32>} : memref<24x176xf32, #tpu.memory_space<vmem>>, vector<16xf32>,
        %mul3A_687 = arith.mulf %exp3A_682, %unpack3A_586 : vector<16xf32>
        %swap3A_688 = arith.index_cast %add3A_579 : i32 to index
        %swap3A_689 = arith.constant 16 : index
        %swap3A_690 = tpu.vector_load %arg16[%swap3A_688, %swap3A_689] {strides = array<i32>} : memref<24x176xf32, #tpu.memory_space<vmem>>, vector<16xf32>,
        tpu.vector_store %arg16[%swap3A_688, %swap3A_689], %mul3A_687 {strides = array<i32>} : memref<24x176xf32, #tpu.memory_space<vmem>>, vector<16xf32>,
        %mul3A_691 = arith.mulf %exp3A_682, %unpack3A_590 : vector<16xf32>
        %swap3A_692 = arith.index_cast %add3A_579 : i32 to index
        %swap3A_693 = arith.constant 32 : index
        %swap3A_694 = tpu.vector_load %arg16[%swap3A_692, %swap3A_693] {strides = array<i32>} : memref<24x176xf32, #tpu.memory_space<vmem>>, vector<16xf32>,
        tpu.vector_store %arg16[%swap3A_692, %swap3A_693], %mul3A_691 {strides = array<i32>} : memref<24x176xf32, #tpu.memory_space<vmem>>, vector<16xf32>,
        %mul3A_695 = arith.mulf %exp3A_682, %unpack3A_591 : vector<16xf32>
        %swap3A_696 = arith.index_cast %add3A_579 : i32 to index
        %swap3A_697 = arith.constant 48 : index
        %swap3A_698 = tpu.vector_load %arg16[%swap3A_696, %swap3A_697] {strides = array<i32>} : memref<24x176xf32, #tpu.memory_space<vmem>>, vector<16xf32>,
        tpu.vector_store %arg16[%swap3A_696, %swap3A_697], %mul3A_695 {strides = array<i32>} : memref<24x176xf32, #tpu.memory_space<vmem>>, vector<16xf32>,
        %mul3A_699 = arith.mulf %exp3A_682, %unpack3A_595 : vector<16xf32>
        %swap3A_700 = arith.index_cast %add3A_579 : i32 to index
        %swap3A_701 = arith.constant 64 : index
        %swap3A_702 = tpu.vector_load %arg16[%swap3A_700, %swap3A_701] {strides = array<i32>} : memref<24x176xf32, #tpu.memory_space<vmem>>, vector<16xf32>,
        tpu.vector_store %arg16[%swap3A_700, %swap3A_701], %mul3A_699 {strides = array<i32>} : memref<24x176xf32, #tpu.memory_space<vmem>>, vector<16xf32>,
        %mul3A_703 = arith.mulf %exp3A_682, %unpack3A_596 : vector<16xf32>
        %swap3A_704 = arith.index_cast %add3A_579 : i32 to index
        %swap3A_705 = arith.constant 80 : index
        %swap3A_706 = tpu.vector_load %arg16[%swap3A_704, %swap3A_705] {strides = array<i32>} : memref<24x176xf32, #tpu.memory_space<vmem>>, vector<16xf32>,
        tpu.vector_store %arg16[%swap3A_704, %swap3A_705], %mul3A_703 {strides = array<i32>} : memref<24x176xf32, #tpu.memory_space<vmem>>, vector<16xf32>,
        %mul3A_707 = arith.mulf %exp3A_682, %unpack3A_600 : vector<16xf32>
        %swap3A_708 = arith.index_cast %add3A_579 : i32 to index
        %swap3A_709 = arith.constant 96 : index
        %swap3A_710 = tpu.vector_load %arg16[%swap3A_708, %swap3A_709] {strides = array<i32>} : memref<24x176xf32, #tpu.memory_space<vmem>>, vector<16xf32>,
        tpu.vector_store %arg16[%swap3A_708, %swap3A_709], %mul3A_707 {strides = array<i32>} : memref<24x176xf32, #tpu.memory_space<vmem>>, vector<16xf32>,
        %mul3A_711 = arith.mulf %exp3A_682, %unpack3A_601 : vector<16xf32>
        %swap3A_712 = arith.index_cast %add3A_579 : i32 to index
        %swap3A_713 = arith.constant 112 : index
        %swap3A_714 = tpu.vector_load %arg16[%swap3A_712, %swap3A_713] {strides = array<i32>} : memref<24x176xf32, #tpu.memory_space<vmem>>, vector<16xf32>,
        tpu.vector_store %arg16[%swap3A_712, %swap3A_713], %mul3A_711 {strides = array<i32>} : memref<24x176xf32, #tpu.memory_space<vmem>>, vector<16xf32>,
        %mul3A_715 = arith.mulf %exp3A_682, %unpack3A_640 : vector<16xf32>
        %swap3A_716 = arith.index_cast %add3A_579 : i32 to index
        %swap3A_717 = arith.constant 128 : index
        %swap3A_718 = tpu.vector_load %arg16[%swap3A_716, %swap3A_717] {strides = array<i32>} : memref<24x176xf32, #tpu.memory_space<vmem>>, vector<16xf32>,
        tpu.vector_store %arg16[%swap3A_716, %swap3A_717], %mul3A_715 {strides = array<i32>} : memref<24x176xf32, #tpu.memory_space<vmem>>, vector<16xf32>,
        %mul3A_719 = arith.mulf %exp3A_682, %unpack3A_641 : vector<16xf32>
        %swap3A_720 = arith.index_cast %add3A_579 : i32 to index
        %swap3A_721 = arith.constant 144 : index
        %swap3A_722 = tpu.vector_load %arg16[%swap3A_720, %swap3A_721] {strides = array<i32>} : memref<24x176xf32, #tpu.memory_space<vmem>>, vector<16xf32>,
        tpu.vector_store %arg16[%swap3A_720, %swap3A_721], %mul3A_719 {strides = array<i32>} : memref<24x176xf32, #tpu.memory_space<vmem>>, vector<16xf32>,
        %swap3A_723 = arith.index_cast %add3A_579 : i32 to index
        %swap3A_724 = arith.constant 160 : index
        %swap3A_725 = tpu.vector_load %arg16[%swap3A_723, %swap3A_724] {strides = array<i32>} : memref<24x176xf32, #tpu.memory_space<vmem>>, vector<16xf32>,
        tpu.vector_store %arg16[%swap3A_723, %swap3A_724], %exp3A_682 {strides = array<i32>} : memref<24x176xf32, #tpu.memory_space<vmem>>, vector<16xf32>,
        %mul3A_726 = arith.constant 4 : i32
        %mul3A_727 = arith.muli %scan3A_432, %mul3A_726 : i32
        %add3A_728 = arith.constant 2 : i32
        %add3A_729 = arith.addi %mul3A_727, %add3A_728 : i32
        %add3A_730 = arith.constant 16 : i32
        %add3A_731 = arith.addi %add3A_730, %add3A_729 : i32
        %get3A_732 = arith.index_cast %add3A_731 : i32 to index
        %get3A_733 = arith.constant 0 : index
        %get3A_734 = tpu.vector_load %arg10[%get3A_732, %get3A_733] {strides = array<i32>} : memref<40x128xbf16, #tpu.memory_space<vmem>>, vector<32xbf16>,
        %unpack3A_735 = tpu.unpack_subelements %get3A_734, 0 {pack_format = #tpu.pack_format<interleaved>} : vector<32xbf16> -> vector<16xf32>
        %unpack3A_736 = tpu.unpack_subelements %get3A_734, 1 {pack_format = #tpu.pack_format<interleaved>} : vector<32xbf16> -> vector<16xf32>
        %get3A_737 = arith.index_cast %add3A_731 : i32 to index
        %get3A_738 = arith.constant 32 : index
        %get3A_739 = tpu.vector_load %arg10[%get3A_737, %get3A_738] {strides = array<i32>} : memref<40x128xbf16, #tpu.memory_space<vmem>>, vector<32xbf16>,
        %unpack3A_740 = tpu.unpack_subelements %get3A_739, 0 {pack_format = #tpu.pack_format<interleaved>} : vector<32xbf16> -> vector<16xf32>
        %unpack3A_741 = tpu.unpack_subelements %get3A_739, 1 {pack_format = #tpu.pack_format<interleaved>} : vector<32xbf16> -> vector<16xf32>
        %get3A_742 = arith.index_cast %add3A_731 : i32 to index
        %get3A_743 = arith.constant 64 : index
        %get3A_744 = tpu.vector_load %arg10[%get3A_742, %get3A_743] {strides = array<i32>} : memref<40x128xbf16, #tpu.memory_space<vmem>>, vector<32xbf16>,
        %unpack3A_745 = tpu.unpack_subelements %get3A_744, 0 {pack_format = #tpu.pack_format<interleaved>} : vector<32xbf16> -> vector<16xf32>
        %unpack3A_746 = tpu.unpack_subelements %get3A_744, 1 {pack_format = #tpu.pack_format<interleaved>} : vector<32xbf16> -> vector<16xf32>
        %get3A_747 = arith.index_cast %add3A_731 : i32 to index
        %get3A_748 = arith.constant 96 : index
        %get3A_749 = tpu.vector_load %arg10[%get3A_747, %get3A_748] {strides = array<i32>} : memref<40x128xbf16, #tpu.memory_space<vmem>>, vector<32xbf16>,
        %unpack3A_750 = tpu.unpack_subelements %get3A_749, 0 {pack_format = #tpu.pack_format<interleaved>} : vector<32xbf16> -> vector<16xf32>
        %unpack3A_751 = tpu.unpack_subelements %get3A_749, 1 {pack_format = #tpu.pack_format<interleaved>} : vector<32xbf16> -> vector<16xf32>
        %get3A_752 = arith.index_cast %add3A_731 : i32 to index
        %get3A_753 = arith.constant 0 : index
        %get3A_754 = tpu.vector_load %arg12[%get3A_752, %get3A_753] {strides = array<i32>} : memref<40x160xbf16, #tpu.memory_space<vmem>>, vector<32xbf16>,
        %unpack3A_755 = tpu.unpack_subelements %get3A_754, 0 {pack_format = #tpu.pack_format<interleaved>} : vector<32xbf16> -> vector<16xf32>
        %unpack3A_756 = tpu.unpack_subelements %get3A_754, 1 {pack_format = #tpu.pack_format<interleaved>} : vector<32xbf16> -> vector<16xf32>
        %mul3A_757 = arith.mulf %unpack3A_735, %unpack3A_755 : vector<16xf32>
        %mul3A_758 = arith.mulf %unpack3A_736, %unpack3A_756 : vector<16xf32>
        %add3A_759 = arith.addf %mul3A_757, %mul3A_758 : vector<16xf32>
        %get3A_760 = arith.index_cast %add3A_731 : i32 to index
        %get3A_761 = arith.constant 32 : index
        %get3A_762 = tpu.vector_load %arg12[%get3A_760, %get3A_761] {strides = array<i32>} : memref<40x160xbf16, #tpu.memory_space<vmem>>, vector<32xbf16>,
        %unpack3A_763 = tpu.unpack_subelements %get3A_762, 0 {pack_format = #tpu.pack_format<interleaved>} : vector<32xbf16> -> vector<16xf32>
        %unpack3A_764 = tpu.unpack_subelements %get3A_762, 1 {pack_format = #tpu.pack_format<interleaved>} : vector<32xbf16> -> vector<16xf32>
        %mul3A_765 = arith.mulf %unpack3A_740, %unpack3A_763 : vector<16xf32>
        %mul3A_766 = arith.mulf %unpack3A_741, %unpack3A_764 : vector<16xf32>
        %add3A_767 = arith.addf %mul3A_765, %mul3A_766 : vector<16xf32>
        %add3A_768 = arith.addf %add3A_759, %add3A_767 : vector<16xf32>
        %get3A_769 = arith.index_cast %add3A_731 : i32 to index
        %get3A_770 = arith.constant 64 : index
        %get3A_771 = tpu.vector_load %arg12[%get3A_769, %get3A_770] {strides = array<i32>} : memref<40x160xbf16, #tpu.memory_space<vmem>>, vector<32xbf16>,
        %unpack3A_772 = tpu.unpack_subelements %get3A_771, 0 {pack_format = #tpu.pack_format<interleaved>} : vector<32xbf16> -> vector<16xf32>
        %unpack3A_773 = tpu.unpack_subelements %get3A_771, 1 {pack_format = #tpu.pack_format<interleaved>} : vector<32xbf16> -> vector<16xf32>
        %mul3A_774 = arith.mulf %unpack3A_745, %unpack3A_772 : vector<16xf32>
        %mul3A_775 = arith.mulf %unpack3A_746, %unpack3A_773 : vector<16xf32>
        %add3A_776 = arith.addf %mul3A_774, %mul3A_775 : vector<16xf32>
        %add3A_777 = arith.addf %add3A_768, %add3A_776 : vector<16xf32>
        %get3A_778 = arith.index_cast %add3A_731 : i32 to index
        %get3A_779 = arith.constant 96 : index
        %get3A_780 = tpu.vector_load %arg12[%get3A_778, %get3A_779] {strides = array<i32>} : memref<40x160xbf16, #tpu.memory_space<vmem>>, vector<32xbf16>,
        %unpack3A_781 = tpu.unpack_subelements %get3A_780, 0 {pack_format = #tpu.pack_format<interleaved>} : vector<32xbf16> -> vector<16xf32>
        %unpack3A_782 = tpu.unpack_subelements %get3A_780, 1 {pack_format = #tpu.pack_format<interleaved>} : vector<32xbf16> -> vector<16xf32>
        %mul3A_783 = arith.mulf %unpack3A_750, %unpack3A_781 : vector<16xf32>
        %mul3A_784 = arith.mulf %unpack3A_751, %unpack3A_782 : vector<16xf32>
        %add3A_785 = arith.addf %mul3A_783, %mul3A_784 : vector<16xf32>
        %add3A_786 = arith.addf %add3A_777, %add3A_785 : vector<16xf32>
        %get3A_787 = arith.index_cast %add3A_731 : i32 to index
        %get3A_788 = arith.constant 0 : index
        %get3A_789 = tpu.vector_load %arg14[%get3A_787, %get3A_788] {strides = array<i32>} : memref<40x32xbf16, #tpu.memory_space<vmem>>, vector<32xbf16>,
        %unpack3A_790 = tpu.unpack_subelements %get3A_789, 0 {pack_format = #tpu.pack_format<interleaved>} : vector<32xbf16> -> vector<16xf32>
        %unpack3A_791 = tpu.unpack_subelements %get3A_789, 1 {pack_format = #tpu.pack_format<interleaved>} : vector<32xbf16> -> vector<16xf32>
        %get3A_792 = arith.index_cast %add3A_731 : i32 to index
        %get3A_793 = arith.constant 128 : index
        %get3A_794 = tpu.vector_load %arg12[%get3A_792, %get3A_793] {strides = array<i32>} : memref<40x160xbf16, #tpu.memory_space<vmem>>, vector<32xbf16>,
        %unpack3A_795 = tpu.unpack_subelements %get3A_794, 0 {pack_format = #tpu.pack_format<interleaved>} : vector<32xbf16> -> vector<16xf32>
        %unpack3A_796 = tpu.unpack_subelements %get3A_794, 1 {pack_format = #tpu.pack_format<interleaved>} : vector<32xbf16> -> vector<16xf32>
        %mul3A_797 = arith.mulf %unpack3A_790, %unpack3A_795 : vector<16xf32>
        %add3A_798 = arith.addf %add3A_786, %mul3A_797 : vector<16xf32>
        %mul3A_799 = arith.mulf %unpack3A_791, %unpack3A_796 : vector<16xf32>
        %add3A_800 = arith.addf %add3A_798, %mul3A_799 : vector<16xf32>
        %xor3A_801 = arith.constant 8 : i32
        %xor3A_802 = vector.broadcast %xor3A_801 : i32 to vector<16xi32>
        %xor3A_803 = arith.xori %iota3A, %xor3A_802 : vector<16xi32>
        %broadcast_in_dim3A_804 = vector.shape_cast %xor3A_803 : vector<16xi32> to vector<16x1xi32>
        %gather3A_805 = vector.shape_cast %broadcast_in_dim3A_804 : vector<16x1xi32> to vector<16xi32>
        %gather3A_806 = tpu.dynamic_gather %add3A_800[%gather3A_805] in [0] : vector<16xf32>, vector<16xi32> -> vector<16xf32>
        %add3A_807 = arith.addf %add3A_800, %gather3A_806 : vector<16xf32>
        %xor3A_808 = arith.constant 4 : i32
        %xor3A_809 = vector.broadcast %xor3A_808 : i32 to vector<16xi32>
        %xor3A_810 = arith.xori %iota3A, %xor3A_809 : vector<16xi32>
        %broadcast_in_dim3A_811 = vector.shape_cast %xor3A_810 : vector<16xi32> to vector<16x1xi32>
        %gather3A_812 = vector.shape_cast %broadcast_in_dim3A_811 : vector<16x1xi32> to vector<16xi32>
        %gather3A_813 = tpu.dynamic_gather %add3A_807[%gather3A_812] in [0] : vector<16xf32>, vector<16xi32> -> vector<16xf32>
        %add3A_814 = arith.addf %add3A_807, %gather3A_813 : vector<16xf32>
        %xor3A_815 = arith.constant 2 : i32
        %xor3A_816 = vector.broadcast %xor3A_815 : i32 to vector<16xi32>
        %xor3A_817 = arith.xori %iota3A, %xor3A_816 : vector<16xi32>
        %broadcast_in_dim3A_818 = vector.shape_cast %xor3A_817 : vector<16xi32> to vector<16x1xi32>
        %gather3A_819 = vector.shape_cast %broadcast_in_dim3A_818 : vector<16x1xi32> to vector<16xi32>
        %gather3A_820 = tpu.dynamic_gather %add3A_814[%gather3A_819] in [0] : vector<16xf32>, vector<16xi32> -> vector<16xf32>
        %add3A_821 = arith.addf %add3A_814, %gather3A_820 : vector<16xf32>
        %xor3A_822 = arith.constant 1 : i32
        %xor3A_823 = vector.broadcast %xor3A_822 : i32 to vector<16xi32>
        %xor3A_824 = arith.xori %iota3A, %xor3A_823 : vector<16xi32>
        %broadcast_in_dim3A_825 = vector.shape_cast %xor3A_824 : vector<16xi32> to vector<16x1xi32>
        %gather3A_826 = vector.shape_cast %broadcast_in_dim3A_825 : vector<16x1xi32> to vector<16xi32>
        %gather3A_827 = tpu.dynamic_gather %add3A_821[%gather3A_826] in [0] : vector<16xf32>, vector<16xi32> -> vector<16xf32>
        %add3A_828 = arith.addf %add3A_821, %gather3A_827 : vector<16xf32>
        %mul3A_829 = arith.constant 0.0883883461 : f32
        %mul3A_830 = vector.broadcast %mul3A_829 : f32 to vector<16xf32>
        %mul3A_831 = arith.mulf %add3A_828, %mul3A_830 : vector<16xf32>
        %exp3A_832 = math.exp %mul3A_831 : vector<16xf32>
        %mul3A_833 = arith.mulf %exp3A_832, %unpack3A_735 : vector<16xf32>
        %swap3A_834 = arith.index_cast %add3A_729 : i32 to index
        %swap3A_835 = arith.constant 0 : index
        %swap3A_836 = tpu.vector_load %arg16[%swap3A_834, %swap3A_835] {strides = array<i32>} : memref<24x176xf32, #tpu.memory_space<vmem>>, vector<16xf32>,
        tpu.vector_store %arg16[%swap3A_834, %swap3A_835], %mul3A_833 {strides = array<i32>} : memref<24x176xf32, #tpu.memory_space<vmem>>, vector<16xf32>,
        %mul3A_837 = arith.mulf %exp3A_832, %unpack3A_736 : vector<16xf32>
        %swap3A_838 = arith.index_cast %add3A_729 : i32 to index
        %swap3A_839 = arith.constant 16 : index
        %swap3A_840 = tpu.vector_load %arg16[%swap3A_838, %swap3A_839] {strides = array<i32>} : memref<24x176xf32, #tpu.memory_space<vmem>>, vector<16xf32>,
        tpu.vector_store %arg16[%swap3A_838, %swap3A_839], %mul3A_837 {strides = array<i32>} : memref<24x176xf32, #tpu.memory_space<vmem>>, vector<16xf32>,
        %mul3A_841 = arith.mulf %exp3A_832, %unpack3A_740 : vector<16xf32>
        %swap3A_842 = arith.index_cast %add3A_729 : i32 to index
        %swap3A_843 = arith.constant 32 : index
        %swap3A_844 = tpu.vector_load %arg16[%swap3A_842, %swap3A_843] {strides = array<i32>} : memref<24x176xf32, #tpu.memory_space<vmem>>, vector<16xf32>,
        tpu.vector_store %arg16[%swap3A_842, %swap3A_843], %mul3A_841 {strides = array<i32>} : memref<24x176xf32, #tpu.memory_space<vmem>>, vector<16xf32>,
        %mul3A_845 = arith.mulf %exp3A_832, %unpack3A_741 : vector<16xf32>
        %swap3A_846 = arith.index_cast %add3A_729 : i32 to index
        %swap3A_847 = arith.constant 48 : index
        %swap3A_848 = tpu.vector_load %arg16[%swap3A_846, %swap3A_847] {strides = array<i32>} : memref<24x176xf32, #tpu.memory_space<vmem>>, vector<16xf32>,
        tpu.vector_store %arg16[%swap3A_846, %swap3A_847], %mul3A_845 {strides = array<i32>} : memref<24x176xf32, #tpu.memory_space<vmem>>, vector<16xf32>,
        %mul3A_849 = arith.mulf %exp3A_832, %unpack3A_745 : vector<16xf32>
        %swap3A_850 = arith.index_cast %add3A_729 : i32 to index
        %swap3A_851 = arith.constant 64 : index
        %swap3A_852 = tpu.vector_load %arg16[%swap3A_850, %swap3A_851] {strides = array<i32>} : memref<24x176xf32, #tpu.memory_space<vmem>>, vector<16xf32>,
        tpu.vector_store %arg16[%swap3A_850, %swap3A_851], %mul3A_849 {strides = array<i32>} : memref<24x176xf32, #tpu.memory_space<vmem>>, vector<16xf32>,
        %mul3A_853 = arith.mulf %exp3A_832, %unpack3A_746 : vector<16xf32>
        %swap3A_854 = arith.index_cast %add3A_729 : i32 to index
        %swap3A_855 = arith.constant 80 : index
        %swap3A_856 = tpu.vector_load %arg16[%swap3A_854, %swap3A_855] {strides = array<i32>} : memref<24x176xf32, #tpu.memory_space<vmem>>, vector<16xf32>,
        tpu.vector_store %arg16[%swap3A_854, %swap3A_855], %mul3A_853 {strides = array<i32>} : memref<24x176xf32, #tpu.memory_space<vmem>>, vector<16xf32>,
        %mul3A_857 = arith.mulf %exp3A_832, %unpack3A_750 : vector<16xf32>
        %swap3A_858 = arith.index_cast %add3A_729 : i32 to index
        %swap3A_859 = arith.constant 96 : index
        %swap3A_860 = tpu.vector_load %arg16[%swap3A_858, %swap3A_859] {strides = array<i32>} : memref<24x176xf32, #tpu.memory_space<vmem>>, vector<16xf32>,
        tpu.vector_store %arg16[%swap3A_858, %swap3A_859], %mul3A_857 {strides = array<i32>} : memref<24x176xf32, #tpu.memory_space<vmem>>, vector<16xf32>,
        %mul3A_861 = arith.mulf %exp3A_832, %unpack3A_751 : vector<16xf32>
        %swap3A_862 = arith.index_cast %add3A_729 : i32 to index
        %swap3A_863 = arith.constant 112 : index
        %swap3A_864 = tpu.vector_load %arg16[%swap3A_862, %swap3A_863] {strides = array<i32>} : memref<24x176xf32, #tpu.memory_space<vmem>>, vector<16xf32>,
        tpu.vector_store %arg16[%swap3A_862, %swap3A_863], %mul3A_861 {strides = array<i32>} : memref<24x176xf32, #tpu.memory_space<vmem>>, vector<16xf32>,
        %mul3A_865 = arith.mulf %exp3A_832, %unpack3A_790 : vector<16xf32>
        %swap3A_866 = arith.index_cast %add3A_729 : i32 to index
        %swap3A_867 = arith.constant 128 : index
        %swap3A_868 = tpu.vector_load %arg16[%swap3A_866, %swap3A_867] {strides = array<i32>} : memref<24x176xf32, #tpu.memory_space<vmem>>, vector<16xf32>,
        tpu.vector_store %arg16[%swap3A_866, %swap3A_867], %mul3A_865 {strides = array<i32>} : memref<24x176xf32, #tpu.memory_space<vmem>>, vector<16xf32>,
        %mul3A_869 = arith.mulf %exp3A_832, %unpack3A_791 : vector<16xf32>
        %swap3A_870 = arith.index_cast %add3A_729 : i32 to index
        %swap3A_871 = arith.constant 144 : index
        %swap3A_872 = tpu.vector_load %arg16[%swap3A_870, %swap3A_871] {strides = array<i32>} : memref<24x176xf32, #tpu.memory_space<vmem>>, vector<16xf32>,
        tpu.vector_store %arg16[%swap3A_870, %swap3A_871], %mul3A_869 {strides = array<i32>} : memref<24x176xf32, #tpu.memory_space<vmem>>, vector<16xf32>,
        %swap3A_873 = arith.index_cast %add3A_729 : i32 to index
        %swap3A_874 = arith.constant 160 : index
        %swap3A_875 = tpu.vector_load %arg16[%swap3A_873, %swap3A_874] {strides = array<i32>} : memref<24x176xf32, #tpu.memory_space<vmem>>, vector<16xf32>,
        tpu.vector_store %arg16[%swap3A_873, %swap3A_874], %exp3A_832 {strides = array<i32>} : memref<24x176xf32, #tpu.memory_space<vmem>>, vector<16xf32>,
        %mul3A_876 = arith.constant 4 : i32
        %mul3A_877 = arith.muli %scan3A_432, %mul3A_876 : i32
        %add3A_878 = arith.constant 3 : i32
        %add3A_879 = arith.addi %mul3A_877, %add3A_878 : i32
        %add3A_880 = arith.constant 16 : i32
        %add3A_881 = arith.addi %add3A_880, %add3A_879 : i32
        %get3A_882 = arith.index_cast %add3A_881 : i32 to index
        %get3A_883 = arith.constant 0 : index
        %get3A_884 = tpu.vector_load %arg10[%get3A_882, %get3A_883] {strides = array<i32>} : memref<40x128xbf16, #tpu.memory_space<vmem>>, vector<32xbf16>,
        %unpack3A_885 = tpu.unpack_subelements %get3A_884, 0 {pack_format = #tpu.pack_format<interleaved>} : vector<32xbf16> -> vector<16xf32>
        %unpack3A_886 = tpu.unpack_subelements %get3A_884, 1 {pack_format = #tpu.pack_format<interleaved>} : vector<32xbf16> -> vector<16xf32>
        %get3A_887 = arith.index_cast %add3A_881 : i32 to index
        %get3A_888 = arith.constant 32 : index
        %get3A_889 = tpu.vector_load %arg10[%get3A_887, %get3A_888] {strides = array<i32>} : memref<40x128xbf16, #tpu.memory_space<vmem>>, vector<32xbf16>,
        %unpack3A_890 = tpu.unpack_subelements %get3A_889, 0 {pack_format = #tpu.pack_format<interleaved>} : vector<32xbf16> -> vector<16xf32>
        %unpack3A_891 = tpu.unpack_subelements %get3A_889, 1 {pack_format = #tpu.pack_format<interleaved>} : vector<32xbf16> -> vector<16xf32>
        %get3A_892 = arith.index_cast %add3A_881 : i32 to index
        %get3A_893 = arith.constant 64 : index
        %get3A_894 = tpu.vector_load %arg10[%get3A_892, %get3A_893] {strides = array<i32>} : memref<40x128xbf16, #tpu.memory_space<vmem>>, vector<32xbf16>,
        %unpack3A_895 = tpu.unpack_subelements %get3A_894, 0 {pack_format = #tpu.pack_format<interleaved>} : vector<32xbf16> -> vector<16xf32>
        %unpack3A_896 = tpu.unpack_subelements %get3A_894, 1 {pack_format = #tpu.pack_format<interleaved>} : vector<32xbf16> -> vector<16xf32>
        %get3A_897 = arith.index_cast %add3A_881 : i32 to index
        %get3A_898 = arith.constant 96 : index
        %get3A_899 = tpu.vector_load %arg10[%get3A_897, %get3A_898] {strides = array<i32>} : memref<40x128xbf16, #tpu.memory_space<vmem>>, vector<32xbf16>,
        %unpack3A_900 = tpu.unpack_subelements %get3A_899, 0 {pack_format = #tpu.pack_format<interleaved>} : vector<32xbf16> -> vector<16xf32>
        %unpack3A_901 = tpu.unpack_subelements %get3A_899, 1 {pack_format = #tpu.pack_format<interleaved>} : vector<32xbf16> -> vector<16xf32>
        %get3A_902 = arith.index_cast %add3A_881 : i32 to index
        %get3A_903 = arith.constant 0 : index
        %get3A_904 = tpu.vector_load %arg12[%get3A_902, %get3A_903] {strides = array<i32>} : memref<40x160xbf16, #tpu.memory_space<vmem>>, vector<32xbf16>,
        %unpack3A_905 = tpu.unpack_subelements %get3A_904, 0 {pack_format = #tpu.pack_format<interleaved>} : vector<32xbf16> -> vector<16xf32>
        %unpack3A_906 = tpu.unpack_subelements %get3A_904, 1 {pack_format = #tpu.pack_format<interleaved>} : vector<32xbf16> -> vector<16xf32>
        %mul3A_907 = arith.mulf %unpack3A_885, %unpack3A_905 : vector<16xf32>
        %mul3A_908 = arith.mulf %unpack3A_886, %unpack3A_906 : vector<16xf32>
        %add3A_909 = arith.addf %mul3A_907, %mul3A_908 : vector<16xf32>
        %get3A_910 = arith.index_cast %add3A_881 : i32 to index
        %get3A_911 = arith.constant 32 : index
        %get3A_912 = tpu.vector_load %arg12[%get3A_910, %get3A_911] {strides = array<i32>} : memref<40x160xbf16, #tpu.memory_space<vmem>>, vector<32xbf16>,
        %unpack3A_913 = tpu.unpack_subelements %get3A_912, 0 {pack_format = #tpu.pack_format<interleaved>} : vector<32xbf16> -> vector<16xf32>
        %unpack3A_914 = tpu.unpack_subelements %get3A_912, 1 {pack_format = #tpu.pack_format<interleaved>} : vector<32xbf16> -> vector<16xf32>
        %mul3A_915 = arith.mulf %unpack3A_890, %unpack3A_913 : vector<16xf32>
        %mul3A_916 = arith.mulf %unpack3A_891, %unpack3A_914 : vector<16xf32>
        %add3A_917 = arith.addf %mul3A_915, %mul3A_916 : vector<16xf32>
        %add3A_918 = arith.addf %add3A_909, %add3A_917 : vector<16xf32>
        %get3A_919 = arith.index_cast %add3A_881 : i32 to index
        %get3A_920 = arith.constant 64 : index
        %get3A_921 = tpu.vector_load %arg12[%get3A_919, %get3A_920] {strides = array<i32>} : memref<40x160xbf16, #tpu.memory_space<vmem>>, vector<32xbf16>,
        %unpack3A_922 = tpu.unpack_subelements %get3A_921, 0 {pack_format = #tpu.pack_format<interleaved>} : vector<32xbf16> -> vector<16xf32>
        %unpack3A_923 = tpu.unpack_subelements %get3A_921, 1 {pack_format = #tpu.pack_format<interleaved>} : vector<32xbf16> -> vector<16xf32>
        %mul3A_924 = arith.mulf %unpack3A_895, %unpack3A_922 : vector<16xf32>
        %mul3A_925 = arith.mulf %unpack3A_896, %unpack3A_923 : vector<16xf32>
        %add3A_926 = arith.addf %mul3A_924, %mul3A_925 : vector<16xf32>
        %add3A_927 = arith.addf %add3A_918, %add3A_926 : vector<16xf32>
        %get3A_928 = arith.index_cast %add3A_881 : i32 to index
        %get3A_929 = arith.constant 96 : index
        %get3A_930 = tpu.vector_load %arg12[%get3A_928, %get3A_929] {strides = array<i32>} : memref<40x160xbf16, #tpu.memory_space<vmem>>, vector<32xbf16>,
        %unpack3A_931 = tpu.unpack_subelements %get3A_930, 0 {pack_format = #tpu.pack_format<interleaved>} : vector<32xbf16> -> vector<16xf32>
        %unpack3A_932 = tpu.unpack_subelements %get3A_930, 1 {pack_format = #tpu.pack_format<interleaved>} : vector<32xbf16> -> vector<16xf32>
        %mul3A_933 = arith.mulf %unpack3A_900, %unpack3A_931 : vector<16xf32>
        %mul3A_934 = arith.mulf %unpack3A_901, %unpack3A_932 : vector<16xf32>
        %add3A_935 = arith.addf %mul3A_933, %mul3A_934 : vector<16xf32>
        %add3A_936 = arith.addf %add3A_927, %add3A_935 : vector<16xf32>
        %get3A_937 = arith.index_cast %add3A_881 : i32 to index
        %get3A_938 = arith.constant 0 : index
        %get3A_939 = tpu.vector_load %arg14[%get3A_937, %get3A_938] {strides = array<i32>} : memref<40x32xbf16, #tpu.memory_space<vmem>>, vector<32xbf16>,
        %unpack3A_940 = tpu.unpack_subelements %get3A_939, 0 {pack_format = #tpu.pack_format<interleaved>} : vector<32xbf16> -> vector<16xf32>
        %unpack3A_941 = tpu.unpack_subelements %get3A_939, 1 {pack_format = #tpu.pack_format<interleaved>} : vector<32xbf16> -> vector<16xf32>
        %get3A_942 = arith.index_cast %add3A_881 : i32 to index
        %get3A_943 = arith.constant 128 : index
        %get3A_944 = tpu.vector_load %arg12[%get3A_942, %get3A_943] {strides = array<i32>} : memref<40x160xbf16, #tpu.memory_space<vmem>>, vector<32xbf16>,
        %unpack3A_945 = tpu.unpack_subelements %get3A_944, 0 {pack_format = #tpu.pack_format<interleaved>} : vector<32xbf16> -> vector<16xf32>
        %unpack3A_946 = tpu.unpack_subelements %get3A_944, 1 {pack_format = #tpu.pack_format<interleaved>} : vector<32xbf16> -> vector<16xf32>
        %mul3A_947 = arith.mulf %unpack3A_940, %unpack3A_945 : vector<16xf32>
        %add3A_948 = arith.addf %add3A_936, %mul3A_947 : vector<16xf32>
        %mul3A_949 = arith.mulf %unpack3A_941, %unpack3A_946 : vector<16xf32>
        %add3A_950 = arith.addf %add3A_948, %mul3A_949 : vector<16xf32>
        %xor3A_951 = arith.constant 8 : i32
        %xor3A_952 = vector.broadcast %xor3A_951 : i32 to vector<16xi32>
        %xor3A_953 = arith.xori %iota3A, %xor3A_952 : vector<16xi32>
        %broadcast_in_dim3A_954 = vector.shape_cast %xor3A_953 : vector<16xi32> to vector<16x1xi32>
        %gather3A_955 = vector.shape_cast %broadcast_in_dim3A_954 : vector<16x1xi32> to vector<16xi32>
        %gather3A_956 = tpu.dynamic_gather %add3A_950[%gather3A_955] in [0] : vector<16xf32>, vector<16xi32> -> vector<16xf32>
        %add3A_957 = arith.addf %add3A_950, %gather3A_956 : vector<16xf32>
        %xor3A_958 = arith.constant 4 : i32
        %xor3A_959 = vector.broadcast %xor3A_958 : i32 to vector<16xi32>
        %xor3A_960 = arith.xori %iota3A, %xor3A_959 : vector<16xi32>
        %broadcast_in_dim3A_961 = vector.shape_cast %xor3A_960 : vector<16xi32> to vector<16x1xi32>
        %gather3A_962 = vector.shape_cast %broadcast_in_dim3A_961 : vector<16x1xi32> to vector<16xi32>
        %gather3A_963 = tpu.dynamic_gather %add3A_957[%gather3A_962] in [0] : vector<16xf32>, vector<16xi32> -> vector<16xf32>
        %add3A_964 = arith.addf %add3A_957, %gather3A_963 : vector<16xf32>
        %xor3A_965 = arith.constant 2 : i32
        %xor3A_966 = vector.broadcast %xor3A_965 : i32 to vector<16xi32>
        %xor3A_967 = arith.xori %iota3A, %xor3A_966 : vector<16xi32>
        %broadcast_in_dim3A_968 = vector.shape_cast %xor3A_967 : vector<16xi32> to vector<16x1xi32>
        %gather3A_969 = vector.shape_cast %broadcast_in_dim3A_968 : vector<16x1xi32> to vector<16xi32>
        %gather3A_970 = tpu.dynamic_gather %add3A_964[%gather3A_969] in [0] : vector<16xf32>, vector<16xi32> -> vector<16xf32>
        %add3A_971 = arith.addf %add3A_964, %gather3A_970 : vector<16xf32>
        %xor3A_972 = arith.constant 1 : i32
        %xor3A_973 = vector.broadcast %xor3A_972 : i32 to vector<16xi32>
        %xor3A_974 = arith.xori %iota3A, %xor3A_973 : vector<16xi32>
        %broadcast_in_dim3A_975 = vector.shape_cast %xor3A_974 : vector<16xi32> to vector<16x1xi32>
        %gather3A_976 = vector.shape_cast %broadcast_in_dim3A_975 : vector<16x1xi32> to vector<16xi32>
        %gather3A_977 = tpu.dynamic_gather %add3A_971[%gather3A_976] in [0] : vector<16xf32>, vector<16xi32> -> vector<16xf32>
        %add3A_978 = arith.addf %add3A_971, %gather3A_977 : vector<16xf32>
        %mul3A_979 = arith.constant 0.0883883461 : f32
        %mul3A_980 = vector.broadcast %mul3A_979 : f32 to vector<16xf32>
        %mul3A_981 = arith.mulf %add3A_978, %mul3A_980 : vector<16xf32>
        %exp3A_982 = math.exp %mul3A_981 : vector<16xf32>
        %mul3A_983 = arith.mulf %exp3A_982, %unpack3A_885 : vector<16xf32>
        %swap3A_984 = arith.index_cast %add3A_879 : i32 to index
        %swap3A_985 = arith.constant 0 : index
        %swap3A_986 = tpu.vector_load %arg16[%swap3A_984, %swap3A_985] {strides = array<i32>} : memref<24x176xf32, #tpu.memory_space<vmem>>, vector<16xf32>,
        tpu.vector_store %arg16[%swap3A_984, %swap3A_985], %mul3A_983 {strides = array<i32>} : memref<24x176xf32, #tpu.memory_space<vmem>>, vector<16xf32>,
        %mul3A_987 = arith.mulf %exp3A_982, %unpack3A_886 : vector<16xf32>
        %swap3A_988 = arith.index_cast %add3A_879 : i32 to index
        %swap3A_989 = arith.constant 16 : index
        %swap3A_990 = tpu.vector_load %arg16[%swap3A_988, %swap3A_989] {strides = array<i32>} : memref<24x176xf32, #tpu.memory_space<vmem>>, vector<16xf32>,
        tpu.vector_store %arg16[%swap3A_988, %swap3A_989], %mul3A_987 {strides = array<i32>} : memref<24x176xf32, #tpu.memory_space<vmem>>, vector<16xf32>,
        %mul3A_991 = arith.mulf %exp3A_982, %unpack3A_890 : vector<16xf32>
        %swap3A_992 = arith.index_cast %add3A_879 : i32 to index
        %swap3A_993 = arith.constant 32 : index
        %swap3A_994 = tpu.vector_load %arg16[%swap3A_992, %swap3A_993] {strides = array<i32>} : memref<24x176xf32, #tpu.memory_space<vmem>>, vector<16xf32>,
        tpu.vector_store %arg16[%swap3A_992, %swap3A_993], %mul3A_991 {strides = array<i32>} : memref<24x176xf32, #tpu.memory_space<vmem>>, vector<16xf32>,
        %mul3A_995 = arith.mulf %exp3A_982, %unpack3A_891 : vector<16xf32>
        %swap3A_996 = arith.index_cast %add3A_879 : i32 to index
        %swap3A_997 = arith.constant 48 : index
        %swap3A_998 = tpu.vector_load %arg16[%swap3A_996, %swap3A_997] {strides = array<i32>} : memref<24x176xf32, #tpu.memory_space<vmem>>, vector<16xf32>,
        tpu.vector_store %arg16[%swap3A_996, %swap3A_997], %mul3A_995 {strides = array<i32>} : memref<24x176xf32, #tpu.memory_space<vmem>>, vector<16xf32>,
        %mul3A_999 = arith.mulf %exp3A_982, %unpack3A_895 : vector<16xf32>
        %swap3A_1000 = arith.index_cast %add3A_879 : i32 to index
        %swap3A_1001 = arith.constant 64 : index
        %swap3A_1002 = tpu.vector_load %arg16[%swap3A_1000, %swap3A_1001] {strides = array<i32>} : memref<24x176xf32, #tpu.memory_space<vmem>>, vector<16xf32>,
        tpu.vector_store %arg16[%swap3A_1000, %swap3A_1001], %mul3A_999 {strides = array<i32>} : memref<24x176xf32, #tpu.memory_space<vmem>>, vector<16xf32>,
        %mul3A_1003 = arith.mulf %exp3A_982, %unpack3A_896 : vector<16xf32>
        %swap3A_1004 = arith.index_cast %add3A_879 : i32 to index
        %swap3A_1005 = arith.constant 80 : index
        %swap3A_1006 = tpu.vector_load %arg16[%swap3A_1004, %swap3A_1005] {strides = array<i32>} : memref<24x176xf32, #tpu.memory_space<vmem>>, vector<16xf32>,
        tpu.vector_store %arg16[%swap3A_1004, %swap3A_1005], %mul3A_1003 {strides = array<i32>} : memref<24x176xf32, #tpu.memory_space<vmem>>, vector<16xf32>,
        %mul3A_1007 = arith.mulf %exp3A_982, %unpack3A_900 : vector<16xf32>
        %swap3A_1008 = arith.index_cast %add3A_879 : i32 to index
        %swap3A_1009 = arith.constant 96 : index
        %swap3A_1010 = tpu.vector_load %arg16[%swap3A_1008, %swap3A_1009] {strides = array<i32>} : memref<24x176xf32, #tpu.memory_space<vmem>>, vector<16xf32>,
        tpu.vector_store %arg16[%swap3A_1008, %swap3A_1009], %mul3A_1007 {strides = array<i32>} : memref<24x176xf32, #tpu.memory_space<vmem>>, vector<16xf32>,
        %mul3A_1011 = arith.mulf %exp3A_982, %unpack3A_901 : vector<16xf32>
        %swap3A_1012 = arith.index_cast %add3A_879 : i32 to index
        %swap3A_1013 = arith.constant 112 : index
        %swap3A_1014 = tpu.vector_load %arg16[%swap3A_1012, %swap3A_1013] {strides = array<i32>} : memref<24x176xf32, #tpu.memory_space<vmem>>, vector<16xf32>,
        tpu.vector_store %arg16[%swap3A_1012, %swap3A_1013], %mul3A_1011 {strides = array<i32>} : memref<24x176xf32, #tpu.memory_space<vmem>>, vector<16xf32>,
        %mul3A_1015 = arith.mulf %exp3A_982, %unpack3A_940 : vector<16xf32>
        %swap3A_1016 = arith.index_cast %add3A_879 : i32 to index
        %swap3A_1017 = arith.constant 128 : index
        %swap3A_1018 = tpu.vector_load %arg16[%swap3A_1016, %swap3A_1017] {strides = array<i32>} : memref<24x176xf32, #tpu.memory_space<vmem>>, vector<16xf32>,
        tpu.vector_store %arg16[%swap3A_1016, %swap3A_1017], %mul3A_1015 {strides = array<i32>} : memref<24x176xf32, #tpu.memory_space<vmem>>, vector<16xf32>,
        %mul3A_1019 = arith.mulf %exp3A_982, %unpack3A_941 : vector<16xf32>
        %swap3A_1020 = arith.index_cast %add3A_879 : i32 to index
        %swap3A_1021 = arith.constant 144 : index
        %swap3A_1022 = tpu.vector_load %arg16[%swap3A_1020, %swap3A_1021] {strides = array<i32>} : memref<24x176xf32, #tpu.memory_space<vmem>>, vector<16xf32>,
        tpu.vector_store %arg16[%swap3A_1020, %swap3A_1021], %mul3A_1019 {strides = array<i32>} : memref<24x176xf32, #tpu.memory_space<vmem>>, vector<16xf32>,
        %swap3A_1023 = arith.index_cast %add3A_879 : i32 to index
        %swap3A_1024 = arith.constant 160 : index
        %swap3A_1025 = tpu.vector_load %arg16[%swap3A_1023, %swap3A_1024] {strides = array<i32>} : memref<24x176xf32, #tpu.memory_space<vmem>>, vector<16xf32>,
        tpu.vector_store %arg16[%swap3A_1023, %swap3A_1024], %exp3A_982 {strides = array<i32>} : memref<24x176xf32, #tpu.memory_space<vmem>>, vector<16xf32>,
      }
      %scan3A_419 = arith.constant 6 : i32
      %dma_start3A_420 = arith.constant 1 : i32
      %dma_start3A_421 = arith.constant 16 : i32
      %dma_start3A_422 = tpu.memref_slice %arg8[%dma_start3A_420, %dma_start3A_421] : memref<2x40xi32, #tpu.memory_space<vmem>> -> memref<1x24xi32, #tpu.memory_space<vmem>>
      %dma_start3A_423 = tpu.memref_squeeze %dma_start3A_422 : memref<1x24xi32, #tpu.memory_space<vmem>> -> memref<24xi32, #tpu.memory_space<vmem>>
      %dma_start3A_424 = arith.constant 0 : i32
      %dma_start3A_425 = arith.constant 0 : i32
      %dma_start3A_426 = tpu.memref_slice %arg17[%dma_start3A_424, %dma_start3A_425] : memref<10000x176xf32, #tpu.memory_space<vmem_shared>> -> memref<10000x176xf32, #tpu.memory_space<vmem_shared>>
      tpu.enqueue_indirect_dma source(%arg16 : memref<24x176xf32, #tpu.memory_space<vmem>>) target(%dma_start3A_426 : memref<10000x176xf32, #tpu.memory_space<vmem_shared>>) offsets(%dma_start3A_423 : memref<24xi32, #tpu.memory_space<vmem>>) semaphore(%arg29 : memref<!tpu.dma_semaphore, #tpu.memory_space<semaphore_mem>>) {add = true}
      %lt3A_427 = arith.constant 124 : i32
      %lt3A_428 = arith.cmpi slt, %scan3A_187, %lt3A_427 : i32
      %convert_element_type3A_429 = arith.extui %lt3A_428 : i1 to i32
      %cond3A_430 = arith.constant 0 : i32
      %cond3A_431 = arith.cmpi ne, %convert_element_type3A_429, %cond3A_430 : i32
      scf.if %cond3A_431 {
        %add3A_432 = arith.constant 2 : i32
        %add3A_433 = arith.addi %add3A_335, %add3A_432 : i32
        %mul3A_434 = arith.constant 10000 : i32
        %mul3A_435 = arith.muli %add3A, %mul3A_434 : i32
        %mul3A_436 = arith.constant 40 : i32
        %mul3A_437 = arith.muli %add3A_433, %mul3A_436 : i32
        %add3A_438 = arith.addi %mul3A_435, %mul3A_437 : i32
        %dma_start3A_439 = arith.constant 0 : i32
        %dma_start3A_440 = tpu.memref_slice %arg5[%dma_start3A_439, %add3A_438] : memref<2x320000xi32, #tpu.memory_space<hbm>> -> memref<2x40xi32, #tpu.memory_space<hbm>>
        %dma_start3A_441 = arith.constant 0 : i32
        %dma_start3A_442 = tpu.memref_slice %arg5[%dma_start3A_441, %add3A_438] : memref<2x320000xi32, #tpu.memory_space<hbm>> -> memref<2x40xi32, #tpu.memory_space<hbm>>
        tpu.enqueue_dma source(%dma_start3A_442 : memref<2x40xi32, #tpu.memory_space<hbm>>) target(%arg8 : memref<2x40xi32, #tpu.memory_space<vmem>>) target_semaphore(%arg31 : memref<!tpu.dma_semaphore, #tpu.memory_space<semaphore_mem>>)
      } else {
      }
    }
    %scan3A_161 = arith.constant 125 : i32
    %dma_wait3A_162 = arith.constant 1 : i32
    %dma_wait3A_163 = arith.constant 0 : i32
    %dma_wait3A_164 = tpu.memref_slice %arg8[%dma_wait3A_162, %dma_wait3A_163] : memref<2x40xi32, #tpu.memory_space<vmem>> -> memref<1x16xi32, #tpu.memory_space<vmem>>
    %dma_wait3A_165 = tpu.memref_squeeze %dma_wait3A_164 : memref<1x16xi32, #tpu.memory_space<vmem>> -> memref<16xi32, #tpu.memory_space<vmem>>
    %dma_wait3A_166 = arith.constant 0 : i32
    %dma_wait3A_167 = arith.constant 0 : i32
    %dma_wait3A_168 = tpu.memref_slice %arg17[%dma_wait3A_166, %dma_wait3A_167] : memref<10000x176xf32, #tpu.memory_space<vmem_shared>> -> memref<10000x176xf32, #tpu.memory_space<vmem_shared>>
    tpu.wait_indirect_dma semaphore(%arg28 : memref<!tpu.dma_semaphore, #tpu.memory_space<semaphore_mem>>) src(%arg15 : memref<16x176xf32, #tpu.memory_space<vmem>>) dst(%dma_wait3A_168 : memref<10000x176xf32, #tpu.memory_space<vmem_shared>>)
    %dma_wait3A_169 = arith.constant 1 : i32
    %dma_wait3A_170 = arith.constant 16 : i32
    %dma_wait3A_171 = tpu.memref_slice %arg8[%dma_wait3A_169, %dma_wait3A_170] : memref<2x40xi32, #tpu.memory_space<vmem>> -> memref<1x24xi32, #tpu.memory_space<vmem>>
    %dma_wait3A_172 = tpu.memref_squeeze %dma_wait3A_171 : memref<1x24xi32, #tpu.memory_space<vmem>> -> memref<24xi32, #tpu.memory_space<vmem>>
    %dma_wait3A_173 = arith.constant 0 : i32
    %dma_wait3A_174 = arith.constant 0 : i32
    %dma_wait3A_175 = tpu.memref_slice %arg17[%dma_wait3A_173, %dma_wait3A_174] : memref<10000x176xf32, #tpu.memory_space<vmem_shared>> -> memref<10000x176xf32, #tpu.memory_space<vmem_shared>>
    tpu.wait_indirect_dma semaphore(%arg29 : memref<!tpu.dma_semaphore, #tpu.memory_space<semaphore_mem>>) src(%arg16 : memref<24x176xf32, #tpu.memory_space<vmem>>) dst(%dma_wait3A_175 : memref<10000x176xf32, #tpu.memory_space<vmem_shared>>)
    %barrier3A_176 = arith.constant 0 : index
    tpu.barrier barrier_id(%barrier3A_176)
    %add3A_177 = arith.constant 0 : i32
    %add3A_178 = arith.addi %mul3A_7, %add3A_177 : i32
    "tpu.region"() ({
      %run_scoped3A = tpu.sem_alloc : memref<!tpu.dma_semaphore, #tpu.memory_space<semaphore_mem>>
      %dma_start3A_187 = arith.constant 0 : i32
      %dma_start3A_188 = tpu.memref_slice %arg6[%arg0, %add3A_178, %dma_start3A_187] : memref<2x10000x176xf32, #tpu.memory_space<hbm>> -> memref<1x125x176xf32, #tpu.memory_space<hbm>>
      %dma_start3A_189 = tpu.memref_squeeze %dma_start3A_188 : memref<1x125x176xf32, #tpu.memory_space<hbm>> -> memref<125x176xf32, #tpu.memory_space<hbm>>
      %dma_start3A_190 = arith.constant 0 : i32
      %dma_start3A_191 = tpu.memref_slice %arg17[%add3A_178, %dma_start3A_190] : memref<10000x176xf32, #tpu.memory_space<vmem_shared>> -> memref<125x176xf32, #tpu.memory_space<vmem_shared>>
      tpu.enqueue_dma source(%dma_start3A_191 : memref<125x176xf32, #tpu.memory_space<vmem_shared>>) target(%dma_start3A_189 : memref<125x176xf32, #tpu.memory_space<hbm>>) target_semaphore(%run_scoped3A : memref<!tpu.dma_semaphore, #tpu.memory_space<semaphore_mem>>)
      %dma_wait3A_192 = arith.constant 0 : i32
      %dma_wait3A_193 = tpu.memref_slice %arg6[%arg0, %add3A_178, %dma_wait3A_192] : memref<2x10000x176xf32, #tpu.memory_space<hbm>> -> memref<1x125x176xf32, #tpu.memory_space<hbm>>
      %dma_wait3A_194 = tpu.memref_squeeze %dma_wait3A_193 : memref<1x125x176xf32, #tpu.memory_space<hbm>> -> memref<125x176xf32, #tpu.memory_space<hbm>>
      %dma_wait3A_195 = arith.constant 0 : i32
      %dma_wait3A_196 = tpu.memref_slice %arg17[%add3A_178, %dma_wait3A_195] : memref<10000x176xf32, #tpu.memory_space<vmem_shared>> -> memref<125x176xf32, #tpu.memory_space<vmem_shared>>
      tpu.wait_dma2 semaphore(%run_scoped3A : memref<!tpu.dma_semaphore, #tpu.memory_space<semaphore_mem>>) src(%dma_wait3A_196 : memref<125x176xf32, #tpu.memory_space<vmem_shared>>) dst(%dma_wait3A_194 : memref<125x176xf32, #tpu.memory_space<hbm>>)
      tpu.yield
    }) : () -> ()
    %add3A_179 = arith.constant 125 : i32
    %add3A_180 = arith.addi %mul3A_7, %add3A_179 : i32
    "tpu.region"() ({
      %run_scoped3A = tpu.sem_alloc : memref<!tpu.dma_semaphore, #tpu.memory_space<semaphore_mem>>
      %dma_start3A_187 = arith.constant 0 : i32
      %dma_start3A_188 = tpu.memref_slice %arg6[%arg0, %add3A_180, %dma_start3A_187] : memref<2x10000x176xf32, #tpu.memory_space<hbm>> -> memref<1x125x176xf32, #tpu.memory_space<hbm>>
      %dma_start3A_189 = tpu.memref_squeeze %dma_start3A_188 : memref<1x125x176xf32, #tpu.memory_space<hbm>> -> memref<125x176xf32, #tpu.memory_space<hbm>>
      %dma_start3A_190 = arith.constant 0 : i32
      %dma_start3A_191 = tpu.memref_slice %arg17[%add3A_180, %dma_start3A_190] : memref<10000x176xf32, #tpu.memory_space<vmem_shared>> -> memref<125x176xf32, #tpu.memory_space<vmem_shared>>
      tpu.enqueue_dma source(%dma_start3A_191 : memref<125x176xf32, #tpu.memory_space<vmem_shared>>) target(%dma_start3A_189 : memref<125x176xf32, #tpu.memory_space<hbm>>) target_semaphore(%run_scoped3A : memref<!tpu.dma_semaphore, #tpu.memory_space<semaphore_mem>>)
      %dma_wait3A_192 = arith.constant 0 : i32
      %dma_wait3A_193 = tpu.memref_slice %arg6[%arg0, %add3A_180, %dma_wait3A_192] : memref<2x10000x176xf32, #tpu.memory_space<hbm>> -> memref<1x125x176xf32, #tpu.memory_space<hbm>>
      %dma_wait3A_194 = tpu.memref_squeeze %dma_wait3A_193 : memref<1x125x176xf32, #tpu.memory_space<hbm>> -> memref<125x176xf32, #tpu.memory_space<hbm>>
      %dma_wait3A_195 = arith.constant 0 : i32
      %dma_wait3A_196 = tpu.memref_slice %arg17[%add3A_180, %dma_wait3A_195] : memref<10000x176xf32, #tpu.memory_space<vmem_shared>> -> memref<125x176xf32, #tpu.memory_space<vmem_shared>>
      tpu.wait_dma2 semaphore(%run_scoped3A : memref<!tpu.dma_semaphore, #tpu.memory_space<semaphore_mem>>) src(%dma_wait3A_196 : memref<125x176xf32, #tpu.memory_space<vmem_shared>>) dst(%dma_wait3A_194 : memref<125x176xf32, #tpu.memory_space<hbm>>)
      tpu.yield
    }) : () -> ()
    %add3A_181 = arith.constant 250 : i32
    %add3A_182 = arith.addi %mul3A_7, %add3A_181 : i32
    "tpu.region"() ({
      %run_scoped3A = tpu.sem_alloc : memref<!tpu.dma_semaphore, #tpu.memory_space<semaphore_mem>>
      %dma_start3A_187 = arith.constant 0 : i32
      %dma_start3A_188 = tpu.memref_slice %arg6[%arg0, %add3A_182, %dma_start3A_187] : memref<2x10000x176xf32, #tpu.memory_space<hbm>> -> memref<1x125x176xf32, #tpu.memory_space<hbm>>
      %dma_start3A_189 = tpu.memref_squeeze %dma_start3A_188 : memref<1x125x176xf32, #tpu.memory_space<hbm>> -> memref<125x176xf32, #tpu.memory_space<hbm>>
      %dma_start3A_190 = arith.constant 0 : i32
      %dma_start3A_191 = tpu.memref_slice %arg17[%add3A_182, %dma_start3A_190] : memref<10000x176xf32, #tpu.memory_space<vmem_shared>> -> memref<125x176xf32, #tpu.memory_space<vmem_shared>>
      tpu.enqueue_dma source(%dma_start3A_191 : memref<125x176xf32, #tpu.memory_space<vmem_shared>>) target(%dma_start3A_189 : memref<125x176xf32, #tpu.memory_space<hbm>>) target_semaphore(%run_scoped3A : memref<!tpu.dma_semaphore, #tpu.memory_space<semaphore_mem>>)
      %dma_wait3A_192 = arith.constant 0 : i32
      %dma_wait3A_193 = tpu.memref_slice %arg6[%arg0, %add3A_182, %dma_wait3A_192] : memref<2x10000x176xf32, #tpu.memory_space<hbm>> -> memref<1x125x176xf32, #tpu.memory_space<hbm>>
      %dma_wait3A_194 = tpu.memref_squeeze %dma_wait3A_193 : memref<1x125x176xf32, #tpu.memory_space<hbm>> -> memref<125x176xf32, #tpu.memory_space<hbm>>
      %dma_wait3A_195 = arith.constant 0 : i32
      %dma_wait3A_196 = tpu.memref_slice %arg17[%add3A_182, %dma_wait3A_195] : memref<10000x176xf32, #tpu.memory_space<vmem_shared>> -> memref<125x176xf32, #tpu.memory_space<vmem_shared>>
      tpu.wait_dma2 semaphore(%run_scoped3A : memref<!tpu.dma_semaphore, #tpu.memory_space<semaphore_mem>>) src(%dma_wait3A_196 : memref<125x176xf32, #tpu.memory_space<vmem_shared>>) dst(%dma_wait3A_194 : memref<125x176xf32, #tpu.memory_space<hbm>>)
      tpu.yield
    }) : () -> ()
    %add3A_183 = arith.constant 375 : i32
    %add3A_184 = arith.addi %mul3A_7, %add3A_183 : i32
    "tpu.region"() ({
      %run_scoped3A = tpu.sem_alloc : memref<!tpu.dma_semaphore, #tpu.memory_space<semaphore_mem>>
      %dma_start3A_187 = arith.constant 0 : i32
      %dma_start3A_188 = tpu.memref_slice %arg6[%arg0, %add3A_184, %dma_start3A_187] : memref<2x10000x176xf32, #tpu.memory_space<hbm>> -> memref<1x125x176xf32, #tpu.memory_space<hbm>>
      %dma_start3A_189 = tpu.memref_squeeze %dma_start3A_188 : memref<1x125x176xf32, #tpu.memory_space<hbm>> -> memref<125x176xf32, #tpu.memory_space<hbm>>
      %dma_start3A_190 = arith.constant 0 : i32
      %dma_start3A_191 = tpu.memref_slice %arg17[%add3A_184, %dma_start3A_190] : memref<10000x176xf32, #tpu.memory_space<vmem_shared>> -> memref<125x176xf32, #tpu.memory_space<vmem_shared>>
      tpu.enqueue_dma source(%dma_start3A_191 : memref<125x176xf32, #tpu.memory_space<vmem_shared>>) target(%dma_start3A_189 : memref<125x176xf32, #tpu.memory_space<hbm>>) target_semaphore(%run_scoped3A : memref<!tpu.dma_semaphore, #tpu.memory_space<semaphore_mem>>)
      %dma_wait3A_192 = arith.constant 0 : i32
      %dma_wait3A_193 = tpu.memref_slice %arg6[%arg0, %add3A_184, %dma_wait3A_192] : memref<2x10000x176xf32, #tpu.memory_space<hbm>> -> memref<1x125x176xf32, #tpu.memory_space<hbm>>
      %dma_wait3A_194 = tpu.memref_squeeze %dma_wait3A_193 : memref<1x125x176xf32, #tpu.memory_space<hbm>> -> memref<125x176xf32, #tpu.memory_space<hbm>>
      %dma_wait3A_195 = arith.constant 0 : i32
      %dma_wait3A_196 = tpu.memref_slice %arg17[%add3A_184, %dma_wait3A_195] : memref<10000x176xf32, #tpu.memory_space<vmem_shared>> -> memref<125x176xf32, #tpu.memory_space<vmem_shared>>
      tpu.wait_dma2 semaphore(%run_scoped3A : memref<!tpu.dma_semaphore, #tpu.memory_space<semaphore_mem>>) src(%dma_wait3A_196 : memref<125x176xf32, #tpu.memory_space<vmem_shared>>) dst(%dma_wait3A_194 : memref<125x176xf32, #tpu.memory_space<hbm>>)
      tpu.yield
    }) : () -> ()
    %add3A_185 = arith.constant 500 : i32
    %add3A_186 = arith.addi %mul3A_7, %add3A_185 : i32
    "tpu.region"() ({
      %run_scoped3A = tpu.sem_alloc : memref<!tpu.dma_semaphore, #tpu.memory_space<semaphore_mem>>
      %dma_start3A_187 = arith.constant 0 : i32
      %dma_start3A_188 = tpu.memref_slice %arg6[%arg0, %add3A_186, %dma_start3A_187] : memref<2x10000x176xf32, #tpu.memory_space<hbm>> -> memref<1x125x176xf32, #tpu.memory_space<hbm>>
      %dma_start3A_189 = tpu.memref_squeeze %dma_start3A_188 : memref<1x125x176xf32, #tpu.memory_space<hbm>> -> memref<125x176xf32, #tpu.memory_space<hbm>>
      %dma_start3A_190 = arith.constant 0 : i32
      %dma_start3A_191 = tpu.memref_slice %arg17[%add3A_186, %dma_start3A_190] : memref<10000x176xf32, #tpu.memory_space<vmem_shared>> -> memref<125x176xf32, #tpu.memory_space<vmem_shared>>
      tpu.enqueue_dma source(%dma_start3A_191 : memref<125x176xf32, #tpu.memory_space<vmem_shared>>) target(%dma_start3A_189 : memref<125x176xf32, #tpu.memory_space<hbm>>) target_semaphore(%run_scoped3A : memref<!tpu.dma_semaphore, #tpu.memory_space<semaphore_mem>>)
      %dma_wait3A_192 = arith.constant 0 : i32
      %dma_wait3A_193 = tpu.memref_slice %arg6[%arg0, %add3A_186, %dma_wait3A_192] : memref<2x10000x176xf32, #tpu.memory_space<hbm>> -> memref<1x125x176xf32, #tpu.memory_space<hbm>>
      %dma_wait3A_194 = tpu.memref_squeeze %dma_wait3A_193 : memref<1x125x176xf32, #tpu.memory_space<hbm>> -> memref<125x176xf32, #tpu.memory_space<hbm>>
      %dma_wait3A_195 = arith.constant 0 : i32
      %dma_wait3A_196 = tpu.memref_slice %arg17[%add3A_186, %dma_wait3A_195] : memref<10000x176xf32, #tpu.memory_space<vmem_shared>> -> memref<125x176xf32, #tpu.memory_space<vmem_shared>>
      tpu.wait_dma2 semaphore(%run_scoped3A : memref<!tpu.dma_semaphore, #tpu.memory_space<semaphore_mem>>) src(%dma_wait3A_196 : memref<125x176xf32, #tpu.memory_space<vmem_shared>>) dst(%dma_wait3A_194 : memref<125x176xf32, #tpu.memory_space<hbm>>)
      tpu.yield
    }) : () -> ()
    return
  }
}

module attributes {stable_mosaic.version = 14 : i64} {
  func.func @_tables_body(%arg0: i32, %arg1: memref<1000x128xf32, #tpu.memory_space<vmem>>, %arg2: memref<128x128xf32, #tpu.memory_space<vmem>>, %arg3: memref<32x128xf32, #tpu.memory_space<vmem>>, %arg4: memref<128x128xf32, #tpu.memory_space<vmem>>, %arg5: memref<128x128xf32, #tpu.memory_space<vmem>>, %arg6: memref<1000x128xbf16, #tpu.memory_space<vmem>>, %arg7: memref<1000x160xbf16, #tpu.memory_space<vmem>>) attributes {dimension_semantics = [#tpu.dimension_semantics<arbitrary>], iteration_bounds = array<i64: 10>, scalar_prefetch = 0 : i64, scratch_operands = 0 : i64, tpu.core_type = #tpu.core_type<tc>, window_params = [{transform_indices = @transform_0, window_bounds = array<i64: 1000, 128>}, {pipeline_mode = #tpu.pipeline_mode<synchronous>, transform_indices = @transform_1, window_bounds = array<i64: 128, 128>}, {pipeline_mode = #tpu.pipeline_mode<synchronous>, transform_indices = @transform_2, window_bounds = array<i64: 32, 128>}, {pipeline_mode = #tpu.pipeline_mode<synchronous>, transform_indices = @transform_3, window_bounds = array<i64: 128, 128>}, {pipeline_mode = #tpu.pipeline_mode<synchronous>, transform_indices = @transform_4, window_bounds = array<i64: 128, 128>}, {transform_indices = @transform_5, window_bounds = array<i64: 1000, 128>}, {transform_indices = @transform_6, window_bounds = array<i64: 1000, 160>}]} {
    %get3A = arith.constant 0 : index
    %get3A_0 = arith.constant 0 : index
    %get3A_1 = vector.load %arg1[%get3A, %get3A_0] : memref<1000x128xf32, #tpu.memory_space<vmem>>, vector<1000x128xf32>
    %get3A_2 = arith.constant 0 : index
    %get3A_3 = arith.constant 0 : index
    %get3A_4 = vector.load %arg2[%get3A_2, %get3A_3] : memref<128x128xf32, #tpu.memory_space<vmem>>, vector<128x128xf32>
    %dot_general3A = arith.constant dense<0.000000e+00> : vector<1000x128xf32>
    %dot_general3A_5 = tpu.matmul %get3A_1, %get3A_4, %dot_general3A {dimension_numbers = #tpu.dot_dimension_numbers<[1], [0], [0], [1], [0, 0, 1, 1], [], []>, transpose_lhs_hint = false} : vector<1000x128xf32>, vector<128x128xf32>, vector<1000x128xf32> -> vector<1000x128xf32>
    %convert_element_type3A = arith.truncf %dot_general3A_5 : vector<1000x128xf32> to vector<1000x128xbf16>
    %swap3A = arith.constant 0 : index
    %swap3A_6 = arith.constant 0 : index
    %swap3A_7 = vector.load %arg6[%swap3A, %swap3A_6] : memref<1000x128xbf16, #tpu.memory_space<vmem>>, vector<1000x128xbf16>
    tpu.vector_store %arg6[%swap3A, %swap3A_6], %convert_element_type3A {strides = array<i32>} : memref<1000x128xbf16, #tpu.memory_space<vmem>>, vector<1000x128xbf16>,
    %get3A_8 = arith.constant 0 : index
    %get3A_9 = arith.constant 0 : index
    %get3A_10 = vector.load %arg4[%get3A_8, %get3A_9] : memref<128x128xf32, #tpu.memory_space<vmem>>, vector<128x128xf32>
    %get3A_11 = arith.constant 0 : index
    %get3A_12 = arith.constant 0 : index
    %get3A_13 = vector.load %arg5[%get3A_11, %get3A_12] : memref<128x128xf32, #tpu.memory_space<vmem>>, vector<128x128xf32>
    %dot_general3A_14 = arith.constant dense<0.000000e+00> : vector<128x128xf32>
    %dot_general3A_15 = tpu.matmul %get3A_10, %get3A_13, %dot_general3A_14 {dimension_numbers = #tpu.dot_dimension_numbers<[1], [1], [0], [0], [0, 0, 1, 0], [], []>, transpose_lhs_hint = false} : vector<128x128xf32>, vector<128x128xf32>, vector<128x128xf32> -> vector<128x128xf32>
    %dot_general3A_16 = arith.constant dense<0.000000e+00> : vector<1000x128xf32>
    %dot_general3A_17 = tpu.matmul %get3A_1, %dot_general3A_15, %dot_general3A_16 {dimension_numbers = #tpu.dot_dimension_numbers<[1], [0], [0], [1], [0, 0, 1, 1], [], []>, transpose_lhs_hint = false} : vector<1000x128xf32>, vector<128x128xf32>, vector<1000x128xf32> -> vector<1000x128xf32>
    %get3A_18 = arith.constant 0 : index
    %get3A_19 = arith.constant 0 : index
    %get3A_20 = vector.load %arg3[%get3A_18, %get3A_19] : memref<32x128xf32, #tpu.memory_space<vmem>>, vector<32x128xf32>
    %dot_general3A_21 = arith.constant dense<0.000000e+00> : vector<1000x32xf32>
    %dot_general3A_22 = tpu.matmul %dot_general3A_17, %get3A_20, %dot_general3A_21 {dimension_numbers = #tpu.dot_dimension_numbers<[1], [1], [0], [0], [0, 0, 1, 0], [], []>, transpose_lhs_hint = false} : vector<1000x128xf32>, vector<32x128xf32>, vector<1000x32xf32> -> vector<1000x32xf32>
    %concatenate3A = tpu.concatenate %dot_general3A_17, %dot_general3A_22 in 1 : vector<1000x128xf32>, vector<1000x32xf32> -> vector<1000x160xf32>
    %convert_element_type3A_23 = arith.truncf %concatenate3A : vector<1000x160xf32> to vector<1000x160xbf16>
    %swap3A_24 = arith.constant 0 : index
    %swap3A_25 = arith.constant 0 : index
    %swap3A_26 = vector.load %arg7[%swap3A_24, %swap3A_25] : memref<1000x160xbf16, #tpu.memory_space<vmem>>, vector<1000x160xbf16>
    tpu.vector_store %arg7[%swap3A_24, %swap3A_25], %convert_element_type3A_23 {strides = array<i32>} : memref<1000x160xbf16, #tpu.memory_space<vmem>>, vector<1000x160xbf16>,
    return
  }
  func.func @transform_0(%arg0: i32) -> (i32, i32) {
    %c0_i32 = arith.constant 0 : i32
    %c0_i32_0 = arith.constant 0 : i32
    return %arg0, %c0_i32 : i32, i32
  }
  func.func @transform_1(%arg0: i32) -> (i32, i32) {
    %c0_i32 = arith.constant 0 : i32
    %c0_i32_0 = arith.constant 0 : i32
    %c0_i32_1 = arith.constant 0 : i32
    return %c0_i32, %c0_i32_0 : i32, i32
  }
  func.func @transform_2(%arg0: i32) -> (i32, i32) {
    %c0_i32 = arith.constant 0 : i32
    %c0_i32_0 = arith.constant 0 : i32
    %c0_i32_1 = arith.constant 0 : i32
    return %c0_i32, %c0_i32_0 : i32, i32
  }
  func.func @transform_3(%arg0: i32) -> (i32, i32) {
    %c0_i32 = arith.constant 0 : i32
    %c0_i32_0 = arith.constant 0 : i32
    %c0_i32_1 = arith.constant 0 : i32
    return %c0_i32, %c0_i32_0 : i32, i32
  }
  func.func @transform_4(%arg0: i32) -> (i32, i32) {
    %c0_i32 = arith.constant 0 : i32
    %c0_i32_0 = arith.constant 0 : i32
    %c0_i32_1 = arith.constant 0 : i32
    return %c0_i32, %c0_i32_0 : i32, i32
  }
  func.func @transform_5(%arg0: i32) -> (i32, i32) {
    %c0_i32 = arith.constant 0 : i32
    %c0_i32_0 = arith.constant 0 : i32
    return %arg0, %c0_i32 : i32, i32
  }
  func.func @transform_6(%arg0: i32) -> (i32, i32) {
    %c0_i32 = arith.constant 0 : i32
    %c0_i32_0 = arith.constant 0 : i32
    return %arg0, %c0_i32 : i32, i32
  }
}

module attributes {stable_mosaic.version = 14 : i64} {
  func.func @_final_body(%arg0: i32, %arg1: memref<2x1000x176xf32, #tpu.memory_space<vmem>>, %arg2: memref<1000x128xf32, #tpu.memory_space<vmem>>, %arg3: memref<32x128xf32, #tpu.memory_space<vmem>>, %arg4: memref<128x128xf32, #tpu.memory_space<vmem>>, %arg5: memref<128x128xf32, #tpu.memory_space<vmem>>, %arg6: memref<128x128xf32, #tpu.memory_space<vmem>>, %arg7: memref<1x128xf32, #tpu.memory_space<vmem>>, %arg8: memref<1x128xf32, #tpu.memory_space<vmem>>, %arg9: memref<1000x128xf32, #tpu.memory_space<vmem>>) attributes {dimension_semantics = [#tpu.dimension_semantics<arbitrary>], iteration_bounds = array<i64: 10>, scalar_prefetch = 0 : i64, scratch_operands = 0 : i64, tpu.core_type = #tpu.core_type<tc>, window_params = [{transform_indices = @transform_0, window_bounds = array<i64: 2, 1000, 176>}, {transform_indices = @transform_1, window_bounds = array<i64: 1000, 128>}, {pipeline_mode = #tpu.pipeline_mode<synchronous>, transform_indices = @transform_2, window_bounds = array<i64: 32, 128>}, {pipeline_mode = #tpu.pipeline_mode<synchronous>, transform_indices = @transform_3, window_bounds = array<i64: 128, 128>}, {pipeline_mode = #tpu.pipeline_mode<synchronous>, transform_indices = @transform_4, window_bounds = array<i64: 128, 128>}, {pipeline_mode = #tpu.pipeline_mode<synchronous>, transform_indices = @transform_5, window_bounds = array<i64: 128, 128>}, {pipeline_mode = #tpu.pipeline_mode<synchronous>, transform_indices = @transform_6, window_bounds = array<i64: 1, 128>}, {pipeline_mode = #tpu.pipeline_mode<synchronous>, transform_indices = @transform_7, window_bounds = array<i64: 1, 128>}, {transform_indices = @transform_8, window_bounds = array<i64: 1000, 128>}]} {
    %get3A = arith.constant 0 : index
    %get3A_0 = arith.constant 0 : index
    %get3A_1 = arith.constant 0 : index
    %get3A_2 = vector.load %arg1[%get3A, %get3A_0, %get3A_1] : memref<2x1000x176xf32, #tpu.memory_space<vmem>>, vector<1x1000x176xf32>
    %get3A_3 = vector.shape_cast %get3A_2 : vector<1x1000x176xf32> to vector<1000x176xf32>
    %get3A_4 = arith.constant 1 : index
    %get3A_5 = arith.constant 0 : index
    %get3A_6 = arith.constant 0 : index
    %get3A_7 = vector.load %arg1[%get3A_4, %get3A_5, %get3A_6] : memref<2x1000x176xf32, #tpu.memory_space<vmem>>, vector<1x1000x176xf32>
    %get3A_8 = vector.shape_cast %get3A_7 : vector<1x1000x176xf32> to vector<1000x176xf32>
    %add3A = arith.addf %get3A_3, %get3A_8 : vector<1000x176xf32>
    %slice3A = vector.extract_strided_slice %add3A {offsets = [0, 0], sizes = [1000, 128], strides = [1, 1]} : vector<1000x176xf32> to vector<1000x128xf32>
    %slice3A_9 = vector.extract_strided_slice %add3A {offsets = [0, 128], sizes = [1000, 32], strides = [1, 1]} : vector<1000x176xf32> to vector<1000x32xf32>
    %slice3A_10 = vector.extract_strided_slice %add3A {offsets = [0, 160], sizes = [1000, 1], strides = [1, 1]} : vector<1000x176xf32> to vector<1000x1xf32>
    %gt3A = arith.constant 0.000000e+00 : f32
    %gt3A_11 = vector.broadcast %gt3A : f32 to vector<1000x1xf32>
    %gt3A_12 = arith.cmpf ogt, %slice3A_10, %gt3A_11 : vector<1000x1xf32>
    %div3A = arith.constant 1.000000e+00 : f32
    %div3A_13 = vector.broadcast %div3A : f32 to vector<1000x1xf32>
    %div3A_14 = arith.divf %div3A_13, %slice3A_10 : vector<1000x1xf32>
    %jit3A = arith.constant 0.000000e+00 : f32
    %broadcast_in_dim3A = vector.broadcast %jit3A : f32 to vector<1000x1xf32>
    %select_n3A = arith.select %gt3A_12, %div3A_14, %broadcast_in_dim3A : vector<1000x1xi1>, vector<1000x1xf32>
    %get3A_15 = arith.constant 0 : index
    %get3A_16 = arith.constant 0 : index
    %get3A_17 = vector.load %arg3[%get3A_15, %get3A_16] : memref<32x128xf32, #tpu.memory_space<vmem>>, vector<32x128xf32>
    %get3A_18 = arith.constant 0 : index
    %get3A_19 = arith.constant 0 : index
    %get3A_20 = vector.load %arg5[%get3A_18, %get3A_19] : memref<128x128xf32, #tpu.memory_space<vmem>>, vector<128x128xf32>
    %dot_general3A = arith.constant dense<0.000000e+00> : vector<32x128xf32>
    %dot_general3A_21 = tpu.matmul %get3A_17, %get3A_20, %dot_general3A {dimension_numbers = #tpu.dot_dimension_numbers<[1], [0], [0], [1], [0, 0, 1, 1], [], []>, transpose_lhs_hint = false} : vector<32x128xf32>, vector<128x128xf32>, vector<32x128xf32> -> vector<32x128xf32>
    %get3A_22 = arith.constant 0 : index
    %get3A_23 = arith.constant 0 : index
    %get3A_24 = vector.load %arg4[%get3A_22, %get3A_23] : memref<128x128xf32, #tpu.memory_space<vmem>>, vector<128x128xf32>
    %dot_general3A_25 = arith.constant dense<0.000000e+00> : vector<1000x128xf32>
    %dot_general3A_26 = tpu.matmul %slice3A, %get3A_24, %dot_general3A_25 {dimension_numbers = #tpu.dot_dimension_numbers<[1], [0], [0], [1], [0, 0, 1, 1], [], []>, transpose_lhs_hint = false} : vector<1000x128xf32>, vector<128x128xf32>, vector<1000x128xf32> -> vector<1000x128xf32>
    %dot_general3A_27 = arith.constant dense<0.000000e+00> : vector<1000x128xf32>
    %dot_general3A_28 = tpu.matmul %slice3A_9, %dot_general3A_21, %dot_general3A_27 {dimension_numbers = #tpu.dot_dimension_numbers<[1], [0], [0], [1], [0, 0, 1, 1], [], []>, transpose_lhs_hint = false} : vector<1000x32xf32>, vector<32x128xf32>, vector<1000x128xf32> -> vector<1000x128xf32>
    %add3A_29 = arith.addf %dot_general3A_26, %dot_general3A_28 : vector<1000x128xf32>
    %mul3A = vector.broadcast %select_n3A : vector<1000x1xf32> to vector<1000x128xf32>
    %mul3A_30 = arith.mulf %add3A_29, %mul3A : vector<1000x128xf32>
    %get3A_31 = arith.constant 0 : index
    %get3A_32 = arith.constant 0 : index
    %get3A_33 = vector.load %arg2[%get3A_31, %get3A_32] : memref<1000x128xf32, #tpu.memory_space<vmem>>, vector<1000x128xf32>
    %get3A_34 = arith.constant 0 : index
    %get3A_35 = arith.constant 0 : index
    %get3A_36 = vector.load %arg6[%get3A_34, %get3A_35] : memref<128x128xf32, #tpu.memory_space<vmem>>, vector<128x128xf32>
    %dot_general3A_37 = arith.constant dense<0.000000e+00> : vector<1000x128xf32>
    %dot_general3A_38 = tpu.matmul %get3A_33, %get3A_36, %dot_general3A_37 {dimension_numbers = #tpu.dot_dimension_numbers<[1], [0], [0], [1], [0, 0, 1, 1], [], []>, transpose_lhs_hint = false} : vector<1000x128xf32>, vector<128x128xf32>, vector<1000x128xf32> -> vector<1000x128xf32>
    %add3A_39 = arith.addf %mul3A_30, %dot_general3A_38 : vector<1000x128xf32>
    %get3A_40 = arith.constant 0 : index
    %get3A_41 = arith.constant 0 : index
    %get3A_42 = vector.load %arg7[%get3A_40, %get3A_41] : memref<1x128xf32, #tpu.memory_space<vmem>>, vector<1x128xf32>
    %add3A_43 = vector.broadcast %get3A_42 : vector<1x128xf32> to vector<1000x128xf32>
    %add3A_44 = arith.addf %add3A_39, %add3A_43 : vector<1000x128xf32>
    %get3A_45 = arith.constant 0 : index
    %get3A_46 = arith.constant 0 : index
    %get3A_47 = vector.load %arg8[%get3A_45, %get3A_46] : memref<1x128xf32, #tpu.memory_space<vmem>>, vector<1x128xf32>
    %add3A_48 = vector.broadcast %get3A_47 : vector<1x128xf32> to vector<1000x128xf32>
    %add3A_49 = arith.addf %add3A_44, %add3A_48 : vector<1000x128xf32>
    %max3A = arith.constant 0.000000e+00 : f32
    %max3A_50 = vector.broadcast %max3A : f32 to vector<1000x128xf32>
    %max3A_51 = arith.maximumf %add3A_49, %max3A_50 : vector<1000x128xf32>
    %swap3A = arith.constant 0 : index
    %swap3A_52 = arith.constant 0 : index
    %swap3A_53 = vector.load %arg9[%swap3A, %swap3A_52] : memref<1000x128xf32, #tpu.memory_space<vmem>>, vector<1000x128xf32>
    tpu.vector_store %arg9[%swap3A, %swap3A_52], %max3A_51 {strides = array<i32>} : memref<1000x128xf32, #tpu.memory_space<vmem>>, vector<1000x128xf32>,
    return
  }
  func.func @transform_0(%arg0: i32) -> (i32, i32, i32) {
    %c0_i32 = arith.constant 0 : i32
    %c0_i32_0 = arith.constant 0 : i32
    %c0_i32_1 = arith.constant 0 : i32
    return %c0_i32, %arg0, %c0_i32_0 : i32, i32, i32
  }
  func.func @transform_1(%arg0: i32) -> (i32, i32) {
    %c0_i32 = arith.constant 0 : i32
    %c0_i32_0 = arith.constant 0 : i32
    return %arg0, %c0_i32 : i32, i32
  }
  func.func @transform_2(%arg0: i32) -> (i32, i32) {
    %c0_i32 = arith.constant 0 : i32
    %c0_i32_0 = arith.constant 0 : i32
    %c0_i32_1 = arith.constant 0 : i32
    return %c0_i32, %c0_i32_0 : i32, i32
  }
  func.func @transform_3(%arg0: i32) -> (i32, i32) {
    %c0_i32 = arith.constant 0 : i32
    %c0_i32_0 = arith.constant 0 : i32
    %c0_i32_1 = arith.constant 0 : i32
    return %c0_i32, %c0_i32_0 : i32, i32
  }
  func.func @transform_4(%arg0: i32) -> (i32, i32) {
    %c0_i32 = arith.constant 0 : i32
    %c0_i32_0 = arith.constant 0 : i32
    %c0_i32_1 = arith.constant 0 : i32
    return %c0_i32, %c0_i32_0 : i32, i32
  }
  func.func @transform_5(%arg0: i32) -> (i32, i32) {
    %c0_i32 = arith.constant 0 : i32
    %c0_i32_0 = arith.constant 0 : i32
    %c0_i32_1 = arith.constant 0 : i32
    return %c0_i32, %c0_i32_0 : i32, i32
  }
  func.func @transform_6(%arg0: i32) -> (i32, i32) {
    %c0_i32 = arith.constant 0 : i32
    %c0_i32_0 = arith.constant 0 : i32
    %c0_i32_1 = arith.constant 0 : i32
    return %c0_i32, %c0_i32_0 : i32, i32
  }
  func.func @transform_7(%arg0: i32) -> (i32, i32) {
    %c0_i32 = arith.constant 0 : i32
    %c0_i32_0 = arith.constant 0 : i32
    %c0_i32_1 = arith.constant 0 : i32
    return %c0_i32, %c0_i32_0 : i32, i32
  }
  func.func @transform_8(%arg0: i32) -> (i32, i32) {
    %c0_i32 = arith.constant 0 : i32
    %c0_i32_0 = arith.constant 0 : i32
    return %arg0, %c0_i32 : i32, i32
  }
}

</mosaic_0001>

<sc_bundles>
// kernel: kernel.5.cloned.1.call-start
scs
__scs_entry_jumppad:
0x0: {  	(pc) =	sbr.rel $0x88, $3  }
0x1: {  	(tag) =	ssettag $0x0;
	lr =	simm.s32 $0x1  }
0x2: {  	[smem:$0x3F97] =	sst lr;
	_ =	strace $0xD0000000  }
0x3: {  	_ = 	snop  }
0x4: {  	_ = 	snop  }
0x5: {  	_ = 	snop  }
0x6: {  	_ = 	snop  }
0x7: {  	_ = 	snop  }
__scs_overlays_trampoline_lowered:
0x8: {  	[smem:$0x3FA6] =	sst s0  }
0x9: {  	[smem:$0x3FA7] =	sst s1  }
0xa: {  	[smem:$0x3FA8] =	sst s2  }
0xb: {  	[smem:$0x3FA9] =	sst s3  }
0xc: {  	[smem:$0x3FAA] =	sst s4  }
0xd: {  	[smem:$0x3FAB] =	sst s5  }
0xe: {  	[smem:$0x3FAC] =	sst s6  }
0xf: {  	[smem:$0x3FAD] =	sst s7  }
0x10: {  	[smem:$0x3FAE] =	sst s8  }
0x11: {  	[smem:$0x3FAF] =	sst s9;
	s0 =	simm.s32 @!p0 $0x0  }
0x12: {  	s1 =	sld [smem:$0x3F95];
	s0 =	simm.s32 @p0 $0x1  }
0x13: {  	[smem:$0x3FB0] =	sst s0;
	s0 =	simm.s32 @!p1 $0x0  }
0x14: {  	s2 =	sld [smem:$0x3F94];
	s0 =	simm.s32 @p1 $0x1  }
0x15: {  	[smem:$0x3FB1] =	sst s0;
	s0 =	simm.s32 @!p2 $0x0  }
0x16: {  	s3 =	sld [smem:$0x3FDB];
	s0 =	simm.s32 @p2 $0x1  }
0x17: {  	s4 =	simm.s32 $0x1BF5;
	[smem:$0x3FB3] =	sst s0  }
0x18: {  	s0 =	sld [smem:$0x3F96];
	_ =	swait.ge [sflag:s4], $0x0  }
0x19: {  	s7 =	sld [smem:$0x3F97]  }
0x1a: {  	s8 =	sadd.s32 $0xFFFFE003, lr  }
0x1b: {  	s9 =	sadd.s32 $0xFFFFFEF7, lr;
	s5 =	simm.s32 $0xFFFFFFFF;
	p2 =	slt.u32 s8, $0xFFFFF086  }
0x1c: {  	p1 =	slt.u32 s9, $0xF7A;
	s5 =	simm.s32 @!p2 $0x0  }
0x1d: {  	s5 =	simm.s32 @p1 $0x1;
	p0 =	seq.s32 s7, s2  }
0x1e: {  	s7 =	smul.u32 @!p0 $0xF7A, s2;
	p2 =	seq.s32 @!p0 s5, $0x0  }
0x1f: {  	s9 =	smul.u32 $0xF7A, s1;
	s8 =	simm.s32 @!p0 $0x1BF5;
	p2 =	por !p2, p0  }
0x20: {  	[sflag:s8] =	ssyncset.s32 @!p0 $0xFFFFF086;
	s6 =	sadd.s32 @!p0 s3, s7;
	s7 =	simm.s32 @!p0 $0x108  }
0x21: {  	s3 =	sadd.s32 s3, s9;
	s6 =	sadd.s32 @!p0 $0x88, s6;
	s7 =	simm.s32 @p2 $0x1082  }
0x22: {  	[simem:s7], [sflag:s8] =	dma.local @!p0 [hbm:s6], $0xF7A  }
0x23: {  	s9 =	sor.u32 $0xD0000000, s2;
	s6 =	simm.s32 $0x108;
	_ =	swait.ge @!p0 [sflag:s8], $0x0  }
0x24: {  	s3 =	sadd.s32 $0x88, s3;
	s6 =	simm.s32 @!p1 $0x1082;
	[sflag:s4] =	ssyncset.s32 $0xFFFFF086  }
0x25: {  	[simem:s6], [sflag:s4] =	dma.local [hbm:s3], $0xF7A  }
0x26: {  	[smem:$0x3F97] =	sst s1;
	(tag) =	ssettag s2;
	_ =	strace s9  }
0x27: {  	s1 =	sld [smem:$0x3FA7]  }
0x28: {  	s2 =	sld [smem:$0x3FA8]  }
0x29: {  	s4 =	sld [smem:$0x3FAA]  }
0x2a: {  	p0 =	seq.s32 s5, $0x0;
	s5 =	sld [smem:$0x3FAB]  }
0x2b: {  	s6 =	sld [smem:$0x3FAC]  }
0x2c: {  	s7 =	sld [smem:$0x3FAD]  }
0x2d: {  	s3 =	simm.s32 $0x108;
	s8 =	sld [smem:$0x3FAE]  }
0x2e: {  	s3 =	simm.s32 @!p0 $0x1082;
	s9 =	sld [smem:$0x3FAF]  }
0x2f: {  	lr =	sadd.s32 s0, s3;
	s0 =	sld [smem:$0x3FA6]  }
0x30: {  	s3 =	sld [smem:$0x3FA9]  }
0x31: {  	[smem:$0x3FB2] =	sst s10  }
0x32: {  	s10 =	sld [smem:$0x3FB0];
	_ =	sdelay $0x3  }
0x33: {  	p0 =	seq.s32 s10, $0x1;
	s10 =	sld [smem:$0x3FB2];
	_ =	sdelay $0x3  }
0x34: {  	[smem:$0x3FB2] =	sst s10  }
0x35: {  	s10 =	sld [smem:$0x3FB1];
	_ =	sdelay $0x3  }
0x36: {  	p1 =	seq.s32 s10, $0x1;
	s10 =	sld [smem:$0x3FB2];
	_ =	sdelay $0x3  }
0x37: {  	[smem:$0x3FB2] =	sst s10  }
0x38: {  	s10 =	sld [smem:$0x3FB3]  }
0x39: {  	_ = 	snop;
	(pc) =	sbr.ind lr, $3  }
0x3a: {  	_ = 	snop  }
0x3b: {  	_ = 	snop  }
0x3c: {  	p2 =	seq.s32 s10, $0x1;
	s10 =	sld [smem:$0x3FB2]  }
0x3d: {  	_ =	shalt  }
0x3e: {  	_ =	shalt  }
0x3f: {  	_ =	shalt  }
0x40: {  	_ =	shalt  }
0x41: {  	_ =	shalt  }
0x42: {  	_ =	shalt  }
0x43: {  	_ =	shalt  }
0x44: {  	_ =	shalt  }
0x45: {  	_ =	shalt  }
0x46: {  	_ =	shalt  }
0x47: {  	_ =	shalt  }
0x48: {  	_ =	shalt  }
0x49: {  	_ =	shalt  }
0x4a: {  	_ =	shalt  }
0x4b: {  	_ =	shalt  }
0x4c: {  	_ =	shalt  }
0x4d: {  	_ =	shalt  }
0x4e: {  	_ =	shalt  }
0x4f: {  	_ =	shalt  }
0x50: {  	_ =	shalt  }
0x51: {  	_ =	shalt  }
0x52: {  	_ =	shalt  }
0x53: {  	_ =	shalt  }
0x54: {  	_ =	shalt  }
0x55: {  	_ =	shalt  }
0x56: {  	_ =	shalt  }
0x57: {  	_ =	shalt  }
0x58: {  	_ =	shalt  }
0x59: {  	_ =	shalt  }
0x5a: {  	_ =	shalt  }
0x5b: {  	_ =	shalt  }
0x5c: {  	_ =	shalt  }
0x5d: {  	_ =	shalt  }
0x5e: {  	_ =	shalt  }
0x5f: {  	_ =	shalt  }
0x60: {  	_ =	shalt  }
0x61: {  	_ =	shalt  }
0x62: {  	_ =	shalt  }
0x63: {  	_ =	shalt  }
0x64: {  	_ =	shalt  }
0x65: {  	_ =	shalt  }
0x66: {  	_ =	shalt  }
0x67: {  	_ =	shalt  }
0x68: {  	_ =	shalt  }
0x69: {  	_ =	shalt  }
0x6a: {  	_ =	shalt  }
0x6b: {  	_ =	shalt  }
0x6c: {  	_ =	shalt  }
0x6d: {  	_ =	shalt  }
0x6e: {  	_ =	shalt  }
0x6f: {  	_ =	shalt  }
0x70: {  	_ =	shalt  }
0x71: {  	_ =	shalt  }
0x72: {  	_ =	shalt  }
0x73: {  	_ =	shalt  }
0x74: {  	_ =	shalt  }
0x75: {  	_ =	shalt  }
0x76: {  	_ =	shalt  }
0x77: {  	_ =	shalt  }
0x78: {  	_ =	shalt  }
0x79: {  	_ =	shalt  }
0x7a: {  	_ =	shalt  }
0x7b: {  	_ =	shalt  }
0x7c: {  	_ =	shalt  }
0x7d: {  	_ =	shalt  }
0x7e: {  	_ =	shalt  }
0x7f: {  	_ =	shalt  }
0x80: {  	_ =	shalt  }
0x81: {  	_ =	shalt  }
0x82: {  	_ =	shalt  }
0x83: {  	_ =	shalt  }
0x84: {  	_ =	shalt  }
0x85: {  	_ =	shalt  }
0x86: {  	_ =	shalt  }
0x87: {  	_ =	shalt  }
.Lfunc_end0:
.L_simem_size_0:
called_computation_lowered:
.L_overlay_start_0:
0x88: {  	s2 =	sld [smem:$0x3FD9]  }
0x89: {  	s3 =	sld [smem:$0x3FFE];
	_ =	sdelay $0x1  }
0x8a: {  	s1 =	srdreg.scid  }
0x8b: {  	s0 =	sand.u32 $0x1, s1  }
0x8c: {  	s17 =	sshll.u32 s0, $0xA;
	s2 =	sadd.s32 s3, s2  }
0x8d: {  	s2 =	sadd.s32 s2, s17  }
0x8e: {  	[smem:$0x3FBE] =	sst s2  }
0x8f: {  	_ = 	snop  }
0x90: {  	s2 =	sld [smem:$0x3FD0];
	(tm) =	ssettm $0x1  }
0x91: {  	s18 =	sld [smem:$0x3FFB];
	_ =	sdelay $0x3  }
0x92: {  	_ =	strace s18  }
0x93: {  	s3 =	sld [smem:$0x3FFC];
	_ =	sdelay $0x3  }
0x94: {  	_ =	strace s3  }
0x95: {  	s3 =	sld [smem:$0x3FFD];
	_ =	sdelay $0x3  }
0x96: {  	_ =	strace s3  }
0x97: {  	_ =	strace $0x8FFFFFFF  }
0x98: {  	s19 =	sld [smem:$0x3FDB];
	_ =	sdelay $0x1  }
0x99: {  	s4 =	simm.s32 $_scs_section_size  }
0x9a: {  	s5 =	simm.s32 $_size__tile_overlayer_lowered;
	s6 =	simm.s32 $_tile_overlayer_lowered  }
0x9b: {  	s22 =	simm.s32 $0x1BFF;
	s21 =	sshll.u32 s6, $0x1;
	s3 =	sadd.s32 s4, s19  }
0x9c: {  	s7 =	simm.s32 $0x0;
	s20 =	sshll.u32 s5, $0x1;
	s5 =	sadd.s32 s21, s3  }
0x9d: {  	[timem:s7], [sflag:s22] =	dma.local [hbm:s5], s20  }
0x9e: {  	_ =	swait.ge [sflag:s22], s20  }
0x9f: {  	s4 =	ssub.s32 $0x0, s20;
	[sflag:s22] =	ssyncset.done $0x0  }
0xa0: {  	[sflag:s22] =	ssyncadd.s32 s4;
	_ =	sdelay $0x1  }
0xa1: {  	s23 =	simm.s32 $0x1B8B  }
0xa2: {  	_ =	swait.ge [sflag:s23], $0x1  }
0xa3: {  	[sflag:s23] =	ssyncset.done $0x0  }
0xa4: {  	s25 =	simm.s32 $0x1B8E;
	s24 =	sld [smem:$0x3FFE];
	[sflag:s23] =	ssyncadd.s32 $0xFFFFFFFF  }
0xa5: {  	s26 =	simm.s32 $execute0_lowered;
	[smem:$0x3FD2] =	sst s25  }
0xa6: {  	s5 =	sshll.u32 s26, $0x1;
	_ =	strace $0x80000046;
	[dreg:$0x1] =	wrdreg $0xFFFFFFFF  }
0xa7: {  	s28 =	simm.s32 $_size_execute0_lowered;
	s3 =	sadd.s32 s3, s5;
	[dreg:$0x0] =	wrdreg $0x0  }
0xa8: {  	s5 =	sshll.u32 s28, $0x1;
	[dreg:$0x2] =	wrdreg s3  }
0xa9: {  	[dreg:$0x3] =	wrdreg s5  }
0xaa: {  	[dreg:$0x4] =	wrdreg $0xC0  }
0xab: {  	_ =	task [dreg:s7], $0x5FFFF  }
0xac: {  	[dreg:$0x1] =	wrdreg $0xFFFFFFFF  }
0xad: {  	[dreg:$0x0] =	wrdreg $0x60  }
0xae: {  	[dreg:$0x2] =	wrdreg s24  }
0xaf: {  	[dreg:$0x3] =	wrdreg s2  }
0xb0: {  	[dreg:$0x4] =	wrdreg $0x4E200  }
0xb1: {  	[dreg:$0x5] =	wrdreg $0x9  }
0xb2: {  	_ =	task.clear_ibuf [dreg:s7], $0x6FFFF;
	_ =	strace $0x90000046  }
0xb3: {  	s29 =	simm.s32 $0x9;
	_ =	strace $0x80000048  }
0xb4: {  	_ =	swait.ge [sflag:s29], $0x1  }
0xb5: {  	[sflag:s29] =	ssyncadd.s32 $0xFFFFFFFF  }
0xb6: {  	_ =	strace $0x90000048  }
0xb7: {  	_ =	sfence  }
0xb8: {  	s30 =	sld [smem:$0x0];
	_ =	sdelay $0x2  }
0xb9: {  	s31 =	sshll.u32 s1, $0xD;
	s1 =	sshrl.u32 s1, $0x2  }
0xba: {  	s3 =	sand.u32 $0x4000, s31;
	s1 =	sadd.s32 s1, s30  }
0xbb: {  	s0 =	sor.u32 s3, s0;
	s1 =	sshll.u32 s1, $0x11  }
0xbc: {  	s0 =	sor.u32 s1, s0  }
0xbd: {  	s0 =	sadd.s32 $0x8F2B, s0  }
0xbe: {  	[sflag:s0] =	ssyncadd.remote.s32 $0x1  }
0xbf: {  	_ =	sfence.sel $0xFFFF  }
0xc0: {  	[dreg:$0x0] =	wrdreg $0xFFFFFFFF;
	(pc) =	sbr.abs _section_cstart, $3  }
0xc1: {  	[dreg:$0x1] =	wrdreg $0xFFFFFFFF  }
0xc2: {  	_ =	task.clear_ibuf [dreg:s7], $0x2FFFF;
	_ =	strace $0x9FFFFFFF  }
0xc3: {  	(tm) =	ssettm $0x7FFFFFFF  }
tec
execute0_lowered:
.L_overlay_start_1:
0x0: {  	(tag) =	ssettag $0x1  }
0x1: {  	s0 =	rddreg [dreg:$0x0]  }
0x2: {  	s1 =	rddreg [dreg:$0x1]  }
0x3: {  	s2 =	rddreg [dreg:$0x2]  }
0x4: {  	s3 =	simm.s32 $0x0;
	s24 =	srdreg.scid;
	s11 =	stileid.u32  }
0x5: {  	[smem:$0x7FF] =	sst s3;
	s8 =	smul.u32 $0x6B6C0, s11  }
0x6: {  	s5 =	sadd.s32 $0x2800, s0;
	s10 =	sshll.u32 s11, $0x1;
	s11 =	smul.u32 $0x1ADB0, s11  }
0x7: {  	s6 =	sadd.s32 $0x16200, s0;
	s7 =	sadd.s32 $0xB2600, s0;
	s8 =	sshrl.u32 s8, $0x2  }
0x8: {  	s3 =	sand.u32 $0x1, s24;
	s23 =	sadd.s32 s11, s2;
	s8 =	sadd.s32 s8, s2  }
0x9: {  	_ =	strace $0x80000047;
	[dreg:$0x4] =	wrdreg s23;
	s14 =	sadd.s32 $0xB00, s8  }
0xa: {  	s4 =	sadd.s32 $0xC6000, s0;
	s15 =	sadd.s32 $0x1600, s8;
	[dreg:$0x5] =	wrdreg s14  }
0xb: {  	s25 =	ssub.s32 $0x2, s3;
	s12 =	sadd.s32 $0x2100, s8;
	[dreg:$0x6] =	wrdreg s15  }
0xc: {  	s26 =	sor.u32 s3, s10;
	s20 =	sadd.s32 $0x3700, s8;
	[dreg:$0x7] =	wrdreg s12  }
0xd: {  	s29 =	smul.u32 $0x1ADB00, s3;
	s21 =	sadd.s32 $0x4200, s8;
	[dreg:$0xe] =	wrdreg s20  }
0xe: {  	s9 =	sshrl.u32 s25, $0x1;
	s22 =	sadd.s32 $0x4D00, s8;
	[dreg:$0xf] =	wrdreg s21  }
0xf: {  	s3 =	sadd.s32 $0x55F0, s11;
	s24 =	sadd.s32 $0x5800, s8;
	[dreg:$0x10] =	wrdreg s22  }
0x10: {  	s0 =	ssub.s32 s25, s9;
	s25 =	sadd.s32 $0x6300, s8;
	[dreg:$0x11] =	wrdreg s24  }
0x11: {  	s13 =	sadd.s32 s29, s3;
	s0 =	smax.u32 s0, $0x1;
	[dreg:$0x12] =	wrdreg s25  }
0x12: {  	s13 =	sshrl.u32 s13, $0x3;
	s14 =	sadd.s32 $0x2C00, s8;
	[smem:$0x7F9] =	sst s0  }
0x13: {  	s16 =	sadd.s32 s11, s29;
	s17 =	sadd.s32 s4, s13;
	[dreg:$0x8] =	wrdreg s14  }
0x14: {  	s12 =	sshrl.u32 s16, $0x3;
	s16 =	sadd.s32 $0x9A00, s8;
	[dreg:$0xa] =	wrdreg s17  }
0x15: {  	s20 =	sadd.s32 $0xC600, s8;
	[dreg:$0x17] =	wrdreg s16  }
0x16: {  	s21 =	sadd.s32 $0xD100, s8;
	[dreg:$0x1b] =	wrdreg s20  }
0x17: {  	s22 =	sadd.s32 $0xDC00, s8;
	[dreg:$0x1c] =	wrdreg s21  }
0x18: {  	s24 =	sadd.s32 $0xE700, s8;
	[dreg:$0x1d] =	wrdreg s22  }
0x19: {  	s25 =	sadd.s32 $0xF200, s8;
	[dreg:$0x1e] =	wrdreg s24  }
0x1a: {  	s12 =	sadd.s32 s4, s12;
	[dreg:$0x1f] =	wrdreg s25  }
0x1b: {  	s17 =	sadd.s32 $0xA500, s8;
	[dreg:$0x9] =	wrdreg s12  }
0x1c: {  	s16 =	sadd.s32 $0x12900, s8;
	[dreg:$0x18] =	wrdreg s17  }
0x1d: {  	s9 =	smul.u32 $0x4E20, s26;
	s20 =	sadd.s32 $0x15500, s8;
	[smem:$0x7E6] =	sst s16  }
0x1e: {  	s3 =	sadd.s32 s3, s2;
	s21 =	sadd.s32 $0x16000, s8;
	[smem:$0x7EA] =	sst s20  }
0x1f: {  	s14 =	sadd.s32 $0x101D0, s11;
	s22 =	sadd.s32 $0x16B00, s8;
	[smem:$0x7EB] =	sst s21  }
0x20: {  	s24 =	sadd.s32 $0x17600, s8;
	s25 =	sadd.s32 $0x18100, s8;
	[smem:$0x7EC] =	sst s22  }
0x21: {  	s12 =	sadd.s32 $0xABE0, s11;
	s11 =	sadd.s32 $0x157C0, s11;
	[smem:$0x7ED] =	sst s24  }
0x22: {  	s15 =	sadd.s32 s29, s14;
	s17 =	sadd.s32 $0x13400, s8;
	[smem:$0x7EE] =	sst s25  }
0x23: {  	s24 =	sshrl.u32 s3, $0x3;
	s18 =	sadd.s32 s29, s12;
	[smem:$0x7E7] =	sst s17  }
0x24: {  	s10 =	sadd.s32 s29, s11;
	s29 =	sadd.s32 $0x7900, s8;
	[smem:$0x7FA] =	sst s24  }
0x25: {  	s19 =	sshrl.u32 s15, $0x3;
	s15 =	sadd.s32 $0x8F00, s8;
	[dreg:$0x14] =	wrdreg s29  }
0x26: {  	s17 =	sadd.s32 s6, s9;
	[dreg:$0x16] =	wrdreg s15  }
0x27: {  	s13 =	sshrl.u32 s18, $0x3;
	s18 =	sadd.s32 $0xB000, s8;
	[smem:$0x7F5] =	sst s17  }
0x28: {  	s29 =	sadd.s32 $0x10800, s8;
	[dreg:$0x19] =	wrdreg s18  }
0x29: {  	s20 =	sadd.s32 s12, s2;
	s15 =	sadd.s32 $0x11E00, s8;
	[smem:$0x7E3] =	sst s29  }
0x2a: {  	s25 =	sshrl.u32 s20, $0x3;
	[smem:$0x7E5] =	sst s15  }
0x2b: {  	s28 =	simm.s32 $0x3;
	s13 =	sadd.s32 s4, s13;
	[smem:$0x7FB] =	sst s25  }
0x2c: {  	s30 =	simm.s32 $0x4;
	s18 =	sadd.s32 $0x13F00, s8;
	[dreg:$0xb] =	wrdreg s13  }
0x2d: {  	s31 =	simm.s32 $0x5;
	s29 =	sadd.s32 $0x19700, s8;
	[smem:$0x7E8] =	sst s18  }
0x2e: {  	s10 =	sshrl.u32 s10, $0x3;
	s13 =	sadd.s32 s4, s19;
	[smem:$0x7F0] =	sst s29  }
0x2f: {  	s0 =	simm.s32 $0xE;
	s4 =	sadd.s32 s4, s10;
	[dreg:$0xc] =	wrdreg s13  }
0x30: {  	s22 =	sadd.s32 s11, s2;
	s19 =	sadd.s32 $0xBB00, s8;
	[dreg:$0xd] =	wrdreg s4  }
0x31: {  	s21 =	sadd.s32 s14, s2;
	s29 =	sshrl.u32 s22, $0x3;
	[dreg:$0x1a] =	wrdreg s19  }
0x32: {  	s4 =	smul.u32 $0x2710, s26;
	s26 =	sadd.s32 $0x6E00, s8;
	[smem:$0x7FD] =	sst s29  }
0x33: {  	s3 =	simm.s32 $0x3DA0;
	s13 =	sadd.s32 $0x8400, s8;
	[dreg:$0x13] =	wrdreg s26  }
0x34: {  	v0 =	vimm.s32 $0xFEDCBA98;
	s14 =	simm.s32 $0x9;
	s19 =	sadd.s32 $0x14A00, s8;
	[dreg:$0x15] =	wrdreg s13  }
0x35: {  	v1 =	vimm.s32 $0x76543210;
	s24 =	simm.s32 $0x88;
	s26 =	sadd.s32 $0xFD00, s8;
	[smem:$0x7E9] =	sst s19  }
0x36: {  	v2 =	vimm.s32 $0xBA98FEDC;
	v3 =	vimm.s32 $0x32107654;
	s12 =	simm.s32 $0x7;
	s13 =	sadd.s32 $0x11300, s8;
	[smem:$0x7E2] =	sst s26  }
0x37: {  	v4 =	vimm.s32 $0xDCFE98BA;
	s17 =	simm.s32 $0xF;
	[smem:$0x7E4] =	sst s13;
	s26 =	sadd.s32 $0x18C00, s8  }
0x38: {  	v5 =	vimm.s32 $0x54761032;
	s20 =	simm.s32 $0xA;
	s13 =	sadd.s32 $0x1A200, s8;
	[smem:$0x7EF] =	sst s26  }
0x39: {  	v6 =	vimm.s32 $0xEFCDAB89;
	v7 =	vimm.s32 $0x67452301;
	s25 =	simm.s32 $0x1;
	s8 =	sadd.s32 $0x1AD00, s8;
	[smem:$0x7F1] =	sst s13  }
0x3a: {  	v0 =	vunpack.c.l.s4.s8 v0;
	v1 =	vunpack.c.l.s4.s8 v1;
	v2 =	vunpack.c.l.s4.s8 v2;
	s22 =	simm.s32 $0x18;
	s15 =	sadd.s32 $0x28, s4;
	[smem:$0x7F2] =	sst s8  }
0x3b: {  	v3 =	vunpack.c.l.s4.s8 v3;
	v4 =	vunpack.c.l.s4.s8 v4;
	v5 =	vunpack.c.l.s4.s8 v5;
	s16 =	sshrl.u32 s4, $0x3;
	s19 =	sadd.s32 $0x50, s4;
	[smem:$0x7F3] =	sst s15  }
0x3c: {  	v6 =	vunpack.c.l.s4.s8 v6;
	v7 =	vunpack.c.l.s4.s8 v7;
	v0 =	vunpack.c.0.s8.s32 v0;
	s4 =	sadd.s32 $0x78, s4;
	s10 =	sshrl.u32 s15, $0x3;
	[smem:$0x7F7] =	sst s19  }
0x3d: {  	v2 =	vunpack.c.0.s8.s32 v2;
	v3 =	vunpack.c.0.s8.s32 v3;
	v4 =	vunpack.c.0.s8.s32 v4;
	s8 =	sadd.s32 s7, s16;
	[smem:$0x7F8] =	sst s4;
	s26 =	sshrl.u32 s21, $0x3  }
.Ltmp0:
0x3e: {  	v5 =	vunpack.c.0.s8.s32 v5;
	v6 =	vunpack.c.0.s8.s32 v6;
	v7 =	vunpack.c.0.s8.s32 v7;
	s16 =	simm.s32 $0x32A0;
	s21 =	simm.s32 $0x10;
	(pc) =	sbr.rel .LBB2_1-.Ltmp0, $4  }
0x3f: {  	v1 =	vunpack.c.0.s8.s32 v1;
	v2 =	vcombine.low v3, v2;
	s15 =	simm.s32 $0x50;
	s4 =	simm.s32 $0x6;
	s13 =	simm.s32 $0x8  }
0x40: {  	v3 =	vcombine.low v5, v4;
	v4 =	vand.u32 $0xF, v0;
	v5 =	vcombine.low v7, v6;
	s19 =	simm.s32 $0xC;
	[smem:$0x7F4] =	sst s8;
	s18 =	sadd.s32 s7, s10  }
0x41: {  	v0 =	vimm.f32 $0.0e+00;
	v1 =	vcombine.low v4, v1;
	[smem:$0x7FC] =	sst s26;
	s26 =	simm.s32 $0x2;
	s8 =	simm.s32 $0xB  }
0x42: {  	v2 =	vand.u32 $0xF, v2;
	v3 =	vand.u32 $0xF, v3;
	v4 =	vand.u32 $0xF, v5;
	s10 =	simm.s32 $0x0;
	[smem:$0x7F6] =	sst s18;
	s18 =	simm.s32 $0x28  }
.LBB2_14:
0x43: {  	_ =	swait.ge [sflag:s8], $0xB00  }
0x44: {  	[sflag:s8] =	ssyncset.done $0x0  }
0x45: {  	[sflag:s8] =	ssyncadd.s32 $0xFFFFF500  }
0x46: {  	_ =	swait.ge [sflag:s19], $0x1080  }
0x47: {  	[sflag:s19] =	ssyncset.done $0x0  }
0x48: {  	[sflag:s19] =	ssyncadd.s32 $0xFFFFEF80  }
0x49: {  	s9 =	stileid.u32;
	[bflag:$0x0] =	sbarrier.arrive $0xFFFF  }
0x4a: {  	s9 =	sshll.u32 s9, $0x6;
	s23 =	rddreg [dreg:$0x4]  }
0x4b: {  	s9 =	sor.u32 $0x1C0F, s9;
	s11 =	rddreg [dreg:$0x9];
	s10 =	sshrl.u32 s23, $0x3  }
0x4c: {  	[hbm:s11], [sflag:s9] =	dma.local [spmem:s10], $0xABE  }
0x4d: {  	_ =	swait.ge [sflag:s17], $0xABE  }
0x4e: {  	s29 =	sld [smem:$0x7FA]  }
0x4f: {  	[sflag:s17] =	ssyncset.done $0x0  }
0x50: {  	s15 =	rddreg [dreg:$0xa];
	[sflag:s17] =	ssyncadd.s32 $0xFFFFF542  }
0x51: {  	[hbm:s15], [sflag:s9] =	dma.local [spmem:s29], $0xABE  }
0x52: {  	_ =	swait.ge [sflag:s17], $0xABE  }
0x53: {  	s29 =	sld [smem:$0x7FB]  }
0x54: {  	[sflag:s17] =	ssyncset.done $0x0  }
0x55: {  	s15 =	rddreg [dreg:$0xb];
	[sflag:s17] =	ssyncadd.s32 $0xFFFFF542  }
0x56: {  	[hbm:s15], [sflag:s9] =	dma.local [spmem:s29], $0xABE  }
0x57: {  	_ =	swait.ge [sflag:s17], $0xABE  }
0x58: {  	s29 =	sld [smem:$0x7FC]  }
0x59: {  	[sflag:s17] =	ssyncset.done $0x0  }
0x5a: {  	s15 =	rddreg [dreg:$0xc];
	[sflag:s17] =	ssyncadd.s32 $0xFFFFF542  }
0x5b: {  	[hbm:s15], [sflag:s9] =	dma.local [spmem:s29], $0xABE  }
0x5c: {  	_ =	swait.ge [sflag:s17], $0xABE  }
0x5d: {  	s29 =	sld [smem:$0x7FD]  }
0x5e: {  	[sflag:s17] =	ssyncset.done $0x0  }
0x5f: {  	s15 =	rddreg [dreg:$0xd];
	[sflag:s17] =	ssyncadd.s32 $0xFFFFF542  }
0x60: {  	[hbm:s15], [sflag:s9] =	dma.local [spmem:s29], $0xABE  }
0x61: {  	_ =	swait.ge [sflag:s17], $0xABE  }
0x62: {  	s15 =	sld [smem:$0x7E1]  }
0x63: {  	s29 =	sld [smem:$0x7F9];
	_ =	sdelay $0x1  }
0x64: {  	s10 =	sadd.s32 $0x1, s15  }
0x65: {  	p0 =	sne.s32 s10, s29  }
.Ltmp1:
0x66: {  	_ = 	snop;
	(pc) =	sbr.rel @!p0 .LBB2_15-.Ltmp1, $3  }
0x67: {  	_ =	sdelay $0x1  }
0x68: {  	[sflag:s17] =	ssyncset.done $0x0  }
0x69: {  	[sflag:s17] =	ssyncadd.s32 $0xFFFFF542;
	s15 =	simm.s32 $0x50  }
.LBB2_1:
0x6a: {  	[smem:$0x7E1] =	sst s10;
	s9 =	simm.s32 $0x0;
	s10 =	simm.s32 $0x2C0  }
.LBB2_2:
0x6b: {  	p0 =	sne.s32 s10, $0x2940;
	[tilespmem:s9+$0x3340] =	vst v0  }
0x6c: {  	[tilespmem:s9+$0x32A0] =	vst v0  }
0x6d: {  	[tilespmem:s9+$0x32B0] =	vst v0  }
0x6e: {  	[tilespmem:s9+$0x32C0] =	vst v0  }
0x6f: {  	[tilespmem:s9+$0x32D0] =	vst v0  }
0x70: {  	[tilespmem:s9+$0x32E0] =	vst v0  }
.Ltmp2:
0x71: {  	[tilespmem:s9+$0x32F0] =	vst v0;
	(pc) =	sbr.rel @p0 .LBB2_2-.Ltmp2, $4  }
0x72: {  	[tilespmem:s9+$0x3300] =	vst v0  }
0x73: {  	[tilespmem:s9+$0x3310] =	vst v0  }
0x74: {  	[tilespmem:s9+$0x3320] =	vst v0  }
0x75: {  	[tilespmem:s9+$0x3330] =	vst v0;
	s9 =	sshra.s32 s10, $0x2;
	s10 =	sadd.s32 $0x2C0, s10  }
0x76: {  	[tilespmem:s9+$0x3340] =	vst v0  }
0x77: {  	[tilespmem:s9+$0x32A0] =	vst v0  }
0x78: {  	[tilespmem:s9+$0x32B0] =	vst v0  }
0x79: {  	[tilespmem:s9+$0x32C0] =	vst v0  }
0x7a: {  	[tilespmem:s9+$0x32D0] =	vst v0  }
0x7b: {  	[tilespmem:s9+$0x32E0] =	vst v0  }
0x7c: {  	[tilespmem:s9+$0x32F0] =	vst v0  }
0x7d: {  	[tilespmem:s9+$0x3300] =	vst v0  }
0x7e: {  	[tilespmem:s9+$0x3310] =	vst v0  }
0x7f: {  	[tilespmem:s9+$0x3320] =	vst v0  }
0x80: {  	[tilespmem:s9+$0x3330] =	vst v0  }
0x81: {  	[spmem:s23] =	stream.linear.scatter [tilespmem:s16], [sflag:$0xF], $0xB00, $0x38;
	[tilespmem:$0x1FBD0] =	vst v63  }
0x82: {  	_ =	swait.ge [sflag:s17], $0xB00  }
0x83: {  	[sflag:s17] =	ssyncset.done $0x0  }
0x84: {  	s23 =	rddreg [dreg:$0x5];
	[sflag:s17] =	ssyncadd.s32 $0xFFFFF500  }
0x85: {  	[spmem:s23] =	stream.linear.scatter [tilespmem:s16], [sflag:$0xF], $0xB00, $0x38;
	[tilespmem:$0x1FBD0] =	vst v63  }
0x86: {  	_ =	swait.ge [sflag:s17], $0xB00  }
0x87: {  	[sflag:s17] =	ssyncset.done $0x0  }
0x88: {  	s29 =	rddreg [dreg:$0x6];
	[sflag:s17] =	ssyncadd.s32 $0xFFFFF500  }
0x89: {  	[spmem:s29] =	stream.linear.scatter [tilespmem:s16], [sflag:$0xF], $0xB00, $0x38;
	[tilespmem:$0x1FBD0] =	vst v63  }
0x8a: {  	_ =	swait.ge [sflag:s17], $0xB00  }
0x8b: {  	[sflag:s17] =	ssyncset.done $0x0  }
0x8c: {  	s10 =	rddreg [dreg:$0x7];
	[sflag:s17] =	ssyncadd.s32 $0xFFFFF500  }
0x8d: {  	[spmem:s10] =	stream.linear.scatter [tilespmem:s16], [sflag:$0xF], $0xB00, $0x38;
	[tilespmem:$0x1FBD0] =	vst v63  }
0x8e: {  	_ =	swait.ge [sflag:s17], $0xB00  }
0x8f: {  	[sflag:s17] =	ssyncset.done $0x0  }
0x90: {  	s11 =	rddreg [dreg:$0x8];
	[sflag:s17] =	ssyncadd.s32 $0xFFFFF500  }
0x91: {  	[spmem:s11] =	stream.linear.scatter [tilespmem:s16], [sflag:$0xF], $0xB00, $0x38;
	[tilespmem:$0x1FBD0] =	vst v63  }
0x92: {  	_ =	swait.ge [sflag:s17], $0xB00  }
0x93: {  	[sflag:s17] =	ssyncset.done $0x0  }
0x94: {  	s23 =	rddreg [dreg:$0xe];
	[sflag:s17] =	ssyncadd.s32 $0xFFFFF500  }
0x95: {  	[spmem:s23] =	stream.linear.scatter [tilespmem:s16], [sflag:$0xF], $0xB00, $0x38;
	[tilespmem:$0x1FBD0] =	vst v63  }
0x96: {  	_ =	swait.ge [sflag:s17], $0xB00  }
0x97: {  	[sflag:s17] =	ssyncset.done $0x0  }
0x98: {  	s29 =	rddreg [dreg:$0xf];
	[sflag:s17] =	ssyncadd.s32 $0xFFFFF500  }
0x99: {  	[spmem:s29] =	stream.linear.scatter [tilespmem:s16], [sflag:$0xF], $0xB00, $0x38;
	[tilespmem:$0x1FBD0] =	vst v63  }
0x9a: {  	_ =	swait.ge [sflag:s17], $0xB00  }
0x9b: {  	[sflag:s17] =	ssyncset.done $0x0  }
0x9c: {  	s10 =	rddreg [dreg:$0x10];
	[sflag:s17] =	ssyncadd.s32 $0xFFFFF500  }
0x9d: {  	[spmem:s10] =	stream.linear.scatter [tilespmem:s16], [sflag:$0xF], $0xB00, $0x38;
	[tilespmem:$0x1FBD0] =	vst v63  }
0x9e: {  	_ =	swait.ge [sflag:s17], $0xB00  }
0x9f: {  	[sflag:s17] =	ssyncset.done $0x0  }
0xa0: {  	s11 =	rddreg [dreg:$0x11];
	[sflag:s17] =	ssyncadd.s32 $0xFFFFF500  }
0xa1: {  	[spmem:s11] =	stream.linear.scatter [tilespmem:s16], [sflag:$0xF], $0xB00, $0x38;
	[tilespmem:$0x1FBD0] =	vst v63  }
0xa2: {  	_ =	swait.ge [sflag:s17], $0xB00  }
0xa3: {  	[sflag:s17] =	ssyncset.done $0x0  }
0xa4: {  	s23 =	rddreg [dreg:$0x12];
	[sflag:s17] =	ssyncadd.s32 $0xFFFFF500  }
0xa5: {  	[spmem:s23] =	stream.linear.scatter [tilespmem:s16], [sflag:$0xF], $0xB00, $0x38;
	[tilespmem:$0x1FBD0] =	vst v63  }
0xa6: {  	_ =	swait.ge [sflag:s17], $0xB00  }
0xa7: {  	[sflag:s17] =	ssyncset.done $0x0  }
0xa8: {  	s29 =	rddreg [dreg:$0x13];
	[sflag:s17] =	ssyncadd.s32 $0xFFFFF500  }
0xa9: {  	[spmem:s29] =	stream.linear.scatter [tilespmem:s16], [sflag:$0xF], $0xB00, $0x38;
	[tilespmem:$0x1FBD0] =	vst v63  }
0xaa: {  	_ =	swait.ge [sflag:s17], $0xB00  }
0xab: {  	[sflag:s17] =	ssyncset.done $0x0  }
0xac: {  	s10 =	rddreg [dreg:$0x14];
	[sflag:s17] =	ssyncadd.s32 $0xFFFFF500  }
0xad: {  	[spmem:s10] =	stream.linear.scatter [tilespmem:s16], [sflag:$0xF], $0xB00, $0x38;
	[tilespmem:$0x1FBD0] =	vst v63  }
0xae: {  	_ =	swait.ge [sflag:s17], $0xB00  }
0xaf: {  	[sflag:s17] =	ssyncset.done $0x0  }
0xb0: {  	s11 =	rddreg [dreg:$0x15];
	[sflag:s17] =	ssyncadd.s32 $0xFFFFF500  }
0xb1: {  	[spmem:s11] =	stream.linear.scatter [tilespmem:s16], [sflag:$0xF], $0xB00, $0x38;
	[tilespmem:$0x1FBD0] =	vst v63  }
0xb2: {  	_ =	swait.ge [sflag:s17], $0xB00  }
0xb3: {  	[sflag:s17] =	ssyncset.done $0x0  }
0xb4: {  	s23 =	rddreg [dreg:$0x16];
	[sflag:s17] =	ssyncadd.s32 $0xFFFFF500  }
0xb5: {  	[spmem:s23] =	stream.linear.scatter [tilespmem:s16], [sflag:$0xF], $0xB00, $0x38;
	[tilespmem:$0x1FBD0] =	vst v63  }
0xb6: {  	_ =	swait.ge [sflag:s17], $0xB00  }
0xb7: {  	[sflag:s17] =	ssyncset.done $0x0  }
0xb8: {  	s29 =	rddreg [dreg:$0x17];
	[sflag:s17] =	ssyncadd.s32 $0xFFFFF500  }
0xb9: {  	[spmem:s29] =	stream.linear.scatter [tilespmem:s16], [sflag:$0xF], $0xB00, $0x38;
	[tilespmem:$0x1FBD0] =	vst v63  }
0xba: {  	_ =	swait.ge [sflag:s17], $0xB00  }
0xbb: {  	[sflag:s17] =	ssyncset.done $0x0  }
0xbc: {  	s10 =	rddreg [dreg:$0x18];
	[sflag:s17] =	ssyncadd.s32 $0xFFFFF500  }
0xbd: {  	[spmem:s10] =	stream.linear.scatter [tilespmem:s16], [sflag:$0xF], $0xB00, $0x38;
	[tilespmem:$0x1FBD0] =	vst v63  }
0xbe: {  	_ =	swait.ge [sflag:s17], $0xB00  }
0xbf: {  	[sflag:s17] =	ssyncset.done $0x0  }
0xc0: {  	s11 =	rddreg [dreg:$0x19];
	[sflag:s17] =	ssyncadd.s32 $0xFFFFF500  }
0xc1: {  	[spmem:s11] =	stream.linear.scatter [tilespmem:s16], [sflag:$0xF], $0xB00, $0x38;
	[tilespmem:$0x1FBD0] =	vst v63  }
0xc2: {  	_ =	swait.ge [sflag:s17], $0xB00  }
0xc3: {  	[sflag:s17] =	ssyncset.done $0x0  }
0xc4: {  	s23 =	rddreg [dreg:$0x1a];
	[sflag:s17] =	ssyncadd.s32 $0xFFFFF500  }
0xc5: {  	[spmem:s23] =	stream.linear.scatter [tilespmem:s16], [sflag:$0xF], $0xB00, $0x38;
	[tilespmem:$0x1FBD0] =	vst v63  }
0xc6: {  	_ =	swait.ge [sflag:s17], $0xB00  }
0xc7: {  	[sflag:s17] =	ssyncset.done $0x0  }
0xc8: {  	s29 =	rddreg [dreg:$0x1b];
	[sflag:s17] =	ssyncadd.s32 $0xFFFFF500  }
0xc9: {  	[spmem:s29] =	stream.linear.scatter [tilespmem:s16], [sflag:$0xF], $0xB00, $0x38;
	[tilespmem:$0x1FBD0] =	vst v63  }
0xca: {  	_ =	swait.ge [sflag:s17], $0xB00  }
0xcb: {  	[sflag:s17] =	ssyncset.done $0x0  }
0xcc: {  	s10 =	rddreg [dreg:$0x1c];
	[sflag:s17] =	ssyncadd.s32 $0xFFFFF500  }
0xcd: {  	[spmem:s10] =	stream.linear.scatter [tilespmem:s16], [sflag:$0xF], $0xB00, $0x38;
	[tilespmem:$0x1FBD0] =	vst v63  }
0xce: {  	_ =	swait.ge [sflag:s17], $0xB00  }
0xcf: {  	[sflag:s17] =	ssyncset.done $0x0  }
0xd0: {  	s11 =	rddreg [dreg:$0x1d];
	[sflag:s17] =	ssyncadd.s32 $0xFFFFF500  }
0xd1: {  	[spmem:s11] =	stream.linear.scatter [tilespmem:s16], [sflag:$0xF], $0xB00, $0x38;
	[tilespmem:$0x1FBD0] =	vst v63  }
0xd2: {  	_ =	swait.ge [sflag:s17], $0xB00  }
0xd3: {  	[sflag:s17] =	ssyncset.done $0x0  }
0xd4: {  	s23 =	rddreg [dreg:$0x1e];
	[sflag:s17] =	ssyncadd.s32 $0xFFFFF500  }
0xd5: {  	[spmem:s23] =	stream.linear.scatter [tilespmem:s16], [sflag:$0xF], $0xB00, $0x38;
	[tilespmem:$0x1FBD0] =	vst v63  }
0xd6: {  	_ =	swait.ge [sflag:s17], $0xB00  }
0xd7: {  	[sflag:s17] =	ssyncset.done $0x0  }
0xd8: {  	s29 =	rddreg [dreg:$0x1f];
	[sflag:s17] =	ssyncadd.s32 $0xFFFFF500  }
0xd9: {  	[spmem:s29] =	stream.linear.scatter [tilespmem:s16], [sflag:$0xF], $0xB00, $0x38;
	[tilespmem:$0x1FBD0] =	vst v63  }
0xda: {  	_ =	swait.ge [sflag:s17], $0xB00  }
0xdb: {  	s10 =	sld [smem:$0x7E2]  }
0xdc: {  	[sflag:s17] =	ssyncset.done $0x0  }
0xdd: {  	[sflag:s17] =	ssyncadd.s32 $0xFFFFF500  }
0xde: {  	[spmem:s10] =	stream.linear.scatter [tilespmem:s16], [sflag:$0xF], $0xB00, $0x38;
	[tilespmem:$0x1FBD0] =	vst v63  }
0xdf: {  	_ =	swait.ge [sflag:s17], $0xB00  }
0xe0: {  	s11 =	sld [smem:$0x7E3]  }
0xe1: {  	[sflag:s17] =	ssyncset.done $0x0  }
0xe2: {  	[sflag:s17] =	ssyncadd.s32 $0xFFFFF500  }
0xe3: {  	[spmem:s11] =	stream.linear.scatter [tilespmem:s16], [sflag:$0xF], $0xB00, $0x38;
	[tilespmem:$0x1FBD0] =	vst v63  }
0xe4: {  	_ =	swait.ge [sflag:s17], $0xB00  }
0xe5: {  	s23 =	sld [smem:$0x7E4]  }
0xe6: {  	[sflag:s17] =	ssyncset.done $0x0  }
0xe7: {  	[sflag:s17] =	ssyncadd.s32 $0xFFFFF500  }
0xe8: {  	[spmem:s23] =	stream.linear.scatter [tilespmem:s16], [sflag:$0xF], $0xB00, $0x38;
	[tilespmem:$0x1FBD0] =	vst v63  }
0xe9: {  	_ =	swait.ge [sflag:s17], $0xB00  }
0xea: {  	s29 =	sld [smem:$0x7E5]  }
0xeb: {  	[sflag:s17] =	ssyncset.done $0x0  }
0xec: {  	[sflag:s17] =	ssyncadd.s32 $0xFFFFF500  }
0xed: {  	[spmem:s29] =	stream.linear.scatter [tilespmem:s16], [sflag:$0xF], $0xB00, $0x38;
	[tilespmem:$0x1FBD0] =	vst v63  }
0xee: {  	_ =	swait.ge [sflag:s17], $0xB00  }
0xef: {  	s10 =	sld [smem:$0x7E6]  }
0xf0: {  	[sflag:s17] =	ssyncset.done $0x0  }
0xf1: {  	[sflag:s17] =	ssyncadd.s32 $0xFFFFF500  }
0xf2: {  	[spmem:s10] =	stream.linear.scatter [tilespmem:s16], [sflag:$0xF], $0xB00, $0x38;
	[tilespmem:$0x1FBD0] =	vst v63  }
0xf3: {  	_ =	swait.ge [sflag:s17], $0xB00  }
0xf4: {  	s11 =	sld [smem:$0x7E7]  }
0xf5: {  	[sflag:s17] =	ssyncset.done $0x0  }
0xf6: {  	[sflag:s17] =	ssyncadd.s32 $0xFFFFF500  }
0xf7: {  	[spmem:s11] =	stream.linear.scatter [tilespmem:s16], [sflag:$0xF], $0xB00, $0x38;
	[tilespmem:$0x1FBD0] =	vst v63  }
0xf8: {  	_ =	swait.ge [sflag:s17], $0xB00  }
0xf9: {  	s23 =	sld [smem:$0x7E8]  }
0xfa: {  	[sflag:s17] =	ssyncset.done $0x0  }
0xfb: {  	[sflag:s17] =	ssyncadd.s32 $0xFFFFF500  }
0xfc: {  	[spmem:s23] =	stream.linear.scatter [tilespmem:s16], [sflag:$0xF], $0xB00, $0x38;
	[tilespmem:$0x1FBD0] =	vst v63  }
0xfd: {  	_ =	swait.ge [sflag:s17], $0xB00  }
0xfe: {  	s29 =	sld [smem:$0x7E9]  }
0xff: {  	[sflag:s17] =	ssyncset.done $0x0  }
0x100: {  	[sflag:s17] =	ssyncadd.s32 $0xFFFFF500  }
0x101: {  	[spmem:s29] =	stream.linear.scatter [tilespmem:s16], [sflag:$0xF], $0xB00, $0x38;
	[tilespmem:$0x1FBD0] =	vst v63  }
0x102: {  	_ =	swait.ge [sflag:s17], $0xB00  }
0x103: {  	s10 =	sld [smem:$0x7EA]  }
0x104: {  	[sflag:s17] =	ssyncset.done $0x0  }
0x105: {  	[sflag:s17] =	ssyncadd.s32 $0xFFFFF500  }
0x106: {  	[spmem:s10] =	stream.linear.scatter [tilespmem:s16], [sflag:$0xF], $0xB00, $0x38;
	[tilespmem:$0x1FBD0] =	vst v63  }
0x107: {  	_ =	swait.ge [sflag:s17], $0xB00  }
0x108: {  	s11 =	sld [smem:$0x7EB]  }
0x109: {  	[sflag:s17] =	ssyncset.done $0x0  }
0x10a: {  	[sflag:s17] =	ssyncadd.s32 $0xFFFFF500  }
0x10b: {  	[spmem:s11] =	stream.linear.scatter [tilespmem:s16], [sflag:$0xF], $0xB00, $0x38;
	[tilespmem:$0x1FBD0] =	vst v63  }
0x10c: {  	_ =	swait.ge [sflag:s17], $0xB00  }
0x10d: {  	s23 =	sld [smem:$0x7EC]  }
0x10e: {  	[sflag:s17] =	ssyncset.done $0x0  }
0x10f: {  	[sflag:s17] =	ssyncadd.s32 $0xFFFFF500  }
0x110: {  	[spmem:s23] =	stream.linear.scatter [tilespmem:s16], [sflag:$0xF], $0xB00, $0x38;
	[tilespmem:$0x1FBD0] =	vst v63  }
0x111: {  	_ =	swait.ge [sflag:s17], $0xB00  }
0x112: {  	s29 =	sld [smem:$0x7ED]  }
0x113: {  	[sflag:s17] =	ssyncset.done $0x0  }
0x114: {  	[sflag:s17] =	ssyncadd.s32 $0xFFFFF500  }
0x115: {  	[spmem:s29] =	stream.linear.scatter [tilespmem:s16], [sflag:$0xF], $0xB00, $0x38;
	[tilespmem:$0x1FBD0] =	vst v63  }
0x116: {  	_ =	swait.ge [sflag:s17], $0xB00  }
0x117: {  	s10 =	sld [smem:$0x7EE]  }
0x118: {  	[sflag:s17] =	ssyncset.done $0x0  }
0x119: {  	[sflag:s17] =	ssyncadd.s32 $0xFFFFF500  }
0x11a: {  	[spmem:s10] =	stream.linear.scatter [tilespmem:s16], [sflag:$0xF], $0xB00, $0x38;
	[tilespmem:$0x1FBD0] =	vst v63  }
0x11b: {  	_ =	swait.ge [sflag:s17], $0xB00  }
0x11c: {  	s11 =	sld [smem:$0x7EF]  }
0x11d: {  	[sflag:s17] =	ssyncset.done $0x0  }
0x11e: {  	[sflag:s17] =	ssyncadd.s32 $0xFFFFF500  }
0x11f: {  	[spmem:s11] =	stream.linear.scatter [tilespmem:s16], [sflag:$0xF], $0xB00, $0x38;
	[tilespmem:$0x1FBD0] =	vst v63  }
0x120: {  	_ =	swait.ge [sflag:s17], $0xB00  }
0x121: {  	s23 =	sld [smem:$0x7F0]  }
0x122: {  	[sflag:s17] =	ssyncset.done $0x0  }
0x123: {  	[sflag:s17] =	ssyncadd.s32 $0xFFFFF500  }
0x124: {  	[spmem:s23] =	stream.linear.scatter [tilespmem:s16], [sflag:$0xF], $0xB00, $0x38;
	[tilespmem:$0x1FBD0] =	vst v63  }
0x125: {  	_ =	swait.ge [sflag:s17], $0xB00  }
0x126: {  	s29 =	sld [smem:$0x7F1]  }
0x127: {  	[sflag:s17] =	ssyncset.done $0x0  }
0x128: {  	[sflag:s17] =	ssyncadd.s32 $0xFFFFF500  }
0x129: {  	[spmem:s29] =	stream.linear.scatter [tilespmem:s16], [sflag:$0xF], $0xB00, $0x38;
	[tilespmem:$0x1FBD0] =	vst v63  }
0x12a: {  	_ =	swait.ge [sflag:s17], $0xB00  }
0x12b: {  	s10 =	sld [smem:$0x7F2]  }
0x12c: {  	[sflag:s17] =	ssyncset.done $0x0  }
0x12d: {  	[sflag:s17] =	ssyncadd.s32 $0xFFFFF500  }
0x12e: {  	[spmem:s10] =	stream.linear.scatter [tilespmem:s16], [sflag:$0xF], $0xB0, $0x38;
	[tilespmem:$0x1FBD0] =	vst v63  }
0x12f: {  	_ =	swait.ge [sflag:s17], $0xB0  }
0x130: {  	[sflag:s17] =	ssyncset.done $0x0  }
0x131: {  	[sflag:s17] =	ssyncadd.s32 $0xFFFFFF50  }
0x132: {  	[bflag:$0x0] =	sbarrier.arrive $0xFFFF  }
0x133: {  	s11 =	sld [smem:$0x7F4];
	_ =	sdelay $0x1  }
0x134: {  	s23 =	simm.s32 $0x0;
	s29 =	simm.s32 $0xD;
	s10 =	simm.s32 $0x4E200  }
0x135: {  	[tilespmem:s23], [sflag:$0xD] =	stream.strided.gather [hbm4b:s11+s18], $0x50, s10, s18, $0x38;
	[tilespmem:$0x1FBD0] =	vst v63  }
0x136: {  	_ =	swait.ge [sflag:s29], $0x50  }
0x137: {  	[sflag:s29] =	ssyncset.done $0x0  }
0x138: {  	s11 =	simm.s32 $0xA0;
	[sflag:s29] =	ssyncadd.s32 $0xFFFFFFB0  }
0x139: {  	[tilespmem:s11], [sflag:$0x1] =	stream.indirect.gather [hbm4b:s5+s21], $0x40, s23, s21, $0xb8;
	[tilespmem:$0x1FBD0] =	vst v63  }
0x13a: {  	s29 =	simm.s32 $0x14A0  }
0x13b: {  	[tilespmem:s29], [sflag:$0x2] =	stream.indirect.gather [hbm4b:s1+s21], $0x50, s18, s21, $0xb8;
	[tilespmem:$0x1FBD0] =	vst v63  }
0x13c: {  	s11 =	simm.s32 $0x4A0  }
0x13d: {  	[tilespmem:s11], [sflag:$0x3] =	stream.indirect.gather [hbm4b:s5+s22], $0x40, s21, s22, $0xb8;
	[tilespmem:$0x1FBD0] =	vst v63  }
0x13e: {  	s29 =	simm.s32 $0x38;
	s11 =	simm.s32 $0x19A0  }
0x13f: {  	[tilespmem:s11], [sflag:$0x4] =	stream.indirect.gather [hbm4b:s1+s22], $0x50, s29, s22, $0xb8;
	[tilespmem:$0x1FBD0] =	vst v63  }
0x140: {  	s11 =	sld [smem:$0x7F5];
	_ =	sdelay $0x1  }
0x141: {  	s29 =	simm.s32 $0x2DA0  }
0x142: {  	[tilespmem:s29], [sflag:$0x5] =	stream.linear.gather [hbm4b:s11+s23], $0x280, $0x38;
	[tilespmem:$0x1FBD0] =	vst v63  }
0x143: {  	s29 =	sld [smem:$0x7F6];
	_ =	sdelay $0x2  }
0x144: {  	[tilespmem:s15], [sflag:$0xE] =	stream.strided.gather [hbm4b:s29+s18], $0x50, s10, s18, $0x38;
	[tilespmem:$0x1FBD0] =	vst v63  }
.LBB2_4:
0x145: {  	_ =	swait.ge [sflag:s25], $0x400  }
0x146: {  	[sflag:s25] =	ssyncset.done $0x0  }
0x147: {  	[sflag:s25] =	ssyncadd.s32 $0xFFFFFC00  }
0x148: {  	_ =	swait.ge [sflag:s26], $0x500  }
0x149: {  	[sflag:s26] =	ssyncset.done $0x0  }
0x14a: {  	[sflag:s26] =	ssyncadd.s32 $0xFFFFFB00  }
0x14b: {  	_ =	swait.ge [sflag:s28], $0x600  }
0x14c: {  	[sflag:s28] =	ssyncset.done $0x0  }
0x14d: {  	[sflag:s28] =	ssyncadd.s32 $0xFFFFFA00  }
0x14e: {  	_ =	swait.ge [sflag:s30], $0x780  }
0x14f: {  	[sflag:s30] =	ssyncset.done $0x0  }
0x150: {  	[sflag:s30] =	ssyncadd.s32 $0xFFFFF880  }
0x151: {  	_ =	swait.ge [sflag:s31], $0x280  }
0x152: {  	[sflag:s31] =	ssyncset.done $0x0  }
0x153: {  	[sflag:s31] =	ssyncadd.s32 $0xFFFFFD80  }
0x154: {  	_ =	swait.ge [sflag:s0], $0x50  }
0x155: {  	[sflag:s0] =	ssyncset.done $0x0  }
0x156: {  	s9 =	simm.s32 $0xAA0;
	[sflag:s0] =	ssyncadd.s32 $0xFFFFFFB0  }
0x157: {  	[tilespmem:s9], [sflag:$0x6] =	stream.indirect.gather [hbm4b:s5+s21], $0x40, s15, s21, $0xb8;
	[tilespmem:$0x1FBD0] =	vst v63  }
0x158: {  	s10 =	simm.s32 $0x2120;
	s15 =	simm.s32 $0x78  }
0x159: {  	[tilespmem:s10], [sflag:$0x7] =	stream.indirect.gather [hbm4b:s1+s21], $0x50, s15, s21, $0xb8;
	[tilespmem:$0x1FBD0] =	vst v63  }
0x15a: {  	s11 =	simm.s32 $0x60;
	s15 =	simm.s32 $0xEA0  }
0x15b: {  	[tilespmem:s15], [sflag:$0x8] =	stream.indirect.gather [hbm4b:s5+s22], $0x40, s11, s22, $0xb8;
	[tilespmem:$0x1FBD0] =	vst v63  }
0x15c: {  	s15 =	sld [smem:$0x7F3]  }
0x15d: {  	s10 =	smul.u32 $0x50, s23;
	s11 =	simm.s32 $0x2620  }
0x15e: {  	[tilespmem:s11], [sflag:$0x9] =	stream.indirect.gather [hbm4b:s1+s22], $0x50, s24, s22, $0xb8;
	[tilespmem:$0x1FBD0] =	vst v63  }
0x15f: {  	s9 =	sadd.s32 s10, s15  }
0x160: {  	s9 =	sshll.u32 s9, $0x1  }
0x161: {  	p0 =	seq.s32 s23, $0x0;
	s9 =	sand.u32 $0xFFFFFF0, s9  }
0x162: {  	s11 =	simm.s32 $0x0;
	s24 =	simm.s32 $0x3020;
	s9 =	sadd.s32 s6, s9  }
0x163: {  	[tilespmem:s24], [sflag:$0xA] =	stream.linear.gather [hbm4b:s9+s11], $0x280, $0x38;
	[tilespmem:$0x1FBD0] =	vst v63  }
0x164: {  	s9 =	simm.s32 @!p0 $0xB  }
0x165: {  	_ =	swait.ge @!p0 [sflag:s9], $0xB00  }
0x166: {  	s29 =	simm.s32 $0x120;
	s24 =	simm.s32 $0x3400;
	[sflag:s9] =	ssyncset.done @!p0 $0x0  }
0x167: {  	s11 =	simm.s32 $0x0;
	[sflag:s9] =	ssyncadd.s32 @!p0 $0xFFFFF500;
	s9 =	simm.s32 $0x1540  }
.LBB2_5:
0x168: {  	v5 =	vld [tilespmem:s29+$0xFFFFFF80]  }
0x169: {  	v6 =	vld [tilespmem:s29+$0xFFFFFF90]  }
0x16a: {  	v7 =	vld [tilespmem:s9+$0xFFFFFF60]  }
0x16b: {  	v8 =	vld [tilespmem:s9+$0xFFFFFF70]  }
0x16c: {  	v9 =	vld [tilespmem:s29+$0xFFFFFFA0]  }
0x16d: {  	v11 =	vld [tilespmem:s29+$0xFFFFFFB0]  }
0x16e: {  	v14 =	vld [tilespmem:s9+$0xFFFFFF80];
	_ =	sdelay $0x1  }
0x16f: {  	v10 =	vunpack.i.u.bf16.f32 v5;
	v5 =	vunpack.i.l.bf16.f32 v5;
	v12 =	vunpack.i.u.bf16.f32 v6  }
0x170: {  	v16 =	vld [tilespmem:s9+$0xFFFFFF90];
	v13 =	vunpack.i.l.bf16.f32 v7;
	v6 =	vunpack.i.l.bf16.f32 v6;
	v7 =	vunpack.i.u.bf16.f32 v7  }
0x171: {  	v15 =	vunpack.i.u.bf16.f32 v8;
	v8 =	vunpack.i.l.bf16.f32 v8;
	v17 =	vunpack.i.u.bf16.f32 v9  }
0x172: {  	v9 =	vunpack.i.l.bf16.f32 v9;
	v18 =	vunpack.i.u.bf16.f32 v11;
	v33 =	vunpack.i.u.bf16.f32 v14  }
0x173: {  	v14 =	vunpack.i.l.bf16.f32 v14;
	v13 =	vmul.f32 v13, v5;
	v7 =	vmul.f32 v7, v10  }
0x174: {  	v11 =	vunpack.i.l.bf16.f32 v11;
	v8 =	vmul.f32 v8, v6;
	v15 =	vmul.f32 v15, v12  }
0x175: {  	s15 =	sshra.s32 s11, $0x2;
	v19 =	vld [tilespmem:s9+$0xFFFFFFA0];
	v35 =	vunpack.i.u.bf16.f32 v16;
	v16 =	vunpack.i.l.bf16.f32 v16;
	v14 =	vmul.f32 v14, v9  }
0x176: {  	v34 =	vld [tilespmem:s15+$0x2DA0];
	v7 =	vadd.f32 v13, v7;
	v8 =	vadd.f32 v8, v15;
	v13 =	vmul.f32 v33, v17  }
0x177: {  	v36 =	vmul.f32 v16, v11  }
0x178: {  	v7 =	vadd.f32 v8, v7;
	v13 =	vadd.f32 v14, v13;
	v8 =	vmul.f32 v35, v18;
	_ =	sdelay $0x1  }
0x179: {  	v7 =	vadd.f32 v13, v7;
	v8 =	vadd.f32 v36, v8  }
0x17a: {  	v38 =	vunpack.i.l.bf16.f32 v19;
	v37 =	vunpack.i.l.bf16.f32 v34  }
0x17b: {  	v39 =	vmul.f32 v38, v37;
	v7 =	vadd.f32 v8, v7  }
0x17c: {  	v41 =	vunpack.i.u.bf16.f32 v19;
	v40 =	vunpack.i.u.bf16.f32 v34  }
0x17d: {  	v42 =	vmul.f32 v41, v40;
	v7 =	vadd.f32 v39, v7;
	_ =	sdelay $0x1  }
0x17e: {  	v7 =	vadd.f32 v7, v42;
	_ =	sdelay $0x1  }
0x17f: {  	v8 =	vperm.xlane v7, v1;
	_ =	sdelay $0x1  }
0x180: {  	v7 =	vadd.f32 v7, v8;
	_ =	sdelay $0x1  }
0x181: {  	v8 =	vperm.xlane v7, v2;
	_ =	sdelay $0x1  }
0x182: {  	v7 =	vadd.f32 v7, v8;
	_ =	sdelay $0x1  }
0x183: {  	v8 =	vperm.xlane v7, v3;
	_ =	sdelay $0x1  }
0x184: {  	v7 =	vadd.f32 v7, v8;
	_ =	sdelay $0x1  }
0x185: {  	v8 =	vperm.xlane v7, v4;
	_ =	sdelay $0x1  }
0x186: {  	v7 =	vadd.f32 v7, v8;
	_ =	sdelay $0x1  }
0x187: {  	v7 =	vmul.f32 $8.838834610e-02, v7;
	_ =	sdelay $0x1  }
0x188: {  	v7 =	vmul.f32 $1.442695020e+00, v7;
	_ =	sdelay $0x1  }
0x189: {  	(erf) = vpow2.f32 v7;
	_ =	sdelay $0x8  }
0x18a: {  	v7 =	vpop (erf)  }
0x18b: {  	v5 =	vmul.f32 v7, v5  }
0x18c: {  	v43 =	vmul.f32 v7, v10;
	[tilespmem:s24+$0xFFFFFF40] =	vst v7  }
0x18d: {  	[tilespmem:s24+$0xFFFFFEA0] =	vst v5;
	v5 =	vmul.f32 v7, v6  }
0x18e: {  	[tilespmem:s24+$0xFFFFFEB0] =	vst v43;
	v6 =	vmul.f32 v7, v12  }
0x18f: {  	[tilespmem:s24+$0xFFFFFEC0] =	vst v5;
	v5 =	vmul.f32 v7, v9  }
0x190: {  	[tilespmem:s24+$0xFFFFFED0] =	vst v6;
	v6 =	vmul.f32 v7, v17  }
0x191: {  	[tilespmem:s24+$0xFFFFFEE0] =	vst v5;
	v5 =	vmul.f32 v7, v11  }
0x192: {  	[tilespmem:s24+$0xFFFFFEF0] =	vst v6;
	v6 =	vmul.f32 v7, v18  }
0x193: {  	[tilespmem:s24+$0xFFFFFF00] =	vst v5;
	v5 =	vmul.f32 v7, v37  }
0x194: {  	[tilespmem:s24+$0xFFFFFF10] =	vst v6;
	v6 =	vmul.f32 v7, v40  }
0x195: {  	[tilespmem:s24+$0xFFFFFF20] =	vst v5  }
0x196: {  	[tilespmem:s24+$0xFFFFFF30] =	vst v6  }
0x197: {  	v5 =	vld [tilespmem:s29+$0xFFFFFFC0]  }
0x198: {  	v6 =	vld [tilespmem:s29+$0xFFFFFFD0]  }
0x199: {  	v7 =	vld [tilespmem:s9+$0xFFFFFFB0]  }
0x19a: {  	v8 =	vld [tilespmem:s9+$0xFFFFFFC0]  }
0x19b: {  	v44 =	vld [tilespmem:s29+$0xFFFFFFE0]  }
0x19c: {  	v49 =	vld [tilespmem:s9+$0xFFFFFFD0]  }
0x19d: {  	v46 =	vld [tilespmem:s29+$0xFFFFFFF0];
	v45 =	vunpack.i.u.bf16.f32 v5  }
0x19e: {  	v51 =	vld [tilespmem:s9+$0xFFFFFFE0];
	v5 =	vunpack.i.l.bf16.f32 v5;
	v47 =	vunpack.i.u.bf16.f32 v6;
	v48 =	vunpack.i.l.bf16.f32 v7  }
0x19f: {  	v6 =	vunpack.i.l.bf16.f32 v6;
	v7 =	vunpack.i.u.bf16.f32 v7;
	v50 =	vunpack.i.u.bf16.f32 v8  }
0x1a0: {  	v8 =	vunpack.i.l.bf16.f32 v8;
	v52 =	vunpack.i.u.bf16.f32 v44;
	v9 =	vunpack.i.l.bf16.f32 v44  }
0x1a1: {  	v54 =	vunpack.i.u.bf16.f32 v49;
	v13 =	vmul.f32 v48, v5;
	v7 =	vmul.f32 v7, v45  }
0x1a2: {  	v14 =	vunpack.i.l.bf16.f32 v49;
	v8 =	vmul.f32 v8, v6;
	v15 =	vmul.f32 v50, v47  }
0x1a3: {  	v55 =	vld [tilespmem:s15+$0x2DB0];
	v11 =	vunpack.i.l.bf16.f32 v46;
	v16 =	vunpack.i.l.bf16.f32 v51;
	v14 =	vmul.f32 v14, v9  }
0x1a4: {  	v56 =	vld [tilespmem:s9+$0xFFFFFFF0];
	v7 =	vadd.f32 v13, v7;
	v8 =	vadd.f32 v8, v15;
	v13 =	vmul.f32 v54, v52  }
0x1a5: {  	v53 =	vunpack.i.u.bf16.f32 v46;
	v57 =	vunpack.i.u.bf16.f32 v51;
	v58 =	vmul.f32 v16, v11  }
0x1a6: {  	v7 =	vadd.f32 v8, v7;
	v13 =	vadd.f32 v14, v13;
	v8 =	vmul.f32 v57, v53;
	_ =	sdelay $0x1  }
0x1a7: {  	v7 =	vadd.f32 v13, v7;
	v8 =	vadd.f32 v58, v8  }
0x1a8: {  	v59 =	vunpack.i.l.bf16.f32 v55;
	v60 =	vunpack.i.l.bf16.f32 v56  }
0x1a9: {  	v61 =	vmul.f32 v60, v59;
	v7 =	vadd.f32 v8, v7  }
0x1aa: {  	v62 =	vunpack.i.u.bf16.f32 v55;
	v63 =	vunpack.i.u.bf16.f32 v56  }
0x1ab: {  	v16 =	vmul.f32 v63, v62;
	v7 =	vadd.f32 v61, v7;
	_ =	sdelay $0x1  }
0x1ac: {  	v7 =	vadd.f32 v7, v16;
	_ =	sdelay $0x1  }
0x1ad: {  	v8 =	vperm.xlane v7, v1;
	_ =	sdelay $0x1  }
0x1ae: {  	v7 =	vadd.f32 v7, v8;
	_ =	sdelay $0x1  }
0x1af: {  	v8 =	vperm.xlane v7, v2;
	_ =	sdelay $0x1  }
0x1b0: {  	v7 =	vadd.f32 v7, v8;
	_ =	sdelay $0x1  }
0x1b1: {  	v8 =	vperm.xlane v7, v3;
	_ =	sdelay $0x1  }
0x1b2: {  	v7 =	vadd.f32 v7, v8;
	_ =	sdelay $0x1  }
0x1b3: {  	v8 =	vperm.xlane v7, v4;
	_ =	sdelay $0x1  }
0x1b4: {  	v7 =	vadd.f32 v7, v8;
	_ =	sdelay $0x1  }
0x1b5: {  	v7 =	vmul.f32 $8.838834610e-02, v7;
	_ =	sdelay $0x1  }
0x1b6: {  	v7 =	vmul.f32 $1.442695020e+00, v7;
	_ =	sdelay $0x1  }
0x1b7: {  	(erf) = vpow2.f32 v7;
	_ =	sdelay $0x8  }
0x1b8: {  	v7 =	vpop (erf)  }
0x1b9: {  	v5 =	vmul.f32 v7, v5  }
0x1ba: {  	v19 =	vmul.f32 v7, v45;
	[tilespmem:s24+$0xFFFFFFF0] =	vst v7  }
0x1bb: {  	[tilespmem:s24+$0xFFFFFF50] =	vst v5;
	v5 =	vmul.f32 v7, v6  }
0x1bc: {  	[tilespmem:s24+$0xFFFFFF60] =	vst v19;
	v6 =	vmul.f32 v7, v47  }
0x1bd: {  	[tilespmem:s24+$0xFFFFFF70] =	vst v5;
	v5 =	vmul.f32 v7, v9  }
0x1be: {  	[tilespmem:s24+$0xFFFFFF80] =	vst v6;
	v6 =	vmul.f32 v7, v52  }
0x1bf: {  	[tilespmem:s24+$0xFFFFFF90] =	vst v5;
	v5 =	vmul.f32 v7, v11  }
0x1c0: {  	[tilespmem:s24+$0xFFFFFFA0] =	vst v6;
	v6 =	vmul.f32 v7, v53  }
0x1c1: {  	[tilespmem:s24+$0xFFFFFFB0] =	vst v5;
	v5 =	vmul.f32 v7, v59  }
0x1c2: {  	[tilespmem:s24+$0xFFFFFFC0] =	vst v6;
	v6 =	vmul.f32 v7, v62  }
0x1c3: {  	[tilespmem:s24+$0xFFFFFFD0] =	vst v5  }
0x1c4: {  	[tilespmem:s24+$0xFFFFFFE0] =	vst v6  }
0x1c5: {  	v5 =	vld [tilespmem:s29+$0x0]  }
0x1c6: {  	v6 =	vld [tilespmem:s29+$0x10]  }
0x1c7: {  	v7 =	vld [tilespmem:s9+$0x0]  }
0x1c8: {  	v8 =	vld [tilespmem:s9+$0x10]  }
0x1c9: {  	v20 =	vld [tilespmem:s29+$0x20]  }
0x1ca: {  	v25 =	vld [tilespmem:s9+$0x20]  }
0x1cb: {  	v22 =	vld [tilespmem:s29+$0x30];
	v21 =	vunpack.i.u.bf16.f32 v5  }
0x1cc: {  	v27 =	vld [tilespmem:s9+$0x30];
	v5 =	vunpack.i.l.bf16.f32 v5;
	v23 =	vunpack.i.u.bf16.f32 v6;
	v24 =	vunpack.i.l.bf16.f32 v7  }
0x1cd: {  	v6 =	vunpack.i.l.bf16.f32 v6;
	v7 =	vunpack.i.u.bf16.f32 v7;
	v26 =	vunpack.i.u.bf16.f32 v8  }
0x1ce: {  	v8 =	vunpack.i.l.bf16.f32 v8;
	v28 =	vunpack.i.u.bf16.f32 v20;
	v9 =	vunpack.i.l.bf16.f32 v20  }
0x1cf: {  	v30 =	vunpack.i.u.bf16.f32 v25;
	v13 =	vmul.f32 v24, v5;
	v7 =	vmul.f32 v7, v21  }
0x1d0: {  	v14 =	vunpack.i.l.bf16.f32 v25;
	v8 =	vmul.f32 v8, v6;
	v15 =	vmul.f32 v26, v23  }
0x1d1: {  	v31 =	vld [tilespmem:s15+$0x2DC0];
	v11 =	vunpack.i.l.bf16.f32 v22;
	v16 =	vunpack.i.l.bf16.f32 v27;
	v14 =	vmul.f32 v14, v9  }
0x1d2: {  	v32 =	vld [tilespmem:s9+$0x40];
	v7 =	vadd.f32 v13, v7;
	v8 =	vadd.f32 v8, v15;
	v13 =	vmul.f32 v30, v28  }
0x1d3: {  	v29 =	vunpack.i.u.bf16.f32 v22;
	v33 =	vunpack.i.u.bf16.f32 v27;
	v34 =	vmul.f32 v16, v11  }
0x1d4: {  	v7 =	vadd.f32 v8, v7;
	v13 =	vadd.f32 v14, v13;
	v8 =	vmul.f32 v33, v29;
	_ =	sdelay $0x1  }
0x1d5: {  	v7 =	vadd.f32 v13, v7;
	v8 =	vadd.f32 v34, v8  }
0x1d6: {  	v35 =	vunpack.i.l.bf16.f32 v31;
	v36 =	vunpack.i.l.bf16.f32 v32  }
0x1d7: {  	v37 =	vmul.f32 v36, v35;
	v7 =	vadd.f32 v8, v7  }
0x1d8: {  	v38 =	vunpack.i.u.bf16.f32 v31;
	v39 =	vunpack.i.u.bf16.f32 v32  }
0x1d9: {  	v40 =	vmul.f32 v39, v38;
	v7 =	vadd.f32 v37, v7;
	_ =	sdelay $0x1  }
0x1da: {  	v7 =	vadd.f32 v7, v40;
	_ =	sdelay $0x1  }
0x1db: {  	v8 =	vperm.xlane v7, v1;
	_ =	sdelay $0x1  }
0x1dc: {  	v7 =	vadd.f32 v7, v8;
	_ =	sdelay $0x1  }
0x1dd: {  	v8 =	vperm.xlane v7, v2;
	_ =	sdelay $0x1  }
0x1de: {  	v7 =	vadd.f32 v7, v8;
	_ =	sdelay $0x1  }
0x1df: {  	v8 =	vperm.xlane v7, v3;
	_ =	sdelay $0x1  }
0x1e0: {  	v7 =	vadd.f32 v7, v8;
	_ =	sdelay $0x1  }
0x1e1: {  	v8 =	vperm.xlane v7, v4;
	_ =	sdelay $0x1  }
0x1e2: {  	v7 =	vadd.f32 v7, v8;
	_ =	sdelay $0x1  }
0x1e3: {  	v7 =	vmul.f32 $8.838834610e-02, v7;
	_ =	sdelay $0x1  }
0x1e4: {  	v7 =	vmul.f32 $1.442695020e+00, v7;
	_ =	sdelay $0x1  }
0x1e5: {  	(erf) = vpow2.f32 v7;
	_ =	sdelay $0x8  }
0x1e6: {  	v7 =	vpop (erf)  }
0x1e7: {  	v5 =	vmul.f32 v7, v5  }
0x1e8: {  	v41 =	vmul.f32 v7, v21;
	[tilespmem:s24+$0xA0] =	vst v7  }
0x1e9: {  	[tilespmem:s24+$0x0] =	vst v5;
	v5 =	vmul.f32 v7, v6  }
0x1ea: {  	[tilespmem:s24+$0x10] =	vst v41;
	v6 =	vmul.f32 v7, v23  }
0x1eb: {  	[tilespmem:s24+$0x20] =	vst v5;
	v5 =	vmul.f32 v7, v9  }
0x1ec: {  	[tilespmem:s24+$0x30] =	vst v6;
	v6 =	vmul.f32 v7, v28  }
0x1ed: {  	[tilespmem:s24+$0x40] =	vst v5;
	v5 =	vmul.f32 v7, v11  }
0x1ee: {  	[tilespmem:s24+$0x50] =	vst v6;
	v6 =	vmul.f32 v7, v29  }
0x1ef: {  	[tilespmem:s24+$0x60] =	vst v5;
	v5 =	vmul.f32 v7, v35  }
0x1f0: {  	[tilespmem:s24+$0x70] =	vst v6;
	v6 =	vmul.f32 v7, v38  }
0x1f1: {  	[tilespmem:s24+$0x80] =	vst v5  }
0x1f2: {  	[tilespmem:s24+$0x90] =	vst v6  }
0x1f3: {  	v5 =	vld [tilespmem:s29+$0x40]  }
0x1f4: {  	v6 =	vld [tilespmem:s29+$0x50]  }
0x1f5: {  	v7 =	vld [tilespmem:s9+$0x50]  }
0x1f6: {  	v8 =	vld [tilespmem:s9+$0x60]  }
0x1f7: {  	v42 =	vld [tilespmem:s29+$0x60]  }
0x1f8: {  	v47 =	vld [tilespmem:s9+$0x70]  }
0x1f9: {  	v44 =	vld [tilespmem:s29+$0x70];
	v43 =	vunpack.i.u.bf16.f32 v5  }
0x1fa: {  	v49 =	vld [tilespmem:s9+$0x80];
	v5 =	vunpack.i.l.bf16.f32 v5;
	v45 =	vunpack.i.u.bf16.f32 v6;
	v46 =	vunpack.i.l.bf16.f32 v7  }
0x1fb: {  	v6 =	vunpack.i.l.bf16.f32 v6;
	v7 =	vunpack.i.u.bf16.f32 v7;
	v48 =	vunpack.i.u.bf16.f32 v8  }
0x1fc: {  	v8 =	vunpack.i.l.bf16.f32 v8;
	v50 =	vunpack.i.u.bf16.f32 v42;
	v9 =	vunpack.i.l.bf16.f32 v42  }
0x1fd: {  	v52 =	vunpack.i.u.bf16.f32 v47;
	v13 =	vmul.f32 v46, v5;
	v7 =	vmul.f32 v7, v43  }
0x1fe: {  	v14 =	vunpack.i.l.bf16.f32 v47;
	v8 =	vmul.f32 v8, v6;
	v15 =	vmul.f32 v48, v45  }
0x1ff: {  	v53 =	vld [tilespmem:s15+$0x2DD0];
	v11 =	vunpack.i.l.bf16.f32 v44;
	v16 =	vunpack.i.l.bf16.f32 v49;
	v14 =	vmul.f32 v14, v9  }
0x200: {  	v54 =	vld [tilespmem:s9+$0x90];
	v7 =	vadd.f32 v13, v7;
	v8 =	vadd.f32 v8, v15;
	v13 =	vmul.f32 v52, v50  }
0x201: {  	v51 =	vunpack.i.u.bf16.f32 v44;
	v55 =	vunpack.i.u.bf16.f32 v49;
	v56 =	vmul.f32 v16, v11  }
0x202: {  	v7 =	vadd.f32 v8, v7;
	v13 =	vadd.f32 v14, v13;
	v8 =	vmul.f32 v55, v51;
	_ =	sdelay $0x1  }
0x203: {  	v7 =	vadd.f32 v13, v7;
	v8 =	vadd.f32 v56, v8  }
0x204: {  	v57 =	vunpack.i.l.bf16.f32 v53;
	v58 =	vunpack.i.l.bf16.f32 v54  }
0x205: {  	v59 =	vmul.f32 v58, v57;
	v7 =	vadd.f32 v8, v7  }
0x206: {  	v60 =	vunpack.i.u.bf16.f32 v53;
	v61 =	vunpack.i.u.bf16.f32 v54  }
0x207: {  	v62 =	vmul.f32 v61, v60;
	v7 =	vadd.f32 v59, v7;
	_ =	sdelay $0x1  }
0x208: {  	v7 =	vadd.f32 v7, v62;
	_ =	sdelay $0x1  }
0x209: {  	v8 =	vperm.xlane v7, v1;
	_ =	sdelay $0x1  }
0x20a: {  	v7 =	vadd.f32 v7, v8;
	_ =	sdelay $0x1  }
0x20b: {  	v8 =	vperm.xlane v7, v2;
	_ =	sdelay $0x1  }
0x20c: {  	v7 =	vadd.f32 v7, v8;
	_ =	sdelay $0x1  }
0x20d: {  	v8 =	vperm.xlane v7, v3;
	_ =	sdelay $0x1  }
0x20e: {  	v7 =	vadd.f32 v7, v8;
	_ =	sdelay $0x1  }
0x20f: {  	v8 =	vperm.xlane v7, v4;
	_ =	sdelay $0x1  }
0x210: {  	v7 =	vadd.f32 v7, v8;
	_ =	sdelay $0x1  }
0x211: {  	v7 =	vmul.f32 $8.838834610e-02, v7;
	_ =	sdelay $0x1  }
0x212: {  	v7 =	vmul.f32 $1.442695020e+00, v7;
	_ =	sdelay $0x1  }
0x213: {  	(erf) = vpow2.f32 v7;
	_ =	sdelay $0x8  }
0x214: {  	v7 =	vpop (erf)  }
0x215: {  	v5 =	vmul.f32 v7, v5  }
0x216: {  	v63 =	vmul.f32 v7, v43;
	[tilespmem:s24+$0x150] =	vst v7  }
0x217: {  	[tilespmem:s24+$0xB0] =	vst v5;
	v5 =	vmul.f32 v7, v6  }
0x218: {  	[tilespmem:s24+$0xC0] =	vst v63;
	v6 =	vmul.f32 v7, v45  }
0x219: {  	[tilespmem:s24+$0xD0] =	vst v5;
	v5 =	vmul.f32 v7, v9  }
0x21a: {  	[tilespmem:s24+$0xE0] =	vst v6;
	v6 =	vmul.f32 v7, v50  }
0x21b: {  	p1 =	sne.s32 s11, $0x300;
	[tilespmem:s24+$0xF0] =	vst v5;
	v5 =	vmul.f32 v7, v11  }
.Ltmp3:
0x21c: {  	[tilespmem:s24+$0x100] =	vst v6;
	v6 =	vmul.f32 v7, v51;
	(pc) =	sbr.rel @p1 .LBB2_5-.Ltmp3, $4  }
0x21d: {  	[tilespmem:s24+$0x110] =	vst v5;
	v5 =	vmul.f32 v7, v57  }
0x21e: {  	[tilespmem:s24+$0x120] =	vst v6;
	v6 =	vmul.f32 v7, v60  }
0x21f: {  	s11 =	sadd.s32 $0x100, s11;
	[tilespmem:s24+$0x130] =	vst v5  }
0x220: {  	s29 =	sadd.s32 $0x100, s29;
	s9 =	sadd.s32 $0x140, s9;
	[tilespmem:s24+$0x140] =	vst v6;
	s24 =	sadd.s32 $0x2C0, s24  }
0x221: {  	[spmem:s2] =	stream.indirect.scatter.add.f32 [tilespmem:s16], [sflag:$0xB], $0xB0, s18, s21, $0xb8;
	[tilespmem:$0x1FBD0] =	vst v63  }
0x222: {  	s9 =	simm.s32 @!p0 $0xC  }
0x223: {  	_ =	swait.ge @!p0 [sflag:s9], $0x1080  }
0x224: {  	s29 =	simm.s32 $0x0;
	s24 =	simm.s32 $0x1AD0;
	[sflag:s9] =	ssyncset.done @!p0 $0x0  }
0x225: {  	s11 =	simm.s32 $0x590;
	[sflag:s9] =	ssyncadd.s32 @!p0 $0xFFFFEF80;
	s9 =	simm.s32 $0x3F00  }
.LBB2_7:
0x226: {  	v5 =	vld [tilespmem:s11+$0xFFFFFF10]  }
0x227: {  	v6 =	vld [tilespmem:s11+$0xFFFFFF20]  }
0x228: {  	v7 =	vld [tilespmem:s24+$0xFFFFFED0]  }
0x229: {  	v8 =	vld [tilespmem:s24+$0xFFFFFEE0]  }
0x22a: {  	v9 =	vld [tilespmem:s11+$0xFFFFFF30]  }
0x22b: {  	v11 =	vld [tilespmem:s11+$0xFFFFFF40]  }
0x22c: {  	v14 =	vld [tilespmem:s24+$0xFFFFFEF0];
	_ =	sdelay $0x1  }
0x22d: {  	v10 =	vunpack.i.u.bf16.f32 v5;
	v5 =	vunpack.i.l.bf16.f32 v5;
	v12 =	vunpack.i.u.bf16.f32 v6  }
0x22e: {  	v16 =	vld [tilespmem:s24+$0xFFFFFF00];
	v13 =	vunpack.i.l.bf16.f32 v7;
	v6 =	vunpack.i.l.bf16.f32 v6;
	v7 =	vunpack.i.u.bf16.f32 v7  }
0x22f: {  	v15 =	vunpack.i.u.bf16.f32 v8;
	v8 =	vunpack.i.l.bf16.f32 v8;
	v17 =	vunpack.i.u.bf16.f32 v9  }
0x230: {  	v9 =	vunpack.i.l.bf16.f32 v9;
	v18 =	vunpack.i.u.bf16.f32 v11;
	v33 =	vunpack.i.u.bf16.f32 v14  }
0x231: {  	v14 =	vunpack.i.l.bf16.f32 v14;
	v13 =	vmul.f32 v13, v5;
	v7 =	vmul.f32 v7, v10  }
0x232: {  	v11 =	vunpack.i.l.bf16.f32 v11;
	v8 =	vmul.f32 v8, v6;
	v15 =	vmul.f32 v15, v12  }
0x233: {  	s15 =	sshra.s32 s29, $0x2;
	v19 =	vld [tilespmem:s24+$0xFFFFFF10];
	v35 =	vunpack.i.u.bf16.f32 v16;
	v16 =	vunpack.i.l.bf16.f32 v16;
	v14 =	vmul.f32 v14, v9  }
0x234: {  	v34 =	vld [tilespmem:s15+$0x2EA0];
	v7 =	vadd.f32 v13, v7;
	v8 =	vadd.f32 v8, v15;
	v13 =	vmul.f32 v33, v17  }
0x235: {  	v36 =	vmul.f32 v16, v11  }
0x236: {  	v7 =	vadd.f32 v8, v7;
	v13 =	vadd.f32 v14, v13;
	v8 =	vmul.f32 v35, v18;
	_ =	sdelay $0x1  }
0x237: {  	v7 =	vadd.f32 v13, v7;
	v8 =	vadd.f32 v36, v8  }
0x238: {  	v38 =	vunpack.i.l.bf16.f32 v19;
	v37 =	vunpack.i.l.bf16.f32 v34  }
0x239: {  	v39 =	vmul.f32 v38, v37;
	v7 =	vadd.f32 v8, v7  }
0x23a: {  	v41 =	vunpack.i.u.bf16.f32 v19;
	v40 =	vunpack.i.u.bf16.f32 v34  }
0x23b: {  	v42 =	vmul.f32 v41, v40;
	v7 =	vadd.f32 v39, v7;
	_ =	sdelay $0x1  }
0x23c: {  	v7 =	vadd.f32 v7, v42;
	_ =	sdelay $0x1  }
0x23d: {  	v8 =	vperm.xlane v7, v1;
	_ =	sdelay $0x1  }
0x23e: {  	v7 =	vadd.f32 v7, v8;
	_ =	sdelay $0x1  }
0x23f: {  	v8 =	vperm.xlane v7, v2;
	_ =	sdelay $0x1  }
0x240: {  	v7 =	vadd.f32 v7, v8;
	_ =	sdelay $0x1  }
0x241: {  	v8 =	vperm.xlane v7, v3;
	_ =	sdelay $0x1  }
0x242: {  	v7 =	vadd.f32 v7, v8;
	_ =	sdelay $0x1  }
0x243: {  	v8 =	vperm.xlane v7, v4;
	_ =	sdelay $0x1  }
0x244: {  	v7 =	vadd.f32 v7, v8;
	_ =	sdelay $0x1  }
0x245: {  	v7 =	vmul.f32 $8.838834610e-02, v7;
	_ =	sdelay $0x1  }
0x246: {  	v7 =	vmul.f32 $1.442695020e+00, v7;
	_ =	sdelay $0x1  }
0x247: {  	(erf) = vpow2.f32 v7;
	_ =	sdelay $0x8  }
0x248: {  	v7 =	vpop (erf)  }
0x249: {  	v5 =	vmul.f32 v7, v5  }
0x24a: {  	v43 =	vmul.f32 v7, v10;
	[tilespmem:s9+$0xFFFFFF40] =	vst v7  }
0x24b: {  	[tilespmem:s9+$0xFFFFFEA0] =	vst v5;
	v5 =	vmul.f32 v7, v6  }
0x24c: {  	[tilespmem:s9+$0xFFFFFEB0] =	vst v43;
	v6 =	vmul.f32 v7, v12  }
0x24d: {  	[tilespmem:s9+$0xFFFFFEC0] =	vst v5;
	v5 =	vmul.f32 v7, v9  }
0x24e: {  	[tilespmem:s9+$0xFFFFFED0] =	vst v6;
	v6 =	vmul.f32 v7, v17  }
0x24f: {  	[tilespmem:s9+$0xFFFFFEE0] =	vst v5;
	v5 =	vmul.f32 v7, v11  }
0x250: {  	[tilespmem:s9+$0xFFFFFEF0] =	vst v6;
	v6 =	vmul.f32 v7, v18  }
0x251: {  	[tilespmem:s9+$0xFFFFFF00] =	vst v5;
	v5 =	vmul.f32 v7, v37  }
0x252: {  	[tilespmem:s9+$0xFFFFFF10] =	vst v6;
	v6 =	vmul.f32 v7, v40  }
0x253: {  	[tilespmem:s9+$0xFFFFFF20] =	vst v5  }
0x254: {  	[tilespmem:s9+$0xFFFFFF30] =	vst v6  }
0x255: {  	v5 =	vld [tilespmem:s11+$0xFFFFFF50]  }
0x256: {  	v6 =	vld [tilespmem:s11+$0xFFFFFF60]  }
0x257: {  	v7 =	vld [tilespmem:s24+$0xFFFFFF20]  }
0x258: {  	v8 =	vld [tilespmem:s24+$0xFFFFFF30]  }
0x259: {  	v44 =	vld [tilespmem:s11+$0xFFFFFF70]  }
0x25a: {  	v49 =	vld [tilespmem:s24+$0xFFFFFF40]  }
0x25b: {  	v46 =	vld [tilespmem:s11+$0xFFFFFF80];
	v45 =	vunpack.i.u.bf16.f32 v5  }
0x25c: {  	v51 =	vld [tilespmem:s24+$0xFFFFFF50];
	v5 =	vunpack.i.l.bf16.f32 v5;
	v47 =	vunpack.i.u.bf16.f32 v6;
	v48 =	vunpack.i.l.bf16.f32 v7  }
0x25d: {  	v6 =	vunpack.i.l.bf16.f32 v6;
	v7 =	vunpack.i.u.bf16.f32 v7;
	v50 =	vunpack.i.u.bf16.f32 v8  }
0x25e: {  	v8 =	vunpack.i.l.bf16.f32 v8;
	v52 =	vunpack.i.u.bf16.f32 v44;
	v9 =	vunpack.i.l.bf16.f32 v44  }
0x25f: {  	v54 =	vunpack.i.u.bf16.f32 v49;
	v13 =	vmul.f32 v48, v5;
	v7 =	vmul.f32 v7, v45  }
0x260: {  	v14 =	vunpack.i.l.bf16.f32 v49;
	v8 =	vmul.f32 v8, v6;
	v15 =	vmul.f32 v50, v47  }
0x261: {  	v55 =	vld [tilespmem:s15+$0x2EB0];
	v11 =	vunpack.i.l.bf16.f32 v46;
	v16 =	vunpack.i.l.bf16.f32 v51;
	v14 =	vmul.f32 v14, v9  }
0x262: {  	v56 =	vld [tilespmem:s24+$0xFFFFFF60];
	v7 =	vadd.f32 v13, v7;
	v8 =	vadd.f32 v8, v15;
	v13 =	vmul.f32 v54, v52  }
0x263: {  	v53 =	vunpack.i.u.bf16.f32 v46;
	v57 =	vunpack.i.u.bf16.f32 v51;
	v58 =	vmul.f32 v16, v11  }
0x264: {  	v7 =	vadd.f32 v8, v7;
	v13 =	vadd.f32 v14, v13;
	v8 =	vmul.f32 v57, v53;
	_ =	sdelay $0x1  }
0x265: {  	v7 =	vadd.f32 v13, v7;
	v8 =	vadd.f32 v58, v8  }
0x266: {  	v59 =	vunpack.i.l.bf16.f32 v55;
	v60 =	vunpack.i.l.bf16.f32 v56  }
0x267: {  	v61 =	vmul.f32 v60, v59;
	v7 =	vadd.f32 v8, v7  }
0x268: {  	v62 =	vunpack.i.u.bf16.f32 v55;
	v63 =	vunpack.i.u.bf16.f32 v56  }
0x269: {  	v16 =	vmul.f32 v63, v62;
	v7 =	vadd.f32 v61, v7;
	_ =	sdelay $0x1  }
0x26a: {  	v7 =	vadd.f32 v7, v16;
	_ =	sdelay $0x1  }
0x26b: {  	v8 =	vperm.xlane v7, v1;
	_ =	sdelay $0x1  }
0x26c: {  	v7 =	vadd.f32 v7, v8;
	_ =	sdelay $0x1  }
0x26d: {  	v8 =	vperm.xlane v7, v2;
	_ =	sdelay $0x1  }
0x26e: {  	v7 =	vadd.f32 v7, v8;
	_ =	sdelay $0x1  }
0x26f: {  	v8 =	vperm.xlane v7, v3;
	_ =	sdelay $0x1  }
0x270: {  	v7 =	vadd.f32 v7, v8;
	_ =	sdelay $0x1  }
0x271: {  	v8 =	vperm.xlane v7, v4;
	_ =	sdelay $0x1  }
0x272: {  	v7 =	vadd.f32 v7, v8;
	_ =	sdelay $0x1  }
0x273: {  	v7 =	vmul.f32 $8.838834610e-02, v7;
	_ =	sdelay $0x1  }
0x274: {  	v7 =	vmul.f32 $1.442695020e+00, v7;
	_ =	sdelay $0x1  }
0x275: {  	(erf) = vpow2.f32 v7;
	_ =	sdelay $0x8  }
0x276: {  	v7 =	vpop (erf)  }
0x277: {  	v5 =	vmul.f32 v7, v5  }
0x278: {  	v19 =	vmul.f32 v7, v45;
	[tilespmem:s9+$0xFFFFFFF0] =	vst v7  }
0x279: {  	[tilespmem:s9+$0xFFFFFF50] =	vst v5;
	v5 =	vmul.f32 v7, v6  }
0x27a: {  	[tilespmem:s9+$0xFFFFFF60] =	vst v19;
	v6 =	vmul.f32 v7, v47  }
0x27b: {  	[tilespmem:s9+$0xFFFFFF70] =	vst v5;
	v5 =	vmul.f32 v7, v9  }
0x27c: {  	[tilespmem:s9+$0xFFFFFF80] =	vst v6;
	v6 =	vmul.f32 v7, v52  }
0x27d: {  	[tilespmem:s9+$0xFFFFFF90] =	vst v5;
	v5 =	vmul.f32 v7, v11  }
0x27e: {  	[tilespmem:s9+$0xFFFFFFA0] =	vst v6;
	v6 =	vmul.f32 v7, v53  }
0x27f: {  	[tilespmem:s9+$0xFFFFFFB0] =	vst v5;
	v5 =	vmul.f32 v7, v59  }
0x280: {  	[tilespmem:s9+$0xFFFFFFC0] =	vst v6;
	v6 =	vmul.f32 v7, v62  }
0x281: {  	[tilespmem:s9+$0xFFFFFFD0] =	vst v5  }
0x282: {  	[tilespmem:s9+$0xFFFFFFE0] =	vst v6  }
0x283: {  	v5 =	vld [tilespmem:s11+$0xFFFFFF90]  }
0x284: {  	v6 =	vld [tilespmem:s11+$0xFFFFFFA0]  }
0x285: {  	v7 =	vld [tilespmem:s24+$0xFFFFFF70]  }
0x286: {  	v8 =	vld [tilespmem:s24+$0xFFFFFF80]  }
0x287: {  	v20 =	vld [tilespmem:s11+$0xFFFFFFB0]  }
0x288: {  	v25 =	vld [tilespmem:s24+$0xFFFFFF90]  }
0x289: {  	v22 =	vld [tilespmem:s11+$0xFFFFFFC0];
	v21 =	vunpack.i.u.bf16.f32 v5  }
0x28a: {  	v27 =	vld [tilespmem:s24+$0xFFFFFFA0];
	v5 =	vunpack.i.l.bf16.f32 v5;
	v23 =	vunpack.i.u.bf16.f32 v6;
	v24 =	vunpack.i.l.bf16.f32 v7  }
0x28b: {  	v6 =	vunpack.i.l.bf16.f32 v6;
	v7 =	vunpack.i.u.bf16.f32 v7;
	v26 =	vunpack.i.u.bf16.f32 v8  }
0x28c: {  	v8 =	vunpack.i.l.bf16.f32 v8;
	v28 =	vunpack.i.u.bf16.f32 v20;
	v9 =	vunpack.i.l.bf16.f32 v20  }
0x28d: {  	v30 =	vunpack.i.u.bf16.f32 v25;
	v13 =	vmul.f32 v24, v5;
	v7 =	vmul.f32 v7, v21  }
0x28e: {  	v14 =	vunpack.i.l.bf16.f32 v25;
	v8 =	vmul.f32 v8, v6;
	v15 =	vmul.f32 v26, v23  }
0x28f: {  	v31 =	vld [tilespmem:s15+$0x2EC0];
	v11 =	vunpack.i.l.bf16.f32 v22;
	v16 =	vunpack.i.l.bf16.f32 v27;
	v14 =	vmul.f32 v14, v9  }
0x290: {  	v32 =	vld [tilespmem:s24+$0xFFFFFFB0];
	v7 =	vadd.f32 v13, v7;
	v8 =	vadd.f32 v8, v15;
	v13 =	vmul.f32 v30, v28  }
0x291: {  	v29 =	vunpack.i.u.bf16.f32 v22;
	v33 =	vunpack.i.u.bf16.f32 v27;
	v34 =	vmul.f32 v16, v11  }
0x292: {  	v7 =	vadd.f32 v8, v7;
	v13 =	vadd.f32 v14, v13;
	v8 =	vmul.f32 v33, v29;
	_ =	sdelay $0x1  }
0x293: {  	v7 =	vadd.f32 v13, v7;
	v8 =	vadd.f32 v34, v8  }
0x294: {  	v35 =	vunpack.i.l.bf16.f32 v31;
	v36 =	vunpack.i.l.bf16.f32 v32  }
0x295: {  	v37 =	vmul.f32 v36, v35;
	v7 =	vadd.f32 v8, v7  }
0x296: {  	v38 =	vunpack.i.u.bf16.f32 v31;
	v39 =	vunpack.i.u.bf16.f32 v32  }
0x297: {  	v40 =	vmul.f32 v39, v38;
	v7 =	vadd.f32 v37, v7;
	_ =	sdelay $0x1  }
0x298: {  	v7 =	vadd.f32 v7, v40;
	_ =	sdelay $0x1  }
0x299: {  	v8 =	vperm.xlane v7, v1;
	_ =	sdelay $0x1  }
0x29a: {  	v7 =	vadd.f32 v7, v8;
	_ =	sdelay $0x1  }
0x29b: {  	v8 =	vperm.xlane v7, v2;
	_ =	sdelay $0x1  }
0x29c: {  	v7 =	vadd.f32 v7, v8;
	_ =	sdelay $0x1  }
0x29d: {  	v8 =	vperm.xlane v7, v3;
	_ =	sdelay $0x1  }
0x29e: {  	v7 =	vadd.f32 v7, v8;
	_ =	sdelay $0x1  }
0x29f: {  	v8 =	vperm.xlane v7, v4;
	_ =	sdelay $0x1  }
0x2a0: {  	v7 =	vadd.f32 v7, v8;
	_ =	sdelay $0x1  }
0x2a1: {  	v7 =	vmul.f32 $8.838834610e-02, v7;
	_ =	sdelay $0x1  }
0x2a2: {  	v7 =	vmul.f32 $1.442695020e+00, v7;
	_ =	sdelay $0x1  }
0x2a3: {  	(erf) = vpow2.f32 v7;
	_ =	sdelay $0x8  }
0x2a4: {  	v7 =	vpop (erf)  }
0x2a5: {  	v5 =	vmul.f32 v7, v5  }
0x2a6: {  	v41 =	vmul.f32 v7, v21;
	[tilespmem:s9+$0xA0] =	vst v7  }
0x2a7: {  	[tilespmem:s9+$0x0] =	vst v5;
	v5 =	vmul.f32 v7, v6  }
0x2a8: {  	[tilespmem:s9+$0x10] =	vst v41;
	v6 =	vmul.f32 v7, v23  }
0x2a9: {  	[tilespmem:s9+$0x20] =	vst v5;
	v5 =	vmul.f32 v7, v9  }
0x2aa: {  	[tilespmem:s9+$0x30] =	vst v6;
	v6 =	vmul.f32 v7, v28  }
0x2ab: {  	[tilespmem:s9+$0x40] =	vst v5;
	v5 =	vmul.f32 v7, v11  }
0x2ac: {  	[tilespmem:s9+$0x50] =	vst v6;
	v6 =	vmul.f32 v7, v29  }
0x2ad: {  	[tilespmem:s9+$0x60] =	vst v5;
	v5 =	vmul.f32 v7, v35  }
0x2ae: {  	[tilespmem:s9+$0x70] =	vst v6;
	v6 =	vmul.f32 v7, v38  }
0x2af: {  	[tilespmem:s9+$0x80] =	vst v5  }
0x2b0: {  	[tilespmem:s9+$0x90] =	vst v6  }
0x2b1: {  	v5 =	vld [tilespmem:s11+$0xFFFFFFD0]  }
0x2b2: {  	v6 =	vld [tilespmem:s11+$0xFFFFFFE0]  }
0x2b3: {  	v7 =	vld [tilespmem:s24+$0xFFFFFFC0]  }
0x2b4: {  	v8 =	vld [tilespmem:s24+$0xFFFFFFD0]  }
0x2b5: {  	v42 =	vld [tilespmem:s11+$0xFFFFFFF0]  }
0x2b6: {  	v47 =	vld [tilespmem:s24+$0xFFFFFFE0]  }
0x2b7: {  	v44 =	vld [tilespmem:s11+$0x0];
	v43 =	vunpack.i.u.bf16.f32 v5  }
0x2b8: {  	v49 =	vld [tilespmem:s24+$0xFFFFFFF0];
	v5 =	vunpack.i.l.bf16.f32 v5;
	v45 =	vunpack.i.u.bf16.f32 v6;
	v46 =	vunpack.i.l.bf16.f32 v7  }
0x2b9: {  	v6 =	vunpack.i.l.bf16.f32 v6;
	v7 =	vunpack.i.u.bf16.f32 v7;
	v48 =	vunpack.i.u.bf16.f32 v8  }
0x2ba: {  	v8 =	vunpack.i.l.bf16.f32 v8;
	v50 =	vunpack.i.u.bf16.f32 v42;
	v9 =	vunpack.i.l.bf16.f32 v42  }
0x2bb: {  	v52 =	vunpack.i.u.bf16.f32 v47;
	v13 =	vmul.f32 v46, v5;
	v7 =	vmul.f32 v7, v43  }
0x2bc: {  	v14 =	vunpack.i.l.bf16.f32 v47;
	v8 =	vmul.f32 v8, v6;
	v15 =	vmul.f32 v48, v45  }
0x2bd: {  	v53 =	vld [tilespmem:s15+$0x2ED0];
	v11 =	vunpack.i.l.bf16.f32 v44;
	v16 =	vunpack.i.l.bf16.f32 v49;
	v14 =	vmul.f32 v14, v9  }
0x2be: {  	v54 =	vld [tilespmem:s24+$0x0];
	v7 =	vadd.f32 v13, v7;
	v8 =	vadd.f32 v8, v15;
	v13 =	vmul.f32 v52, v50  }
0x2bf: {  	v51 =	vunpack.i.u.bf16.f32 v44;
	v55 =	vunpack.i.u.bf16.f32 v49;
	v56 =	vmul.f32 v16, v11  }
0x2c0: {  	v7 =	vadd.f32 v8, v7;
	v13 =	vadd.f32 v14, v13;
	v8 =	vmul.f32 v55, v51;
	_ =	sdelay $0x1  }
0x2c1: {  	v7 =	vadd.f32 v13, v7;
	v8 =	vadd.f32 v56, v8  }
0x2c2: {  	v57 =	vunpack.i.l.bf16.f32 v53;
	v58 =	vunpack.i.l.bf16.f32 v54  }
0x2c3: {  	v59 =	vmul.f32 v58, v57;
	v7 =	vadd.f32 v8, v7  }
0x2c4: {  	v60 =	vunpack.i.u.bf16.f32 v53;
	v61 =	vunpack.i.u.bf16.f32 v54  }
0x2c5: {  	v62 =	vmul.f32 v61, v60;
	v7 =	vadd.f32 v59, v7;
	_ =	sdelay $0x1  }
0x2c6: {  	v7 =	vadd.f32 v7, v62;
	_ =	sdelay $0x1  }
0x2c7: {  	v8 =	vperm.xlane v7, v1;
	_ =	sdelay $0x1  }
0x2c8: {  	v7 =	vadd.f32 v7, v8;
	_ =	sdelay $0x1  }
0x2c9: {  	v8 =	vperm.xlane v7, v2;
	_ =	sdelay $0x1  }
0x2ca: {  	v7 =	vadd.f32 v7, v8;
	_ =	sdelay $0x1  }
0x2cb: {  	v8 =	vperm.xlane v7, v3;
	_ =	sdelay $0x1  }
0x2cc: {  	v7 =	vadd.f32 v7, v8;
	_ =	sdelay $0x1  }
0x2cd: {  	v8 =	vperm.xlane v7, v4;
	_ =	sdelay $0x1  }
0x2ce: {  	v7 =	vadd.f32 v7, v8;
	_ =	sdelay $0x1  }
0x2cf: {  	v7 =	vmul.f32 $8.838834610e-02, v7;
	_ =	sdelay $0x1  }
0x2d0: {  	v7 =	vmul.f32 $1.442695020e+00, v7;
	_ =	sdelay $0x1  }
0x2d1: {  	(erf) = vpow2.f32 v7;
	_ =	sdelay $0x8  }
0x2d2: {  	v7 =	vpop (erf)  }
0x2d3: {  	v5 =	vmul.f32 v7, v5  }
0x2d4: {  	v63 =	vmul.f32 v7, v43;
	[tilespmem:s9+$0x150] =	vst v7  }
0x2d5: {  	[tilespmem:s9+$0xB0] =	vst v5;
	v5 =	vmul.f32 v7, v6  }
0x2d6: {  	[tilespmem:s9+$0xC0] =	vst v63;
	v6 =	vmul.f32 v7, v45  }
0x2d7: {  	[tilespmem:s9+$0xD0] =	vst v5;
	v5 =	vmul.f32 v7, v9  }
0x2d8: {  	[tilespmem:s9+$0xE0] =	vst v6;
	v6 =	vmul.f32 v7, v50  }
0x2d9: {  	p0 =	sne.s32 s29, $0x500;
	[tilespmem:s9+$0xF0] =	vst v5;
	v5 =	vmul.f32 v7, v11  }
.Ltmp4:
0x2da: {  	[tilespmem:s9+$0x100] =	vst v6;
	v6 =	vmul.f32 v7, v51;
	(pc) =	sbr.rel @p0 .LBB2_7-.Ltmp4, $4  }
0x2db: {  	[tilespmem:s9+$0x110] =	vst v5;
	v5 =	vmul.f32 v7, v57  }
0x2dc: {  	[tilespmem:s9+$0x120] =	vst v6;
	v6 =	vmul.f32 v7, v60  }
0x2dd: {  	s29 =	sadd.s32 $0x100, s29;
	[tilespmem:s9+$0x130] =	vst v5  }
0x2de: {  	s24 =	sadd.s32 $0x140, s24;
	s11 =	sadd.s32 $0x100, s11;
	[tilespmem:s9+$0x140] =	vst v6;
	s9 =	sadd.s32 $0x2C0, s9  }
0x2df: {  	s9 =	simm.s32 $0x38  }
0x2e0: {  	[spmem:s2] =	stream.indirect.scatter.add.f32 [tilespmem:s3], [sflag:$0xC], $0xB0, s9, s22, $0xb8;
	[tilespmem:$0x1FBD0] =	vst v63  }
0x2e1: {  	s9 =	sld [smem:$0x7F7];
	_ =	sdelay $0x1  }
0x2e2: {  	p0 =	seq.s32 s23, $0x7C  }
0x2e3: {  	s9 =	sadd.s32 @!p0 s10, s9  }
0x2e4: {  	s15 =	simm.s32 @!p0 $0x28;
	s11 =	sshrl.u32 @!p0 s9, $0x3  }
0x2e5: {  	s24 =	simm.s32 @!p0 $0x4E200;
	s29 =	simm.s32 @!p0 $0x0;
	s11 =	sadd.s32 @!p0 s7, s11  }
0x2e6: {  	[tilespmem:s29], [sflag:$0xD] =	stream.strided.gather @!p0 [hbm4b:s11+s15], $0x50, s24, s15, $0x38;
	[tilespmem:$0x1FBD0] =	vst v63  }
0x2e7: {  	_ =	swait.ge [sflag:s4], $0x400  }
0x2e8: {  	[sflag:s4] =	ssyncset.done $0x0  }
0x2e9: {  	[sflag:s4] =	ssyncadd.s32 $0xFFFFFC00  }
0x2ea: {  	_ =	swait.ge [sflag:s12], $0x500  }
0x2eb: {  	[sflag:s12] =	ssyncset.done $0x0  }
0x2ec: {  	[sflag:s12] =	ssyncadd.s32 $0xFFFFFB00  }
0x2ed: {  	_ =	swait.ge [sflag:s13], $0x600  }
0x2ee: {  	[sflag:s13] =	ssyncset.done $0x0  }
0x2ef: {  	[sflag:s13] =	ssyncadd.s32 $0xFFFFFA00  }
0x2f0: {  	_ =	swait.ge [sflag:s14], $0x780  }
0x2f1: {  	[sflag:s14] =	ssyncset.done $0x0  }
0x2f2: {  	[sflag:s14] =	ssyncadd.s32 $0xFFFFF880  }
0x2f3: {  	_ =	swait.ge [sflag:s20], $0x280  }
0x2f4: {  	[sflag:s20] =	ssyncset.done $0x0  }
0x2f5: {  	s11 =	simm.s32 @!p0 $0xD;
	[sflag:s20] =	ssyncadd.s32 $0xFFFFFD80  }
0x2f6: {  	_ =	swait.ge @!p0 [sflag:s11], $0x50  }
0x2f7: {  	[sflag:s11] =	ssyncset.done @!p0 $0x0  }
0x2f8: {  	s24 =	simm.s32 @!p0 $0xA0;
	[sflag:s11] =	ssyncadd.s32 @!p0 $0xFFFFFFB0;
	s11 =	simm.s32 @!p0 $0x10  }
0x2f9: {  	[tilespmem:s24], [sflag:$0x1] =	stream.indirect.gather @!p0 [hbm4b:s5+s11], $0x40, s29, s11, $0xb8;
	[tilespmem:$0x1FBD0] =	vst v63  }
0x2fa: {  	s24 =	simm.s32 @!p0 $0x14A0  }
0x2fb: {  	[tilespmem:s24], [sflag:$0x2] =	stream.indirect.gather @!p0 [hbm4b:s1+s11], $0x50, s15, s11, $0xb8;
	[tilespmem:$0x1FBD0] =	vst v63  }
0x2fc: {  	s9 =	sshll.u32 @!p0 s9, $0x1;
	s15 =	simm.s32 @!p0 $0x18;
	s24 =	simm.s32 @!p0 $0x4A0  }
0x2fd: {  	[tilespmem:s24], [sflag:$0x3] =	stream.indirect.gather @!p0 [hbm4b:s5+s15], $0x40, s11, s15, $0xb8;
	[tilespmem:$0x1FBD0] =	vst v63  }
0x2fe: {  	s9 =	sand.u32 @!p0 $0xFFFFFE0, s9;
	s11 =	simm.s32 @!p0 $0x38;
	s24 =	simm.s32 @!p0 $0x19A0  }
0x2ff: {  	[tilespmem:s24], [sflag:$0x4] =	stream.indirect.gather @!p0 [hbm4b:s1+s15], $0x50, s11, s15, $0xb8;
	[tilespmem:$0x1FBD0] =	vst v63  }
0x300: {  	s9 =	sadd.s32 @!p0 s6, s9;
	s11 =	simm.s32 @!p0 $0x2DA0  }
0x301: {  	[tilespmem:s11], [sflag:$0x5] =	stream.linear.gather @!p0 [hbm4b:s9+s29], $0x280, $0x38;
	[tilespmem:$0x1FBD0] =	vst v63  }
0x302: {  	_ =	swait.ge [sflag:s8], $0xB00  }
0x303: {  	s24 =	simm.s32 $0x21C0;
	s29 =	simm.s32 $0x0;
	[sflag:s8] =	ssyncset.done $0x0  }
0x304: {  	s9 =	simm.s32 $0xB20;
	s11 =	simm.s32 $0x3400;
	[sflag:s8] =	ssyncadd.s32 $0xFFFFF500  }
.LBB2_9:
0x305: {  	v5 =	vld [tilespmem:s9+$0xFFFFFF80]  }
0x306: {  	v6 =	vld [tilespmem:s9+$0xFFFFFF90]  }
0x307: {  	v7 =	vld [tilespmem:s24+$0xFFFFFF60]  }
0x308: {  	v8 =	vld [tilespmem:s24+$0xFFFFFF70]  }
0x309: {  	v9 =	vld [tilespmem:s9+$0xFFFFFFA0]  }
0x30a: {  	v11 =	vld [tilespmem:s9+$0xFFFFFFB0]  }
0x30b: {  	v14 =	vld [tilespmem:s24+$0xFFFFFF80];
	_ =	sdelay $0x1  }
0x30c: {  	v10 =	vunpack.i.u.bf16.f32 v5;
	v5 =	vunpack.i.l.bf16.f32 v5;
	v12 =	vunpack.i.u.bf16.f32 v6  }
0x30d: {  	v16 =	vld [tilespmem:s24+$0xFFFFFF90];
	v13 =	vunpack.i.l.bf16.f32 v7;
	v6 =	vunpack.i.l.bf16.f32 v6;
	v7 =	vunpack.i.u.bf16.f32 v7  }
0x30e: {  	v15 =	vunpack.i.u.bf16.f32 v8;
	v8 =	vunpack.i.l.bf16.f32 v8;
	v17 =	vunpack.i.u.bf16.f32 v9  }
0x30f: {  	v9 =	vunpack.i.l.bf16.f32 v9;
	v18 =	vunpack.i.u.bf16.f32 v11;
	v33 =	vunpack.i.u.bf16.f32 v14  }
0x310: {  	v14 =	vunpack.i.l.bf16.f32 v14;
	v13 =	vmul.f32 v13, v5;
	v7 =	vmul.f32 v7, v10  }
0x311: {  	v11 =	vunpack.i.l.bf16.f32 v11;
	v8 =	vmul.f32 v8, v6;
	v15 =	vmul.f32 v15, v12  }
0x312: {  	s15 =	sshra.s32 s29, $0x2;
	v19 =	vld [tilespmem:s24+$0xFFFFFFA0];
	v35 =	vunpack.i.u.bf16.f32 v16;
	v16 =	vunpack.i.l.bf16.f32 v16;
	v14 =	vmul.f32 v14, v9  }
0x313: {  	v34 =	vld [tilespmem:s15+$0x3020];
	v7 =	vadd.f32 v13, v7;
	v8 =	vadd.f32 v8, v15;
	v13 =	vmul.f32 v33, v17  }
0x314: {  	v36 =	vmul.f32 v16, v11  }
0x315: {  	v7 =	vadd.f32 v8, v7;
	v13 =	vadd.f32 v14, v13;
	v8 =	vmul.f32 v35, v18;
	_ =	sdelay $0x1  }
0x316: {  	v7 =	vadd.f32 v13, v7;
	v8 =	vadd.f32 v36, v8  }
0x317: {  	v38 =	vunpack.i.l.bf16.f32 v19;
	v37 =	vunpack.i.l.bf16.f32 v34  }
0x318: {  	v39 =	vmul.f32 v38, v37;
	v7 =	vadd.f32 v8, v7  }
0x319: {  	v41 =	vunpack.i.u.bf16.f32 v19;
	v40 =	vunpack.i.u.bf16.f32 v34  }
0x31a: {  	v42 =	vmul.f32 v41, v40;
	v7 =	vadd.f32 v39, v7;
	_ =	sdelay $0x1  }
0x31b: {  	v7 =	vadd.f32 v7, v42;
	_ =	sdelay $0x1  }
0x31c: {  	v8 =	vperm.xlane v7, v1;
	_ =	sdelay $0x1  }
0x31d: {  	v7 =	vadd.f32 v7, v8;
	_ =	sdelay $0x1  }
0x31e: {  	v8 =	vperm.xlane v7, v2;
	_ =	sdelay $0x1  }
0x31f: {  	v7 =	vadd.f32 v7, v8;
	_ =	sdelay $0x1  }
0x320: {  	v8 =	vperm.xlane v7, v3;
	_ =	sdelay $0x1  }
0x321: {  	v7 =	vadd.f32 v7, v8;
	_ =	sdelay $0x1  }
0x322: {  	v8 =	vperm.xlane v7, v4;
	_ =	sdelay $0x1  }
0x323: {  	v7 =	vadd.f32 v7, v8;
	_ =	sdelay $0x1  }
0x324: {  	v7 =	vmul.f32 $8.838834610e-02, v7;
	_ =	sdelay $0x1  }
0x325: {  	v7 =	vmul.f32 $1.442695020e+00, v7;
	_ =	sdelay $0x1  }
0x326: {  	(erf) = vpow2.f32 v7;
	_ =	sdelay $0x8  }
0x327: {  	v7 =	vpop (erf)  }
0x328: {  	v5 =	vmul.f32 v7, v5  }
0x329: {  	v43 =	vmul.f32 v7, v10;
	[tilespmem:s11+$0xFFFFFF40] =	vst v7  }
0x32a: {  	[tilespmem:s11+$0xFFFFFEA0] =	vst v5;
	v5 =	vmul.f32 v7, v6  }
0x32b: {  	[tilespmem:s11+$0xFFFFFEB0] =	vst v43;
	v6 =	vmul.f32 v7, v12  }
0x32c: {  	[tilespmem:s11+$0xFFFFFEC0] =	vst v5;
	v5 =	vmul.f32 v7, v9  }
0x32d: {  	[tilespmem:s11+$0xFFFFFED0] =	vst v6;
	v6 =	vmul.f32 v7, v17  }
0x32e: {  	[tilespmem:s11+$0xFFFFFEE0] =	vst v5;
	v5 =	vmul.f32 v7, v11  }
0x32f: {  	[tilespmem:s11+$0xFFFFFEF0] =	vst v6;
	v6 =	vmul.f32 v7, v18  }
0x330: {  	[tilespmem:s11+$0xFFFFFF00] =	vst v5;
	v5 =	vmul.f32 v7, v37  }
0x331: {  	[tilespmem:s11+$0xFFFFFF10] =	vst v6;
	v6 =	vmul.f32 v7, v40  }
0x332: {  	[tilespmem:s11+$0xFFFFFF20] =	vst v5  }
0x333: {  	[tilespmem:s11+$0xFFFFFF30] =	vst v6  }
0x334: {  	v5 =	vld [tilespmem:s9+$0xFFFFFFC0]  }
0x335: {  	v6 =	vld [tilespmem:s9+$0xFFFFFFD0]  }
0x336: {  	v7 =	vld [tilespmem:s24+$0xFFFFFFB0]  }
0x337: {  	v8 =	vld [tilespmem:s24+$0xFFFFFFC0]  }
0x338: {  	v44 =	vld [tilespmem:s9+$0xFFFFFFE0]  }
0x339: {  	v49 =	vld [tilespmem:s24+$0xFFFFFFD0]  }
0x33a: {  	v46 =	vld [tilespmem:s9+$0xFFFFFFF0];
	v45 =	vunpack.i.u.bf16.f32 v5  }
0x33b: {  	v51 =	vld [tilespmem:s24+$0xFFFFFFE0];
	v5 =	vunpack.i.l.bf16.f32 v5;
	v47 =	vunpack.i.u.bf16.f32 v6;
	v48 =	vunpack.i.l.bf16.f32 v7  }
0x33c: {  	v6 =	vunpack.i.l.bf16.f32 v6;
	v7 =	vunpack.i.u.bf16.f32 v7;
	v50 =	vunpack.i.u.bf16.f32 v8  }
0x33d: {  	v8 =	vunpack.i.l.bf16.f32 v8;
	v52 =	vunpack.i.u.bf16.f32 v44;
	v9 =	vunpack.i.l.bf16.f32 v44  }
0x33e: {  	v54 =	vunpack.i.u.bf16.f32 v49;
	v13 =	vmul.f32 v48, v5;
	v7 =	vmul.f32 v7, v45  }
0x33f: {  	v14 =	vunpack.i.l.bf16.f32 v49;
	v8 =	vmul.f32 v8, v6;
	v15 =	vmul.f32 v50, v47  }
0x340: {  	v55 =	vld [tilespmem:s15+$0x3030];
	v11 =	vunpack.i.l.bf16.f32 v46;
	v16 =	vunpack.i.l.bf16.f32 v51;
	v14 =	vmul.f32 v14, v9  }
0x341: {  	v56 =	vld [tilespmem:s24+$0xFFFFFFF0];
	v7 =	vadd.f32 v13, v7;
	v8 =	vadd.f32 v8, v15;
	v13 =	vmul.f32 v54, v52  }
0x342: {  	v53 =	vunpack.i.u.bf16.f32 v46;
	v57 =	vunpack.i.u.bf16.f32 v51;
	v58 =	vmul.f32 v16, v11  }
0x343: {  	v7 =	vadd.f32 v8, v7;
	v13 =	vadd.f32 v14, v13;
	v8 =	vmul.f32 v57, v53;
	_ =	sdelay $0x1  }
0x344: {  	v7 =	vadd.f32 v13, v7;
	v8 =	vadd.f32 v58, v8  }
0x345: {  	v59 =	vunpack.i.l.bf16.f32 v55;
	v60 =	vunpack.i.l.bf16.f32 v56  }
0x346: {  	v61 =	vmul.f32 v60, v59;
	v7 =	vadd.f32 v8, v7  }
0x347: {  	v62 =	vunpack.i.u.bf16.f32 v55;
	v63 =	vunpack.i.u.bf16.f32 v56  }
0x348: {  	v16 =	vmul.f32 v63, v62;
	v7 =	vadd.f32 v61, v7;
	_ =	sdelay $0x1  }
0x349: {  	v7 =	vadd.f32 v7, v16;
	_ =	sdelay $0x1  }
0x34a: {  	v8 =	vperm.xlane v7, v1;
	_ =	sdelay $0x1  }
0x34b: {  	v7 =	vadd.f32 v7, v8;
	_ =	sdelay $0x1  }
0x34c: {  	v8 =	vperm.xlane v7, v2;
	_ =	sdelay $0x1  }
0x34d: {  	v7 =	vadd.f32 v7, v8;
	_ =	sdelay $0x1  }
0x34e: {  	v8 =	vperm.xlane v7, v3;
	_ =	sdelay $0x1  }
0x34f: {  	v7 =	vadd.f32 v7, v8;
	_ =	sdelay $0x1  }
0x350: {  	v8 =	vperm.xlane v7, v4;
	_ =	sdelay $0x1  }
0x351: {  	v7 =	vadd.f32 v7, v8;
	_ =	sdelay $0x1  }
0x352: {  	v7 =	vmul.f32 $8.838834610e-02, v7;
	_ =	sdelay $0x1  }
0x353: {  	v7 =	vmul.f32 $1.442695020e+00, v7;
	_ =	sdelay $0x1  }
0x354: {  	(erf) = vpow2.f32 v7;
	_ =	sdelay $0x8  }
0x355: {  	v7 =	vpop (erf)  }
0x356: {  	v5 =	vmul.f32 v7, v5  }
0x357: {  	v19 =	vmul.f32 v7, v45;
	[tilespmem:s11+$0xFFFFFFF0] =	vst v7  }
0x358: {  	[tilespmem:s11+$0xFFFFFF50] =	vst v5;
	v5 =	vmul.f32 v7, v6  }
0x359: {  	[tilespmem:s11+$0xFFFFFF60] =	vst v19;
	v6 =	vmul.f32 v7, v47  }
0x35a: {  	[tilespmem:s11+$0xFFFFFF70] =	vst v5;
	v5 =	vmul.f32 v7, v9  }
0x35b: {  	[tilespmem:s11+$0xFFFFFF80] =	vst v6;
	v6 =	vmul.f32 v7, v52  }
0x35c: {  	[tilespmem:s11+$0xFFFFFF90] =	vst v5;
	v5 =	vmul.f32 v7, v11  }
0x35d: {  	[tilespmem:s11+$0xFFFFFFA0] =	vst v6;
	v6 =	vmul.f32 v7, v53  }
0x35e: {  	[tilespmem:s11+$0xFFFFFFB0] =	vst v5;
	v5 =	vmul.f32 v7, v59  }
0x35f: {  	[tilespmem:s11+$0xFFFFFFC0] =	vst v6;
	v6 =	vmul.f32 v7, v62  }
0x360: {  	[tilespmem:s11+$0xFFFFFFD0] =	vst v5  }
0x361: {  	[tilespmem:s11+$0xFFFFFFE0] =	vst v6  }
0x362: {  	v5 =	vld [tilespmem:s9+$0x0]  }
0x363: {  	v6 =	vld [tilespmem:s9+$0x10]  }
0x364: {  	v7 =	vld [tilespmem:s24+$0x0]  }
0x365: {  	v8 =	vld [tilespmem:s24+$0x10]  }
0x366: {  	v20 =	vld [tilespmem:s9+$0x20]  }
0x367: {  	v25 =	vld [tilespmem:s24+$0x20]  }
0x368: {  	v22 =	vld [tilespmem:s9+$0x30];
	v21 =	vunpack.i.u.bf16.f32 v5  }
0x369: {  	v27 =	vld [tilespmem:s24+$0x30];
	v5 =	vunpack.i.l.bf16.f32 v5;
	v23 =	vunpack.i.u.bf16.f32 v6;
	v24 =	vunpack.i.l.bf16.f32 v7  }
0x36a: {  	v6 =	vunpack.i.l.bf16.f32 v6;
	v7 =	vunpack.i.u.bf16.f32 v7;
	v26 =	vunpack.i.u.bf16.f32 v8  }
0x36b: {  	v8 =	vunpack.i.l.bf16.f32 v8;
	v28 =	vunpack.i.u.bf16.f32 v20;
	v9 =	vunpack.i.l.bf16.f32 v20  }
0x36c: {  	v30 =	vunpack.i.u.bf16.f32 v25;
	v13 =	vmul.f32 v24, v5;
	v7 =	vmul.f32 v7, v21  }
0x36d: {  	v14 =	vunpack.i.l.bf16.f32 v25;
	v8 =	vmul.f32 v8, v6;
	v15 =	vmul.f32 v26, v23  }
0x36e: {  	v31 =	vld [tilespmem:s15+$0x3040];
	v11 =	vunpack.i.l.bf16.f32 v22;
	v16 =	vunpack.i.l.bf16.f32 v27;
	v14 =	vmul.f32 v14, v9  }
0x36f: {  	v32 =	vld [tilespmem:s24+$0x40];
	v7 =	vadd.f32 v13, v7;
	v8 =	vadd.f32 v8, v15;
	v13 =	vmul.f32 v30, v28  }
0x370: {  	v29 =	vunpack.i.u.bf16.f32 v22;
	v33 =	vunpack.i.u.bf16.f32 v27;
	v34 =	vmul.f32 v16, v11  }
0x371: {  	v7 =	vadd.f32 v8, v7;
	v13 =	vadd.f32 v14, v13;
	v8 =	vmul.f32 v33, v29;
	_ =	sdelay $0x1  }
0x372: {  	v7 =	vadd.f32 v13, v7;
	v8 =	vadd.f32 v34, v8  }
0x373: {  	v35 =	vunpack.i.l.bf16.f32 v31;
	v36 =	vunpack.i.l.bf16.f32 v32  }
0x374: {  	v37 =	vmul.f32 v36, v35;
	v7 =	vadd.f32 v8, v7  }
0x375: {  	v38 =	vunpack.i.u.bf16.f32 v31;
	v39 =	vunpack.i.u.bf16.f32 v32  }
0x376: {  	v40 =	vmul.f32 v39, v38;
	v7 =	vadd.f32 v37, v7;
	_ =	sdelay $0x1  }
0x377: {  	v7 =	vadd.f32 v7, v40;
	_ =	sdelay $0x1  }
0x378: {  	v8 =	vperm.xlane v7, v1;
	_ =	sdelay $0x1  }
0x379: {  	v7 =	vadd.f32 v7, v8;
	_ =	sdelay $0x1  }
0x37a: {  	v8 =	vperm.xlane v7, v2;
	_ =	sdelay $0x1  }
0x37b: {  	v7 =	vadd.f32 v7, v8;
	_ =	sdelay $0x1  }
0x37c: {  	v8 =	vperm.xlane v7, v3;
	_ =	sdelay $0x1  }
0x37d: {  	v7 =	vadd.f32 v7, v8;
	_ =	sdelay $0x1  }
0x37e: {  	v8 =	vperm.xlane v7, v4;
	_ =	sdelay $0x1  }
0x37f: {  	v7 =	vadd.f32 v7, v8;
	_ =	sdelay $0x1  }
0x380: {  	v7 =	vmul.f32 $8.838834610e-02, v7;
	_ =	sdelay $0x1  }
0x381: {  	v7 =	vmul.f32 $1.442695020e+00, v7;
	_ =	sdelay $0x1  }
0x382: {  	(erf) = vpow2.f32 v7;
	_ =	sdelay $0x8  }
0x383: {  	v7 =	vpop (erf)  }
0x384: {  	v5 =	vmul.f32 v7, v5  }
0x385: {  	v41 =	vmul.f32 v7, v21;
	[tilespmem:s11+$0xA0] =	vst v7  }
0x386: {  	[tilespmem:s11+$0x0] =	vst v5;
	v5 =	vmul.f32 v7, v6  }
0x387: {  	[tilespmem:s11+$0x10] =	vst v41;
	v6 =	vmul.f32 v7, v23  }
0x388: {  	[tilespmem:s11+$0x20] =	vst v5;
	v5 =	vmul.f32 v7, v9  }
0x389: {  	[tilespmem:s11+$0x30] =	vst v6;
	v6 =	vmul.f32 v7, v28  }
0x38a: {  	[tilespmem:s11+$0x40] =	vst v5;
	v5 =	vmul.f32 v7, v11  }
0x38b: {  	[tilespmem:s11+$0x50] =	vst v6;
	v6 =	vmul.f32 v7, v29  }
0x38c: {  	[tilespmem:s11+$0x60] =	vst v5;
	v5 =	vmul.f32 v7, v35  }
0x38d: {  	[tilespmem:s11+$0x70] =	vst v6;
	v6 =	vmul.f32 v7, v38  }
0x38e: {  	[tilespmem:s11+$0x80] =	vst v5  }
0x38f: {  	[tilespmem:s11+$0x90] =	vst v6  }
0x390: {  	v5 =	vld [tilespmem:s9+$0x40]  }
0x391: {  	v6 =	vld [tilespmem:s9+$0x50]  }
0x392: {  	v7 =	vld [tilespmem:s24+$0x50]  }
0x393: {  	v8 =	vld [tilespmem:s24+$0x60]  }
0x394: {  	v42 =	vld [tilespmem:s9+$0x60]  }
0x395: {  	v47 =	vld [tilespmem:s24+$0x70]  }
0x396: {  	v44 =	vld [tilespmem:s9+$0x70];
	v43 =	vunpack.i.u.bf16.f32 v5  }
0x397: {  	v49 =	vld [tilespmem:s24+$0x80];
	v5 =	vunpack.i.l.bf16.f32 v5;
	v45 =	vunpack.i.u.bf16.f32 v6;
	v46 =	vunpack.i.l.bf16.f32 v7  }
0x398: {  	v6 =	vunpack.i.l.bf16.f32 v6;
	v7 =	vunpack.i.u.bf16.f32 v7;
	v48 =	vunpack.i.u.bf16.f32 v8  }
0x399: {  	v8 =	vunpack.i.l.bf16.f32 v8;
	v50 =	vunpack.i.u.bf16.f32 v42;
	v9 =	vunpack.i.l.bf16.f32 v42  }
0x39a: {  	v52 =	vunpack.i.u.bf16.f32 v47;
	v13 =	vmul.f32 v46, v5;
	v7 =	vmul.f32 v7, v43  }
0x39b: {  	v14 =	vunpack.i.l.bf16.f32 v47;
	v8 =	vmul.f32 v8, v6;
	v15 =	vmul.f32 v48, v45  }
0x39c: {  	v53 =	vld [tilespmem:s15+$0x3050];
	v11 =	vunpack.i.l.bf16.f32 v44;
	v16 =	vunpack.i.l.bf16.f32 v49;
	v14 =	vmul.f32 v14, v9  }
0x39d: {  	v54 =	vld [tilespmem:s24+$0x90];
	v7 =	vadd.f32 v13, v7;
	v8 =	vadd.f32 v8, v15;
	v13 =	vmul.f32 v52, v50  }
0x39e: {  	v51 =	vunpack.i.u.bf16.f32 v44;
	v55 =	vunpack.i.u.bf16.f32 v49;
	v56 =	vmul.f32 v16, v11  }
0x39f: {  	v7 =	vadd.f32 v8, v7;
	v13 =	vadd.f32 v14, v13;
	v8 =	vmul.f32 v55, v51;
	_ =	sdelay $0x1  }
0x3a0: {  	v7 =	vadd.f32 v13, v7;
	v8 =	vadd.f32 v56, v8  }
0x3a1: {  	v57 =	vunpack.i.l.bf16.f32 v53;
	v58 =	vunpack.i.l.bf16.f32 v54  }
0x3a2: {  	v59 =	vmul.f32 v58, v57;
	v7 =	vadd.f32 v8, v7  }
0x3a3: {  	v60 =	vunpack.i.u.bf16.f32 v53;
	v61 =	vunpack.i.u.bf16.f32 v54  }
0x3a4: {  	v62 =	vmul.f32 v61, v60;
	v7 =	vadd.f32 v59, v7;
	_ =	sdelay $0x1  }
0x3a5: {  	v7 =	vadd.f32 v7, v62;
	_ =	sdelay $0x1  }
0x3a6: {  	v8 =	vperm.xlane v7, v1;
	_ =	sdelay $0x1  }
0x3a7: {  	v7 =	vadd.f32 v7, v8;
	_ =	sdelay $0x1  }
0x3a8: {  	v8 =	vperm.xlane v7, v2;
	_ =	sdelay $0x1  }
0x3a9: {  	v7 =	vadd.f32 v7, v8;
	_ =	sdelay $0x1  }
0x3aa: {  	v8 =	vperm.xlane v7, v3;
	_ =	sdelay $0x1  }
0x3ab: {  	v7 =	vadd.f32 v7, v8;
	_ =	sdelay $0x1  }
0x3ac: {  	v8 =	vperm.xlane v7, v4;
	_ =	sdelay $0x1  }
0x3ad: {  	v7 =	vadd.f32 v7, v8;
	_ =	sdelay $0x1  }
0x3ae: {  	v7 =	vmul.f32 $8.838834610e-02, v7;
	_ =	sdelay $0x1  }
0x3af: {  	v7 =	vmul.f32 $1.442695020e+00, v7;
	_ =	sdelay $0x1  }
0x3b0: {  	(erf) = vpow2.f32 v7;
	_ =	sdelay $0x8  }
0x3b1: {  	v7 =	vpop (erf)  }
0x3b2: {  	v5 =	vmul.f32 v7, v5  }
0x3b3: {  	v63 =	vmul.f32 v7, v43;
	[tilespmem:s11+$0x150] =	vst v7  }
0x3b4: {  	[tilespmem:s11+$0xB0] =	vst v5;
	v5 =	vmul.f32 v7, v6  }
0x3b5: {  	[tilespmem:s11+$0xC0] =	vst v63;
	v6 =	vmul.f32 v7, v45  }
0x3b6: {  	[tilespmem:s11+$0xD0] =	vst v5;
	v5 =	vmul.f32 v7, v9  }
0x3b7: {  	[tilespmem:s11+$0xE0] =	vst v6;
	v6 =	vmul.f32 v7, v50  }
0x3b8: {  	p1 =	sne.s32 s29, $0x300;
	[tilespmem:s11+$0xF0] =	vst v5;
	v5 =	vmul.f32 v7, v11  }
.Ltmp5:
0x3b9: {  	[tilespmem:s11+$0x100] =	vst v6;
	v6 =	vmul.f32 v7, v51;
	(pc) =	sbr.rel @p1 .LBB2_9-.Ltmp5, $4  }
0x3ba: {  	[tilespmem:s11+$0x110] =	vst v5;
	v5 =	vmul.f32 v7, v57  }
0x3bb: {  	[tilespmem:s11+$0x120] =	vst v6;
	v6 =	vmul.f32 v7, v60  }
0x3bc: {  	s29 =	sadd.s32 $0x100, s29;
	[tilespmem:s11+$0x130] =	vst v5  }
0x3bd: {  	s9 =	sadd.s32 $0x100, s9;
	s24 =	sadd.s32 $0x140, s24;
	[tilespmem:s11+$0x140] =	vst v6;
	s11 =	sadd.s32 $0x2C0, s11  }
0x3be: {  	s9 =	simm.s32 $0x78  }
0x3bf: {  	[spmem:s2] =	stream.indirect.scatter.add.f32 [tilespmem:s16], [sflag:$0xB], $0xB0, s9, s21, $0xb8;
	[tilespmem:$0x1FBD0] =	vst v63  }
0x3c0: {  	_ =	swait.ge [sflag:s19], $0x1080  }
0x3c1: {  	s29 =	simm.s32 $0x0;
	s24 =	simm.s32 $0x2750;
	[sflag:s19] =	ssyncset.done $0x0  }
0x3c2: {  	s11 =	simm.s32 $0xF90;
	s9 =	simm.s32 $0x3F00;
	[sflag:s19] =	ssyncadd.s32 $0xFFFFEF80  }
.LBB2_11:
0x3c3: {  	v5 =	vld [tilespmem:s11+$0xFFFFFF10]  }
0x3c4: {  	v6 =	vld [tilespmem:s11+$0xFFFFFF20]  }
0x3c5: {  	v7 =	vld [tilespmem:s24+$0xFFFFFED0]  }
0x3c6: {  	v8 =	vld [tilespmem:s24+$0xFFFFFEE0]  }
0x3c7: {  	v9 =	vld [tilespmem:s11+$0xFFFFFF30]  }
0x3c8: {  	v11 =	vld [tilespmem:s11+$0xFFFFFF40]  }
0x3c9: {  	v14 =	vld [tilespmem:s24+$0xFFFFFEF0];
	_ =	sdelay $0x1  }
0x3ca: {  	v10 =	vunpack.i.u.bf16.f32 v5;
	v5 =	vunpack.i.l.bf16.f32 v5;
	v12 =	vunpack.i.u.bf16.f32 v6  }
0x3cb: {  	v16 =	vld [tilespmem:s24+$0xFFFFFF00];
	v13 =	vunpack.i.l.bf16.f32 v7;
	v6 =	vunpack.i.l.bf16.f32 v6;
	v7 =	vunpack.i.u.bf16.f32 v7  }
0x3cc: {  	v15 =	vunpack.i.u.bf16.f32 v8;
	v8 =	vunpack.i.l.bf16.f32 v8;
	v17 =	vunpack.i.u.bf16.f32 v9  }
0x3cd: {  	v9 =	vunpack.i.l.bf16.f32 v9;
	v18 =	vunpack.i.u.bf16.f32 v11;
	v33 =	vunpack.i.u.bf16.f32 v14  }
0x3ce: {  	v14 =	vunpack.i.l.bf16.f32 v14;
	v13 =	vmul.f32 v13, v5;
	v7 =	vmul.f32 v7, v10  }
0x3cf: {  	v11 =	vunpack.i.l.bf16.f32 v11;
	v8 =	vmul.f32 v8, v6;
	v15 =	vmul.f32 v15, v12  }
0x3d0: {  	s15 =	sshra.s32 s29, $0x2;
	v19 =	vld [tilespmem:s24+$0xFFFFFF10];
	v35 =	vunpack.i.u.bf16.f32 v16;
	v16 =	vunpack.i.l.bf16.f32 v16;
	v14 =	vmul.f32 v14, v9  }
0x3d1: {  	v34 =	vld [tilespmem:s15+$0x3120];
	v7 =	vadd.f32 v13, v7;
	v8 =	vadd.f32 v8, v15;
	v13 =	vmul.f32 v33, v17  }
0x3d2: {  	v36 =	vmul.f32 v16, v11  }
0x3d3: {  	v7 =	vadd.f32 v8, v7;
	v13 =	vadd.f32 v14, v13;
	v8 =	vmul.f32 v35, v18;
	_ =	sdelay $0x1  }
0x3d4: {  	v7 =	vadd.f32 v13, v7;
	v8 =	vadd.f32 v36, v8  }
0x3d5: {  	v38 =	vunpack.i.l.bf16.f32 v19;
	v37 =	vunpack.i.l.bf16.f32 v34  }
0x3d6: {  	v39 =	vmul.f32 v38, v37;
	v7 =	vadd.f32 v8, v7  }
0x3d7: {  	v41 =	vunpack.i.u.bf16.f32 v19;
	v40 =	vunpack.i.u.bf16.f32 v34  }
0x3d8: {  	v42 =	vmul.f32 v41, v40;
	v7 =	vadd.f32 v39, v7;
	_ =	sdelay $0x1  }
0x3d9: {  	v7 =	vadd.f32 v7, v42;
	_ =	sdelay $0x1  }
0x3da: {  	v8 =	vperm.xlane v7, v1;
	_ =	sdelay $0x1  }
0x3db: {  	v7 =	vadd.f32 v7, v8;
	_ =	sdelay $0x1  }
0x3dc: {  	v8 =	vperm.xlane v7, v2;
	_ =	sdelay $0x1  }
0x3dd: {  	v7 =	vadd.f32 v7, v8;
	_ =	sdelay $0x1  }
0x3de: {  	v8 =	vperm.xlane v7, v3;
	_ =	sdelay $0x1  }
0x3df: {  	v7 =	vadd.f32 v7, v8;
	_ =	sdelay $0x1  }
0x3e0: {  	v8 =	vperm.xlane v7, v4;
	_ =	sdelay $0x1  }
0x3e1: {  	v7 =	vadd.f32 v7, v8;
	_ =	sdelay $0x1  }
0x3e2: {  	v7 =	vmul.f32 $8.838834610e-02, v7;
	_ =	sdelay $0x1  }
0x3e3: {  	v7 =	vmul.f32 $1.442695020e+00, v7;
	_ =	sdelay $0x1  }
0x3e4: {  	(erf) = vpow2.f32 v7;
	_ =	sdelay $0x8  }
0x3e5: {  	v7 =	vpop (erf)  }
0x3e6: {  	v5 =	vmul.f32 v7, v5  }
0x3e7: {  	v43 =	vmul.f32 v7, v10;
	[tilespmem:s9+$0xFFFFFF40] =	vst v7  }
0x3e8: {  	[tilespmem:s9+$0xFFFFFEA0] =	vst v5;
	v5 =	vmul.f32 v7, v6  }
0x3e9: {  	[tilespmem:s9+$0xFFFFFEB0] =	vst v43;
	v6 =	vmul.f32 v7, v12  }
0x3ea: {  	[tilespmem:s9+$0xFFFFFEC0] =	vst v5;
	v5 =	vmul.f32 v7, v9  }
0x3eb: {  	[tilespmem:s9+$0xFFFFFED0] =	vst v6;
	v6 =	vmul.f32 v7, v17  }
0x3ec: {  	[tilespmem:s9+$0xFFFFFEE0] =	vst v5;
	v5 =	vmul.f32 v7, v11  }
0x3ed: {  	[tilespmem:s9+$0xFFFFFEF0] =	vst v6;
	v6 =	vmul.f32 v7, v18  }
0x3ee: {  	[tilespmem:s9+$0xFFFFFF00] =	vst v5;
	v5 =	vmul.f32 v7, v37  }
0x3ef: {  	[tilespmem:s9+$0xFFFFFF10] =	vst v6;
	v6 =	vmul.f32 v7, v40  }
0x3f0: {  	[tilespmem:s9+$0xFFFFFF20] =	vst v5  }
0x3f1: {  	[tilespmem:s9+$0xFFFFFF30] =	vst v6  }
0x3f2: {  	v5 =	vld [tilespmem:s11+$0xFFFFFF50]  }
0x3f3: {  	v6 =	vld [tilespmem:s11+$0xFFFFFF60]  }
0x3f4: {  	v7 =	vld [tilespmem:s24+$0xFFFFFF20]  }
0x3f5: {  	v8 =	vld [tilespmem:s24+$0xFFFFFF30]  }
0x3f6: {  	v44 =	vld [tilespmem:s11+$0xFFFFFF70]  }
0x3f7: {  	v49 =	vld [tilespmem:s24+$0xFFFFFF40]  }
0x3f8: {  	v46 =	vld [tilespmem:s11+$0xFFFFFF80];
	v45 =	vunpack.i.u.bf16.f32 v5  }
0x3f9: {  	v51 =	vld [tilespmem:s24+$0xFFFFFF50];
	v5 =	vunpack.i.l.bf16.f32 v5;
	v47 =	vunpack.i.u.bf16.f32 v6;
	v48 =	vunpack.i.l.bf16.f32 v7  }
0x3fa: {  	v6 =	vunpack.i.l.bf16.f32 v6;
	v7 =	vunpack.i.u.bf16.f32 v7;
	v50 =	vunpack.i.u.bf16.f32 v8  }
0x3fb: {  	v8 =	vunpack.i.l.bf16.f32 v8;
	v52 =	vunpack.i.u.bf16.f32 v44;
	v9 =	vunpack.i.l.bf16.f32 v44  }
0x3fc: {  	v54 =	vunpack.i.u.bf16.f32 v49;
	v13 =	vmul.f32 v48, v5;
	v7 =	vmul.f32 v7, v45  }
0x3fd: {  	v14 =	vunpack.i.l.bf16.f32 v49;
	v8 =	vmul.f32 v8, v6;
	v15 =	vmul.f32 v50, v47  }
0x3fe: {  	v55 =	vld [tilespmem:s15+$0x3130];
	v11 =	vunpack.i.l.bf16.f32 v46;
	v16 =	vunpack.i.l.bf16.f32 v51;
	v14 =	vmul.f32 v14, v9  }
0x3ff: {  	v56 =	vld [tilespmem:s24+$0xFFFFFF60];
	v7 =	vadd.f32 v13, v7;
	v8 =	vadd.f32 v8, v15;
	v13 =	vmul.f32 v54, v52  }
0x400: {  	v53 =	vunpack.i.u.bf16.f32 v46;
	v57 =	vunpack.i.u.bf16.f32 v51;
	v58 =	vmul.f32 v16, v11  }
0x401: {  	v7 =	vadd.f32 v8, v7;
	v13 =	vadd.f32 v14, v13;
	v8 =	vmul.f32 v57, v53;
	_ =	sdelay $0x1  }
0x402: {  	v7 =	vadd.f32 v13, v7;
	v8 =	vadd.f32 v58, v8  }
0x403: {  	v59 =	vunpack.i.l.bf16.f32 v55;
	v60 =	vunpack.i.l.bf16.f32 v56  }
0x404: {  	v61 =	vmul.f32 v60, v59;
	v7 =	vadd.f32 v8, v7  }
0x405: {  	v62 =	vunpack.i.u.bf16.f32 v55;
	v63 =	vunpack.i.u.bf16.f32 v56  }
0x406: {  	v16 =	vmul.f32 v63, v62;
	v7 =	vadd.f32 v61, v7;
	_ =	sdelay $0x1  }
0x407: {  	v7 =	vadd.f32 v7, v16;
	_ =	sdelay $0x1  }
0x408: {  	v8 =	vperm.xlane v7, v1;
	_ =	sdelay $0x1  }
0x409: {  	v7 =	vadd.f32 v7, v8;
	_ =	sdelay $0x1  }
0x40a: {  	v8 =	vperm.xlane v7, v2;
	_ =	sdelay $0x1  }
0x40b: {  	v7 =	vadd.f32 v7, v8;
	_ =	sdelay $0x1  }
0x40c: {  	v8 =	vperm.xlane v7, v3;
	_ =	sdelay $0x1  }
0x40d: {  	v7 =	vadd.f32 v7, v8;
	_ =	sdelay $0x1  }
0x40e: {  	v8 =	vperm.xlane v7, v4;
	_ =	sdelay $0x1  }
0x40f: {  	v7 =	vadd.f32 v7, v8;
	_ =	sdelay $0x1  }
0x410: {  	v7 =	vmul.f32 $8.838834610e-02, v7;
	_ =	sdelay $0x1  }
0x411: {  	v7 =	vmul.f32 $1.442695020e+00, v7;
	_ =	sdelay $0x1  }
0x412: {  	(erf) = vpow2.f32 v7;
	_ =	sdelay $0x8  }
0x413: {  	v7 =	vpop (erf)  }
0x414: {  	v5 =	vmul.f32 v7, v5  }
0x415: {  	v19 =	vmul.f32 v7, v45;
	[tilespmem:s9+$0xFFFFFFF0] =	vst v7  }
0x416: {  	[tilespmem:s9+$0xFFFFFF50] =	vst v5;
	v5 =	vmul.f32 v7, v6  }
0x417: {  	[tilespmem:s9+$0xFFFFFF60] =	vst v19;
	v6 =	vmul.f32 v7, v47  }
0x418: {  	[tilespmem:s9+$0xFFFFFF70] =	vst v5;
	v5 =	vmul.f32 v7, v9  }
0x419: {  	[tilespmem:s9+$0xFFFFFF80] =	vst v6;
	v6 =	vmul.f32 v7, v52  }
0x41a: {  	[tilespmem:s9+$0xFFFFFF90] =	vst v5;
	v5 =	vmul.f32 v7, v11  }
0x41b: {  	[tilespmem:s9+$0xFFFFFFA0] =	vst v6;
	v6 =	vmul.f32 v7, v53  }
0x41c: {  	[tilespmem:s9+$0xFFFFFFB0] =	vst v5;
	v5 =	vmul.f32 v7, v59  }
0x41d: {  	[tilespmem:s9+$0xFFFFFFC0] =	vst v6;
	v6 =	vmul.f32 v7, v62  }
0x41e: {  	[tilespmem:s9+$0xFFFFFFD0] =	vst v5  }
0x41f: {  	[tilespmem:s9+$0xFFFFFFE0] =	vst v6  }
0x420: {  	v5 =	vld [tilespmem:s11+$0xFFFFFF90]  }
0x421: {  	v6 =	vld [tilespmem:s11+$0xFFFFFFA0]  }
0x422: {  	v7 =	vld [tilespmem:s24+$0xFFFFFF70]  }
0x423: {  	v8 =	vld [tilespmem:s24+$0xFFFFFF80]  }
0x424: {  	v20 =	vld [tilespmem:s11+$0xFFFFFFB0]  }
0x425: {  	v25 =	vld [tilespmem:s24+$0xFFFFFF90]  }
0x426: {  	v22 =	vld [tilespmem:s11+$0xFFFFFFC0];
	v21 =	vunpack.i.u.bf16.f32 v5  }
0x427: {  	v27 =	vld [tilespmem:s24+$0xFFFFFFA0];
	v5 =	vunpack.i.l.bf16.f32 v5;
	v23 =	vunpack.i.u.bf16.f32 v6;
	v24 =	vunpack.i.l.bf16.f32 v7  }
0x428: {  	v6 =	vunpack.i.l.bf16.f32 v6;
	v7 =	vunpack.i.u.bf16.f32 v7;
	v26 =	vunpack.i.u.bf16.f32 v8  }
0x429: {  	v8 =	vunpack.i.l.bf16.f32 v8;
	v28 =	vunpack.i.u.bf16.f32 v20;
	v9 =	vunpack.i.l.bf16.f32 v20  }
0x42a: {  	v30 =	vunpack.i.u.bf16.f32 v25;
	v13 =	vmul.f32 v24, v5;
	v7 =	vmul.f32 v7, v21  }
0x42b: {  	v14 =	vunpack.i.l.bf16.f32 v25;
	v8 =	vmul.f32 v8, v6;
	v15 =	vmul.f32 v26, v23  }
0x42c: {  	v31 =	vld [tilespmem:s15+$0x3140];
	v11 =	vunpack.i.l.bf16.f32 v22;
	v16 =	vunpack.i.l.bf16.f32 v27;
	v14 =	vmul.f32 v14, v9  }
0x42d: {  	v32 =	vld [tilespmem:s24+$0xFFFFFFB0];
	v7 =	vadd.f32 v13, v7;
	v8 =	vadd.f32 v8, v15;
	v13 =	vmul.f32 v30, v28  }
0x42e: {  	v29 =	vunpack.i.u.bf16.f32 v22;
	v33 =	vunpack.i.u.bf16.f32 v27;
	v34 =	vmul.f32 v16, v11  }
0x42f: {  	v7 =	vadd.f32 v8, v7;
	v13 =	vadd.f32 v14, v13;
	v8 =	vmul.f32 v33, v29;
	_ =	sdelay $0x1  }
0x430: {  	v7 =	vadd.f32 v13, v7;
	v8 =	vadd.f32 v34, v8  }
0x431: {  	v35 =	vunpack.i.l.bf16.f32 v31;
	v36 =	vunpack.i.l.bf16.f32 v32  }
0x432: {  	v37 =	vmul.f32 v36, v35;
	v7 =	vadd.f32 v8, v7  }
0x433: {  	v38 =	vunpack.i.u.bf16.f32 v31;
	v39 =	vunpack.i.u.bf16.f32 v32  }
0x434: {  	v40 =	vmul.f32 v39, v38;
	v7 =	vadd.f32 v37, v7;
	_ =	sdelay $0x1  }
0x435: {  	v7 =	vadd.f32 v7, v40;
	_ =	sdelay $0x1  }
0x436: {  	v8 =	vperm.xlane v7, v1;
	_ =	sdelay $0x1  }
0x437: {  	v7 =	vadd.f32 v7, v8;
	_ =	sdelay $0x1  }
0x438: {  	v8 =	vperm.xlane v7, v2;
	_ =	sdelay $0x1  }
0x439: {  	v7 =	vadd.f32 v7, v8;
	_ =	sdelay $0x1  }
0x43a: {  	v8 =	vperm.xlane v7, v3;
	_ =	sdelay $0x1  }
0x43b: {  	v7 =	vadd.f32 v7, v8;
	_ =	sdelay $0x1  }
0x43c: {  	v8 =	vperm.xlane v7, v4;
	_ =	sdelay $0x1  }
0x43d: {  	v7 =	vadd.f32 v7, v8;
	_ =	sdelay $0x1  }
0x43e: {  	v7 =	vmul.f32 $8.838834610e-02, v7;
	_ =	sdelay $0x1  }
0x43f: {  	v7 =	vmul.f32 $1.442695020e+00, v7;
	_ =	sdelay $0x1  }
0x440: {  	(erf) = vpow2.f32 v7;
	_ =	sdelay $0x8  }
0x441: {  	v7 =	vpop (erf)  }
0x442: {  	v5 =	vmul.f32 v7, v5  }
0x443: {  	v41 =	vmul.f32 v7, v21;
	[tilespmem:s9+$0xA0] =	vst v7  }
0x444: {  	[tilespmem:s9+$0x0] =	vst v5;
	v5 =	vmul.f32 v7, v6  }
0x445: {  	[tilespmem:s9+$0x10] =	vst v41;
	v6 =	vmul.f32 v7, v23  }
0x446: {  	[tilespmem:s9+$0x20] =	vst v5;
	v5 =	vmul.f32 v7, v9  }
0x447: {  	[tilespmem:s9+$0x30] =	vst v6;
	v6 =	vmul.f32 v7, v28  }
0x448: {  	[tilespmem:s9+$0x40] =	vst v5;
	v5 =	vmul.f32 v7, v11  }
0x449: {  	[tilespmem:s9+$0x50] =	vst v6;
	v6 =	vmul.f32 v7, v29  }
0x44a: {  	[tilespmem:s9+$0x60] =	vst v5;
	v5 =	vmul.f32 v7, v35  }
0x44b: {  	[tilespmem:s9+$0x70] =	vst v6;
	v6 =	vmul.f32 v7, v38  }
0x44c: {  	[tilespmem:s9+$0x80] =	vst v5  }
0x44d: {  	[tilespmem:s9+$0x90] =	vst v6  }
0x44e: {  	v5 =	vld [tilespmem:s11+$0xFFFFFFD0]  }
0x44f: {  	v6 =	vld [tilespmem:s11+$0xFFFFFFE0]  }
0x450: {  	v7 =	vld [tilespmem:s24+$0xFFFFFFC0]  }
0x451: {  	v8 =	vld [tilespmem:s24+$0xFFFFFFD0]  }
0x452: {  	v42 =	vld [tilespmem:s11+$0xFFFFFFF0]  }
0x453: {  	v47 =	vld [tilespmem:s24+$0xFFFFFFE0]  }
0x454: {  	v44 =	vld [tilespmem:s11+$0x0];
	v43 =	vunpack.i.u.bf16.f32 v5  }
0x455: {  	v49 =	vld [tilespmem:s24+$0xFFFFFFF0];
	v5 =	vunpack.i.l.bf16.f32 v5;
	v45 =	vunpack.i.u.bf16.f32 v6;
	v46 =	vunpack.i.l.bf16.f32 v7  }
0x456: {  	v6 =	vunpack.i.l.bf16.f32 v6;
	v7 =	vunpack.i.u.bf16.f32 v7;
	v48 =	vunpack.i.u.bf16.f32 v8  }
0x457: {  	v8 =	vunpack.i.l.bf16.f32 v8;
	v50 =	vunpack.i.u.bf16.f32 v42;
	v9 =	vunpack.i.l.bf16.f32 v42  }
0x458: {  	v52 =	vunpack.i.u.bf16.f32 v47;
	v13 =	vmul.f32 v46, v5;
	v7 =	vmul.f32 v7, v43  }
0x459: {  	v14 =	vunpack.i.l.bf16.f32 v47;
	v8 =	vmul.f32 v8, v6;
	v15 =	vmul.f32 v48, v45  }
0x45a: {  	v53 =	vld [tilespmem:s15+$0x3150];
	v11 =	vunpack.i.l.bf16.f32 v44;
	v16 =	vunpack.i.l.bf16.f32 v49;
	v14 =	vmul.f32 v14, v9  }
0x45b: {  	v54 =	vld [tilespmem:s24+$0x0];
	v7 =	vadd.f32 v13, v7;
	v8 =	vadd.f32 v8, v15;
	v13 =	vmul.f32 v52, v50  }
0x45c: {  	v51 =	vunpack.i.u.bf16.f32 v44;
	v55 =	vunpack.i.u.bf16.f32 v49;
	v56 =	vmul.f32 v16, v11  }
0x45d: {  	v7 =	vadd.f32 v8, v7;
	v13 =	vadd.f32 v14, v13;
	v8 =	vmul.f32 v55, v51;
	_ =	sdelay $0x1  }
0x45e: {  	v7 =	vadd.f32 v13, v7;
	v8 =	vadd.f32 v56, v8  }
0x45f: {  	v57 =	vunpack.i.l.bf16.f32 v53;
	v58 =	vunpack.i.l.bf16.f32 v54  }
0x460: {  	v59 =	vmul.f32 v58, v57;
	v7 =	vadd.f32 v8, v7  }
0x461: {  	v60 =	vunpack.i.u.bf16.f32 v53;
	v61 =	vunpack.i.u.bf16.f32 v54  }
0x462: {  	v62 =	vmul.f32 v61, v60;
	v7 =	vadd.f32 v59, v7;
	_ =	sdelay $0x1  }
0x463: {  	v7 =	vadd.f32 v7, v62;
	_ =	sdelay $0x1  }
0x464: {  	v8 =	vperm.xlane v7, v1;
	_ =	sdelay $0x1  }
0x465: {  	v7 =	vadd.f32 v7, v8;
	_ =	sdelay $0x1  }
0x466: {  	v8 =	vperm.xlane v7, v2;
	_ =	sdelay $0x1  }
0x467: {  	v7 =	vadd.f32 v7, v8;
	_ =	sdelay $0x1  }
0x468: {  	v8 =	vperm.xlane v7, v3;
	_ =	sdelay $0x1  }
0x469: {  	v7 =	vadd.f32 v7, v8;
	_ =	sdelay $0x1  }
0x46a: {  	v8 =	vperm.xlane v7, v4;
	_ =	sdelay $0x1  }
0x46b: {  	v7 =	vadd.f32 v7, v8;
	_ =	sdelay $0x1  }
0x46c: {  	v7 =	vmul.f32 $8.838834610e-02, v7;
	_ =	sdelay $0x1  }
0x46d: {  	v7 =	vmul.f32 $1.442695020e+00, v7;
	_ =	sdelay $0x1  }
0x46e: {  	(erf) = vpow2.f32 v7;
	_ =	sdelay $0x8  }
0x46f: {  	v7 =	vpop (erf)  }
0x470: {  	v5 =	vmul.f32 v7, v5  }
0x471: {  	v63 =	vmul.f32 v7, v43;
	[tilespmem:s9+$0x150] =	vst v7  }
0x472: {  	[tilespmem:s9+$0xB0] =	vst v5;
	v5 =	vmul.f32 v7, v6  }
0x473: {  	[tilespmem:s9+$0xC0] =	vst v63;
	v6 =	vmul.f32 v7, v45  }
0x474: {  	[tilespmem:s9+$0xD0] =	vst v5;
	v5 =	vmul.f32 v7, v9  }
0x475: {  	[tilespmem:s9+$0xE0] =	vst v6;
	v6 =	vmul.f32 v7, v50  }
0x476: {  	p1 =	sne.s32 s29, $0x500;
	[tilespmem:s9+$0xF0] =	vst v5;
	v5 =	vmul.f32 v7, v11  }
.Ltmp6:
0x477: {  	[tilespmem:s9+$0x100] =	vst v6;
	v6 =	vmul.f32 v7, v51;
	(pc) =	sbr.rel @p1 .LBB2_11-.Ltmp6, $4  }
0x478: {  	[tilespmem:s9+$0x110] =	vst v5;
	v5 =	vmul.f32 v7, v57  }
0x479: {  	[tilespmem:s9+$0x120] =	vst v6;
	v6 =	vmul.f32 v7, v60  }
0x47a: {  	s29 =	sadd.s32 $0x100, s29;
	[tilespmem:s9+$0x130] =	vst v5  }
0x47b: {  	s24 =	sadd.s32 $0x140, s24;
	s11 =	sadd.s32 $0x100, s11;
	[tilespmem:s9+$0x140] =	vst v6;
	s9 =	sadd.s32 $0x2C0, s9  }
.Ltmp7:
0x47c: {  	(pc) =	sbr.rel @p0 .LBB2_14-.Ltmp7, $3  }
0x47d: {  	_ =	sdelay $0x1  }
0x47e: {  	s24 =	simm.s32 $0x88  }
0x47f: {  	[spmem:s2] =	stream.indirect.scatter.add.f32 [tilespmem:s3], [sflag:$0xC], $0xB0, s24, s22, $0xb8;
	[tilespmem:$0x1FBD0] =	vst v63  }
0x480: {  	s9 =	sld [smem:$0x7F8];
	_ =	sdelay $0x1  }
.Ltmp8:
0x481: {  	_ = 	snop;
	(pc) =	sbr.rel .LBB2_4-.Ltmp8, $4  }
0x482: {  	s9 =	sadd.s32 s10, s9  }
0x483: {  	s29 =	simm.s32 $0x4E200;
	s9 =	sshrl.u32 s9, $0x3  }
0x484: {  	s15 =	simm.s32 $0x50;
	s23 =	sadd.s32 $0x1, s23;
	s9 =	sadd.s32 s7, s9  }
0x485: {  	[tilespmem:s15], [sflag:$0xE] =	stream.strided.gather [hbm4b:s9+s18], $0x50, s29, s18, $0x38;
	[tilespmem:$0x1FBD0] =	vst v63  }
.LBB2_15:
0x486: {  	_ =	sfence.sel $0x180000  }
0x487: {  	[bflag:$0x0] =	sbarrier.arrive $0xFFFF  }
0x488: {  	_ =	strace $0x90000047  }
0x489: {  	s0 =	stileid.u32;
	[bflag:$0x2] =	sbarrier.arrive $0xFFFF  }
0x48a: {  	p0 =	sne.s32 s0, $0x0;
	s0 =	rddreg [dreg:$0x3]  }
0x48b: {  	s0 =	sadd.s32 @!p0 $0x100000, s0  }
0x48c: {  	[sflag:s0] =	ssyncadd.tile.s32 @!p0 $0x1;
	_ =	shalt  }
.Lfunc_end2:
_tile_overlayer_lowered:
.L_overlay_start_2:
0x48d: {  	(tag) =	ssettag $0x2  }
0x48e: {  	s0 =	rddreg [dreg:$0x0];
	s2 =	stileid.u32  }
0x48f: {  	s1 =	rddreg [dreg:$0x1];
	p0 =	sne.s32 s2, $0x0  }
0x490: {  	s3 =	rddreg [dreg:$0x2];
	[bflag:$0x3] =	sbarrier.arrive $0xFFFF;
	s2 =	simm.s32 @!p0 $0x1C0F  }
0x491: {  	[timem:s3], [sflag:s2] =	dma.local @!p0 [hbm:s0], s1  }
0x492: {  	s0 =	simm.s32 @!p0 $0xF  }
0x493: {  	_ =	swait.ge @!p0 [sflag:s0], s1  }
0x494: {  	s1 =	ssub.s32 @!p0 $0x0, s1;
	[sflag:s0] =	ssyncset.done @!p0 $0x0  }
0x495: {  	[sflag:s0] =	ssyncadd.s32 @!p0 s1  }
0x496: {  	[bflag:$0x3] =	sbarrier.arrive $0xFFFF  }
0x497: {  	_ =	shalt  }

</sc_bundles>
